<compile_context>
chip_gen: v7x
topology: tpu7x:2x2x1
jax: 0.10.2.dev20260603
libtpu: 0.0.44.dev20260713+nightly
codegen_flags: <defaults>
</compile_context>

<pallas_src>
import functools

import jax
import jax.numpy as jnp
from jax import lax
from jax.experimental import pallas as pl
from jax.experimental.pallas import tpu as pltpu
from jax.experimental.pallas import tpu_sc as plsc

N_NODES = 10000
NP = 10240
N_EDGES = 320000
NCORE = 2
NSUB = 16
NW = NCORE * NSUB
CHUNK = 112
TSTEPS = 180
S0 = 141
S1 = TSTEPS - S0
DSTEPS = TSTEPS // 2
EPT = DSTEPS * CHUNK
EPAD = NW * EPT
PAD_NODE = NP - 1
NBUF = 3
RPT = NP // NSUB

_MESH = plsc.VectorSubcoreMesh(core_axis_name="c", subcore_axis_name="s")



@functools.partial(
    pl.kernel,
    out_type=jax.ShapeDtypeStruct((NCORE, 1, NP), jnp.float32),
    mesh=_MESH,
    scratch_types=[
        pltpu.VMEM((DSTEPS, CHUNK), jnp.int32),
        pltpu.VMEM((CHUNK,), jnp.float32),
        pltpu.VMEM_SHARED((NP,), jnp.float32),
        pltpu.SemaphoreType.DMA,
    ],
)
def _sc_degree(colr, zeros, out, colbuf, ones, acc, sem):
    cid = lax.axis_index("c")
    sid = lax.axis_index("s")
    wid = cid * NSUB + sid
    for j in range(CHUNK // 16):
        ones[pl.ds(j * 16, 16)] = jnp.ones((16,), jnp.float32)
    b0 = pl.multiple_of(sid * RPT, 128)
    pltpu.sync_copy(zeros.at[pl.ds(b0, RPT)], acc.at[pl.ds(b0, RPT)])
    pltpu.sync_copy(colr.at[wid], colbuf)
    plsc.subcore_barrier()

    def fire(i, carry):
        pltpu.async_copy(ones, acc.at[colbuf.at[i]], sem, add=True)
        return carry

    lax.fori_loop(0, DSTEPS, fire, 0)

    def drain(i, carry):
        pltpu.make_async_copy(ones, acc.at[colbuf.at[0]], sem).wait()
        return carry

    lax.fori_loop(0, DSTEPS, drain, 0)
    plsc.subcore_barrier()
    pltpu.sync_copy(acc.at[pl.ds(b0, RPT)], out.at[cid, 0, pl.ds(b0, RPT)])


@functools.cache
def _sc_gather_scatter(feat):

    @functools.partial(
        pl.kernel,
        out_type=jax.ShapeDtypeStruct((NCORE, NP, feat), jnp.float32),
        mesh=_MESH,
        scratch_types=[pltpu.VMEM((2, CHUNK), jnp.int32)] * NBUF
          + [pltpu.VMEM((CHUNK, feat), jnp.float32)] * NBUF
          + [pltpu.VMEM_SHARED((NP, feat), jnp.float32)]
          + [pltpu.SemaphoreType.DMA] * NBUF,
    )
    def body(src, rc, out, *refs):
        rcb = refs[0:NBUF]
        msg = refs[NBUF:2 * NBUF]
        acc = refs[2 * NBUF]
        sem = refs[2 * NBUF + 1:3 * NBUF + 1]
        cid = lax.axis_index("c")
        sid = lax.axis_index("s")
        r0 = sid * RPT
        base = jnp.where(cid == 0, 0, S0)
        nsteps = jnp.where(cid == 0, S0, S1)

        pltpu.sync_copy(src.at[pl.ds(r0, RPT)], acc.at[pl.ds(r0, RPT)])
        plsc.subcore_barrier()

        for b in range(NBUF):
            pltpu.sync_copy(rc.at[sid, base + b], rcb[b])
            pltpu.async_copy(src.at[rcb[b].at[0]], msg[b], sem[b])

        def group(g, carry):
            for b in range(NBUF):
                i = g * NBUF + b
                pltpu.make_async_copy(src.at[rcb[b].at[0]], msg[b],
                                      sem[b]).wait()
                pltpu.sync_copy(msg[b], acc.at[rcb[b].at[1]], add=True)
                nxt = i + NBUF

                @pl.when(nxt < nsteps)
                def _prefetch():
                    pltpu.sync_copy(rc.at[sid, base + nxt], rcb[b])
                    pltpu.async_copy(src.at[rcb[b].at[0]], msg[b], sem[b])
            return carry

        lax.fori_loop(0, nsteps // NBUF, group, 0)
        plsc.subcore_barrier()
        pltpu.sync_copy(acc.at[pl.ds(r0, RPT)], out.at[cid, pl.ds(r0, RPT)])

    return body



_R = 1024
_GRID = NP // _R


def _row_spec(*block):
    return pl.BlockSpec(block, lambda i: (i,) + (0,) * (len(block) - 1))


def _const_spec(*block):
    return pl.BlockSpec(block, lambda i: (0,) * len(block))


def _part_spec(*block):
    return pl.BlockSpec(block, lambda i: (0, i) + (0,) * (len(block) - 2))


def _t1_body(x_ref, d_ref, w_ref, xs_ref, y0_ref):
    x = x_ref[...]
    xs_ref[...] = x * d_ref[...]
    y0_ref[...] = jnp.dot(x, w_ref[...], preferred_element_type=jnp.float32)


_t1 = pl.pallas_call(
    _t1_body,
    grid=(_GRID,),
    in_specs=[_row_spec(_R, 128), _row_spec(_R, 1), _const_spec(128, 128)],
    out_specs=[_row_spec(_R, 128), _row_spec(_R, 128)],
    out_shape=[jax.ShapeDtypeStruct((NP, 128), jnp.float32)] * 2,
)


def _t2_body(s_ref, xs_ref, d_ref, d2_ref, w_ref, y1_ref, t1_ref):
    u = s_ref[0] + s_ref[1] - xs_ref[...]
    y1_ref[...] = jnp.dot(u * d_ref[...], w_ref[...],
                          preferred_element_type=jnp.float32)
    t1_ref[...] = u * d2_ref[...]


_t2 = pl.pallas_call(
    _t2_body,
    grid=(_GRID,),
    in_specs=[_part_spec(2, _R, 128), _row_spec(_R, 128), _row_spec(_R, 1),
              _row_spec(_R, 1), _const_spec(128, 128)],
    out_specs=[_row_spec(_R, 128), _row_spec(_R, 128)],
    out_shape=[jax.ShapeDtypeStruct((NP, 128), jnp.float32)] * 2,
)


def _t3_body(s_ref, t1_ref, y0_ref, y1_ref, d_ref, w0c_ref, b0a_ref, b0b_ref,
             b0c_ref, wa0_ref, wa1_ref, wa2_ref, wb0_ref, wb1_ref, wb2_ref,
             wc0_ref, wc1_ref, wc2_ref, ga_ref, gb_ref, gc_ref):
    d = d_ref[...]
    u2 = s_ref[0] + s_ref[1] - t1_ref[...]
    y2 = jnp.dot(u2 * d, w0c_ref[...], preferred_element_type=jnp.float32)
    h0 = jnp.maximum(y0_ref[...] + b0a_ref[...], 0.0)
    h1 = jnp.maximum(y1_ref[...] + b0b_ref[...], 0.0)
    h2 = jnp.maximum(y2 + b0c_ref[...], 0.0)

    def mm3(w0_ref, w1_ref, w2_ref):
        return (jnp.dot(h0, w0_ref[...], preferred_element_type=jnp.float32)
                + jnp.dot(h1, w1_ref[...], preferred_element_type=jnp.float32)
                + jnp.dot(h2, w2_ref[...], preferred_element_type=jnp.float32))

    ga_ref[...] = mm3(wa0_ref, wa1_ref, wa2_ref)
    gb_ref[...] = mm3(wb0_ref, wb1_ref, wb2_ref) * d
    gc_ref[...] = mm3(wc0_ref, wc1_ref, wc2_ref) * d


_t3 = pl.pallas_call(
    _t3_body,
    grid=(_GRID,),
    in_specs=[_part_spec(2, _R, 128), _row_spec(_R, 128), _row_spec(_R, 128),
              _row_spec(_R, 128), _row_spec(_R, 1), _const_spec(128, 128)]
             + [_const_spec(1, 128)] * 3 + [_const_spec(128, 40)] * 9,
    out_specs=[_row_spec(_R, 40)] * 3,
    out_shape=[jax.ShapeDtypeStruct((NP, 40), jnp.float32)] * 3,
)


def _t4_body(s_ref, g_ref, dd_ref, v_ref):
    v_ref[...] = (s_ref[0] + s_ref[1] - g_ref[...]) * dd_ref[...]


_t4 = pl.pallas_call(
    _t4_body,
    grid=(_GRID,),
    in_specs=[_part_spec(2, _R, 2, 64), _row_spec(_R, 2, 64),
              _row_spec(_R, 2, 1)],
    out_specs=[_row_spec(_R, 2, 64)],
    out_shape=[jax.ShapeDtypeStruct((NP, 2, 64), jnp.float32)],
)


def _t5_body(s_ref, t2_ref, ga_ref, p_ref, d_ref, b1a_ref, b1b_ref, b1c_ref,
             o0_ref, o1_ref, o2_ref):
    q = (s_ref[0][:, 0:40] + s_ref[1][:, 0:40] - t2_ref[...]) * d_ref[...]
    l0 = ga_ref[...] + b1a_ref[...]
    l1 = p_ref[...] + b1b_ref[...]
    l2 = q + b1c_ref[...]
    m = jnp.maximum(jnp.maximum(jnp.max(l0, axis=1, keepdims=True),
                                jnp.max(l1, axis=1, keepdims=True)),
                    jnp.max(l2, axis=1, keepdims=True))
    e0 = jnp.exp(l0 - m)
    e1 = jnp.exp(l1 - m)
    e2 = jnp.exp(l2 - m)
    tot = (jnp.sum(e0, axis=1, keepdims=True)
           + jnp.sum(e1, axis=1, keepdims=True)
           + jnp.sum(e2, axis=1, keepdims=True))
    lz = m + jnp.log(tot)
    o0_ref[...] = l0 - lz
    o1_ref[...] = l1 - lz
    o2_ref[...] = l2 - lz


_t5 = pl.pallas_call(
    _t5_body,
    grid=(_GRID,),
    in_specs=[_part_spec(2, _R, 128), _row_spec(_R, 40), _row_spec(_R, 40),
              _row_spec(_R, 40), _row_spec(_R, 1)] + [_const_spec(1, 40)] * 3,
    out_specs=[_row_spec(_R, 40)] * 3,
    out_shape=[jax.ShapeDtypeStruct((NP, 40), jnp.float32)] * 3,
)



def kernel(x, adj, W0a, W0b, W0c, b0, W1a, W1b, W1c, b1):
    epad = jnp.full((2, EPAD - N_EDGES), PAD_NODE, jnp.int32)
    adj32 = jnp.concatenate([adj.astype(jnp.int32), epad], axis=1)
    rcw = adj32.reshape(2, NSUB, TSTEPS, CHUNK)
    rc = jnp.stack([rcw[0], rcw[1]], axis=2)
    colr = adj32[1].reshape(NW, DSTEPS, CHUNK)
    xp = jnp.pad(x, ((0, NP - N_NODES), (0, 0)))
    z1 = jnp.zeros((NP,), jnp.float32)

    degp = _sc_degree(colr, z1)
    deg = degp[0, 0] + degp[1, 0] + 1.0
    d = lax.rsqrt(deg)[:, None]
    d2 = (1.0 / deg)[:, None]
    dd = jnp.stack([d, d2], axis=1)

    xs, y0 = _t1(xp, d, W0a)
    s1 = _sc_gather_scatter(128)(xs, rc)
    y1, t1v = _t2(s1, xs, d, d2, W0b)
    s2 = _sc_gather_scatter(128)(t1v, rc)

    ga, gb, gc = _t3(
        s2, t1v, y0, y1, d, W0c,
        b0[None, 0:128], b0[None, 128:256], b0[None, 256:384],
        W1a[0:128], W1a[128:256], W1a[256:384],
        W1b[0:128], W1b[128:256], W1b[256:384],
        W1c[0:128], W1c[128:256], W1c[256:384])
    z24 = jnp.zeros((NP, 24), jnp.float32)
    gbc = jnp.concatenate([gb, z24, gc, z24], axis=1)
    s3 = _sc_gather_scatter(128)(gbc, rc)
    (v,) = _t4(s3.reshape(NCORE, NP, 2, 64),
               gbc.reshape(NP, 2, 64), dd)
    p = v[:, 0, 0:40]
    t2v = jnp.pad(v[:, 1, :], ((0, 0), (0, 64)))
    s4 = _sc_gather_scatter(128)(t2v, rc)
    o0, o1, o2 = _t5(s4, v[:, 1, 0:40], ga, p, d,
                     b1[None, 0:40], b1[None, 40:80], b1[None, 80:120])
    return jnp.concatenate([o0, o1, o2], axis=1)[:N_NODES]

# --- scband reference (transcript-rebuilt; emitter-appended) ---
"""Pipeline reference for scband-mix-hop-76579266888074 (READ-ONLY COPY).

The authoritative reference and input builder live on the scoring server;
editing this copy changes nothing except your own understanding.
"""

import jax, jax.numpy as jnp
import numpy as np

N_NODES = 10000
N_EDGES = 320000
NFEAT = 128
NHID = 128
NCLASS = 40


def _gcn_norm(edge_index, num_nodes):
    # add self loops with fill value 1.0, edge weights = ones
    loop = jnp.arange(num_nodes, dtype=edge_index.dtype)
    row = jnp.concatenate([edge_index[0], loop])
    col = jnp.concatenate([edge_index[1], loop])
    w = jnp.ones(row.shape[0], dtype=jnp.float32)
    deg = jnp.zeros((num_nodes,), dtype=jnp.float32).at[col].add(w)
    deg_inv_sqrt = jnp.where(deg > 0, deg ** -0.5, 0.0)
    norm = deg_inv_sqrt[row] * w * deg_inv_sqrt[col]
    return row, col, norm


def _propagate(x, row, col, norm, num_nodes):
    # message: x_j * edge_weight ; aggregate: scatter-add at dst (col)
    msg = x[row] * norm[:, None]
    return jnp.zeros((num_nodes, x.shape[1]), dtype=x.dtype).at[col].add(msg)


def _mixhop_conv(x, row, col, norm, Ws, b):
    # powers = [0, 1, 2]
    num_nodes = x.shape[0]
    outs = [x @ Ws[0]]
    h = x
    for W in Ws[1:]:
        h = _propagate(h, row, col, norm, num_nodes)
        outs.append(h @ W)
    return jnp.concatenate(outs, axis=-1) + b


def setup_inputs(seed: int = 0) -> dict:
    key = jax.random.key(seed)
    ks = jax.random.split(key, 10)
    x = jax.random.normal(ks[0], (N_NODES, NFEAT), dtype=jnp.float32)
    adj = jax.random.randint(ks[1], (2, N_EDGES), 0, N_NODES, dtype=jnp.int64)
    s0 = 1.0 / np.sqrt(NFEAT)
    s1 = 1.0 / np.sqrt(3 * NHID)
    W0a = jax.random.uniform(ks[2], (NFEAT, NHID), jnp.float32, -s0, s0)
    W0b = jax.random.uniform(ks[3], (NFEAT, NHID), jnp.float32, -s0, s0)
    W0c = jax.random.uniform(ks[4], (NFEAT, NHID), jnp.float32, -s0, s0)
    b0 = jnp.zeros((3 * NHID,), dtype=jnp.float32)
    W1a = jax.random.uniform(ks[5], (3 * NHID, NCLASS), jnp.float32, -s1, s1)
    W1b = jax.random.uniform(ks[6], (3 * NHID, NCLASS), jnp.float32, -s1, s1)
    W1c = jax.random.uniform(ks[7], (3 * NHID, NCLASS), jnp.float32, -s1, s1)
    b1 = jnp.zeros((3 * NCLASS,), dtype=jnp.float32)
    return {"x": x, "adj": adj, "W0a": W0a, "W0b": W0b, "W0c": W0c, "b0": b0,
            "W1a": W1a, "W1b": W1b, "W1c": W1c, "b1": b1}


def reference(x, adj, W0a, W0b, W0c, b0, W1a, W1b, W1c, b1):
    num_nodes = x.shape[0]
    row, col, norm = _gcn_norm(adj, num_nodes)
    h = _mixhop_conv(x, row, col, norm, [W0a, W0b, W0c], b0)
    h = jax.nn.relu(h)
    # dropout is identity in eval mode
    h = _mixhop_conv(h, row, col, norm, [W1a, W1b, W1c], b1)
    return jax.nn.log_softmax(h, axis=1)

if __name__ == "__main__":
    import jax
    _d = setup_inputs()
    print(jax.jit(kernel)(*tuple(_d.values())))

</pallas_src>

<mosaic_0001>
#map = affine_map<(d0, d1) -> (0, 0, 0)>
#map1 = affine_map<(d0, d1) -> (0)>
module attributes {stable_mosaic.version = 14 : i64} {
  func.func @_sc_degree(%arg0: i32, %arg1: i32, %arg2: memref<32x90x112xi32, #tpu.memory_space<hbm>>, %arg3: memref<10240xf32, #tpu.memory_space<hbm>>, %arg4: memref<2x1x10240xf32, #tpu.memory_space<hbm>>, %arg5: memref<90x112xi32, #tpu.memory_space<vmem>>, %arg6: memref<112xf32, #tpu.memory_space<vmem>>, %arg7: memref<10240xf32, #tpu.memory_space<vmem_shared>>, %arg8: memref<!tpu.dma_semaphore, #tpu.memory_space<semaphore_mem>>) attributes {dimension_semantics = [#tpu.dimension_semantics<core_parallel>, #tpu.dimension_semantics<subcore_parallel>], iteration_bounds = array<i64: 2, 16>, scalar_prefetch = 0 : i64, scratch_operands = 4 : i64, tpu.core_type = #tpu.core_type<sc_vector_subcore>, window_params = [{transform_indices = #map}, {transform_indices = #map1}, {transform_indices = #map}]} {
    %mul3A = arith.constant 16 : i32
    %mul3A_0 = arith.muli %arg0, %mul3A : i32
    %add3A = arith.addi %mul3A_0, %arg1 : i32
    %broadcast_in_dim3A = arith.constant 1.000000e+00 : f32
    %broadcast_in_dim3A_1 = vector.broadcast %broadcast_in_dim3A : f32 to vector<16xf32>
    %swap3A = arith.constant 0 : index
    %swap3A_2 = tpu.vector_load %arg6[%swap3A] {strides = array<i32>} : memref<112xf32, #tpu.memory_space<vmem>>, vector<16xf32>,
    %swap3A_3 = vector.shape_cast %swap3A_2 : vector<16xf32> to vector<16xf32>
    %swap3A_4 = vector.shape_cast %broadcast_in_dim3A_1 : vector<16xf32> to vector<16xf32>
    tpu.vector_store %arg6[%swap3A], %swap3A_4 {strides = array<i32>} : memref<112xf32, #tpu.memory_space<vmem>>, vector<16xf32>,
    %broadcast_in_dim3A_5 = arith.constant 1.000000e+00 : f32
    %broadcast_in_dim3A_6 = vector.broadcast %broadcast_in_dim3A_5 : f32 to vector<16xf32>
    %swap3A_7 = arith.constant 16 : index
    %swap3A_8 = tpu.vector_load %arg6[%swap3A_7] {strides = array<i32>} : memref<112xf32, #tpu.memory_space<vmem>>, vector<16xf32>,
    %swap3A_9 = vector.shape_cast %swap3A_8 : vector<16xf32> to vector<16xf32>
    %swap3A_10 = vector.shape_cast %broadcast_in_dim3A_6 : vector<16xf32> to vector<16xf32>
    tpu.vector_store %arg6[%swap3A_7], %swap3A_10 {strides = array<i32>} : memref<112xf32, #tpu.memory_space<vmem>>, vector<16xf32>,
    %broadcast_in_dim3A_11 = arith.constant 1.000000e+00 : f32
    %broadcast_in_dim3A_12 = vector.broadcast %broadcast_in_dim3A_11 : f32 to vector<16xf32>
    %swap3A_13 = arith.constant 32 : index
    %swap3A_14 = tpu.vector_load %arg6[%swap3A_13] {strides = array<i32>} : memref<112xf32, #tpu.memory_space<vmem>>, vector<16xf32>,
    %swap3A_15 = vector.shape_cast %swap3A_14 : vector<16xf32> to vector<16xf32>
    %swap3A_16 = vector.shape_cast %broadcast_in_dim3A_12 : vector<16xf32> to vector<16xf32>
    tpu.vector_store %arg6[%swap3A_13], %swap3A_16 {strides = array<i32>} : memref<112xf32, #tpu.memory_space<vmem>>, vector<16xf32>,
    %broadcast_in_dim3A_17 = arith.constant 1.000000e+00 : f32
    %broadcast_in_dim3A_18 = vector.broadcast %broadcast_in_dim3A_17 : f32 to vector<16xf32>
    %swap3A_19 = arith.constant 48 : index
    %swap3A_20 = tpu.vector_load %arg6[%swap3A_19] {strides = array<i32>} : memref<112xf32, #tpu.memory_space<vmem>>, vector<16xf32>,
    %swap3A_21 = vector.shape_cast %swap3A_20 : vector<16xf32> to vector<16xf32>
    %swap3A_22 = vector.shape_cast %broadcast_in_dim3A_18 : vector<16xf32> to vector<16xf32>
    tpu.vector_store %arg6[%swap3A_19], %swap3A_22 {strides = array<i32>} : memref<112xf32, #tpu.memory_space<vmem>>, vector<16xf32>,
    %broadcast_in_dim3A_23 = arith.constant 1.000000e+00 : f32
    %broadcast_in_dim3A_24 = vector.broadcast %broadcast_in_dim3A_23 : f32 to vector<16xf32>
    %swap3A_25 = arith.constant 64 : index
    %swap3A_26 = tpu.vector_load %arg6[%swap3A_25] {strides = array<i32>} : memref<112xf32, #tpu.memory_space<vmem>>, vector<16xf32>,
    %swap3A_27 = vector.shape_cast %swap3A_26 : vector<16xf32> to vector<16xf32>
    %swap3A_28 = vector.shape_cast %broadcast_in_dim3A_24 : vector<16xf32> to vector<16xf32>
    tpu.vector_store %arg6[%swap3A_25], %swap3A_28 {strides = array<i32>} : memref<112xf32, #tpu.memory_space<vmem>>, vector<16xf32>,
    %broadcast_in_dim3A_29 = arith.constant 1.000000e+00 : f32
    %broadcast_in_dim3A_30 = vector.broadcast %broadcast_in_dim3A_29 : f32 to vector<16xf32>
    %swap3A_31 = arith.constant 80 : index
    %swap3A_32 = tpu.vector_load %arg6[%swap3A_31] {strides = array<i32>} : memref<112xf32, #tpu.memory_space<vmem>>, vector<16xf32>,
    %swap3A_33 = vector.shape_cast %swap3A_32 : vector<16xf32> to vector<16xf32>
    %swap3A_34 = vector.shape_cast %broadcast_in_dim3A_30 : vector<16xf32> to vector<16xf32>
    tpu.vector_store %arg6[%swap3A_31], %swap3A_34 {strides = array<i32>} : memref<112xf32, #tpu.memory_space<vmem>>, vector<16xf32>,
    %broadcast_in_dim3A_35 = arith.constant 1.000000e+00 : f32
    %broadcast_in_dim3A_36 = vector.broadcast %broadcast_in_dim3A_35 : f32 to vector<16xf32>
    %swap3A_37 = arith.constant 96 : index
    %swap3A_38 = tpu.vector_load %arg6[%swap3A_37] {strides = array<i32>} : memref<112xf32, #tpu.memory_space<vmem>>, vector<16xf32>,
    %swap3A_39 = vector.shape_cast %swap3A_38 : vector<16xf32> to vector<16xf32>
    %swap3A_40 = vector.shape_cast %broadcast_in_dim3A_36 : vector<16xf32> to vector<16xf32>
    tpu.vector_store %arg6[%swap3A_37], %swap3A_40 {strides = array<i32>} : memref<112xf32, #tpu.memory_space<vmem>>, vector<16xf32>,
    %mul3A_41 = arith.constant 640 : i32
    %mul3A_42 = arith.muli %arg1, %mul3A_41 : i32
    %multiple_of3A = tpu.assume_multiple %mul3A_42, 128 : i32
    "tpu.region"() ({
      %run_scoped3A_55 = tpu.sem_alloc : memref<!tpu.dma_semaphore, #tpu.memory_space<semaphore_mem>>
      %dma_start3A = tpu.memref_slice %arg7[%multiple_of3A] : memref<10240xf32, #tpu.memory_space<vmem_shared>> -> memref<640xf32, #tpu.memory_space<vmem_shared>>
      %dma_start3A_56 = tpu.memref_slice %arg3[%multiple_of3A] : memref<10240xf32, #tpu.memory_space<hbm>> -> memref<640xf32, #tpu.memory_space<hbm>>
      tpu.enqueue_dma source(%dma_start3A_56 : memref<640xf32, #tpu.memory_space<hbm>>) target(%dma_start3A : memref<640xf32, #tpu.memory_space<vmem_shared>>) target_semaphore(%run_scoped3A_55 : memref<!tpu.dma_semaphore, #tpu.memory_space<semaphore_mem>>)
      %dma_wait3A = tpu.memref_slice %arg7[%multiple_of3A] : memref<10240xf32, #tpu.memory_space<vmem_shared>> -> memref<640xf32, #tpu.memory_space<vmem_shared>>
      %dma_wait3A_57 = tpu.memref_slice %arg3[%multiple_of3A] : memref<10240xf32, #tpu.memory_space<hbm>> -> memref<640xf32, #tpu.memory_space<hbm>>
      tpu.wait_dma2 semaphore(%run_scoped3A_55 : memref<!tpu.dma_semaphore, #tpu.memory_space<semaphore_mem>>) src(%dma_wait3A_57 : memref<640xf32, #tpu.memory_space<hbm>>) dst(%dma_wait3A : memref<640xf32, #tpu.memory_space<vmem_shared>>)
      tpu.yield
    }) : () -> ()
    "tpu.region"() ({
      %run_scoped3A_55 = tpu.sem_alloc : memref<!tpu.dma_semaphore, #tpu.memory_space<semaphore_mem>>
      %dma_start3A = arith.constant 0 : i32
      %dma_start3A_56 = arith.constant 0 : i32
      %dma_start3A_57 = tpu.memref_slice %arg2[%add3A, %dma_start3A, %dma_start3A_56] : memref<32x90x112xi32, #tpu.memory_space<hbm>> -> memref<1x90x112xi32, #tpu.memory_space<hbm>>
      %dma_start3A_58 = tpu.memref_squeeze %dma_start3A_57 : memref<1x90x112xi32, #tpu.memory_space<hbm>> -> memref<90x112xi32, #tpu.memory_space<hbm>>
      %dma_start3A_59 = arith.constant 0 : i32
      %dma_start3A_60 = arith.constant 0 : i32
      %dma_start3A_61 = tpu.memref_slice %arg2[%add3A, %dma_start3A_59, %dma_start3A_60] : memref<32x90x112xi32, #tpu.memory_space<hbm>> -> memref<1x90x112xi32, #tpu.memory_space<hbm>>
      %dma_start3A_62 = tpu.memref_squeeze %dma_start3A_61 : memref<1x90x112xi32, #tpu.memory_space<hbm>> -> memref<90x112xi32, #tpu.memory_space<hbm>>
      tpu.enqueue_dma source(%dma_start3A_62 : memref<90x112xi32, #tpu.memory_space<hbm>>) target(%arg5 : memref<90x112xi32, #tpu.memory_space<vmem>>) target_semaphore(%run_scoped3A_55 : memref<!tpu.dma_semaphore, #tpu.memory_space<semaphore_mem>>)
      %dma_wait3A = arith.constant 0 : i32
      %dma_wait3A_63 = arith.constant 0 : i32
      %dma_wait3A_64 = tpu.memref_slice %arg2[%add3A, %dma_wait3A, %dma_wait3A_63] : memref<32x90x112xi32, #tpu.memory_space<hbm>> -> memref<1x90x112xi32, #tpu.memory_space<hbm>>
      %dma_wait3A_65 = tpu.memref_squeeze %dma_wait3A_64 : memref<1x90x112xi32, #tpu.memory_space<hbm>> -> memref<90x112xi32, #tpu.memory_space<hbm>>
      %dma_wait3A_66 = arith.constant 0 : i32
      %dma_wait3A_67 = arith.constant 0 : i32
      %dma_wait3A_68 = tpu.memref_slice %arg2[%add3A, %dma_wait3A_66, %dma_wait3A_67] : memref<32x90x112xi32, #tpu.memory_space<hbm>> -> memref<1x90x112xi32, #tpu.memory_space<hbm>>
      %dma_wait3A_69 = tpu.memref_squeeze %dma_wait3A_68 : memref<1x90x112xi32, #tpu.memory_space<hbm>> -> memref<90x112xi32, #tpu.memory_space<hbm>>
      tpu.wait_dma2 semaphore(%run_scoped3A_55 : memref<!tpu.dma_semaphore, #tpu.memory_space<semaphore_mem>>) src(%dma_wait3A_69 : memref<90x112xi32, #tpu.memory_space<hbm>>) dst(%arg5 : memref<90x112xi32, #tpu.memory_space<vmem>>)
      tpu.yield
    }) : () -> ()
    %barrier3A = arith.constant 0 : index
    tpu.barrier barrier_id(%barrier3A)
    %scan3A = arith.constant 0 : i32
    %scan3A_43 = arith.constant 0 : i32
    %scan3A_44 = arith.constant 90 : i32
    %scan3A_45 = arith.addi %scan3A_43, %scan3A_44 : i32
    %scan3A_46 = arith.constant 1 : i32
    scf.for %scan3A_55 = %scan3A_43 to %scan3A_45 step %scan3A_46  : i32 {
      %dma_start3A = arith.constant 0 : i32
      %dma_start3A_56 = tpu.memref_slice %arg5[%scan3A_55, %dma_start3A] : memref<90x112xi32, #tpu.memory_space<vmem>> -> memref<1x112xi32, #tpu.memory_space<vmem>>
      %dma_start3A_57 = tpu.memref_squeeze %dma_start3A_56 : memref<1x112xi32, #tpu.memory_space<vmem>> -> memref<112xi32, #tpu.memory_space<vmem>>
      %dma_start3A_58 = arith.constant 0 : i32
      %dma_start3A_59 = tpu.memref_slice %arg7[%dma_start3A_58] : memref<10240xf32, #tpu.memory_space<vmem_shared>> -> memref<10240xf32, #tpu.memory_space<vmem_shared>>
      tpu.enqueue_indirect_dma source(%arg6 : memref<112xf32, #tpu.memory_space<vmem>>) target(%dma_start3A_59 : memref<10240xf32, #tpu.memory_space<vmem_shared>>) offsets(%dma_start3A_57 : memref<112xi32, #tpu.memory_space<vmem>>) semaphore(%arg8 : memref<!tpu.dma_semaphore, #tpu.memory_space<semaphore_mem>>) {add = true}
    }
    %scan3A_47 = arith.constant 90 : i32
    %scan3A_48 = arith.constant 0 : i32
    %scan3A_49 = arith.constant 0 : i32
    %scan3A_50 = arith.constant 90 : i32
    %scan3A_51 = arith.addi %scan3A_49, %scan3A_50 : i32
    %scan3A_52 = arith.constant 1 : i32
    scf.for %scan3A_55 = %scan3A_49 to %scan3A_51 step %scan3A_52  : i32 {
      %dma_wait3A = arith.constant 0 : i32
      %dma_wait3A_56 = arith.constant 0 : i32
      %dma_wait3A_57 = tpu.memref_slice %arg5[%dma_wait3A, %dma_wait3A_56] : memref<90x112xi32, #tpu.memory_space<vmem>> -> memref<1x112xi32, #tpu.memory_space<vmem>>
      %dma_wait3A_58 = tpu.memref_squeeze %dma_wait3A_57 : memref<1x112xi32, #tpu.memory_space<vmem>> -> memref<112xi32, #tpu.memory_space<vmem>>
      %dma_wait3A_59 = arith.constant 0 : i32
      %dma_wait3A_60 = tpu.memref_slice %arg7[%dma_wait3A_59] : memref<10240xf32, #tpu.memory_space<vmem_shared>> -> memref<10240xf32, #tpu.memory_space<vmem_shared>>
      tpu.wait_indirect_dma semaphore(%arg8 : memref<!tpu.dma_semaphore, #tpu.memory_space<semaphore_mem>>) src(%arg6 : memref<112xf32, #tpu.memory_space<vmem>>) dst(%dma_wait3A_60 : memref<10240xf32, #tpu.memory_space<vmem_shared>>)
    }
    %scan3A_53 = arith.constant 90 : i32
    %barrier3A_54 = arith.constant 0 : index
    tpu.barrier barrier_id(%barrier3A_54)
    %run_scoped3A = arith.constant 0 : i32
    "tpu.region"() ({
      %run_scoped3A_55 = tpu.sem_alloc : memref<!tpu.dma_semaphore, #tpu.memory_space<semaphore_mem>>
      %dma_start3A = tpu.memref_slice %arg4[%arg0, %run_scoped3A, %multiple_of3A] : memref<2x1x10240xf32, #tpu.memory_space<hbm>> -> memref<1x1x640xf32, #tpu.memory_space<hbm>>
      %dma_start3A_56 = tpu.memref_squeeze %dma_start3A : memref<1x1x640xf32, #tpu.memory_space<hbm>> -> memref<640xf32, #tpu.memory_space<hbm>>
      %dma_start3A_57 = tpu.memref_slice %arg7[%multiple_of3A] : memref<10240xf32, #tpu.memory_space<vmem_shared>> -> memref<640xf32, #tpu.memory_space<vmem_shared>>
      tpu.enqueue_dma source(%dma_start3A_57 : memref<640xf32, #tpu.memory_space<vmem_shared>>) target(%dma_start3A_56 : memref<640xf32, #tpu.memory_space<hbm>>) target_semaphore(%run_scoped3A_55 : memref<!tpu.dma_semaphore, #tpu.memory_space<semaphore_mem>>)
      %dma_wait3A = tpu.memref_slice %arg4[%arg0, %run_scoped3A, %multiple_of3A] : memref<2x1x10240xf32, #tpu.memory_space<hbm>> -> memref<1x1x640xf32, #tpu.memory_space<hbm>>
      %dma_wait3A_58 = tpu.memref_squeeze %dma_wait3A : memref<1x1x640xf32, #tpu.memory_space<hbm>> -> memref<640xf32, #tpu.memory_space<hbm>>
      %dma_wait3A_59 = tpu.memref_slice %arg7[%multiple_of3A] : memref<10240xf32, #tpu.memory_space<vmem_shared>> -> memref<640xf32, #tpu.memory_space<vmem_shared>>
      tpu.wait_dma2 semaphore(%run_scoped3A_55 : memref<!tpu.dma_semaphore, #tpu.memory_space<semaphore_mem>>) src(%dma_wait3A_59 : memref<640xf32, #tpu.memory_space<vmem_shared>>) dst(%dma_wait3A_58 : memref<640xf32, #tpu.memory_space<hbm>>)
      tpu.yield
    }) : () -> ()
    return
  }
}

#map = affine_map<(d0, d1) -> (0, 0)>
#map1 = affine_map<(d0, d1) -> (0, 0, 0, 0)>
#map2 = affine_map<(d0, d1) -> (0, 0, 0)>
module attributes {stable_mosaic.version = 14 : i64} {
  func.func @body(%arg0: i32, %arg1: i32, %arg2: memref<10240x128xf32, #tpu.memory_space<hbm>>, %arg3: memref<16x180x2x112xi32, #tpu.memory_space<hbm>>, %arg4: memref<2x10240x128xf32, #tpu.memory_space<hbm>>, %arg5: memref<2x112xi32, #tpu.memory_space<vmem>>, %arg6: memref<2x112xi32, #tpu.memory_space<vmem>>, %arg7: memref<2x112xi32, #tpu.memory_space<vmem>>, %arg8: memref<112x128xf32, #tpu.memory_space<vmem>>, %arg9: memref<112x128xf32, #tpu.memory_space<vmem>>, %arg10: memref<112x128xf32, #tpu.memory_space<vmem>>, %arg11: memref<10240x128xf32, #tpu.memory_space<vmem_shared>>, %arg12: memref<!tpu.dma_semaphore, #tpu.memory_space<semaphore_mem>>, %arg13: memref<!tpu.dma_semaphore, #tpu.memory_space<semaphore_mem>>, %arg14: memref<!tpu.dma_semaphore, #tpu.memory_space<semaphore_mem>>) attributes {dimension_semantics = [#tpu.dimension_semantics<core_parallel>, #tpu.dimension_semantics<subcore_parallel>], iteration_bounds = array<i64: 2, 16>, scalar_prefetch = 0 : i64, scratch_operands = 10 : i64, tpu.core_type = #tpu.core_type<sc_vector_subcore>, window_params = [{transform_indices = #map}, {transform_indices = #map1}, {transform_indices = #map2}]} {
    %mul3A = arith.constant 640 : i32
    %mul3A_0 = arith.muli %arg1, %mul3A : i32
    %eq3A = arith.constant 0 : i32
    %eq3A_1 = arith.cmpi eq, %arg0, %eq3A : i32
    %jit3A = arith.constant 0 : i32
    %jit3A_2 = arith.constant 141 : i32
    %select_n3A = arith.select %eq3A_1, %jit3A, %jit3A_2 : i32
    %eq3A_3 = arith.constant 0 : i32
    %eq3A_4 = arith.cmpi eq, %arg0, %eq3A_3 : i32
    %jit3A_5 = arith.constant 141 : i32
    %jit3A_6 = arith.constant 39 : i32
    %select_n3A_7 = arith.select %eq3A_4, %jit3A_5, %jit3A_6 : i32
    "tpu.region"() ({
      %run_scoped3A = tpu.sem_alloc : memref<!tpu.dma_semaphore, #tpu.memory_space<semaphore_mem>>
      %dma_start3A_61 = arith.constant 0 : i32
      %dma_start3A_62 = tpu.memref_slice %arg11[%mul3A_0, %dma_start3A_61] : memref<10240x128xf32, #tpu.memory_space<vmem_shared>> -> memref<640x128xf32, #tpu.memory_space<vmem_shared>>
      %dma_start3A_63 = arith.constant 0 : i32
      %dma_start3A_64 = tpu.memref_slice %arg2[%mul3A_0, %dma_start3A_63] : memref<10240x128xf32, #tpu.memory_space<hbm>> -> memref<640x128xf32, #tpu.memory_space<hbm>>
      tpu.enqueue_dma source(%dma_start3A_64 : memref<640x128xf32, #tpu.memory_space<hbm>>) target(%dma_start3A_62 : memref<640x128xf32, #tpu.memory_space<vmem_shared>>) target_semaphore(%run_scoped3A : memref<!tpu.dma_semaphore, #tpu.memory_space<semaphore_mem>>)
      %dma_wait3A = arith.constant 0 : i32
      %dma_wait3A_65 = tpu.memref_slice %arg11[%mul3A_0, %dma_wait3A] : memref<10240x128xf32, #tpu.memory_space<vmem_shared>> -> memref<640x128xf32, #tpu.memory_space<vmem_shared>>
      %dma_wait3A_66 = arith.constant 0 : i32
      %dma_wait3A_67 = tpu.memref_slice %arg2[%mul3A_0, %dma_wait3A_66] : memref<10240x128xf32, #tpu.memory_space<hbm>> -> memref<640x128xf32, #tpu.memory_space<hbm>>
      tpu.wait_dma2 semaphore(%run_scoped3A : memref<!tpu.dma_semaphore, #tpu.memory_space<semaphore_mem>>) src(%dma_wait3A_67 : memref<640x128xf32, #tpu.memory_space<hbm>>) dst(%dma_wait3A_65 : memref<640x128xf32, #tpu.memory_space<vmem_shared>>)
      tpu.yield
    }) : () -> ()
    %barrier3A = arith.constant 0 : index
    tpu.barrier barrier_id(%barrier3A)
    %add3A = arith.constant 0 : i32
    %add3A_8 = arith.addi %select_n3A, %add3A : i32
    "tpu.region"() ({
      %run_scoped3A = tpu.sem_alloc : memref<!tpu.dma_semaphore, #tpu.memory_space<semaphore_mem>>
      %dma_start3A_61 = arith.constant 0 : i32
      %dma_start3A_62 = arith.constant 0 : i32
      %dma_start3A_63 = tpu.memref_slice %arg3[%arg1, %add3A_8, %dma_start3A_61, %dma_start3A_62] : memref<16x180x2x112xi32, #tpu.memory_space<hbm>> -> memref<1x1x2x112xi32, #tpu.memory_space<hbm>>
      %dma_start3A_64 = tpu.memref_squeeze %dma_start3A_63 : memref<1x1x2x112xi32, #tpu.memory_space<hbm>> -> memref<2x112xi32, #tpu.memory_space<hbm>>
      %dma_start3A_65 = arith.constant 0 : i32
      %dma_start3A_66 = arith.constant 0 : i32
      %dma_start3A_67 = tpu.memref_slice %arg3[%arg1, %add3A_8, %dma_start3A_65, %dma_start3A_66] : memref<16x180x2x112xi32, #tpu.memory_space<hbm>> -> memref<1x1x2x112xi32, #tpu.memory_space<hbm>>
      %dma_start3A_68 = tpu.memref_squeeze %dma_start3A_67 : memref<1x1x2x112xi32, #tpu.memory_space<hbm>> -> memref<2x112xi32, #tpu.memory_space<hbm>>
      tpu.enqueue_dma source(%dma_start3A_68 : memref<2x112xi32, #tpu.memory_space<hbm>>) target(%arg5 : memref<2x112xi32, #tpu.memory_space<vmem>>) target_semaphore(%run_scoped3A : memref<!tpu.dma_semaphore, #tpu.memory_space<semaphore_mem>>)
      %dma_wait3A = arith.constant 0 : i32
      %dma_wait3A_69 = arith.constant 0 : i32
      %dma_wait3A_70 = tpu.memref_slice %arg3[%arg1, %add3A_8, %dma_wait3A, %dma_wait3A_69] : memref<16x180x2x112xi32, #tpu.memory_space<hbm>> -> memref<1x1x2x112xi32, #tpu.memory_space<hbm>>
      %dma_wait3A_71 = tpu.memref_squeeze %dma_wait3A_70 : memref<1x1x2x112xi32, #tpu.memory_space<hbm>> -> memref<2x112xi32, #tpu.memory_space<hbm>>
      %dma_wait3A_72 = arith.constant 0 : i32
      %dma_wait3A_73 = arith.constant 0 : i32
      %dma_wait3A_74 = tpu.memref_slice %arg3[%arg1, %add3A_8, %dma_wait3A_72, %dma_wait3A_73] : memref<16x180x2x112xi32, #tpu.memory_space<hbm>> -> memref<1x1x2x112xi32, #tpu.memory_space<hbm>>
      %dma_wait3A_75 = tpu.memref_squeeze %dma_wait3A_74 : memref<1x1x2x112xi32, #tpu.memory_space<hbm>> -> memref<2x112xi32, #tpu.memory_space<hbm>>
      tpu.wait_dma2 semaphore(%run_scoped3A : memref<!tpu.dma_semaphore, #tpu.memory_space<semaphore_mem>>) src(%dma_wait3A_75 : memref<2x112xi32, #tpu.memory_space<hbm>>) dst(%arg5 : memref<2x112xi32, #tpu.memory_space<vmem>>)
      tpu.yield
    }) : () -> ()
    %dma_start3A = arith.constant 0 : i32
    %dma_start3A_9 = arith.constant 0 : i32
    %dma_start3A_10 = tpu.memref_slice %arg5[%dma_start3A, %dma_start3A_9] : memref<2x112xi32, #tpu.memory_space<vmem>> -> memref<1x112xi32, #tpu.memory_space<vmem>>
    %dma_start3A_11 = tpu.memref_squeeze %dma_start3A_10 : memref<1x112xi32, #tpu.memory_space<vmem>> -> memref<112xi32, #tpu.memory_space<vmem>>
    %dma_start3A_12 = arith.constant 0 : i32
    %dma_start3A_13 = arith.constant 0 : i32
    %dma_start3A_14 = tpu.memref_slice %arg2[%dma_start3A_12, %dma_start3A_13] : memref<10240x128xf32, #tpu.memory_space<hbm>> -> memref<10240x128xf32, #tpu.memory_space<hbm>>
    tpu.enqueue_indirect_dma source(%dma_start3A_14 : memref<10240x128xf32, #tpu.memory_space<hbm>>) target(%arg8 : memref<112x128xf32, #tpu.memory_space<vmem>>) offsets(%dma_start3A_11 : memref<112xi32, #tpu.memory_space<vmem>>) semaphore(%arg12 : memref<!tpu.dma_semaphore, #tpu.memory_space<semaphore_mem>>)
    %add3A_15 = arith.constant 1 : i32
    %add3A_16 = arith.addi %select_n3A, %add3A_15 : i32
    "tpu.region"() ({
      %run_scoped3A = tpu.sem_alloc : memref<!tpu.dma_semaphore, #tpu.memory_space<semaphore_mem>>
      %dma_start3A_61 = arith.constant 0 : i32
      %dma_start3A_62 = arith.constant 0 : i32
      %dma_start3A_63 = tpu.memref_slice %arg3[%arg1, %add3A_16, %dma_start3A_61, %dma_start3A_62] : memref<16x180x2x112xi32, #tpu.memory_space<hbm>> -> memref<1x1x2x112xi32, #tpu.memory_space<hbm>>
      %dma_start3A_64 = tpu.memref_squeeze %dma_start3A_63 : memref<1x1x2x112xi32, #tpu.memory_space<hbm>> -> memref<2x112xi32, #tpu.memory_space<hbm>>
      %dma_start3A_65 = arith.constant 0 : i32
      %dma_start3A_66 = arith.constant 0 : i32
      %dma_start3A_67 = tpu.memref_slice %arg3[%arg1, %add3A_16, %dma_start3A_65, %dma_start3A_66] : memref<16x180x2x112xi32, #tpu.memory_space<hbm>> -> memref<1x1x2x112xi32, #tpu.memory_space<hbm>>
      %dma_start3A_68 = tpu.memref_squeeze %dma_start3A_67 : memref<1x1x2x112xi32, #tpu.memory_space<hbm>> -> memref<2x112xi32, #tpu.memory_space<hbm>>
      tpu.enqueue_dma source(%dma_start3A_68 : memref<2x112xi32, #tpu.memory_space<hbm>>) target(%arg6 : memref<2x112xi32, #tpu.memory_space<vmem>>) target_semaphore(%run_scoped3A : memref<!tpu.dma_semaphore, #tpu.memory_space<semaphore_mem>>)
      %dma_wait3A = arith.constant 0 : i32
      %dma_wait3A_69 = arith.constant 0 : i32
      %dma_wait3A_70 = tpu.memref_slice %arg3[%arg1, %add3A_16, %dma_wait3A, %dma_wait3A_69] : memref<16x180x2x112xi32, #tpu.memory_space<hbm>> -> memref<1x1x2x112xi32, #tpu.memory_space<hbm>>
      %dma_wait3A_71 = tpu.memref_squeeze %dma_wait3A_70 : memref<1x1x2x112xi32, #tpu.memory_space<hbm>> -> memref<2x112xi32, #tpu.memory_space<hbm>>
      %dma_wait3A_72 = arith.constant 0 : i32
      %dma_wait3A_73 = arith.constant 0 : i32
      %dma_wait3A_74 = tpu.memref_slice %arg3[%arg1, %add3A_16, %dma_wait3A_72, %dma_wait3A_73] : memref<16x180x2x112xi32, #tpu.memory_space<hbm>> -> memref<1x1x2x112xi32, #tpu.memory_space<hbm>>
      %dma_wait3A_75 = tpu.memref_squeeze %dma_wait3A_74 : memref<1x1x2x112xi32, #tpu.memory_space<hbm>> -> memref<2x112xi32, #tpu.memory_space<hbm>>
      tpu.wait_dma2 semaphore(%run_scoped3A : memref<!tpu.dma_semaphore, #tpu.memory_space<semaphore_mem>>) src(%dma_wait3A_75 : memref<2x112xi32, #tpu.memory_space<hbm>>) dst(%arg6 : memref<2x112xi32, #tpu.memory_space<vmem>>)
      tpu.yield
    }) : () -> ()
    %dma_start3A_17 = arith.constant 0 : i32
    %dma_start3A_18 = arith.constant 0 : i32
    %dma_start3A_19 = tpu.memref_slice %arg6[%dma_start3A_17, %dma_start3A_18] : memref<2x112xi32, #tpu.memory_space<vmem>> -> memref<1x112xi32, #tpu.memory_space<vmem>>
    %dma_start3A_20 = tpu.memref_squeeze %dma_start3A_19 : memref<1x112xi32, #tpu.memory_space<vmem>> -> memref<112xi32, #tpu.memory_space<vmem>>
    %dma_start3A_21 = arith.constant 0 : i32
    %dma_start3A_22 = arith.constant 0 : i32
    %dma_start3A_23 = tpu.memref_slice %arg2[%dma_start3A_21, %dma_start3A_22] : memref<10240x128xf32, #tpu.memory_space<hbm>> -> memref<10240x128xf32, #tpu.memory_space<hbm>>
    tpu.enqueue_indirect_dma source(%dma_start3A_23 : memref<10240x128xf32, #tpu.memory_space<hbm>>) target(%arg9 : memref<112x128xf32, #tpu.memory_space<vmem>>) offsets(%dma_start3A_20 : memref<112xi32, #tpu.memory_space<vmem>>) semaphore(%arg13 : memref<!tpu.dma_semaphore, #tpu.memory_space<semaphore_mem>>)
    %add3A_24 = arith.constant 2 : i32
    %add3A_25 = arith.addi %select_n3A, %add3A_24 : i32
    "tpu.region"() ({
      %run_scoped3A = tpu.sem_alloc : memref<!tpu.dma_semaphore, #tpu.memory_space<semaphore_mem>>
      %dma_start3A_61 = arith.constant 0 : i32
      %dma_start3A_62 = arith.constant 0 : i32
      %dma_start3A_63 = tpu.memref_slice %arg3[%arg1, %add3A_25, %dma_start3A_61, %dma_start3A_62] : memref<16x180x2x112xi32, #tpu.memory_space<hbm>> -> memref<1x1x2x112xi32, #tpu.memory_space<hbm>>
      %dma_start3A_64 = tpu.memref_squeeze %dma_start3A_63 : memref<1x1x2x112xi32, #tpu.memory_space<hbm>> -> memref<2x112xi32, #tpu.memory_space<hbm>>
      %dma_start3A_65 = arith.constant 0 : i32
      %dma_start3A_66 = arith.constant 0 : i32
      %dma_start3A_67 = tpu.memref_slice %arg3[%arg1, %add3A_25, %dma_start3A_65, %dma_start3A_66] : memref<16x180x2x112xi32, #tpu.memory_space<hbm>> -> memref<1x1x2x112xi32, #tpu.memory_space<hbm>>
      %dma_start3A_68 = tpu.memref_squeeze %dma_start3A_67 : memref<1x1x2x112xi32, #tpu.memory_space<hbm>> -> memref<2x112xi32, #tpu.memory_space<hbm>>
      tpu.enqueue_dma source(%dma_start3A_68 : memref<2x112xi32, #tpu.memory_space<hbm>>) target(%arg7 : memref<2x112xi32, #tpu.memory_space<vmem>>) target_semaphore(%run_scoped3A : memref<!tpu.dma_semaphore, #tpu.memory_space<semaphore_mem>>)
      %dma_wait3A = arith.constant 0 : i32
      %dma_wait3A_69 = arith.constant 0 : i32
      %dma_wait3A_70 = tpu.memref_slice %arg3[%arg1, %add3A_25, %dma_wait3A, %dma_wait3A_69] : memref<16x180x2x112xi32, #tpu.memory_space<hbm>> -> memref<1x1x2x112xi32, #tpu.memory_space<hbm>>
      %dma_wait3A_71 = tpu.memref_squeeze %dma_wait3A_70 : memref<1x1x2x112xi32, #tpu.memory_space<hbm>> -> memref<2x112xi32, #tpu.memory_space<hbm>>
      %dma_wait3A_72 = arith.constant 0 : i32
      %dma_wait3A_73 = arith.constant 0 : i32
      %dma_wait3A_74 = tpu.memref_slice %arg3[%arg1, %add3A_25, %dma_wait3A_72, %dma_wait3A_73] : memref<16x180x2x112xi32, #tpu.memory_space<hbm>> -> memref<1x1x2x112xi32, #tpu.memory_space<hbm>>
      %dma_wait3A_75 = tpu.memref_squeeze %dma_wait3A_74 : memref<1x1x2x112xi32, #tpu.memory_space<hbm>> -> memref<2x112xi32, #tpu.memory_space<hbm>>
      tpu.wait_dma2 semaphore(%run_scoped3A : memref<!tpu.dma_semaphore, #tpu.memory_space<semaphore_mem>>) src(%dma_wait3A_75 : memref<2x112xi32, #tpu.memory_space<hbm>>) dst(%arg7 : memref<2x112xi32, #tpu.memory_space<vmem>>)
      tpu.yield
    }) : () -> ()
    %dma_start3A_26 = arith.constant 0 : i32
    %dma_start3A_27 = arith.constant 0 : i32
    %dma_start3A_28 = tpu.memref_slice %arg7[%dma_start3A_26, %dma_start3A_27] : memref<2x112xi32, #tpu.memory_space<vmem>> -> memref<1x112xi32, #tpu.memory_space<vmem>>
    %dma_start3A_29 = tpu.memref_squeeze %dma_start3A_28 : memref<1x112xi32, #tpu.memory_space<vmem>> -> memref<112xi32, #tpu.memory_space<vmem>>
    %dma_start3A_30 = arith.constant 0 : i32
    %dma_start3A_31 = arith.constant 0 : i32
    %dma_start3A_32 = tpu.memref_slice %arg2[%dma_start3A_30, %dma_start3A_31] : memref<10240x128xf32, #tpu.memory_space<hbm>> -> memref<10240x128xf32, #tpu.memory_space<hbm>>
    tpu.enqueue_indirect_dma source(%dma_start3A_32 : memref<10240x128xf32, #tpu.memory_space<hbm>>) target(%arg10 : memref<112x128xf32, #tpu.memory_space<vmem>>) offsets(%dma_start3A_29 : memref<112xi32, #tpu.memory_space<vmem>>) semaphore(%arg14 : memref<!tpu.dma_semaphore, #tpu.memory_space<semaphore_mem>>)
    %jit3A_33 = arith.constant 3 : i32
    %div3A = arith.divsi %select_n3A_7, %jit3A_33 : i32
    %sign3A = arith.constant 0 : i32
    %sign3A_34 = arith.cmpi sgt, %select_n3A_7, %sign3A : i32
    %sign3A_35 = arith.extui %sign3A_34 : i1 to i32
    %sign3A_36 = arith.constant 0 : i32
    %sign3A_37 = arith.cmpi slt, %select_n3A_7, %sign3A_36 : i32
    %sign3A_38 = arith.extui %sign3A_37 : i1 to i32
    %sign3A_39 = arith.subi %sign3A_35, %sign3A_38 : i32
    %sign3A_40 = arith.constant 0 : i32
    %sign3A_41 = arith.cmpi sgt, %jit3A_33, %sign3A_40 : i32
    %sign3A_42 = arith.extui %sign3A_41 : i1 to i32
    %sign3A_43 = arith.constant 0 : i32
    %sign3A_44 = arith.cmpi slt, %jit3A_33, %sign3A_43 : i32
    %sign3A_45 = arith.extui %sign3A_44 : i1 to i32
    %sign3A_46 = arith.subi %sign3A_42, %sign3A_45 : i32
    %ne3A = arith.cmpi ne, %sign3A_39, %sign3A_46 : i32
    %rem3A = arith.remsi %select_n3A_7, %jit3A_33 : i32
    %ne3A_47 = arith.constant 0 : i32
    %ne3A_48 = arith.cmpi ne, %rem3A, %ne3A_47 : i32
    %and3A = arith.andi %ne3A, %ne3A_48 : i1
    %sub3A = arith.constant 1 : i32
    %sub3A_49 = arith.subi %div3A, %sub3A : i32
    %select_n3A_50 = arith.select %and3A, %sub3A_49, %div3A : i32
    %while3A = arith.constant 0 : i32
    %while3A_51 = arith.constant 0 : i32
    %while3A_52 = arith.subi %select_n3A_50, %while3A_51 : i32
    %while3A_53 = arith.addi %while3A_51, %while3A_52 : i32
    %while3A_54 = arith.constant 1 : i32
    %while3A_55 = arith.divsi %while3A_52, %while3A_54 : i32
    %while3A_56 = arith.muli %while3A_55, %while3A_54 : i32
    %while3A_57 = arith.addi %while3A_51, %while3A_56 : i32
    %while3A_58 = arith.constant 1 : i32
    scf.for %while3A_61 = %while3A_51 to %while3A_57 step %while3A_58  : i32 {
      %mul3A_62 = arith.constant 3 : i32
      %mul3A_63 = arith.muli %while3A_61, %mul3A_62 : i32
      %add3A_64 = arith.constant 0 : i32
      %add3A_65 = arith.addi %mul3A_63, %add3A_64 : i32
      %dma_wait3A = arith.constant 0 : i32
      %dma_wait3A_66 = arith.constant 0 : i32
      %dma_wait3A_67 = tpu.memref_slice %arg5[%dma_wait3A, %dma_wait3A_66] : memref<2x112xi32, #tpu.memory_space<vmem>> -> memref<1x112xi32, #tpu.memory_space<vmem>>
      %dma_wait3A_68 = tpu.memref_squeeze %dma_wait3A_67 : memref<1x112xi32, #tpu.memory_space<vmem>> -> memref<112xi32, #tpu.memory_space<vmem>>
      %dma_wait3A_69 = arith.constant 0 : i32
      %dma_wait3A_70 = arith.constant 0 : i32
      %dma_wait3A_71 = tpu.memref_slice %arg2[%dma_wait3A_69, %dma_wait3A_70] : memref<10240x128xf32, #tpu.memory_space<hbm>> -> memref<10240x128xf32, #tpu.memory_space<hbm>>
      tpu.wait_indirect_dma semaphore(%arg12 : memref<!tpu.dma_semaphore, #tpu.memory_space<semaphore_mem>>) src(%dma_wait3A_71 : memref<10240x128xf32, #tpu.memory_space<hbm>>) dst(%arg8 : memref<112x128xf32, #tpu.memory_space<vmem>>)
      %run_scoped3A = arith.constant 1 : i32
      "tpu.region"() ({
        %run_scoped3A_111 = tpu.sem_alloc : memref<!tpu.dma_semaphore, #tpu.memory_space<semaphore_mem>>
        %dma_start3A_112 = arith.constant 0 : i32
        %dma_start3A_113 = tpu.memref_slice %arg5[%run_scoped3A, %dma_start3A_112] : memref<2x112xi32, #tpu.memory_space<vmem>> -> memref<1x112xi32, #tpu.memory_space<vmem>>
        %dma_start3A_114 = tpu.memref_squeeze %dma_start3A_113 : memref<1x112xi32, #tpu.memory_space<vmem>> -> memref<112xi32, #tpu.memory_space<vmem>>
        %dma_start3A_115 = arith.constant 0 : i32
        %dma_start3A_116 = arith.constant 0 : i32
        %dma_start3A_117 = tpu.memref_slice %arg11[%dma_start3A_115, %dma_start3A_116] : memref<10240x128xf32, #tpu.memory_space<vmem_shared>> -> memref<10240x128xf32, #tpu.memory_space<vmem_shared>>
        tpu.enqueue_indirect_dma source(%arg8 : memref<112x128xf32, #tpu.memory_space<vmem>>) target(%dma_start3A_117 : memref<10240x128xf32, #tpu.memory_space<vmem_shared>>) offsets(%dma_start3A_114 : memref<112xi32, #tpu.memory_space<vmem>>) semaphore(%run_scoped3A_111 : memref<!tpu.dma_semaphore, #tpu.memory_space<semaphore_mem>>) {add = true}
        %dma_wait3A_118 = arith.constant 0 : i32
        %dma_wait3A_119 = tpu.memref_slice %arg5[%run_scoped3A, %dma_wait3A_118] : memref<2x112xi32, #tpu.memory_space<vmem>> -> memref<1x112xi32, #tpu.memory_space<vmem>>
        %dma_wait3A_120 = tpu.memref_squeeze %dma_wait3A_119 : memref<1x112xi32, #tpu.memory_space<vmem>> -> memref<112xi32, #tpu.memory_space<vmem>>
        %dma_wait3A_121 = arith.constant 0 : i32
        %dma_wait3A_122 = arith.constant 0 : i32
        %dma_wait3A_123 = tpu.memref_slice %arg11[%dma_wait3A_121, %dma_wait3A_122] : memref<10240x128xf32, #tpu.memory_space<vmem_shared>> -> memref<10240x128xf32, #tpu.memory_space<vmem_shared>>
        tpu.wait_indirect_dma semaphore(%run_scoped3A_111 : memref<!tpu.dma_semaphore, #tpu.memory_space<semaphore_mem>>) src(%arg8 : memref<112x128xf32, #tpu.memory_space<vmem>>) dst(%dma_wait3A_123 : memref<10240x128xf32, #tpu.memory_space<vmem_shared>>)
        tpu.yield
      }) : () -> ()
      %add3A_72 = arith.constant 3 : i32
      %add3A_73 = arith.addi %add3A_65, %add3A_72 : i32
      %lt3A = arith.cmpi slt, %add3A_73, %select_n3A_7 : i32
      %convert_element_type3A = arith.extui %lt3A : i1 to i32
      %cond3A = arith.constant 0 : i32
      %cond3A_74 = arith.cmpi ne, %convert_element_type3A, %cond3A : i32
      scf.if %cond3A_74 {
        %add3A_111 = arith.addi %select_n3A, %add3A_73 : i32
        "tpu.region"() ({
          %run_scoped3A_119 = tpu.sem_alloc : memref<!tpu.dma_semaphore, #tpu.memory_space<semaphore_mem>>
          %dma_start3A_120 = arith.constant 0 : i32
          %dma_start3A_121 = arith.constant 0 : i32
          %dma_start3A_122 = tpu.memref_slice %arg3[%arg1, %add3A_111, %dma_start3A_120, %dma_start3A_121] : memref<16x180x2x112xi32, #tpu.memory_space<hbm>> -> memref<1x1x2x112xi32, #tpu.memory_space<hbm>>
          %dma_start3A_123 = tpu.memref_squeeze %dma_start3A_122 : memref<1x1x2x112xi32, #tpu.memory_space<hbm>> -> memref<2x112xi32, #tpu.memory_space<hbm>>
          %dma_start3A_124 = arith.constant 0 : i32
          %dma_start3A_125 = arith.constant 0 : i32
          %dma_start3A_126 = tpu.memref_slice %arg3[%arg1, %add3A_111, %dma_start3A_124, %dma_start3A_125] : memref<16x180x2x112xi32, #tpu.memory_space<hbm>> -> memref<1x1x2x112xi32, #tpu.memory_space<hbm>>
          %dma_start3A_127 = tpu.memref_squeeze %dma_start3A_126 : memref<1x1x2x112xi32, #tpu.memory_space<hbm>> -> memref<2x112xi32, #tpu.memory_space<hbm>>
          tpu.enqueue_dma source(%dma_start3A_127 : memref<2x112xi32, #tpu.memory_space<hbm>>) target(%arg5 : memref<2x112xi32, #tpu.memory_space<vmem>>) target_semaphore(%run_scoped3A_119 : memref<!tpu.dma_semaphore, #tpu.memory_space<semaphore_mem>>)
          %dma_wait3A_128 = arith.constant 0 : i32
          %dma_wait3A_129 = arith.constant 0 : i32
          %dma_wait3A_130 = tpu.memref_slice %arg3[%arg1, %add3A_111, %dma_wait3A_128, %dma_wait3A_129] : memref<16x180x2x112xi32, #tpu.memory_space<hbm>> -> memref<1x1x2x112xi32, #tpu.memory_space<hbm>>
          %dma_wait3A_131 = tpu.memref_squeeze %dma_wait3A_130 : memref<1x1x2x112xi32, #tpu.memory_space<hbm>> -> memref<2x112xi32, #tpu.memory_space<hbm>>
          %dma_wait3A_132 = arith.constant 0 : i32
          %dma_wait3A_133 = arith.constant 0 : i32
          %dma_wait3A_134 = tpu.memref_slice %arg3[%arg1, %add3A_111, %dma_wait3A_132, %dma_wait3A_133] : memref<16x180x2x112xi32, #tpu.memory_space<hbm>> -> memref<1x1x2x112xi32, #tpu.memory_space<hbm>>
          %dma_wait3A_135 = tpu.memref_squeeze %dma_wait3A_134 : memref<1x1x2x112xi32, #tpu.memory_space<hbm>> -> memref<2x112xi32, #tpu.memory_space<hbm>>
          tpu.wait_dma2 semaphore(%run_scoped3A_119 : memref<!tpu.dma_semaphore, #tpu.memory_space<semaphore_mem>>) src(%dma_wait3A_135 : memref<2x112xi32, #tpu.memory_space<hbm>>) dst(%arg5 : memref<2x112xi32, #tpu.memory_space<vmem>>)
          tpu.yield
        }) : () -> ()
        %dma_start3A_112 = arith.constant 0 : i32
        %dma_start3A_113 = arith.constant 0 : i32
        %dma_start3A_114 = tpu.memref_slice %arg5[%dma_start3A_112, %dma_start3A_113] : memref<2x112xi32, #tpu.memory_space<vmem>> -> memref<1x112xi32, #tpu.memory_space<vmem>>
        %dma_start3A_115 = tpu.memref_squeeze %dma_start3A_114 : memref<1x112xi32, #tpu.memory_space<vmem>> -> memref<112xi32, #tpu.memory_space<vmem>>
        %dma_start3A_116 = arith.constant 0 : i32
        %dma_start3A_117 = arith.constant 0 : i32
        %dma_start3A_118 = tpu.memref_slice %arg2[%dma_start3A_116, %dma_start3A_117] : memref<10240x128xf32, #tpu.memory_space<hbm>> -> memref<10240x128xf32, #tpu.memory_space<hbm>>
        tpu.enqueue_indirect_dma source(%dma_start3A_118 : memref<10240x128xf32, #tpu.memory_space<hbm>>) target(%arg8 : memref<112x128xf32, #tpu.memory_space<vmem>>) offsets(%dma_start3A_115 : memref<112xi32, #tpu.memory_space<vmem>>) semaphore(%arg12 : memref<!tpu.dma_semaphore, #tpu.memory_space<semaphore_mem>>)
      } else {
      }
      %mul3A_75 = arith.constant 3 : i32
      %mul3A_76 = arith.muli %while3A_61, %mul3A_75 : i32
      %add3A_77 = arith.constant 1 : i32
      %add3A_78 = arith.addi %mul3A_76, %add3A_77 : i32
      %dma_wait3A_79 = arith.constant 0 : i32
      %dma_wait3A_80 = arith.constant 0 : i32
      %dma_wait3A_81 = tpu.memref_slice %arg6[%dma_wait3A_79, %dma_wait3A_80] : memref<2x112xi32, #tpu.memory_space<vmem>> -> memref<1x112xi32, #tpu.memory_space<vmem>>
      %dma_wait3A_82 = tpu.memref_squeeze %dma_wait3A_81 : memref<1x112xi32, #tpu.memory_space<vmem>> -> memref<112xi32, #tpu.memory_space<vmem>>
      %dma_wait3A_83 = arith.constant 0 : i32
      %dma_wait3A_84 = arith.constant 0 : i32
      %dma_wait3A_85 = tpu.memref_slice %arg2[%dma_wait3A_83, %dma_wait3A_84] : memref<10240x128xf32, #tpu.memory_space<hbm>> -> memref<10240x128xf32, #tpu.memory_space<hbm>>
      tpu.wait_indirect_dma semaphore(%arg13 : memref<!tpu.dma_semaphore, #tpu.memory_space<semaphore_mem>>) src(%dma_wait3A_85 : memref<10240x128xf32, #tpu.memory_space<hbm>>) dst(%arg9 : memref<112x128xf32, #tpu.memory_space<vmem>>)
      %run_scoped3A_86 = arith.constant 1 : i32
      "tpu.region"() ({
        %run_scoped3A_111 = tpu.sem_alloc : memref<!tpu.dma_semaphore, #tpu.memory_space<semaphore_mem>>
        %dma_start3A_112 = arith.constant 0 : i32
        %dma_start3A_113 = tpu.memref_slice %arg6[%run_scoped3A_86, %dma_start3A_112] : memref<2x112xi32, #tpu.memory_space<vmem>> -> memref<1x112xi32, #tpu.memory_space<vmem>>
        %dma_start3A_114 = tpu.memref_squeeze %dma_start3A_113 : memref<1x112xi32, #tpu.memory_space<vmem>> -> memref<112xi32, #tpu.memory_space<vmem>>
        %dma_start3A_115 = arith.constant 0 : i32
        %dma_start3A_116 = arith.constant 0 : i32
        %dma_start3A_117 = tpu.memref_slice %arg11[%dma_start3A_115, %dma_start3A_116] : memref<10240x128xf32, #tpu.memory_space<vmem_shared>> -> memref<10240x128xf32, #tpu.memory_space<vmem_shared>>
        tpu.enqueue_indirect_dma source(%arg9 : memref<112x128xf32, #tpu.memory_space<vmem>>) target(%dma_start3A_117 : memref<10240x128xf32, #tpu.memory_space<vmem_shared>>) offsets(%dma_start3A_114 : memref<112xi32, #tpu.memory_space<vmem>>) semaphore(%run_scoped3A_111 : memref<!tpu.dma_semaphore, #tpu.memory_space<semaphore_mem>>) {add = true}
        %dma_wait3A_118 = arith.constant 0 : i32
        %dma_wait3A_119 = tpu.memref_slice %arg6[%run_scoped3A_86, %dma_wait3A_118] : memref<2x112xi32, #tpu.memory_space<vmem>> -> memref<1x112xi32, #tpu.memory_space<vmem>>
        %dma_wait3A_120 = tpu.memref_squeeze %dma_wait3A_119 : memref<1x112xi32, #tpu.memory_space<vmem>> -> memref<112xi32, #tpu.memory_space<vmem>>
        %dma_wait3A_121 = arith.constant 0 : i32
        %dma_wait3A_122 = arith.constant 0 : i32
        %dma_wait3A_123 = tpu.memref_slice %arg11[%dma_wait3A_121, %dma_wait3A_122] : memref<10240x128xf32, #tpu.memory_space<vmem_shared>> -> memref<10240x128xf32, #tpu.memory_space<vmem_shared>>
        tpu.wait_indirect_dma semaphore(%run_scoped3A_111 : memref<!tpu.dma_semaphore, #tpu.memory_space<semaphore_mem>>) src(%arg9 : memref<112x128xf32, #tpu.memory_space<vmem>>) dst(%dma_wait3A_123 : memref<10240x128xf32, #tpu.memory_space<vmem_shared>>)
        tpu.yield
      }) : () -> ()
      %add3A_87 = arith.constant 3 : i32
      %add3A_88 = arith.addi %add3A_78, %add3A_87 : i32
      %lt3A_89 = arith.cmpi slt, %add3A_88, %select_n3A_7 : i32
      %convert_element_type3A_90 = arith.extui %lt3A_89 : i1 to i32
      %cond3A_91 = arith.constant 0 : i32
      %cond3A_92 = arith.cmpi ne, %convert_element_type3A_90, %cond3A_91 : i32
      scf.if %cond3A_92 {
        %add3A_111 = arith.addi %select_n3A, %add3A_88 : i32
        "tpu.region"() ({
          %run_scoped3A_119 = tpu.sem_alloc : memref<!tpu.dma_semaphore, #tpu.memory_space<semaphore_mem>>
          %dma_start3A_120 = arith.constant 0 : i32
          %dma_start3A_121 = arith.constant 0 : i32
          %dma_start3A_122 = tpu.memref_slice %arg3[%arg1, %add3A_111, %dma_start3A_120, %dma_start3A_121] : memref<16x180x2x112xi32, #tpu.memory_space<hbm>> -> memref<1x1x2x112xi32, #tpu.memory_space<hbm>>
          %dma_start3A_123 = tpu.memref_squeeze %dma_start3A_122 : memref<1x1x2x112xi32, #tpu.memory_space<hbm>> -> memref<2x112xi32, #tpu.memory_space<hbm>>
          %dma_start3A_124 = arith.constant 0 : i32
          %dma_start3A_125 = arith.constant 0 : i32
          %dma_start3A_126 = tpu.memref_slice %arg3[%arg1, %add3A_111, %dma_start3A_124, %dma_start3A_125] : memref<16x180x2x112xi32, #tpu.memory_space<hbm>> -> memref<1x1x2x112xi32, #tpu.memory_space<hbm>>
          %dma_start3A_127 = tpu.memref_squeeze %dma_start3A_126 : memref<1x1x2x112xi32, #tpu.memory_space<hbm>> -> memref<2x112xi32, #tpu.memory_space<hbm>>
          tpu.enqueue_dma source(%dma_start3A_127 : memref<2x112xi32, #tpu.memory_space<hbm>>) target(%arg6 : memref<2x112xi32, #tpu.memory_space<vmem>>) target_semaphore(%run_scoped3A_119 : memref<!tpu.dma_semaphore, #tpu.memory_space<semaphore_mem>>)
          %dma_wait3A_128 = arith.constant 0 : i32
          %dma_wait3A_129 = arith.constant 0 : i32
          %dma_wait3A_130 = tpu.memref_slice %arg3[%arg1, %add3A_111, %dma_wait3A_128, %dma_wait3A_129] : memref<16x180x2x112xi32, #tpu.memory_space<hbm>> -> memref<1x1x2x112xi32, #tpu.memory_space<hbm>>
          %dma_wait3A_131 = tpu.memref_squeeze %dma_wait3A_130 : memref<1x1x2x112xi32, #tpu.memory_space<hbm>> -> memref<2x112xi32, #tpu.memory_space<hbm>>
          %dma_wait3A_132 = arith.constant 0 : i32
          %dma_wait3A_133 = arith.constant 0 : i32
          %dma_wait3A_134 = tpu.memref_slice %arg3[%arg1, %add3A_111, %dma_wait3A_132, %dma_wait3A_133] : memref<16x180x2x112xi32, #tpu.memory_space<hbm>> -> memref<1x1x2x112xi32, #tpu.memory_space<hbm>>
          %dma_wait3A_135 = tpu.memref_squeeze %dma_wait3A_134 : memref<1x1x2x112xi32, #tpu.memory_space<hbm>> -> memref<2x112xi32, #tpu.memory_space<hbm>>
          tpu.wait_dma2 semaphore(%run_scoped3A_119 : memref<!tpu.dma_semaphore, #tpu.memory_space<semaphore_mem>>) src(%dma_wait3A_135 : memref<2x112xi32, #tpu.memory_space<hbm>>) dst(%arg6 : memref<2x112xi32, #tpu.memory_space<vmem>>)
          tpu.yield
        }) : () -> ()
        %dma_start3A_112 = arith.constant 0 : i32
        %dma_start3A_113 = arith.constant 0 : i32
        %dma_start3A_114 = tpu.memref_slice %arg6[%dma_start3A_112, %dma_start3A_113] : memref<2x112xi32, #tpu.memory_space<vmem>> -> memref<1x112xi32, #tpu.memory_space<vmem>>
        %dma_start3A_115 = tpu.memref_squeeze %dma_start3A_114 : memref<1x112xi32, #tpu.memory_space<vmem>> -> memref<112xi32, #tpu.memory_space<vmem>>
        %dma_start3A_116 = arith.constant 0 : i32
        %dma_start3A_117 = arith.constant 0 : i32
        %dma_start3A_118 = tpu.memref_slice %arg2[%dma_start3A_116, %dma_start3A_117] : memref<10240x128xf32, #tpu.memory_space<hbm>> -> memref<10240x128xf32, #tpu.memory_space<hbm>>
        tpu.enqueue_indirect_dma source(%dma_start3A_118 : memref<10240x128xf32, #tpu.memory_space<hbm>>) target(%arg9 : memref<112x128xf32, #tpu.memory_space<vmem>>) offsets(%dma_start3A_115 : memref<112xi32, #tpu.memory_space<vmem>>) semaphore(%arg13 : memref<!tpu.dma_semaphore, #tpu.memory_space<semaphore_mem>>)
      } else {
      }
      %mul3A_93 = arith.constant 3 : i32
      %mul3A_94 = arith.muli %while3A_61, %mul3A_93 : i32
      %add3A_95 = arith.constant 2 : i32
      %add3A_96 = arith.addi %mul3A_94, %add3A_95 : i32
      %dma_wait3A_97 = arith.constant 0 : i32
      %dma_wait3A_98 = arith.constant 0 : i32
      %dma_wait3A_99 = tpu.memref_slice %arg7[%dma_wait3A_97, %dma_wait3A_98] : memref<2x112xi32, #tpu.memory_space<vmem>> -> memref<1x112xi32, #tpu.memory_space<vmem>>
      %dma_wait3A_100 = tpu.memref_squeeze %dma_wait3A_99 : memref<1x112xi32, #tpu.memory_space<vmem>> -> memref<112xi32, #tpu.memory_space<vmem>>
      %dma_wait3A_101 = arith.constant 0 : i32
      %dma_wait3A_102 = arith.constant 0 : i32
      %dma_wait3A_103 = tpu.memref_slice %arg2[%dma_wait3A_101, %dma_wait3A_102] : memref<10240x128xf32, #tpu.memory_space<hbm>> -> memref<10240x128xf32, #tpu.memory_space<hbm>>
      tpu.wait_indirect_dma semaphore(%arg14 : memref<!tpu.dma_semaphore, #tpu.memory_space<semaphore_mem>>) src(%dma_wait3A_103 : memref<10240x128xf32, #tpu.memory_space<hbm>>) dst(%arg10 : memref<112x128xf32, #tpu.memory_space<vmem>>)
      %run_scoped3A_104 = arith.constant 1 : i32
      "tpu.region"() ({
        %run_scoped3A_111 = tpu.sem_alloc : memref<!tpu.dma_semaphore, #tpu.memory_space<semaphore_mem>>
        %dma_start3A_112 = arith.constant 0 : i32
        %dma_start3A_113 = tpu.memref_slice %arg7[%run_scoped3A_104, %dma_start3A_112] : memref<2x112xi32, #tpu.memory_space<vmem>> -> memref<1x112xi32, #tpu.memory_space<vmem>>
        %dma_start3A_114 = tpu.memref_squeeze %dma_start3A_113 : memref<1x112xi32, #tpu.memory_space<vmem>> -> memref<112xi32, #tpu.memory_space<vmem>>
        %dma_start3A_115 = arith.constant 0 : i32
        %dma_start3A_116 = arith.constant 0 : i32
        %dma_start3A_117 = tpu.memref_slice %arg11[%dma_start3A_115, %dma_start3A_116] : memref<10240x128xf32, #tpu.memory_space<vmem_shared>> -> memref<10240x128xf32, #tpu.memory_space<vmem_shared>>
        tpu.enqueue_indirect_dma source(%arg10 : memref<112x128xf32, #tpu.memory_space<vmem>>) target(%dma_start3A_117 : memref<10240x128xf32, #tpu.memory_space<vmem_shared>>) offsets(%dma_start3A_114 : memref<112xi32, #tpu.memory_space<vmem>>) semaphore(%run_scoped3A_111 : memref<!tpu.dma_semaphore, #tpu.memory_space<semaphore_mem>>) {add = true}
        %dma_wait3A_118 = arith.constant 0 : i32
        %dma_wait3A_119 = tpu.memref_slice %arg7[%run_scoped3A_104, %dma_wait3A_118] : memref<2x112xi32, #tpu.memory_space<vmem>> -> memref<1x112xi32, #tpu.memory_space<vmem>>
        %dma_wait3A_120 = tpu.memref_squeeze %dma_wait3A_119 : memref<1x112xi32, #tpu.memory_space<vmem>> -> memref<112xi32, #tpu.memory_space<vmem>>
        %dma_wait3A_121 = arith.constant 0 : i32
        %dma_wait3A_122 = arith.constant 0 : i32
        %dma_wait3A_123 = tpu.memref_slice %arg11[%dma_wait3A_121, %dma_wait3A_122] : memref<10240x128xf32, #tpu.memory_space<vmem_shared>> -> memref<10240x128xf32, #tpu.memory_space<vmem_shared>>
        tpu.wait_indirect_dma semaphore(%run_scoped3A_111 : memref<!tpu.dma_semaphore, #tpu.memory_space<semaphore_mem>>) src(%arg10 : memref<112x128xf32, #tpu.memory_space<vmem>>) dst(%dma_wait3A_123 : memref<10240x128xf32, #tpu.memory_space<vmem_shared>>)
        tpu.yield
      }) : () -> ()
      %add3A_105 = arith.constant 3 : i32
      %add3A_106 = arith.addi %add3A_96, %add3A_105 : i32
      %lt3A_107 = arith.cmpi slt, %add3A_106, %select_n3A_7 : i32
      %convert_element_type3A_108 = arith.extui %lt3A_107 : i1 to i32
      %cond3A_109 = arith.constant 0 : i32
      %cond3A_110 = arith.cmpi ne, %convert_element_type3A_108, %cond3A_109 : i32
      scf.if %cond3A_110 {
        %add3A_111 = arith.addi %select_n3A, %add3A_106 : i32
        "tpu.region"() ({
          %run_scoped3A_119 = tpu.sem_alloc : memref<!tpu.dma_semaphore, #tpu.memory_space<semaphore_mem>>
          %dma_start3A_120 = arith.constant 0 : i32
          %dma_start3A_121 = arith.constant 0 : i32
          %dma_start3A_122 = tpu.memref_slice %arg3[%arg1, %add3A_111, %dma_start3A_120, %dma_start3A_121] : memref<16x180x2x112xi32, #tpu.memory_space<hbm>> -> memref<1x1x2x112xi32, #tpu.memory_space<hbm>>
          %dma_start3A_123 = tpu.memref_squeeze %dma_start3A_122 : memref<1x1x2x112xi32, #tpu.memory_space<hbm>> -> memref<2x112xi32, #tpu.memory_space<hbm>>
          %dma_start3A_124 = arith.constant 0 : i32
          %dma_start3A_125 = arith.constant 0 : i32
          %dma_start3A_126 = tpu.memref_slice %arg3[%arg1, %add3A_111, %dma_start3A_124, %dma_start3A_125] : memref<16x180x2x112xi32, #tpu.memory_space<hbm>> -> memref<1x1x2x112xi32, #tpu.memory_space<hbm>>
          %dma_start3A_127 = tpu.memref_squeeze %dma_start3A_126 : memref<1x1x2x112xi32, #tpu.memory_space<hbm>> -> memref<2x112xi32, #tpu.memory_space<hbm>>
          tpu.enqueue_dma source(%dma_start3A_127 : memref<2x112xi32, #tpu.memory_space<hbm>>) target(%arg7 : memref<2x112xi32, #tpu.memory_space<vmem>>) target_semaphore(%run_scoped3A_119 : memref<!tpu.dma_semaphore, #tpu.memory_space<semaphore_mem>>)
          %dma_wait3A_128 = arith.constant 0 : i32
          %dma_wait3A_129 = arith.constant 0 : i32
          %dma_wait3A_130 = tpu.memref_slice %arg3[%arg1, %add3A_111, %dma_wait3A_128, %dma_wait3A_129] : memref<16x180x2x112xi32, #tpu.memory_space<hbm>> -> memref<1x1x2x112xi32, #tpu.memory_space<hbm>>
          %dma_wait3A_131 = tpu.memref_squeeze %dma_wait3A_130 : memref<1x1x2x112xi32, #tpu.memory_space<hbm>> -> memref<2x112xi32, #tpu.memory_space<hbm>>
          %dma_wait3A_132 = arith.constant 0 : i32
          %dma_wait3A_133 = arith.constant 0 : i32
          %dma_wait3A_134 = tpu.memref_slice %arg3[%arg1, %add3A_111, %dma_wait3A_132, %dma_wait3A_133] : memref<16x180x2x112xi32, #tpu.memory_space<hbm>> -> memref<1x1x2x112xi32, #tpu.memory_space<hbm>>
          %dma_wait3A_135 = tpu.memref_squeeze %dma_wait3A_134 : memref<1x1x2x112xi32, #tpu.memory_space<hbm>> -> memref<2x112xi32, #tpu.memory_space<hbm>>
          tpu.wait_dma2 semaphore(%run_scoped3A_119 : memref<!tpu.dma_semaphore, #tpu.memory_space<semaphore_mem>>) src(%dma_wait3A_135 : memref<2x112xi32, #tpu.memory_space<hbm>>) dst(%arg7 : memref<2x112xi32, #tpu.memory_space<vmem>>)
          tpu.yield
        }) : () -> ()
        %dma_start3A_112 = arith.constant 0 : i32
        %dma_start3A_113 = arith.constant 0 : i32
        %dma_start3A_114 = tpu.memref_slice %arg7[%dma_start3A_112, %dma_start3A_113] : memref<2x112xi32, #tpu.memory_space<vmem>> -> memref<1x112xi32, #tpu.memory_space<vmem>>
        %dma_start3A_115 = tpu.memref_squeeze %dma_start3A_114 : memref<1x112xi32, #tpu.memory_space<vmem>> -> memref<112xi32, #tpu.memory_space<vmem>>
        %dma_start3A_116 = arith.constant 0 : i32
        %dma_start3A_117 = arith.constant 0 : i32
        %dma_start3A_118 = tpu.memref_slice %arg2[%dma_start3A_116, %dma_start3A_117] : memref<10240x128xf32, #tpu.memory_space<hbm>> -> memref<10240x128xf32, #tpu.memory_space<hbm>>
        tpu.enqueue_indirect_dma source(%dma_start3A_118 : memref<10240x128xf32, #tpu.memory_space<hbm>>) target(%arg10 : memref<112x128xf32, #tpu.memory_space<vmem>>) offsets(%dma_start3A_115 : memref<112xi32, #tpu.memory_space<vmem>>) semaphore(%arg14 : memref<!tpu.dma_semaphore, #tpu.memory_space<semaphore_mem>>)
      } else {
      }
    }
    %while3A_59 = arith.constant 1 : i32
    scf.for %while3A_61 = %while3A_57 to %while3A_53 step %while3A_59  : i32 {
      %mul3A_62 = arith.constant 3 : i32
      %mul3A_63 = arith.muli %while3A_61, %mul3A_62 : i32
      %add3A_64 = arith.constant 0 : i32
      %add3A_65 = arith.addi %mul3A_63, %add3A_64 : i32
      %dma_wait3A = arith.constant 0 : i32
      %dma_wait3A_66 = arith.constant 0 : i32
      %dma_wait3A_67 = tpu.memref_slice %arg5[%dma_wait3A, %dma_wait3A_66] : memref<2x112xi32, #tpu.memory_space<vmem>> -> memref<1x112xi32, #tpu.memory_space<vmem>>
      %dma_wait3A_68 = tpu.memref_squeeze %dma_wait3A_67 : memref<1x112xi32, #tpu.memory_space<vmem>> -> memref<112xi32, #tpu.memory_space<vmem>>
      %dma_wait3A_69 = arith.constant 0 : i32
      %dma_wait3A_70 = arith.constant 0 : i32
      %dma_wait3A_71 = tpu.memref_slice %arg2[%dma_wait3A_69, %dma_wait3A_70] : memref<10240x128xf32, #tpu.memory_space<hbm>> -> memref<10240x128xf32, #tpu.memory_space<hbm>>
      tpu.wait_indirect_dma semaphore(%arg12 : memref<!tpu.dma_semaphore, #tpu.memory_space<semaphore_mem>>) src(%dma_wait3A_71 : memref<10240x128xf32, #tpu.memory_space<hbm>>) dst(%arg8 : memref<112x128xf32, #tpu.memory_space<vmem>>)
      %run_scoped3A = arith.constant 1 : i32
      "tpu.region"() ({
        %run_scoped3A_111 = tpu.sem_alloc : memref<!tpu.dma_semaphore, #tpu.memory_space<semaphore_mem>>
        %dma_start3A_112 = arith.constant 0 : i32
        %dma_start3A_113 = tpu.memref_slice %arg5[%run_scoped3A, %dma_start3A_112] : memref<2x112xi32, #tpu.memory_space<vmem>> -> memref<1x112xi32, #tpu.memory_space<vmem>>
        %dma_start3A_114 = tpu.memref_squeeze %dma_start3A_113 : memref<1x112xi32, #tpu.memory_space<vmem>> -> memref<112xi32, #tpu.memory_space<vmem>>
        %dma_start3A_115 = arith.constant 0 : i32
        %dma_start3A_116 = arith.constant 0 : i32
        %dma_start3A_117 = tpu.memref_slice %arg11[%dma_start3A_115, %dma_start3A_116] : memref<10240x128xf32, #tpu.memory_space<vmem_shared>> -> memref<10240x128xf32, #tpu.memory_space<vmem_shared>>
        tpu.enqueue_indirect_dma source(%arg8 : memref<112x128xf32, #tpu.memory_space<vmem>>) target(%dma_start3A_117 : memref<10240x128xf32, #tpu.memory_space<vmem_shared>>) offsets(%dma_start3A_114 : memref<112xi32, #tpu.memory_space<vmem>>) semaphore(%run_scoped3A_111 : memref<!tpu.dma_semaphore, #tpu.memory_space<semaphore_mem>>) {add = true}
        %dma_wait3A_118 = arith.constant 0 : i32
        %dma_wait3A_119 = tpu.memref_slice %arg5[%run_scoped3A, %dma_wait3A_118] : memref<2x112xi32, #tpu.memory_space<vmem>> -> memref<1x112xi32, #tpu.memory_space<vmem>>
        %dma_wait3A_120 = tpu.memref_squeeze %dma_wait3A_119 : memref<1x112xi32, #tpu.memory_space<vmem>> -> memref<112xi32, #tpu.memory_space<vmem>>
        %dma_wait3A_121 = arith.constant 0 : i32
        %dma_wait3A_122 = arith.constant 0 : i32
        %dma_wait3A_123 = tpu.memref_slice %arg11[%dma_wait3A_121, %dma_wait3A_122] : memref<10240x128xf32, #tpu.memory_space<vmem_shared>> -> memref<10240x128xf32, #tpu.memory_space<vmem_shared>>
        tpu.wait_indirect_dma semaphore(%run_scoped3A_111 : memref<!tpu.dma_semaphore, #tpu.memory_space<semaphore_mem>>) src(%arg8 : memref<112x128xf32, #tpu.memory_space<vmem>>) dst(%dma_wait3A_123 : memref<10240x128xf32, #tpu.memory_space<vmem_shared>>)
        tpu.yield
      }) : () -> ()
      %add3A_72 = arith.constant 3 : i32
      %add3A_73 = arith.addi %add3A_65, %add3A_72 : i32
      %lt3A = arith.cmpi slt, %add3A_73, %select_n3A_7 : i32
      %convert_element_type3A = arith.extui %lt3A : i1 to i32
      %cond3A = arith.constant 0 : i32
      %cond3A_74 = arith.cmpi ne, %convert_element_type3A, %cond3A : i32
      scf.if %cond3A_74 {
        %add3A_111 = arith.addi %select_n3A, %add3A_73 : i32
        "tpu.region"() ({
          %run_scoped3A_119 = tpu.sem_alloc : memref<!tpu.dma_semaphore, #tpu.memory_space<semaphore_mem>>
          %dma_start3A_120 = arith.constant 0 : i32
          %dma_start3A_121 = arith.constant 0 : i32
          %dma_start3A_122 = tpu.memref_slice %arg3[%arg1, %add3A_111, %dma_start3A_120, %dma_start3A_121] : memref<16x180x2x112xi32, #tpu.memory_space<hbm>> -> memref<1x1x2x112xi32, #tpu.memory_space<hbm>>
          %dma_start3A_123 = tpu.memref_squeeze %dma_start3A_122 : memref<1x1x2x112xi32, #tpu.memory_space<hbm>> -> memref<2x112xi32, #tpu.memory_space<hbm>>
          %dma_start3A_124 = arith.constant 0 : i32
          %dma_start3A_125 = arith.constant 0 : i32
          %dma_start3A_126 = tpu.memref_slice %arg3[%arg1, %add3A_111, %dma_start3A_124, %dma_start3A_125] : memref<16x180x2x112xi32, #tpu.memory_space<hbm>> -> memref<1x1x2x112xi32, #tpu.memory_space<hbm>>
          %dma_start3A_127 = tpu.memref_squeeze %dma_start3A_126 : memref<1x1x2x112xi32, #tpu.memory_space<hbm>> -> memref<2x112xi32, #tpu.memory_space<hbm>>
          tpu.enqueue_dma source(%dma_start3A_127 : memref<2x112xi32, #tpu.memory_space<hbm>>) target(%arg5 : memref<2x112xi32, #tpu.memory_space<vmem>>) target_semaphore(%run_scoped3A_119 : memref<!tpu.dma_semaphore, #tpu.memory_space<semaphore_mem>>)
          %dma_wait3A_128 = arith.constant 0 : i32
          %dma_wait3A_129 = arith.constant 0 : i32
          %dma_wait3A_130 = tpu.memref_slice %arg3[%arg1, %add3A_111, %dma_wait3A_128, %dma_wait3A_129] : memref<16x180x2x112xi32, #tpu.memory_space<hbm>> -> memref<1x1x2x112xi32, #tpu.memory_space<hbm>>
          %dma_wait3A_131 = tpu.memref_squeeze %dma_wait3A_130 : memref<1x1x2x112xi32, #tpu.memory_space<hbm>> -> memref<2x112xi32, #tpu.memory_space<hbm>>
          %dma_wait3A_132 = arith.constant 0 : i32
          %dma_wait3A_133 = arith.constant 0 : i32
          %dma_wait3A_134 = tpu.memref_slice %arg3[%arg1, %add3A_111, %dma_wait3A_132, %dma_wait3A_133] : memref<16x180x2x112xi32, #tpu.memory_space<hbm>> -> memref<1x1x2x112xi32, #tpu.memory_space<hbm>>
          %dma_wait3A_135 = tpu.memref_squeeze %dma_wait3A_134 : memref<1x1x2x112xi32, #tpu.memory_space<hbm>> -> memref<2x112xi32, #tpu.memory_space<hbm>>
          tpu.wait_dma2 semaphore(%run_scoped3A_119 : memref<!tpu.dma_semaphore, #tpu.memory_space<semaphore_mem>>) src(%dma_wait3A_135 : memref<2x112xi32, #tpu.memory_space<hbm>>) dst(%arg5 : memref<2x112xi32, #tpu.memory_space<vmem>>)
          tpu.yield
        }) : () -> ()
        %dma_start3A_112 = arith.constant 0 : i32
        %dma_start3A_113 = arith.constant 0 : i32
        %dma_start3A_114 = tpu.memref_slice %arg5[%dma_start3A_112, %dma_start3A_113] : memref<2x112xi32, #tpu.memory_space<vmem>> -> memref<1x112xi32, #tpu.memory_space<vmem>>
        %dma_start3A_115 = tpu.memref_squeeze %dma_start3A_114 : memref<1x112xi32, #tpu.memory_space<vmem>> -> memref<112xi32, #tpu.memory_space<vmem>>
        %dma_start3A_116 = arith.constant 0 : i32
        %dma_start3A_117 = arith.constant 0 : i32
        %dma_start3A_118 = tpu.memref_slice %arg2[%dma_start3A_116, %dma_start3A_117] : memref<10240x128xf32, #tpu.memory_space<hbm>> -> memref<10240x128xf32, #tpu.memory_space<hbm>>
        tpu.enqueue_indirect_dma source(%dma_start3A_118 : memref<10240x128xf32, #tpu.memory_space<hbm>>) target(%arg8 : memref<112x128xf32, #tpu.memory_space<vmem>>) offsets(%dma_start3A_115 : memref<112xi32, #tpu.memory_space<vmem>>) semaphore(%arg12 : memref<!tpu.dma_semaphore, #tpu.memory_space<semaphore_mem>>)
      } else {
      }
      %mul3A_75 = arith.constant 3 : i32
      %mul3A_76 = arith.muli %while3A_61, %mul3A_75 : i32
      %add3A_77 = arith.constant 1 : i32
      %add3A_78 = arith.addi %mul3A_76, %add3A_77 : i32
      %dma_wait3A_79 = arith.constant 0 : i32
      %dma_wait3A_80 = arith.constant 0 : i32
      %dma_wait3A_81 = tpu.memref_slice %arg6[%dma_wait3A_79, %dma_wait3A_80] : memref<2x112xi32, #tpu.memory_space<vmem>> -> memref<1x112xi32, #tpu.memory_space<vmem>>
      %dma_wait3A_82 = tpu.memref_squeeze %dma_wait3A_81 : memref<1x112xi32, #tpu.memory_space<vmem>> -> memref<112xi32, #tpu.memory_space<vmem>>
      %dma_wait3A_83 = arith.constant 0 : i32
      %dma_wait3A_84 = arith.constant 0 : i32
      %dma_wait3A_85 = tpu.memref_slice %arg2[%dma_wait3A_83, %dma_wait3A_84] : memref<10240x128xf32, #tpu.memory_space<hbm>> -> memref<10240x128xf32, #tpu.memory_space<hbm>>
      tpu.wait_indirect_dma semaphore(%arg13 : memref<!tpu.dma_semaphore, #tpu.memory_space<semaphore_mem>>) src(%dma_wait3A_85 : memref<10240x128xf32, #tpu.memory_space<hbm>>) dst(%arg9 : memref<112x128xf32, #tpu.memory_space<vmem>>)
      %run_scoped3A_86 = arith.constant 1 : i32
      "tpu.region"() ({
        %run_scoped3A_111 = tpu.sem_alloc : memref<!tpu.dma_semaphore, #tpu.memory_space<semaphore_mem>>
        %dma_start3A_112 = arith.constant 0 : i32
        %dma_start3A_113 = tpu.memref_slice %arg6[%run_scoped3A_86, %dma_start3A_112] : memref<2x112xi32, #tpu.memory_space<vmem>> -> memref<1x112xi32, #tpu.memory_space<vmem>>
        %dma_start3A_114 = tpu.memref_squeeze %dma_start3A_113 : memref<1x112xi32, #tpu.memory_space<vmem>> -> memref<112xi32, #tpu.memory_space<vmem>>
        %dma_start3A_115 = arith.constant 0 : i32
        %dma_start3A_116 = arith.constant 0 : i32
        %dma_start3A_117 = tpu.memref_slice %arg11[%dma_start3A_115, %dma_start3A_116] : memref<10240x128xf32, #tpu.memory_space<vmem_shared>> -> memref<10240x128xf32, #tpu.memory_space<vmem_shared>>
        tpu.enqueue_indirect_dma source(%arg9 : memref<112x128xf32, #tpu.memory_space<vmem>>) target(%dma_start3A_117 : memref<10240x128xf32, #tpu.memory_space<vmem_shared>>) offsets(%dma_start3A_114 : memref<112xi32, #tpu.memory_space<vmem>>) semaphore(%run_scoped3A_111 : memref<!tpu.dma_semaphore, #tpu.memory_space<semaphore_mem>>) {add = true}
        %dma_wait3A_118 = arith.constant 0 : i32
        %dma_wait3A_119 = tpu.memref_slice %arg6[%run_scoped3A_86, %dma_wait3A_118] : memref<2x112xi32, #tpu.memory_space<vmem>> -> memref<1x112xi32, #tpu.memory_space<vmem>>
        %dma_wait3A_120 = tpu.memref_squeeze %dma_wait3A_119 : memref<1x112xi32, #tpu.memory_space<vmem>> -> memref<112xi32, #tpu.memory_space<vmem>>
        %dma_wait3A_121 = arith.constant 0 : i32
        %dma_wait3A_122 = arith.constant 0 : i32
        %dma_wait3A_123 = tpu.memref_slice %arg11[%dma_wait3A_121, %dma_wait3A_122] : memref<10240x128xf32, #tpu.memory_space<vmem_shared>> -> memref<10240x128xf32, #tpu.memory_space<vmem_shared>>
        tpu.wait_indirect_dma semaphore(%run_scoped3A_111 : memref<!tpu.dma_semaphore, #tpu.memory_space<semaphore_mem>>) src(%arg9 : memref<112x128xf32, #tpu.memory_space<vmem>>) dst(%dma_wait3A_123 : memref<10240x128xf32, #tpu.memory_space<vmem_shared>>)
        tpu.yield
      }) : () -> ()
      %add3A_87 = arith.constant 3 : i32
      %add3A_88 = arith.addi %add3A_78, %add3A_87 : i32
      %lt3A_89 = arith.cmpi slt, %add3A_88, %select_n3A_7 : i32
      %convert_element_type3A_90 = arith.extui %lt3A_89 : i1 to i32
      %cond3A_91 = arith.constant 0 : i32
      %cond3A_92 = arith.cmpi ne, %convert_element_type3A_90, %cond3A_91 : i32
      scf.if %cond3A_92 {
        %add3A_111 = arith.addi %select_n3A, %add3A_88 : i32
        "tpu.region"() ({
          %run_scoped3A_119 = tpu.sem_alloc : memref<!tpu.dma_semaphore, #tpu.memory_space<semaphore_mem>>
          %dma_start3A_120 = arith.constant 0 : i32
          %dma_start3A_121 = arith.constant 0 : i32
          %dma_start3A_122 = tpu.memref_slice %arg3[%arg1, %add3A_111, %dma_start3A_120, %dma_start3A_121] : memref<16x180x2x112xi32, #tpu.memory_space<hbm>> -> memref<1x1x2x112xi32, #tpu.memory_space<hbm>>
          %dma_start3A_123 = tpu.memref_squeeze %dma_start3A_122 : memref<1x1x2x112xi32, #tpu.memory_space<hbm>> -> memref<2x112xi32, #tpu.memory_space<hbm>>
          %dma_start3A_124 = arith.constant 0 : i32
          %dma_start3A_125 = arith.constant 0 : i32
          %dma_start3A_126 = tpu.memref_slice %arg3[%arg1, %add3A_111, %dma_start3A_124, %dma_start3A_125] : memref<16x180x2x112xi32, #tpu.memory_space<hbm>> -> memref<1x1x2x112xi32, #tpu.memory_space<hbm>>
          %dma_start3A_127 = tpu.memref_squeeze %dma_start3A_126 : memref<1x1x2x112xi32, #tpu.memory_space<hbm>> -> memref<2x112xi32, #tpu.memory_space<hbm>>
          tpu.enqueue_dma source(%dma_start3A_127 : memref<2x112xi32, #tpu.memory_space<hbm>>) target(%arg6 : memref<2x112xi32, #tpu.memory_space<vmem>>) target_semaphore(%run_scoped3A_119 : memref<!tpu.dma_semaphore, #tpu.memory_space<semaphore_mem>>)
          %dma_wait3A_128 = arith.constant 0 : i32
          %dma_wait3A_129 = arith.constant 0 : i32
          %dma_wait3A_130 = tpu.memref_slice %arg3[%arg1, %add3A_111, %dma_wait3A_128, %dma_wait3A_129] : memref<16x180x2x112xi32, #tpu.memory_space<hbm>> -> memref<1x1x2x112xi32, #tpu.memory_space<hbm>>
          %dma_wait3A_131 = tpu.memref_squeeze %dma_wait3A_130 : memref<1x1x2x112xi32, #tpu.memory_space<hbm>> -> memref<2x112xi32, #tpu.memory_space<hbm>>
          %dma_wait3A_132 = arith.constant 0 : i32
          %dma_wait3A_133 = arith.constant 0 : i32
          %dma_wait3A_134 = tpu.memref_slice %arg3[%arg1, %add3A_111, %dma_wait3A_132, %dma_wait3A_133] : memref<16x180x2x112xi32, #tpu.memory_space<hbm>> -> memref<1x1x2x112xi32, #tpu.memory_space<hbm>>
          %dma_wait3A_135 = tpu.memref_squeeze %dma_wait3A_134 : memref<1x1x2x112xi32, #tpu.memory_space<hbm>> -> memref<2x112xi32, #tpu.memory_space<hbm>>
          tpu.wait_dma2 semaphore(%run_scoped3A_119 : memref<!tpu.dma_semaphore, #tpu.memory_space<semaphore_mem>>) src(%dma_wait3A_135 : memref<2x112xi32, #tpu.memory_space<hbm>>) dst(%arg6 : memref<2x112xi32, #tpu.memory_space<vmem>>)
          tpu.yield
        }) : () -> ()
        %dma_start3A_112 = arith.constant 0 : i32
        %dma_start3A_113 = arith.constant 0 : i32
        %dma_start3A_114 = tpu.memref_slice %arg6[%dma_start3A_112, %dma_start3A_113] : memref<2x112xi32, #tpu.memory_space<vmem>> -> memref<1x112xi32, #tpu.memory_space<vmem>>
        %dma_start3A_115 = tpu.memref_squeeze %dma_start3A_114 : memref<1x112xi32, #tpu.memory_space<vmem>> -> memref<112xi32, #tpu.memory_space<vmem>>
        %dma_start3A_116 = arith.constant 0 : i32
        %dma_start3A_117 = arith.constant 0 : i32
        %dma_start3A_118 = tpu.memref_slice %arg2[%dma_start3A_116, %dma_start3A_117] : memref<10240x128xf32, #tpu.memory_space<hbm>> -> memref<10240x128xf32, #tpu.memory_space<hbm>>
        tpu.enqueue_indirect_dma source(%dma_start3A_118 : memref<10240x128xf32, #tpu.memory_space<hbm>>) target(%arg9 : memref<112x128xf32, #tpu.memory_space<vmem>>) offsets(%dma_start3A_115 : memref<112xi32, #tpu.memory_space<vmem>>) semaphore(%arg13 : memref<!tpu.dma_semaphore, #tpu.memory_space<semaphore_mem>>)
      } else {
      }
      %mul3A_93 = arith.constant 3 : i32
      %mul3A_94 = arith.muli %while3A_61, %mul3A_93 : i32
      %add3A_95 = arith.constant 2 : i32
      %add3A_96 = arith.addi %mul3A_94, %add3A_95 : i32
      %dma_wait3A_97 = arith.constant 0 : i32
      %dma_wait3A_98 = arith.constant 0 : i32
      %dma_wait3A_99 = tpu.memref_slice %arg7[%dma_wait3A_97, %dma_wait3A_98] : memref<2x112xi32, #tpu.memory_space<vmem>> -> memref<1x112xi32, #tpu.memory_space<vmem>>
      %dma_wait3A_100 = tpu.memref_squeeze %dma_wait3A_99 : memref<1x112xi32, #tpu.memory_space<vmem>> -> memref<112xi32, #tpu.memory_space<vmem>>
      %dma_wait3A_101 = arith.constant 0 : i32
      %dma_wait3A_102 = arith.constant 0 : i32
      %dma_wait3A_103 = tpu.memref_slice %arg2[%dma_wait3A_101, %dma_wait3A_102] : memref<10240x128xf32, #tpu.memory_space<hbm>> -> memref<10240x128xf32, #tpu.memory_space<hbm>>
      tpu.wait_indirect_dma semaphore(%arg14 : memref<!tpu.dma_semaphore, #tpu.memory_space<semaphore_mem>>) src(%dma_wait3A_103 : memref<10240x128xf32, #tpu.memory_space<hbm>>) dst(%arg10 : memref<112x128xf32, #tpu.memory_space<vmem>>)
      %run_scoped3A_104 = arith.constant 1 : i32
      "tpu.region"() ({
        %run_scoped3A_111 = tpu.sem_alloc : memref<!tpu.dma_semaphore, #tpu.memory_space<semaphore_mem>>
        %dma_start3A_112 = arith.constant 0 : i32
        %dma_start3A_113 = tpu.memref_slice %arg7[%run_scoped3A_104, %dma_start3A_112] : memref<2x112xi32, #tpu.memory_space<vmem>> -> memref<1x112xi32, #tpu.memory_space<vmem>>
        %dma_start3A_114 = tpu.memref_squeeze %dma_start3A_113 : memref<1x112xi32, #tpu.memory_space<vmem>> -> memref<112xi32, #tpu.memory_space<vmem>>
        %dma_start3A_115 = arith.constant 0 : i32
        %dma_start3A_116 = arith.constant 0 : i32
        %dma_start3A_117 = tpu.memref_slice %arg11[%dma_start3A_115, %dma_start3A_116] : memref<10240x128xf32, #tpu.memory_space<vmem_shared>> -> memref<10240x128xf32, #tpu.memory_space<vmem_shared>>
        tpu.enqueue_indirect_dma source(%arg10 : memref<112x128xf32, #tpu.memory_space<vmem>>) target(%dma_start3A_117 : memref<10240x128xf32, #tpu.memory_space<vmem_shared>>) offsets(%dma_start3A_114 : memref<112xi32, #tpu.memory_space<vmem>>) semaphore(%run_scoped3A_111 : memref<!tpu.dma_semaphore, #tpu.memory_space<semaphore_mem>>) {add = true}
        %dma_wait3A_118 = arith.constant 0 : i32
        %dma_wait3A_119 = tpu.memref_slice %arg7[%run_scoped3A_104, %dma_wait3A_118] : memref<2x112xi32, #tpu.memory_space<vmem>> -> memref<1x112xi32, #tpu.memory_space<vmem>>
        %dma_wait3A_120 = tpu.memref_squeeze %dma_wait3A_119 : memref<1x112xi32, #tpu.memory_space<vmem>> -> memref<112xi32, #tpu.memory_space<vmem>>
        %dma_wait3A_121 = arith.constant 0 : i32
        %dma_wait3A_122 = arith.constant 0 : i32
        %dma_wait3A_123 = tpu.memref_slice %arg11[%dma_wait3A_121, %dma_wait3A_122] : memref<10240x128xf32, #tpu.memory_space<vmem_shared>> -> memref<10240x128xf32, #tpu.memory_space<vmem_shared>>
        tpu.wait_indirect_dma semaphore(%run_scoped3A_111 : memref<!tpu.dma_semaphore, #tpu.memory_space<semaphore_mem>>) src(%arg10 : memref<112x128xf32, #tpu.memory_space<vmem>>) dst(%dma_wait3A_123 : memref<10240x128xf32, #tpu.memory_space<vmem_shared>>)
        tpu.yield
      }) : () -> ()
      %add3A_105 = arith.constant 3 : i32
      %add3A_106 = arith.addi %add3A_96, %add3A_105 : i32
      %lt3A_107 = arith.cmpi slt, %add3A_106, %select_n3A_7 : i32
      %convert_element_type3A_108 = arith.extui %lt3A_107 : i1 to i32
      %cond3A_109 = arith.constant 0 : i32
      %cond3A_110 = arith.cmpi ne, %convert_element_type3A_108, %cond3A_109 : i32
      scf.if %cond3A_110 {
        %add3A_111 = arith.addi %select_n3A, %add3A_106 : i32
        "tpu.region"() ({
          %run_scoped3A_119 = tpu.sem_alloc : memref<!tpu.dma_semaphore, #tpu.memory_space<semaphore_mem>>
          %dma_start3A_120 = arith.constant 0 : i32
          %dma_start3A_121 = arith.constant 0 : i32
          %dma_start3A_122 = tpu.memref_slice %arg3[%arg1, %add3A_111, %dma_start3A_120, %dma_start3A_121] : memref<16x180x2x112xi32, #tpu.memory_space<hbm>> -> memref<1x1x2x112xi32, #tpu.memory_space<hbm>>
          %dma_start3A_123 = tpu.memref_squeeze %dma_start3A_122 : memref<1x1x2x112xi32, #tpu.memory_space<hbm>> -> memref<2x112xi32, #tpu.memory_space<hbm>>
          %dma_start3A_124 = arith.constant 0 : i32
          %dma_start3A_125 = arith.constant 0 : i32
          %dma_start3A_126 = tpu.memref_slice %arg3[%arg1, %add3A_111, %dma_start3A_124, %dma_start3A_125] : memref<16x180x2x112xi32, #tpu.memory_space<hbm>> -> memref<1x1x2x112xi32, #tpu.memory_space<hbm>>
          %dma_start3A_127 = tpu.memref_squeeze %dma_start3A_126 : memref<1x1x2x112xi32, #tpu.memory_space<hbm>> -> memref<2x112xi32, #tpu.memory_space<hbm>>
          tpu.enqueue_dma source(%dma_start3A_127 : memref<2x112xi32, #tpu.memory_space<hbm>>) target(%arg7 : memref<2x112xi32, #tpu.memory_space<vmem>>) target_semaphore(%run_scoped3A_119 : memref<!tpu.dma_semaphore, #tpu.memory_space<semaphore_mem>>)
          %dma_wait3A_128 = arith.constant 0 : i32
          %dma_wait3A_129 = arith.constant 0 : i32
          %dma_wait3A_130 = tpu.memref_slice %arg3[%arg1, %add3A_111, %dma_wait3A_128, %dma_wait3A_129] : memref<16x180x2x112xi32, #tpu.memory_space<hbm>> -> memref<1x1x2x112xi32, #tpu.memory_space<hbm>>
          %dma_wait3A_131 = tpu.memref_squeeze %dma_wait3A_130 : memref<1x1x2x112xi32, #tpu.memory_space<hbm>> -> memref<2x112xi32, #tpu.memory_space<hbm>>
          %dma_wait3A_132 = arith.constant 0 : i32
          %dma_wait3A_133 = arith.constant 0 : i32
          %dma_wait3A_134 = tpu.memref_slice %arg3[%arg1, %add3A_111, %dma_wait3A_132, %dma_wait3A_133] : memref<16x180x2x112xi32, #tpu.memory_space<hbm>> -> memref<1x1x2x112xi32, #tpu.memory_space<hbm>>
          %dma_wait3A_135 = tpu.memref_squeeze %dma_wait3A_134 : memref<1x1x2x112xi32, #tpu.memory_space<hbm>> -> memref<2x112xi32, #tpu.memory_space<hbm>>
          tpu.wait_dma2 semaphore(%run_scoped3A_119 : memref<!tpu.dma_semaphore, #tpu.memory_space<semaphore_mem>>) src(%dma_wait3A_135 : memref<2x112xi32, #tpu.memory_space<hbm>>) dst(%arg7 : memref<2x112xi32, #tpu.memory_space<vmem>>)
          tpu.yield
        }) : () -> ()
        %dma_start3A_112 = arith.constant 0 : i32
        %dma_start3A_113 = arith.constant 0 : i32
        %dma_start3A_114 = tpu.memref_slice %arg7[%dma_start3A_112, %dma_start3A_113] : memref<2x112xi32, #tpu.memory_space<vmem>> -> memref<1x112xi32, #tpu.memory_space<vmem>>
        %dma_start3A_115 = tpu.memref_squeeze %dma_start3A_114 : memref<1x112xi32, #tpu.memory_space<vmem>> -> memref<112xi32, #tpu.memory_space<vmem>>
        %dma_start3A_116 = arith.constant 0 : i32
        %dma_start3A_117 = arith.constant 0 : i32
        %dma_start3A_118 = tpu.memref_slice %arg2[%dma_start3A_116, %dma_start3A_117] : memref<10240x128xf32, #tpu.memory_space<hbm>> -> memref<10240x128xf32, #tpu.memory_space<hbm>>
        tpu.enqueue_indirect_dma source(%dma_start3A_118 : memref<10240x128xf32, #tpu.memory_space<hbm>>) target(%arg10 : memref<112x128xf32, #tpu.memory_space<vmem>>) offsets(%dma_start3A_115 : memref<112xi32, #tpu.memory_space<vmem>>) semaphore(%arg14 : memref<!tpu.dma_semaphore, #tpu.memory_space<semaphore_mem>>)
      } else {
      }
    }
    %barrier3A_60 = arith.constant 0 : index
    tpu.barrier barrier_id(%barrier3A_60)
    "tpu.region"() ({
      %run_scoped3A = tpu.sem_alloc : memref<!tpu.dma_semaphore, #tpu.memory_space<semaphore_mem>>
      %dma_start3A_61 = arith.constant 0 : i32
      %dma_start3A_62 = tpu.memref_slice %arg4[%arg0, %mul3A_0, %dma_start3A_61] : memref<2x10240x128xf32, #tpu.memory_space<hbm>> -> memref<1x640x128xf32, #tpu.memory_space<hbm>>
      %dma_start3A_63 = tpu.memref_squeeze %dma_start3A_62 : memref<1x640x128xf32, #tpu.memory_space<hbm>> -> memref<640x128xf32, #tpu.memory_space<hbm>>
      %dma_start3A_64 = arith.constant 0 : i32
      %dma_start3A_65 = tpu.memref_slice %arg11[%mul3A_0, %dma_start3A_64] : memref<10240x128xf32, #tpu.memory_space<vmem_shared>> -> memref<640x128xf32, #tpu.memory_space<vmem_shared>>
      tpu.enqueue_dma source(%dma_start3A_65 : memref<640x128xf32, #tpu.memory_space<vmem_shared>>) target(%dma_start3A_63 : memref<640x128xf32, #tpu.memory_space<hbm>>) target_semaphore(%run_scoped3A : memref<!tpu.dma_semaphore, #tpu.memory_space<semaphore_mem>>)
      %dma_wait3A = arith.constant 0 : i32
      %dma_wait3A_66 = tpu.memref_slice %arg4[%arg0, %mul3A_0, %dma_wait3A] : memref<2x10240x128xf32, #tpu.memory_space<hbm>> -> memref<1x640x128xf32, #tpu.memory_space<hbm>>
      %dma_wait3A_67 = tpu.memref_squeeze %dma_wait3A_66 : memref<1x640x128xf32, #tpu.memory_space<hbm>> -> memref<640x128xf32, #tpu.memory_space<hbm>>
      %dma_wait3A_68 = arith.constant 0 : i32
      %dma_wait3A_69 = tpu.memref_slice %arg11[%mul3A_0, %dma_wait3A_68] : memref<10240x128xf32, #tpu.memory_space<vmem_shared>> -> memref<640x128xf32, #tpu.memory_space<vmem_shared>>
      tpu.wait_dma2 semaphore(%run_scoped3A : memref<!tpu.dma_semaphore, #tpu.memory_space<semaphore_mem>>) src(%dma_wait3A_69 : memref<640x128xf32, #tpu.memory_space<vmem_shared>>) dst(%dma_wait3A_67 : memref<640x128xf32, #tpu.memory_space<hbm>>)
      tpu.yield
    }) : () -> ()
    return
  }
}

#map = affine_map<(d0, d1) -> (0, 0)>
#map1 = affine_map<(d0, d1) -> (0, 0, 0, 0)>
#map2 = affine_map<(d0, d1) -> (0, 0, 0)>
module attributes {stable_mosaic.version = 14 : i64} {
  func.func @body(%arg0: i32, %arg1: i32, %arg2: memref<10240x128xf32, #tpu.memory_space<hbm>>, %arg3: memref<16x180x2x112xi32, #tpu.memory_space<hbm>>, %arg4: memref<2x10240x128xf32, #tpu.memory_space<hbm>>, %arg5: memref<2x112xi32, #tpu.memory_space<vmem>>, %arg6: memref<2x112xi32, #tpu.memory_space<vmem>>, %arg7: memref<2x112xi32, #tpu.memory_space<vmem>>, %arg8: memref<112x128xf32, #tpu.memory_space<vmem>>, %arg9: memref<112x128xf32, #tpu.memory_space<vmem>>, %arg10: memref<112x128xf32, #tpu.memory_space<vmem>>, %arg11: memref<10240x128xf32, #tpu.memory_space<vmem_shared>>, %arg12: memref<!tpu.dma_semaphore, #tpu.memory_space<semaphore_mem>>, %arg13: memref<!tpu.dma_semaphore, #tpu.memory_space<semaphore_mem>>, %arg14: memref<!tpu.dma_semaphore, #tpu.memory_space<semaphore_mem>>) attributes {dimension_semantics = [#tpu.dimension_semantics<core_parallel>, #tpu.dimension_semantics<subcore_parallel>], iteration_bounds = array<i64: 2, 16>, scalar_prefetch = 0 : i64, scratch_operands = 10 : i64, tpu.core_type = #tpu.core_type<sc_vector_subcore>, window_params = [{transform_indices = #map}, {transform_indices = #map1}, {transform_indices = #map2}]} {
    %mul3A = arith.constant 640 : i32
    %mul3A_0 = arith.muli %arg1, %mul3A : i32
    %eq3A = arith.constant 0 : i32
    %eq3A_1 = arith.cmpi eq, %arg0, %eq3A : i32
    %jit3A = arith.constant 0 : i32
    %jit3A_2 = arith.constant 141 : i32
    %select_n3A = arith.select %eq3A_1, %jit3A, %jit3A_2 : i32
    %eq3A_3 = arith.constant 0 : i32
    %eq3A_4 = arith.cmpi eq, %arg0, %eq3A_3 : i32
    %jit3A_5 = arith.constant 141 : i32
    %jit3A_6 = arith.constant 39 : i32
    %select_n3A_7 = arith.select %eq3A_4, %jit3A_5, %jit3A_6 : i32
    "tpu.region"() ({
      %run_scoped3A = tpu.sem_alloc : memref<!tpu.dma_semaphore, #tpu.memory_space<semaphore_mem>>
      %dma_start3A_61 = arith.constant 0 : i32
      %dma_start3A_62 = tpu.memref_slice %arg11[%mul3A_0, %dma_start3A_61] : memref<10240x128xf32, #tpu.memory_space<vmem_shared>> -> memref<640x128xf32, #tpu.memory_space<vmem_shared>>
      %dma_start3A_63 = arith.constant 0 : i32
      %dma_start3A_64 = tpu.memref_slice %arg2[%mul3A_0, %dma_start3A_63] : memref<10240x128xf32, #tpu.memory_space<hbm>> -> memref<640x128xf32, #tpu.memory_space<hbm>>
      tpu.enqueue_dma source(%dma_start3A_64 : memref<640x128xf32, #tpu.memory_space<hbm>>) target(%dma_start3A_62 : memref<640x128xf32, #tpu.memory_space<vmem_shared>>) target_semaphore(%run_scoped3A : memref<!tpu.dma_semaphore, #tpu.memory_space<semaphore_mem>>)
      %dma_wait3A = arith.constant 0 : i32
      %dma_wait3A_65 = tpu.memref_slice %arg11[%mul3A_0, %dma_wait3A] : memref<10240x128xf32, #tpu.memory_space<vmem_shared>> -> memref<640x128xf32, #tpu.memory_space<vmem_shared>>
      %dma_wait3A_66 = arith.constant 0 : i32
      %dma_wait3A_67 = tpu.memref_slice %arg2[%mul3A_0, %dma_wait3A_66] : memref<10240x128xf32, #tpu.memory_space<hbm>> -> memref<640x128xf32, #tpu.memory_space<hbm>>
      tpu.wait_dma2 semaphore(%run_scoped3A : memref<!tpu.dma_semaphore, #tpu.memory_space<semaphore_mem>>) src(%dma_wait3A_67 : memref<640x128xf32, #tpu.memory_space<hbm>>) dst(%dma_wait3A_65 : memref<640x128xf32, #tpu.memory_space<vmem_shared>>)
      tpu.yield
    }) : () -> ()
    %barrier3A = arith.constant 0 : index
    tpu.barrier barrier_id(%barrier3A)
    %add3A = arith.constant 0 : i32
    %add3A_8 = arith.addi %select_n3A, %add3A : i32
    "tpu.region"() ({
      %run_scoped3A = tpu.sem_alloc : memref<!tpu.dma_semaphore, #tpu.memory_space<semaphore_mem>>
      %dma_start3A_61 = arith.constant 0 : i32
      %dma_start3A_62 = arith.constant 0 : i32
      %dma_start3A_63 = tpu.memref_slice %arg3[%arg1, %add3A_8, %dma_start3A_61, %dma_start3A_62] : memref<16x180x2x112xi32, #tpu.memory_space<hbm>> -> memref<1x1x2x112xi32, #tpu.memory_space<hbm>>
      %dma_start3A_64 = tpu.memref_squeeze %dma_start3A_63 : memref<1x1x2x112xi32, #tpu.memory_space<hbm>> -> memref<2x112xi32, #tpu.memory_space<hbm>>
      %dma_start3A_65 = arith.constant 0 : i32
      %dma_start3A_66 = arith.constant 0 : i32
      %dma_start3A_67 = tpu.memref_slice %arg3[%arg1, %add3A_8, %dma_start3A_65, %dma_start3A_66] : memref<16x180x2x112xi32, #tpu.memory_space<hbm>> -> memref<1x1x2x112xi32, #tpu.memory_space<hbm>>
      %dma_start3A_68 = tpu.memref_squeeze %dma_start3A_67 : memref<1x1x2x112xi32, #tpu.memory_space<hbm>> -> memref<2x112xi32, #tpu.memory_space<hbm>>
      tpu.enqueue_dma source(%dma_start3A_68 : memref<2x112xi32, #tpu.memory_space<hbm>>) target(%arg5 : memref<2x112xi32, #tpu.memory_space<vmem>>) target_semaphore(%run_scoped3A : memref<!tpu.dma_semaphore, #tpu.memory_space<semaphore_mem>>)
      %dma_wait3A = arith.constant 0 : i32
      %dma_wait3A_69 = arith.constant 0 : i32
      %dma_wait3A_70 = tpu.memref_slice %arg3[%arg1, %add3A_8, %dma_wait3A, %dma_wait3A_69] : memref<16x180x2x112xi32, #tpu.memory_space<hbm>> -> memref<1x1x2x112xi32, #tpu.memory_space<hbm>>
      %dma_wait3A_71 = tpu.memref_squeeze %dma_wait3A_70 : memref<1x1x2x112xi32, #tpu.memory_space<hbm>> -> memref<2x112xi32, #tpu.memory_space<hbm>>
      %dma_wait3A_72 = arith.constant 0 : i32
      %dma_wait3A_73 = arith.constant 0 : i32
      %dma_wait3A_74 = tpu.memref_slice %arg3[%arg1, %add3A_8, %dma_wait3A_72, %dma_wait3A_73] : memref<16x180x2x112xi32, #tpu.memory_space<hbm>> -> memref<1x1x2x112xi32, #tpu.memory_space<hbm>>
      %dma_wait3A_75 = tpu.memref_squeeze %dma_wait3A_74 : memref<1x1x2x112xi32, #tpu.memory_space<hbm>> -> memref<2x112xi32, #tpu.memory_space<hbm>>
      tpu.wait_dma2 semaphore(%run_scoped3A : memref<!tpu.dma_semaphore, #tpu.memory_space<semaphore_mem>>) src(%dma_wait3A_75 : memref<2x112xi32, #tpu.memory_space<hbm>>) dst(%arg5 : memref<2x112xi32, #tpu.memory_space<vmem>>)
      tpu.yield
    }) : () -> ()
    %dma_start3A = arith.constant 0 : i32
    %dma_start3A_9 = arith.constant 0 : i32
    %dma_start3A_10 = tpu.memref_slice %arg5[%dma_start3A, %dma_start3A_9] : memref<2x112xi32, #tpu.memory_space<vmem>> -> memref<1x112xi32, #tpu.memory_space<vmem>>
    %dma_start3A_11 = tpu.memref_squeeze %dma_start3A_10 : memref<1x112xi32, #tpu.memory_space<vmem>> -> memref<112xi32, #tpu.memory_space<vmem>>
    %dma_start3A_12 = arith.constant 0 : i32
    %dma_start3A_13 = arith.constant 0 : i32
    %dma_start3A_14 = tpu.memref_slice %arg2[%dma_start3A_12, %dma_start3A_13] : memref<10240x128xf32, #tpu.memory_space<hbm>> -> memref<10240x128xf32, #tpu.memory_space<hbm>>
    tpu.enqueue_indirect_dma source(%dma_start3A_14 : memref<10240x128xf32, #tpu.memory_space<hbm>>) target(%arg8 : memref<112x128xf32, #tpu.memory_space<vmem>>) offsets(%dma_start3A_11 : memref<112xi32, #tpu.memory_space<vmem>>) semaphore(%arg12 : memref<!tpu.dma_semaphore, #tpu.memory_space<semaphore_mem>>)
    %add3A_15 = arith.constant 1 : i32
    %add3A_16 = arith.addi %select_n3A, %add3A_15 : i32
    "tpu.region"() ({
      %run_scoped3A = tpu.sem_alloc : memref<!tpu.dma_semaphore, #tpu.memory_space<semaphore_mem>>
      %dma_start3A_61 = arith.constant 0 : i32
      %dma_start3A_62 = arith.constant 0 : i32
      %dma_start3A_63 = tpu.memref_slice %arg3[%arg1, %add3A_16, %dma_start3A_61, %dma_start3A_62] : memref<16x180x2x112xi32, #tpu.memory_space<hbm>> -> memref<1x1x2x112xi32, #tpu.memory_space<hbm>>
      %dma_start3A_64 = tpu.memref_squeeze %dma_start3A_63 : memref<1x1x2x112xi32, #tpu.memory_space<hbm>> -> memref<2x112xi32, #tpu.memory_space<hbm>>
      %dma_start3A_65 = arith.constant 0 : i32
      %dma_start3A_66 = arith.constant 0 : i32
      %dma_start3A_67 = tpu.memref_slice %arg3[%arg1, %add3A_16, %dma_start3A_65, %dma_start3A_66] : memref<16x180x2x112xi32, #tpu.memory_space<hbm>> -> memref<1x1x2x112xi32, #tpu.memory_space<hbm>>
      %dma_start3A_68 = tpu.memref_squeeze %dma_start3A_67 : memref<1x1x2x112xi32, #tpu.memory_space<hbm>> -> memref<2x112xi32, #tpu.memory_space<hbm>>
      tpu.enqueue_dma source(%dma_start3A_68 : memref<2x112xi32, #tpu.memory_space<hbm>>) target(%arg6 : memref<2x112xi32, #tpu.memory_space<vmem>>) target_semaphore(%run_scoped3A : memref<!tpu.dma_semaphore, #tpu.memory_space<semaphore_mem>>)
      %dma_wait3A = arith.constant 0 : i32
      %dma_wait3A_69 = arith.constant 0 : i32
      %dma_wait3A_70 = tpu.memref_slice %arg3[%arg1, %add3A_16, %dma_wait3A, %dma_wait3A_69] : memref<16x180x2x112xi32, #tpu.memory_space<hbm>> -> memref<1x1x2x112xi32, #tpu.memory_space<hbm>>
      %dma_wait3A_71 = tpu.memref_squeeze %dma_wait3A_70 : memref<1x1x2x112xi32, #tpu.memory_space<hbm>> -> memref<2x112xi32, #tpu.memory_space<hbm>>
      %dma_wait3A_72 = arith.constant 0 : i32
      %dma_wait3A_73 = arith.constant 0 : i32
      %dma_wait3A_74 = tpu.memref_slice %arg3[%arg1, %add3A_16, %dma_wait3A_72, %dma_wait3A_73] : memref<16x180x2x112xi32, #tpu.memory_space<hbm>> -> memref<1x1x2x112xi32, #tpu.memory_space<hbm>>
      %dma_wait3A_75 = tpu.memref_squeeze %dma_wait3A_74 : memref<1x1x2x112xi32, #tpu.memory_space<hbm>> -> memref<2x112xi32, #tpu.memory_space<hbm>>
      tpu.wait_dma2 semaphore(%run_scoped3A : memref<!tpu.dma_semaphore, #tpu.memory_space<semaphore_mem>>) src(%dma_wait3A_75 : memref<2x112xi32, #tpu.memory_space<hbm>>) dst(%arg6 : memref<2x112xi32, #tpu.memory_space<vmem>>)
      tpu.yield
    }) : () -> ()
    %dma_start3A_17 = arith.constant 0 : i32
    %dma_start3A_18 = arith.constant 0 : i32
    %dma_start3A_19 = tpu.memref_slice %arg6[%dma_start3A_17, %dma_start3A_18] : memref<2x112xi32, #tpu.memory_space<vmem>> -> memref<1x112xi32, #tpu.memory_space<vmem>>
    %dma_start3A_20 = tpu.memref_squeeze %dma_start3A_19 : memref<1x112xi32, #tpu.memory_space<vmem>> -> memref<112xi32, #tpu.memory_space<vmem>>
    %dma_start3A_21 = arith.constant 0 : i32
    %dma_start3A_22 = arith.constant 0 : i32
    %dma_start3A_23 = tpu.memref_slice %arg2[%dma_start3A_21, %dma_start3A_22] : memref<10240x128xf32, #tpu.memory_space<hbm>> -> memref<10240x128xf32, #tpu.memory_space<hbm>>
    tpu.enqueue_indirect_dma source(%dma_start3A_23 : memref<10240x128xf32, #tpu.memory_space<hbm>>) target(%arg9 : memref<112x128xf32, #tpu.memory_space<vmem>>) offsets(%dma_start3A_20 : memref<112xi32, #tpu.memory_space<vmem>>) semaphore(%arg13 : memref<!tpu.dma_semaphore, #tpu.memory_space<semaphore_mem>>)
    %add3A_24 = arith.constant 2 : i32
    %add3A_25 = arith.addi %select_n3A, %add3A_24 : i32
    "tpu.region"() ({
      %run_scoped3A = tpu.sem_alloc : memref<!tpu.dma_semaphore, #tpu.memory_space<semaphore_mem>>
      %dma_start3A_61 = arith.constant 0 : i32
      %dma_start3A_62 = arith.constant 0 : i32
      %dma_start3A_63 = tpu.memref_slice %arg3[%arg1, %add3A_25, %dma_start3A_61, %dma_start3A_62] : memref<16x180x2x112xi32, #tpu.memory_space<hbm>> -> memref<1x1x2x112xi32, #tpu.memory_space<hbm>>
      %dma_start3A_64 = tpu.memref_squeeze %dma_start3A_63 : memref<1x1x2x112xi32, #tpu.memory_space<hbm>> -> memref<2x112xi32, #tpu.memory_space<hbm>>
      %dma_start3A_65 = arith.constant 0 : i32
      %dma_start3A_66 = arith.constant 0 : i32
      %dma_start3A_67 = tpu.memref_slice %arg3[%arg1, %add3A_25, %dma_start3A_65, %dma_start3A_66] : memref<16x180x2x112xi32, #tpu.memory_space<hbm>> -> memref<1x1x2x112xi32, #tpu.memory_space<hbm>>
      %dma_start3A_68 = tpu.memref_squeeze %dma_start3A_67 : memref<1x1x2x112xi32, #tpu.memory_space<hbm>> -> memref<2x112xi32, #tpu.memory_space<hbm>>
      tpu.enqueue_dma source(%dma_start3A_68 : memref<2x112xi32, #tpu.memory_space<hbm>>) target(%arg7 : memref<2x112xi32, #tpu.memory_space<vmem>>) target_semaphore(%run_scoped3A : memref<!tpu.dma_semaphore, #tpu.memory_space<semaphore_mem>>)
      %dma_wait3A = arith.constant 0 : i32
      %dma_wait3A_69 = arith.constant 0 : i32
      %dma_wait3A_70 = tpu.memref_slice %arg3[%arg1, %add3A_25, %dma_wait3A, %dma_wait3A_69] : memref<16x180x2x112xi32, #tpu.memory_space<hbm>> -> memref<1x1x2x112xi32, #tpu.memory_space<hbm>>
      %dma_wait3A_71 = tpu.memref_squeeze %dma_wait3A_70 : memref<1x1x2x112xi32, #tpu.memory_space<hbm>> -> memref<2x112xi32, #tpu.memory_space<hbm>>
      %dma_wait3A_72 = arith.constant 0 : i32
      %dma_wait3A_73 = arith.constant 0 : i32
      %dma_wait3A_74 = tpu.memref_slice %arg3[%arg1, %add3A_25, %dma_wait3A_72, %dma_wait3A_73] : memref<16x180x2x112xi32, #tpu.memory_space<hbm>> -> memref<1x1x2x112xi32, #tpu.memory_space<hbm>>
      %dma_wait3A_75 = tpu.memref_squeeze %dma_wait3A_74 : memref<1x1x2x112xi32, #tpu.memory_space<hbm>> -> memref<2x112xi32, #tpu.memory_space<hbm>>
      tpu.wait_dma2 semaphore(%run_scoped3A : memref<!tpu.dma_semaphore, #tpu.memory_space<semaphore_mem>>) src(%dma_wait3A_75 : memref<2x112xi32, #tpu.memory_space<hbm>>) dst(%arg7 : memref<2x112xi32, #tpu.memory_space<vmem>>)
      tpu.yield
    }) : () -> ()
    %dma_start3A_26 = arith.constant 0 : i32
    %dma_start3A_27 = arith.constant 0 : i32
    %dma_start3A_28 = tpu.memref_slice %arg7[%dma_start3A_26, %dma_start3A_27] : memref<2x112xi32, #tpu.memory_space<vmem>> -> memref<1x112xi32, #tpu.memory_space<vmem>>
    %dma_start3A_29 = tpu.memref_squeeze %dma_start3A_28 : memref<1x112xi32, #tpu.memory_space<vmem>> -> memref<112xi32, #tpu.memory_space<vmem>>
    %dma_start3A_30 = arith.constant 0 : i32
    %dma_start3A_31 = arith.constant 0 : i32
    %dma_start3A_32 = tpu.memref_slice %arg2[%dma_start3A_30, %dma_start3A_31] : memref<10240x128xf32, #tpu.memory_space<hbm>> -> memref<10240x128xf32, #tpu.memory_space<hbm>>
    tpu.enqueue_indirect_dma source(%dma_start3A_32 : memref<10240x128xf32, #tpu.memory_space<hbm>>) target(%arg10 : memref<112x128xf32, #tpu.memory_space<vmem>>) offsets(%dma_start3A_29 : memref<112xi32, #tpu.memory_space<vmem>>) semaphore(%arg14 : memref<!tpu.dma_semaphore, #tpu.memory_space<semaphore_mem>>)
    %jit3A_33 = arith.constant 3 : i32
    %div3A = arith.divsi %select_n3A_7, %jit3A_33 : i32
    %sign3A = arith.constant 0 : i32
    %sign3A_34 = arith.cmpi sgt, %select_n3A_7, %sign3A : i32
    %sign3A_35 = arith.extui %sign3A_34 : i1 to i32
    %sign3A_36 = arith.constant 0 : i32
    %sign3A_37 = arith.cmpi slt, %select_n3A_7, %sign3A_36 : i32
    %sign3A_38 = arith.extui %sign3A_37 : i1 to i32
    %sign3A_39 = arith.subi %sign3A_35, %sign3A_38 : i32
    %sign3A_40 = arith.constant 0 : i32
    %sign3A_41 = arith.cmpi sgt, %jit3A_33, %sign3A_40 : i32
    %sign3A_42 = arith.extui %sign3A_41 : i1 to i32
    %sign3A_43 = arith.constant 0 : i32
    %sign3A_44 = arith.cmpi slt, %jit3A_33, %sign3A_43 : i32
    %sign3A_45 = arith.extui %sign3A_44 : i1 to i32
    %sign3A_46 = arith.subi %sign3A_42, %sign3A_45 : i32
    %ne3A = arith.cmpi ne, %sign3A_39, %sign3A_46 : i32
    %rem3A = arith.remsi %select_n3A_7, %jit3A_33 : i32
    %ne3A_47 = arith.constant 0 : i32
    %ne3A_48 = arith.cmpi ne, %rem3A, %ne3A_47 : i32
    %and3A = arith.andi %ne3A, %ne3A_48 : i1
    %sub3A = arith.constant 1 : i32
    %sub3A_49 = arith.subi %div3A, %sub3A : i32
    %select_n3A_50 = arith.select %and3A, %sub3A_49, %div3A : i32
    %while3A = arith.constant 0 : i32
    %while3A_51 = arith.constant 0 : i32
    %while3A_52 = arith.subi %select_n3A_50, %while3A_51 : i32
    %while3A_53 = arith.addi %while3A_51, %while3A_52 : i32
    %while3A_54 = arith.constant 1 : i32
    %while3A_55 = arith.divsi %while3A_52, %while3A_54 : i32
    %while3A_56 = arith.muli %while3A_55, %while3A_54 : i32
    %while3A_57 = arith.addi %while3A_51, %while3A_56 : i32
    %while3A_58 = arith.constant 1 : i32
    scf.for %while3A_61 = %while3A_51 to %while3A_57 step %while3A_58  : i32 {
      %mul3A_62 = arith.constant 3 : i32
      %mul3A_63 = arith.muli %while3A_61, %mul3A_62 : i32
      %add3A_64 = arith.constant 0 : i32
      %add3A_65 = arith.addi %mul3A_63, %add3A_64 : i32
      %dma_wait3A = arith.constant 0 : i32
      %dma_wait3A_66 = arith.constant 0 : i32
      %dma_wait3A_67 = tpu.memref_slice %arg5[%dma_wait3A, %dma_wait3A_66] : memref<2x112xi32, #tpu.memory_space<vmem>> -> memref<1x112xi32, #tpu.memory_space<vmem>>
      %dma_wait3A_68 = tpu.memref_squeeze %dma_wait3A_67 : memref<1x112xi32, #tpu.memory_space<vmem>> -> memref<112xi32, #tpu.memory_space<vmem>>
      %dma_wait3A_69 = arith.constant 0 : i32
      %dma_wait3A_70 = arith.constant 0 : i32
      %dma_wait3A_71 = tpu.memref_slice %arg2[%dma_wait3A_69, %dma_wait3A_70] : memref<10240x128xf32, #tpu.memory_space<hbm>> -> memref<10240x128xf32, #tpu.memory_space<hbm>>
      tpu.wait_indirect_dma semaphore(%arg12 : memref<!tpu.dma_semaphore, #tpu.memory_space<semaphore_mem>>) src(%dma_wait3A_71 : memref<10240x128xf32, #tpu.memory_space<hbm>>) dst(%arg8 : memref<112x128xf32, #tpu.memory_space<vmem>>)
      %run_scoped3A = arith.constant 1 : i32
      "tpu.region"() ({
        %run_scoped3A_111 = tpu.sem_alloc : memref<!tpu.dma_semaphore, #tpu.memory_space<semaphore_mem>>
        %dma_start3A_112 = arith.constant 0 : i32
        %dma_start3A_113 = tpu.memref_slice %arg5[%run_scoped3A, %dma_start3A_112] : memref<2x112xi32, #tpu.memory_space<vmem>> -> memref<1x112xi32, #tpu.memory_space<vmem>>
        %dma_start3A_114 = tpu.memref_squeeze %dma_start3A_113 : memref<1x112xi32, #tpu.memory_space<vmem>> -> memref<112xi32, #tpu.memory_space<vmem>>
        %dma_start3A_115 = arith.constant 0 : i32
        %dma_start3A_116 = arith.constant 0 : i32
        %dma_start3A_117 = tpu.memref_slice %arg11[%dma_start3A_115, %dma_start3A_116] : memref<10240x128xf32, #tpu.memory_space<vmem_shared>> -> memref<10240x128xf32, #tpu.memory_space<vmem_shared>>
        tpu.enqueue_indirect_dma source(%arg8 : memref<112x128xf32, #tpu.memory_space<vmem>>) target(%dma_start3A_117 : memref<10240x128xf32, #tpu.memory_space<vmem_shared>>) offsets(%dma_start3A_114 : memref<112xi32, #tpu.memory_space<vmem>>) semaphore(%run_scoped3A_111 : memref<!tpu.dma_semaphore, #tpu.memory_space<semaphore_mem>>) {add = true}
        %dma_wait3A_118 = arith.constant 0 : i32
        %dma_wait3A_119 = tpu.memref_slice %arg5[%run_scoped3A, %dma_wait3A_118] : memref<2x112xi32, #tpu.memory_space<vmem>> -> memref<1x112xi32, #tpu.memory_space<vmem>>
        %dma_wait3A_120 = tpu.memref_squeeze %dma_wait3A_119 : memref<1x112xi32, #tpu.memory_space<vmem>> -> memref<112xi32, #tpu.memory_space<vmem>>
        %dma_wait3A_121 = arith.constant 0 : i32
        %dma_wait3A_122 = arith.constant 0 : i32
        %dma_wait3A_123 = tpu.memref_slice %arg11[%dma_wait3A_121, %dma_wait3A_122] : memref<10240x128xf32, #tpu.memory_space<vmem_shared>> -> memref<10240x128xf32, #tpu.memory_space<vmem_shared>>
        tpu.wait_indirect_dma semaphore(%run_scoped3A_111 : memref<!tpu.dma_semaphore, #tpu.memory_space<semaphore_mem>>) src(%arg8 : memref<112x128xf32, #tpu.memory_space<vmem>>) dst(%dma_wait3A_123 : memref<10240x128xf32, #tpu.memory_space<vmem_shared>>)
        tpu.yield
      }) : () -> ()
      %add3A_72 = arith.constant 3 : i32
      %add3A_73 = arith.addi %add3A_65, %add3A_72 : i32
      %lt3A = arith.cmpi slt, %add3A_73, %select_n3A_7 : i32
      %convert_element_type3A = arith.extui %lt3A : i1 to i32
      %cond3A = arith.constant 0 : i32
      %cond3A_74 = arith.cmpi ne, %convert_element_type3A, %cond3A : i32
      scf.if %cond3A_74 {
        %add3A_111 = arith.addi %select_n3A, %add3A_73 : i32
        "tpu.region"() ({
          %run_scoped3A_119 = tpu.sem_alloc : memref<!tpu.dma_semaphore, #tpu.memory_space<semaphore_mem>>
          %dma_start3A_120 = arith.constant 0 : i32
          %dma_start3A_121 = arith.constant 0 : i32
          %dma_start3A_122 = tpu.memref_slice %arg3[%arg1, %add3A_111, %dma_start3A_120, %dma_start3A_121] : memref<16x180x2x112xi32, #tpu.memory_space<hbm>> -> memref<1x1x2x112xi32, #tpu.memory_space<hbm>>
          %dma_start3A_123 = tpu.memref_squeeze %dma_start3A_122 : memref<1x1x2x112xi32, #tpu.memory_space<hbm>> -> memref<2x112xi32, #tpu.memory_space<hbm>>
          %dma_start3A_124 = arith.constant 0 : i32
          %dma_start3A_125 = arith.constant 0 : i32
          %dma_start3A_126 = tpu.memref_slice %arg3[%arg1, %add3A_111, %dma_start3A_124, %dma_start3A_125] : memref<16x180x2x112xi32, #tpu.memory_space<hbm>> -> memref<1x1x2x112xi32, #tpu.memory_space<hbm>>
          %dma_start3A_127 = tpu.memref_squeeze %dma_start3A_126 : memref<1x1x2x112xi32, #tpu.memory_space<hbm>> -> memref<2x112xi32, #tpu.memory_space<hbm>>
          tpu.enqueue_dma source(%dma_start3A_127 : memref<2x112xi32, #tpu.memory_space<hbm>>) target(%arg5 : memref<2x112xi32, #tpu.memory_space<vmem>>) target_semaphore(%run_scoped3A_119 : memref<!tpu.dma_semaphore, #tpu.memory_space<semaphore_mem>>)
          %dma_wait3A_128 = arith.constant 0 : i32
          %dma_wait3A_129 = arith.constant 0 : i32
          %dma_wait3A_130 = tpu.memref_slice %arg3[%arg1, %add3A_111, %dma_wait3A_128, %dma_wait3A_129] : memref<16x180x2x112xi32, #tpu.memory_space<hbm>> -> memref<1x1x2x112xi32, #tpu.memory_space<hbm>>
          %dma_wait3A_131 = tpu.memref_squeeze %dma_wait3A_130 : memref<1x1x2x112xi32, #tpu.memory_space<hbm>> -> memref<2x112xi32, #tpu.memory_space<hbm>>
          %dma_wait3A_132 = arith.constant 0 : i32
          %dma_wait3A_133 = arith.constant 0 : i32
          %dma_wait3A_134 = tpu.memref_slice %arg3[%arg1, %add3A_111, %dma_wait3A_132, %dma_wait3A_133] : memref<16x180x2x112xi32, #tpu.memory_space<hbm>> -> memref<1x1x2x112xi32, #tpu.memory_space<hbm>>
          %dma_wait3A_135 = tpu.memref_squeeze %dma_wait3A_134 : memref<1x1x2x112xi32, #tpu.memory_space<hbm>> -> memref<2x112xi32, #tpu.memory_space<hbm>>
          tpu.wait_dma2 semaphore(%run_scoped3A_119 : memref<!tpu.dma_semaphore, #tpu.memory_space<semaphore_mem>>) src(%dma_wait3A_135 : memref<2x112xi32, #tpu.memory_space<hbm>>) dst(%arg5 : memref<2x112xi32, #tpu.memory_space<vmem>>)
          tpu.yield
        }) : () -> ()
        %dma_start3A_112 = arith.constant 0 : i32
        %dma_start3A_113 = arith.constant 0 : i32
        %dma_start3A_114 = tpu.memref_slice %arg5[%dma_start3A_112, %dma_start3A_113] : memref<2x112xi32, #tpu.memory_space<vmem>> -> memref<1x112xi32, #tpu.memory_space<vmem>>
        %dma_start3A_115 = tpu.memref_squeeze %dma_start3A_114 : memref<1x112xi32, #tpu.memory_space<vmem>> -> memref<112xi32, #tpu.memory_space<vmem>>
        %dma_start3A_116 = arith.constant 0 : i32
        %dma_start3A_117 = arith.constant 0 : i32
        %dma_start3A_118 = tpu.memref_slice %arg2[%dma_start3A_116, %dma_start3A_117] : memref<10240x128xf32, #tpu.memory_space<hbm>> -> memref<10240x128xf32, #tpu.memory_space<hbm>>
        tpu.enqueue_indirect_dma source(%dma_start3A_118 : memref<10240x128xf32, #tpu.memory_space<hbm>>) target(%arg8 : memref<112x128xf32, #tpu.memory_space<vmem>>) offsets(%dma_start3A_115 : memref<112xi32, #tpu.memory_space<vmem>>) semaphore(%arg12 : memref<!tpu.dma_semaphore, #tpu.memory_space<semaphore_mem>>)
      } else {
      }
      %mul3A_75 = arith.constant 3 : i32
      %mul3A_76 = arith.muli %while3A_61, %mul3A_75 : i32
      %add3A_77 = arith.constant 1 : i32
      %add3A_78 = arith.addi %mul3A_76, %add3A_77 : i32
      %dma_wait3A_79 = arith.constant 0 : i32
      %dma_wait3A_80 = arith.constant 0 : i32
      %dma_wait3A_81 = tpu.memref_slice %arg6[%dma_wait3A_79, %dma_wait3A_80] : memref<2x112xi32, #tpu.memory_space<vmem>> -> memref<1x112xi32, #tpu.memory_space<vmem>>
      %dma_wait3A_82 = tpu.memref_squeeze %dma_wait3A_81 : memref<1x112xi32, #tpu.memory_space<vmem>> -> memref<112xi32, #tpu.memory_space<vmem>>
      %dma_wait3A_83 = arith.constant 0 : i32
      %dma_wait3A_84 = arith.constant 0 : i32
      %dma_wait3A_85 = tpu.memref_slice %arg2[%dma_wait3A_83, %dma_wait3A_84] : memref<10240x128xf32, #tpu.memory_space<hbm>> -> memref<10240x128xf32, #tpu.memory_space<hbm>>
      tpu.wait_indirect_dma semaphore(%arg13 : memref<!tpu.dma_semaphore, #tpu.memory_space<semaphore_mem>>) src(%dma_wait3A_85 : memref<10240x128xf32, #tpu.memory_space<hbm>>) dst(%arg9 : memref<112x128xf32, #tpu.memory_space<vmem>>)
      %run_scoped3A_86 = arith.constant 1 : i32
      "tpu.region"() ({
        %run_scoped3A_111 = tpu.sem_alloc : memref<!tpu.dma_semaphore, #tpu.memory_space<semaphore_mem>>
        %dma_start3A_112 = arith.constant 0 : i32
        %dma_start3A_113 = tpu.memref_slice %arg6[%run_scoped3A_86, %dma_start3A_112] : memref<2x112xi32, #tpu.memory_space<vmem>> -> memref<1x112xi32, #tpu.memory_space<vmem>>
        %dma_start3A_114 = tpu.memref_squeeze %dma_start3A_113 : memref<1x112xi32, #tpu.memory_space<vmem>> -> memref<112xi32, #tpu.memory_space<vmem>>
        %dma_start3A_115 = arith.constant 0 : i32
        %dma_start3A_116 = arith.constant 0 : i32
        %dma_start3A_117 = tpu.memref_slice %arg11[%dma_start3A_115, %dma_start3A_116] : memref<10240x128xf32, #tpu.memory_space<vmem_shared>> -> memref<10240x128xf32, #tpu.memory_space<vmem_shared>>
        tpu.enqueue_indirect_dma source(%arg9 : memref<112x128xf32, #tpu.memory_space<vmem>>) target(%dma_start3A_117 : memref<10240x128xf32, #tpu.memory_space<vmem_shared>>) offsets(%dma_start3A_114 : memref<112xi32, #tpu.memory_space<vmem>>) semaphore(%run_scoped3A_111 : memref<!tpu.dma_semaphore, #tpu.memory_space<semaphore_mem>>) {add = true}
        %dma_wait3A_118 = arith.constant 0 : i32
        %dma_wait3A_119 = tpu.memref_slice %arg6[%run_scoped3A_86, %dma_wait3A_118] : memref<2x112xi32, #tpu.memory_space<vmem>> -> memref<1x112xi32, #tpu.memory_space<vmem>>
        %dma_wait3A_120 = tpu.memref_squeeze %dma_wait3A_119 : memref<1x112xi32, #tpu.memory_space<vmem>> -> memref<112xi32, #tpu.memory_space<vmem>>
        %dma_wait3A_121 = arith.constant 0 : i32
        %dma_wait3A_122 = arith.constant 0 : i32
        %dma_wait3A_123 = tpu.memref_slice %arg11[%dma_wait3A_121, %dma_wait3A_122] : memref<10240x128xf32, #tpu.memory_space<vmem_shared>> -> memref<10240x128xf32, #tpu.memory_space<vmem_shared>>
        tpu.wait_indirect_dma semaphore(%run_scoped3A_111 : memref<!tpu.dma_semaphore, #tpu.memory_space<semaphore_mem>>) src(%arg9 : memref<112x128xf32, #tpu.memory_space<vmem>>) dst(%dma_wait3A_123 : memref<10240x128xf32, #tpu.memory_space<vmem_shared>>)
        tpu.yield
      }) : () -> ()
      %add3A_87 = arith.constant 3 : i32
      %add3A_88 = arith.addi %add3A_78, %add3A_87 : i32
      %lt3A_89 = arith.cmpi slt, %add3A_88, %select_n3A_7 : i32
      %convert_element_type3A_90 = arith.extui %lt3A_89 : i1 to i32
      %cond3A_91 = arith.constant 0 : i32
      %cond3A_92 = arith.cmpi ne, %convert_element_type3A_90, %cond3A_91 : i32
      scf.if %cond3A_92 {
        %add3A_111 = arith.addi %select_n3A, %add3A_88 : i32
        "tpu.region"() ({
          %run_scoped3A_119 = tpu.sem_alloc : memref<!tpu.dma_semaphore, #tpu.memory_space<semaphore_mem>>
          %dma_start3A_120 = arith.constant 0 : i32
          %dma_start3A_121 = arith.constant 0 : i32
          %dma_start3A_122 = tpu.memref_slice %arg3[%arg1, %add3A_111, %dma_start3A_120, %dma_start3A_121] : memref<16x180x2x112xi32, #tpu.memory_space<hbm>> -> memref<1x1x2x112xi32, #tpu.memory_space<hbm>>
          %dma_start3A_123 = tpu.memref_squeeze %dma_start3A_122 : memref<1x1x2x112xi32, #tpu.memory_space<hbm>> -> memref<2x112xi32, #tpu.memory_space<hbm>>
          %dma_start3A_124 = arith.constant 0 : i32
          %dma_start3A_125 = arith.constant 0 : i32
          %dma_start3A_126 = tpu.memref_slice %arg3[%arg1, %add3A_111, %dma_start3A_124, %dma_start3A_125] : memref<16x180x2x112xi32, #tpu.memory_space<hbm>> -> memref<1x1x2x112xi32, #tpu.memory_space<hbm>>
          %dma_start3A_127 = tpu.memref_squeeze %dma_start3A_126 : memref<1x1x2x112xi32, #tpu.memory_space<hbm>> -> memref<2x112xi32, #tpu.memory_space<hbm>>
          tpu.enqueue_dma source(%dma_start3A_127 : memref<2x112xi32, #tpu.memory_space<hbm>>) target(%arg6 : memref<2x112xi32, #tpu.memory_space<vmem>>) target_semaphore(%run_scoped3A_119 : memref<!tpu.dma_semaphore, #tpu.memory_space<semaphore_mem>>)
          %dma_wait3A_128 = arith.constant 0 : i32
          %dma_wait3A_129 = arith.constant 0 : i32
          %dma_wait3A_130 = tpu.memref_slice %arg3[%arg1, %add3A_111, %dma_wait3A_128, %dma_wait3A_129] : memref<16x180x2x112xi32, #tpu.memory_space<hbm>> -> memref<1x1x2x112xi32, #tpu.memory_space<hbm>>
          %dma_wait3A_131 = tpu.memref_squeeze %dma_wait3A_130 : memref<1x1x2x112xi32, #tpu.memory_space<hbm>> -> memref<2x112xi32, #tpu.memory_space<hbm>>
          %dma_wait3A_132 = arith.constant 0 : i32
          %dma_wait3A_133 = arith.constant 0 : i32
          %dma_wait3A_134 = tpu.memref_slice %arg3[%arg1, %add3A_111, %dma_wait3A_132, %dma_wait3A_133] : memref<16x180x2x112xi32, #tpu.memory_space<hbm>> -> memref<1x1x2x112xi32, #tpu.memory_space<hbm>>
          %dma_wait3A_135 = tpu.memref_squeeze %dma_wait3A_134 : memref<1x1x2x112xi32, #tpu.memory_space<hbm>> -> memref<2x112xi32, #tpu.memory_space<hbm>>
          tpu.wait_dma2 semaphore(%run_scoped3A_119 : memref<!tpu.dma_semaphore, #tpu.memory_space<semaphore_mem>>) src(%dma_wait3A_135 : memref<2x112xi32, #tpu.memory_space<hbm>>) dst(%arg6 : memref<2x112xi32, #tpu.memory_space<vmem>>)
          tpu.yield
        }) : () -> ()
        %dma_start3A_112 = arith.constant 0 : i32
        %dma_start3A_113 = arith.constant 0 : i32
        %dma_start3A_114 = tpu.memref_slice %arg6[%dma_start3A_112, %dma_start3A_113] : memref<2x112xi32, #tpu.memory_space<vmem>> -> memref<1x112xi32, #tpu.memory_space<vmem>>
        %dma_start3A_115 = tpu.memref_squeeze %dma_start3A_114 : memref<1x112xi32, #tpu.memory_space<vmem>> -> memref<112xi32, #tpu.memory_space<vmem>>
        %dma_start3A_116 = arith.constant 0 : i32
        %dma_start3A_117 = arith.constant 0 : i32
        %dma_start3A_118 = tpu.memref_slice %arg2[%dma_start3A_116, %dma_start3A_117] : memref<10240x128xf32, #tpu.memory_space<hbm>> -> memref<10240x128xf32, #tpu.memory_space<hbm>>
        tpu.enqueue_indirect_dma source(%dma_start3A_118 : memref<10240x128xf32, #tpu.memory_space<hbm>>) target(%arg9 : memref<112x128xf32, #tpu.memory_space<vmem>>) offsets(%dma_start3A_115 : memref<112xi32, #tpu.memory_space<vmem>>) semaphore(%arg13 : memref<!tpu.dma_semaphore, #tpu.memory_space<semaphore_mem>>)
      } else {
      }
      %mul3A_93 = arith.constant 3 : i32
      %mul3A_94 = arith.muli %while3A_61, %mul3A_93 : i32
      %add3A_95 = arith.constant 2 : i32
      %add3A_96 = arith.addi %mul3A_94, %add3A_95 : i32
      %dma_wait3A_97 = arith.constant 0 : i32
      %dma_wait3A_98 = arith.constant 0 : i32
      %dma_wait3A_99 = tpu.memref_slice %arg7[%dma_wait3A_97, %dma_wait3A_98] : memref<2x112xi32, #tpu.memory_space<vmem>> -> memref<1x112xi32, #tpu.memory_space<vmem>>
      %dma_wait3A_100 = tpu.memref_squeeze %dma_wait3A_99 : memref<1x112xi32, #tpu.memory_space<vmem>> -> memref<112xi32, #tpu.memory_space<vmem>>
      %dma_wait3A_101 = arith.constant 0 : i32
      %dma_wait3A_102 = arith.constant 0 : i32
      %dma_wait3A_103 = tpu.memref_slice %arg2[%dma_wait3A_101, %dma_wait3A_102] : memref<10240x128xf32, #tpu.memory_space<hbm>> -> memref<10240x128xf32, #tpu.memory_space<hbm>>
      tpu.wait_indirect_dma semaphore(%arg14 : memref<!tpu.dma_semaphore, #tpu.memory_space<semaphore_mem>>) src(%dma_wait3A_103 : memref<10240x128xf32, #tpu.memory_space<hbm>>) dst(%arg10 : memref<112x128xf32, #tpu.memory_space<vmem>>)
      %run_scoped3A_104 = arith.constant 1 : i32
      "tpu.region"() ({
        %run_scoped3A_111 = tpu.sem_alloc : memref<!tpu.dma_semaphore, #tpu.memory_space<semaphore_mem>>
        %dma_start3A_112 = arith.constant 0 : i32
        %dma_start3A_113 = tpu.memref_slice %arg7[%run_scoped3A_104, %dma_start3A_112] : memref<2x112xi32, #tpu.memory_space<vmem>> -> memref<1x112xi32, #tpu.memory_space<vmem>>
        %dma_start3A_114 = tpu.memref_squeeze %dma_start3A_113 : memref<1x112xi32, #tpu.memory_space<vmem>> -> memref<112xi32, #tpu.memory_space<vmem>>
        %dma_start3A_115 = arith.constant 0 : i32
        %dma_start3A_116 = arith.constant 0 : i32
        %dma_start3A_117 = tpu.memref_slice %arg11[%dma_start3A_115, %dma_start3A_116] : memref<10240x128xf32, #tpu.memory_space<vmem_shared>> -> memref<10240x128xf32, #tpu.memory_space<vmem_shared>>
        tpu.enqueue_indirect_dma source(%arg10 : memref<112x128xf32, #tpu.memory_space<vmem>>) target(%dma_start3A_117 : memref<10240x128xf32, #tpu.memory_space<vmem_shared>>) offsets(%dma_start3A_114 : memref<112xi32, #tpu.memory_space<vmem>>) semaphore(%run_scoped3A_111 : memref<!tpu.dma_semaphore, #tpu.memory_space<semaphore_mem>>) {add = true}
        %dma_wait3A_118 = arith.constant 0 : i32
        %dma_wait3A_119 = tpu.memref_slice %arg7[%run_scoped3A_104, %dma_wait3A_118] : memref<2x112xi32, #tpu.memory_space<vmem>> -> memref<1x112xi32, #tpu.memory_space<vmem>>
        %dma_wait3A_120 = tpu.memref_squeeze %dma_wait3A_119 : memref<1x112xi32, #tpu.memory_space<vmem>> -> memref<112xi32, #tpu.memory_space<vmem>>
        %dma_wait3A_121 = arith.constant 0 : i32
        %dma_wait3A_122 = arith.constant 0 : i32
        %dma_wait3A_123 = tpu.memref_slice %arg11[%dma_wait3A_121, %dma_wait3A_122] : memref<10240x128xf32, #tpu.memory_space<vmem_shared>> -> memref<10240x128xf32, #tpu.memory_space<vmem_shared>>
        tpu.wait_indirect_dma semaphore(%run_scoped3A_111 : memref<!tpu.dma_semaphore, #tpu.memory_space<semaphore_mem>>) src(%arg10 : memref<112x128xf32, #tpu.memory_space<vmem>>) dst(%dma_wait3A_123 : memref<10240x128xf32, #tpu.memory_space<vmem_shared>>)
        tpu.yield
      }) : () -> ()
      %add3A_105 = arith.constant 3 : i32
      %add3A_106 = arith.addi %add3A_96, %add3A_105 : i32
      %lt3A_107 = arith.cmpi slt, %add3A_106, %select_n3A_7 : i32
      %convert_element_type3A_108 = arith.extui %lt3A_107 : i1 to i32
      %cond3A_109 = arith.constant 0 : i32
      %cond3A_110 = arith.cmpi ne, %convert_element_type3A_108, %cond3A_109 : i32
      scf.if %cond3A_110 {
        %add3A_111 = arith.addi %select_n3A, %add3A_106 : i32
        "tpu.region"() ({
          %run_scoped3A_119 = tpu.sem_alloc : memref<!tpu.dma_semaphore, #tpu.memory_space<semaphore_mem>>
          %dma_start3A_120 = arith.constant 0 : i32
          %dma_start3A_121 = arith.constant 0 : i32
          %dma_start3A_122 = tpu.memref_slice %arg3[%arg1, %add3A_111, %dma_start3A_120, %dma_start3A_121] : memref<16x180x2x112xi32, #tpu.memory_space<hbm>> -> memref<1x1x2x112xi32, #tpu.memory_space<hbm>>
          %dma_start3A_123 = tpu.memref_squeeze %dma_start3A_122 : memref<1x1x2x112xi32, #tpu.memory_space<hbm>> -> memref<2x112xi32, #tpu.memory_space<hbm>>
          %dma_start3A_124 = arith.constant 0 : i32
          %dma_start3A_125 = arith.constant 0 : i32
          %dma_start3A_126 = tpu.memref_slice %arg3[%arg1, %add3A_111, %dma_start3A_124, %dma_start3A_125] : memref<16x180x2x112xi32, #tpu.memory_space<hbm>> -> memref<1x1x2x112xi32, #tpu.memory_space<hbm>>
          %dma_start3A_127 = tpu.memref_squeeze %dma_start3A_126 : memref<1x1x2x112xi32, #tpu.memory_space<hbm>> -> memref<2x112xi32, #tpu.memory_space<hbm>>
          tpu.enqueue_dma source(%dma_start3A_127 : memref<2x112xi32, #tpu.memory_space<hbm>>) target(%arg7 : memref<2x112xi32, #tpu.memory_space<vmem>>) target_semaphore(%run_scoped3A_119 : memref<!tpu.dma_semaphore, #tpu.memory_space<semaphore_mem>>)
          %dma_wait3A_128 = arith.constant 0 : i32
          %dma_wait3A_129 = arith.constant 0 : i32
          %dma_wait3A_130 = tpu.memref_slice %arg3[%arg1, %add3A_111, %dma_wait3A_128, %dma_wait3A_129] : memref<16x180x2x112xi32, #tpu.memory_space<hbm>> -> memref<1x1x2x112xi32, #tpu.memory_space<hbm>>
          %dma_wait3A_131 = tpu.memref_squeeze %dma_wait3A_130 : memref<1x1x2x112xi32, #tpu.memory_space<hbm>> -> memref<2x112xi32, #tpu.memory_space<hbm>>
          %dma_wait3A_132 = arith.constant 0 : i32
          %dma_wait3A_133 = arith.constant 0 : i32
          %dma_wait3A_134 = tpu.memref_slice %arg3[%arg1, %add3A_111, %dma_wait3A_132, %dma_wait3A_133] : memref<16x180x2x112xi32, #tpu.memory_space<hbm>> -> memref<1x1x2x112xi32, #tpu.memory_space<hbm>>
          %dma_wait3A_135 = tpu.memref_squeeze %dma_wait3A_134 : memref<1x1x2x112xi32, #tpu.memory_space<hbm>> -> memref<2x112xi32, #tpu.memory_space<hbm>>
          tpu.wait_dma2 semaphore(%run_scoped3A_119 : memref<!tpu.dma_semaphore, #tpu.memory_space<semaphore_mem>>) src(%dma_wait3A_135 : memref<2x112xi32, #tpu.memory_space<hbm>>) dst(%arg7 : memref<2x112xi32, #tpu.memory_space<vmem>>)
          tpu.yield
        }) : () -> ()
        %dma_start3A_112 = arith.constant 0 : i32
        %dma_start3A_113 = arith.constant 0 : i32
        %dma_start3A_114 = tpu.memref_slice %arg7[%dma_start3A_112, %dma_start3A_113] : memref<2x112xi32, #tpu.memory_space<vmem>> -> memref<1x112xi32, #tpu.memory_space<vmem>>
        %dma_start3A_115 = tpu.memref_squeeze %dma_start3A_114 : memref<1x112xi32, #tpu.memory_space<vmem>> -> memref<112xi32, #tpu.memory_space<vmem>>
        %dma_start3A_116 = arith.constant 0 : i32
        %dma_start3A_117 = arith.constant 0 : i32
        %dma_start3A_118 = tpu.memref_slice %arg2[%dma_start3A_116, %dma_start3A_117] : memref<10240x128xf32, #tpu.memory_space<hbm>> -> memref<10240x128xf32, #tpu.memory_space<hbm>>
        tpu.enqueue_indirect_dma source(%dma_start3A_118 : memref<10240x128xf32, #tpu.memory_space<hbm>>) target(%arg10 : memref<112x128xf32, #tpu.memory_space<vmem>>) offsets(%dma_start3A_115 : memref<112xi32, #tpu.memory_space<vmem>>) semaphore(%arg14 : memref<!tpu.dma_semaphore, #tpu.memory_space<semaphore_mem>>)
      } else {
      }
    }
    %while3A_59 = arith.constant 1 : i32
    scf.for %while3A_61 = %while3A_57 to %while3A_53 step %while3A_59  : i32 {
      %mul3A_62 = arith.constant 3 : i32
      %mul3A_63 = arith.muli %while3A_61, %mul3A_62 : i32
      %add3A_64 = arith.constant 0 : i32
      %add3A_65 = arith.addi %mul3A_63, %add3A_64 : i32
      %dma_wait3A = arith.constant 0 : i32
      %dma_wait3A_66 = arith.constant 0 : i32
      %dma_wait3A_67 = tpu.memref_slice %arg5[%dma_wait3A, %dma_wait3A_66] : memref<2x112xi32, #tpu.memory_space<vmem>> -> memref<1x112xi32, #tpu.memory_space<vmem>>
      %dma_wait3A_68 = tpu.memref_squeeze %dma_wait3A_67 : memref<1x112xi32, #tpu.memory_space<vmem>> -> memref<112xi32, #tpu.memory_space<vmem>>
      %dma_wait3A_69 = arith.constant 0 : i32
      %dma_wait3A_70 = arith.constant 0 : i32
      %dma_wait3A_71 = tpu.memref_slice %arg2[%dma_wait3A_69, %dma_wait3A_70] : memref<10240x128xf32, #tpu.memory_space<hbm>> -> memref<10240x128xf32, #tpu.memory_space<hbm>>
      tpu.wait_indirect_dma semaphore(%arg12 : memref<!tpu.dma_semaphore, #tpu.memory_space<semaphore_mem>>) src(%dma_wait3A_71 : memref<10240x128xf32, #tpu.memory_space<hbm>>) dst(%arg8 : memref<112x128xf32, #tpu.memory_space<vmem>>)
      %run_scoped3A = arith.constant 1 : i32
      "tpu.region"() ({
        %run_scoped3A_111 = tpu.sem_alloc : memref<!tpu.dma_semaphore, #tpu.memory_space<semaphore_mem>>
        %dma_start3A_112 = arith.constant 0 : i32
        %dma_start3A_113 = tpu.memref_slice %arg5[%run_scoped3A, %dma_start3A_112] : memref<2x112xi32, #tpu.memory_space<vmem>> -> memref<1x112xi32, #tpu.memory_space<vmem>>
        %dma_start3A_114 = tpu.memref_squeeze %dma_start3A_113 : memref<1x112xi32, #tpu.memory_space<vmem>> -> memref<112xi32, #tpu.memory_space<vmem>>
        %dma_start3A_115 = arith.constant 0 : i32
        %dma_start3A_116 = arith.constant 0 : i32
        %dma_start3A_117 = tpu.memref_slice %arg11[%dma_start3A_115, %dma_start3A_116] : memref<10240x128xf32, #tpu.memory_space<vmem_shared>> -> memref<10240x128xf32, #tpu.memory_space<vmem_shared>>
        tpu.enqueue_indirect_dma source(%arg8 : memref<112x128xf32, #tpu.memory_space<vmem>>) target(%dma_start3A_117 : memref<10240x128xf32, #tpu.memory_space<vmem_shared>>) offsets(%dma_start3A_114 : memref<112xi32, #tpu.memory_space<vmem>>) semaphore(%run_scoped3A_111 : memref<!tpu.dma_semaphore, #tpu.memory_space<semaphore_mem>>) {add = true}
        %dma_wait3A_118 = arith.constant 0 : i32
        %dma_wait3A_119 = tpu.memref_slice %arg5[%run_scoped3A, %dma_wait3A_118] : memref<2x112xi32, #tpu.memory_space<vmem>> -> memref<1x112xi32, #tpu.memory_space<vmem>>
        %dma_wait3A_120 = tpu.memref_squeeze %dma_wait3A_119 : memref<1x112xi32, #tpu.memory_space<vmem>> -> memref<112xi32, #tpu.memory_space<vmem>>
        %dma_wait3A_121 = arith.constant 0 : i32
        %dma_wait3A_122 = arith.constant 0 : i32
        %dma_wait3A_123 = tpu.memref_slice %arg11[%dma_wait3A_121, %dma_wait3A_122] : memref<10240x128xf32, #tpu.memory_space<vmem_shared>> -> memref<10240x128xf32, #tpu.memory_space<vmem_shared>>
        tpu.wait_indirect_dma semaphore(%run_scoped3A_111 : memref<!tpu.dma_semaphore, #tpu.memory_space<semaphore_mem>>) src(%arg8 : memref<112x128xf32, #tpu.memory_space<vmem>>) dst(%dma_wait3A_123 : memref<10240x128xf32, #tpu.memory_space<vmem_shared>>)
        tpu.yield
      }) : () -> ()
      %add3A_72 = arith.constant 3 : i32
      %add3A_73 = arith.addi %add3A_65, %add3A_72 : i32
      %lt3A = arith.cmpi slt, %add3A_73, %select_n3A_7 : i32
      %convert_element_type3A = arith.extui %lt3A : i1 to i32
      %cond3A = arith.constant 0 : i32
      %cond3A_74 = arith.cmpi ne, %convert_element_type3A, %cond3A : i32
      scf.if %cond3A_74 {
        %add3A_111 = arith.addi %select_n3A, %add3A_73 : i32
        "tpu.region"() ({
          %run_scoped3A_119 = tpu.sem_alloc : memref<!tpu.dma_semaphore, #tpu.memory_space<semaphore_mem>>
          %dma_start3A_120 = arith.constant 0 : i32
          %dma_start3A_121 = arith.constant 0 : i32
          %dma_start3A_122 = tpu.memref_slice %arg3[%arg1, %add3A_111, %dma_start3A_120, %dma_start3A_121] : memref<16x180x2x112xi32, #tpu.memory_space<hbm>> -> memref<1x1x2x112xi32, #tpu.memory_space<hbm>>
          %dma_start3A_123 = tpu.memref_squeeze %dma_start3A_122 : memref<1x1x2x112xi32, #tpu.memory_space<hbm>> -> memref<2x112xi32, #tpu.memory_space<hbm>>
          %dma_start3A_124 = arith.constant 0 : i32
          %dma_start3A_125 = arith.constant 0 : i32
          %dma_start3A_126 = tpu.memref_slice %arg3[%arg1, %add3A_111, %dma_start3A_124, %dma_start3A_125] : memref<16x180x2x112xi32, #tpu.memory_space<hbm>> -> memref<1x1x2x112xi32, #tpu.memory_space<hbm>>
          %dma_start3A_127 = tpu.memref_squeeze %dma_start3A_126 : memref<1x1x2x112xi32, #tpu.memory_space<hbm>> -> memref<2x112xi32, #tpu.memory_space<hbm>>
          tpu.enqueue_dma source(%dma_start3A_127 : memref<2x112xi32, #tpu.memory_space<hbm>>) target(%arg5 : memref<2x112xi32, #tpu.memory_space<vmem>>) target_semaphore(%run_scoped3A_119 : memref<!tpu.dma_semaphore, #tpu.memory_space<semaphore_mem>>)
          %dma_wait3A_128 = arith.constant 0 : i32
          %dma_wait3A_129 = arith.constant 0 : i32
          %dma_wait3A_130 = tpu.memref_slice %arg3[%arg1, %add3A_111, %dma_wait3A_128, %dma_wait3A_129] : memref<16x180x2x112xi32, #tpu.memory_space<hbm>> -> memref<1x1x2x112xi32, #tpu.memory_space<hbm>>
          %dma_wait3A_131 = tpu.memref_squeeze %dma_wait3A_130 : memref<1x1x2x112xi32, #tpu.memory_space<hbm>> -> memref<2x112xi32, #tpu.memory_space<hbm>>
          %dma_wait3A_132 = arith.constant 0 : i32
          %dma_wait3A_133 = arith.constant 0 : i32
          %dma_wait3A_134 = tpu.memref_slice %arg3[%arg1, %add3A_111, %dma_wait3A_132, %dma_wait3A_133] : memref<16x180x2x112xi32, #tpu.memory_space<hbm>> -> memref<1x1x2x112xi32, #tpu.memory_space<hbm>>
          %dma_wait3A_135 = tpu.memref_squeeze %dma_wait3A_134 : memref<1x1x2x112xi32, #tpu.memory_space<hbm>> -> memref<2x112xi32, #tpu.memory_space<hbm>>
          tpu.wait_dma2 semaphore(%run_scoped3A_119 : memref<!tpu.dma_semaphore, #tpu.memory_space<semaphore_mem>>) src(%dma_wait3A_135 : memref<2x112xi32, #tpu.memory_space<hbm>>) dst(%arg5 : memref<2x112xi32, #tpu.memory_space<vmem>>)
          tpu.yield
        }) : () -> ()
        %dma_start3A_112 = arith.constant 0 : i32
        %dma_start3A_113 = arith.constant 0 : i32
        %dma_start3A_114 = tpu.memref_slice %arg5[%dma_start3A_112, %dma_start3A_113] : memref<2x112xi32, #tpu.memory_space<vmem>> -> memref<1x112xi32, #tpu.memory_space<vmem>>
        %dma_start3A_115 = tpu.memref_squeeze %dma_start3A_114 : memref<1x112xi32, #tpu.memory_space<vmem>> -> memref<112xi32, #tpu.memory_space<vmem>>
        %dma_start3A_116 = arith.constant 0 : i32
        %dma_start3A_117 = arith.constant 0 : i32
        %dma_start3A_118 = tpu.memref_slice %arg2[%dma_start3A_116, %dma_start3A_117] : memref<10240x128xf32, #tpu.memory_space<hbm>> -> memref<10240x128xf32, #tpu.memory_space<hbm>>
        tpu.enqueue_indirect_dma source(%dma_start3A_118 : memref<10240x128xf32, #tpu.memory_space<hbm>>) target(%arg8 : memref<112x128xf32, #tpu.memory_space<vmem>>) offsets(%dma_start3A_115 : memref<112xi32, #tpu.memory_space<vmem>>) semaphore(%arg12 : memref<!tpu.dma_semaphore, #tpu.memory_space<semaphore_mem>>)
      } else {
      }
      %mul3A_75 = arith.constant 3 : i32
      %mul3A_76 = arith.muli %while3A_61, %mul3A_75 : i32
      %add3A_77 = arith.constant 1 : i32
      %add3A_78 = arith.addi %mul3A_76, %add3A_77 : i32
      %dma_wait3A_79 = arith.constant 0 : i32
      %dma_wait3A_80 = arith.constant 0 : i32
      %dma_wait3A_81 = tpu.memref_slice %arg6[%dma_wait3A_79, %dma_wait3A_80] : memref<2x112xi32, #tpu.memory_space<vmem>> -> memref<1x112xi32, #tpu.memory_space<vmem>>
      %dma_wait3A_82 = tpu.memref_squeeze %dma_wait3A_81 : memref<1x112xi32, #tpu.memory_space<vmem>> -> memref<112xi32, #tpu.memory_space<vmem>>
      %dma_wait3A_83 = arith.constant 0 : i32
      %dma_wait3A_84 = arith.constant 0 : i32
      %dma_wait3A_85 = tpu.memref_slice %arg2[%dma_wait3A_83, %dma_wait3A_84] : memref<10240x128xf32, #tpu.memory_space<hbm>> -> memref<10240x128xf32, #tpu.memory_space<hbm>>
      tpu.wait_indirect_dma semaphore(%arg13 : memref<!tpu.dma_semaphore, #tpu.memory_space<semaphore_mem>>) src(%dma_wait3A_85 : memref<10240x128xf32, #tpu.memory_space<hbm>>) dst(%arg9 : memref<112x128xf32, #tpu.memory_space<vmem>>)
      %run_scoped3A_86 = arith.constant 1 : i32
      "tpu.region"() ({
        %run_scoped3A_111 = tpu.sem_alloc : memref<!tpu.dma_semaphore, #tpu.memory_space<semaphore_mem>>
        %dma_start3A_112 = arith.constant 0 : i32
        %dma_start3A_113 = tpu.memref_slice %arg6[%run_scoped3A_86, %dma_start3A_112] : memref<2x112xi32, #tpu.memory_space<vmem>> -> memref<1x112xi32, #tpu.memory_space<vmem>>
        %dma_start3A_114 = tpu.memref_squeeze %dma_start3A_113 : memref<1x112xi32, #tpu.memory_space<vmem>> -> memref<112xi32, #tpu.memory_space<vmem>>
        %dma_start3A_115 = arith.constant 0 : i32
        %dma_start3A_116 = arith.constant 0 : i32
        %dma_start3A_117 = tpu.memref_slice %arg11[%dma_start3A_115, %dma_start3A_116] : memref<10240x128xf32, #tpu.memory_space<vmem_shared>> -> memref<10240x128xf32, #tpu.memory_space<vmem_shared>>
        tpu.enqueue_indirect_dma source(%arg9 : memref<112x128xf32, #tpu.memory_space<vmem>>) target(%dma_start3A_117 : memref<10240x128xf32, #tpu.memory_space<vmem_shared>>) offsets(%dma_start3A_114 : memref<112xi32, #tpu.memory_space<vmem>>) semaphore(%run_scoped3A_111 : memref<!tpu.dma_semaphore, #tpu.memory_space<semaphore_mem>>) {add = true}
        %dma_wait3A_118 = arith.constant 0 : i32
        %dma_wait3A_119 = tpu.memref_slice %arg6[%run_scoped3A_86, %dma_wait3A_118] : memref<2x112xi32, #tpu.memory_space<vmem>> -> memref<1x112xi32, #tpu.memory_space<vmem>>
        %dma_wait3A_120 = tpu.memref_squeeze %dma_wait3A_119 : memref<1x112xi32, #tpu.memory_space<vmem>> -> memref<112xi32, #tpu.memory_space<vmem>>
        %dma_wait3A_121 = arith.constant 0 : i32
        %dma_wait3A_122 = arith.constant 0 : i32
        %dma_wait3A_123 = tpu.memref_slice %arg11[%dma_wait3A_121, %dma_wait3A_122] : memref<10240x128xf32, #tpu.memory_space<vmem_shared>> -> memref<10240x128xf32, #tpu.memory_space<vmem_shared>>
        tpu.wait_indirect_dma semaphore(%run_scoped3A_111 : memref<!tpu.dma_semaphore, #tpu.memory_space<semaphore_mem>>) src(%arg9 : memref<112x128xf32, #tpu.memory_space<vmem>>) dst(%dma_wait3A_123 : memref<10240x128xf32, #tpu.memory_space<vmem_shared>>)
        tpu.yield
      }) : () -> ()
      %add3A_87 = arith.constant 3 : i32
      %add3A_88 = arith.addi %add3A_78, %add3A_87 : i32
      %lt3A_89 = arith.cmpi slt, %add3A_88, %select_n3A_7 : i32
      %convert_element_type3A_90 = arith.extui %lt3A_89 : i1 to i32
      %cond3A_91 = arith.constant 0 : i32
      %cond3A_92 = arith.cmpi ne, %convert_element_type3A_90, %cond3A_91 : i32
      scf.if %cond3A_92 {
        %add3A_111 = arith.addi %select_n3A, %add3A_88 : i32
        "tpu.region"() ({
          %run_scoped3A_119 = tpu.sem_alloc : memref<!tpu.dma_semaphore, #tpu.memory_space<semaphore_mem>>
          %dma_start3A_120 = arith.constant 0 : i32
          %dma_start3A_121 = arith.constant 0 : i32
          %dma_start3A_122 = tpu.memref_slice %arg3[%arg1, %add3A_111, %dma_start3A_120, %dma_start3A_121] : memref<16x180x2x112xi32, #tpu.memory_space<hbm>> -> memref<1x1x2x112xi32, #tpu.memory_space<hbm>>
          %dma_start3A_123 = tpu.memref_squeeze %dma_start3A_122 : memref<1x1x2x112xi32, #tpu.memory_space<hbm>> -> memref<2x112xi32, #tpu.memory_space<hbm>>
          %dma_start3A_124 = arith.constant 0 : i32
          %dma_start3A_125 = arith.constant 0 : i32
          %dma_start3A_126 = tpu.memref_slice %arg3[%arg1, %add3A_111, %dma_start3A_124, %dma_start3A_125] : memref<16x180x2x112xi32, #tpu.memory_space<hbm>> -> memref<1x1x2x112xi32, #tpu.memory_space<hbm>>
          %dma_start3A_127 = tpu.memref_squeeze %dma_start3A_126 : memref<1x1x2x112xi32, #tpu.memory_space<hbm>> -> memref<2x112xi32, #tpu.memory_space<hbm>>
          tpu.enqueue_dma source(%dma_start3A_127 : memref<2x112xi32, #tpu.memory_space<hbm>>) target(%arg6 : memref<2x112xi32, #tpu.memory_space<vmem>>) target_semaphore(%run_scoped3A_119 : memref<!tpu.dma_semaphore, #tpu.memory_space<semaphore_mem>>)
          %dma_wait3A_128 = arith.constant 0 : i32
          %dma_wait3A_129 = arith.constant 0 : i32
          %dma_wait3A_130 = tpu.memref_slice %arg3[%arg1, %add3A_111, %dma_wait3A_128, %dma_wait3A_129] : memref<16x180x2x112xi32, #tpu.memory_space<hbm>> -> memref<1x1x2x112xi32, #tpu.memory_space<hbm>>
          %dma_wait3A_131 = tpu.memref_squeeze %dma_wait3A_130 : memref<1x1x2x112xi32, #tpu.memory_space<hbm>> -> memref<2x112xi32, #tpu.memory_space<hbm>>
          %dma_wait3A_132 = arith.constant 0 : i32
          %dma_wait3A_133 = arith.constant 0 : i32
          %dma_wait3A_134 = tpu.memref_slice %arg3[%arg1, %add3A_111, %dma_wait3A_132, %dma_wait3A_133] : memref<16x180x2x112xi32, #tpu.memory_space<hbm>> -> memref<1x1x2x112xi32, #tpu.memory_space<hbm>>
          %dma_wait3A_135 = tpu.memref_squeeze %dma_wait3A_134 : memref<1x1x2x112xi32, #tpu.memory_space<hbm>> -> memref<2x112xi32, #tpu.memory_space<hbm>>
          tpu.wait_dma2 semaphore(%run_scoped3A_119 : memref<!tpu.dma_semaphore, #tpu.memory_space<semaphore_mem>>) src(%dma_wait3A_135 : memref<2x112xi32, #tpu.memory_space<hbm>>) dst(%arg6 : memref<2x112xi32, #tpu.memory_space<vmem>>)
          tpu.yield
        }) : () -> ()
        %dma_start3A_112 = arith.constant 0 : i32
        %dma_start3A_113 = arith.constant 0 : i32
        %dma_start3A_114 = tpu.memref_slice %arg6[%dma_start3A_112, %dma_start3A_113] : memref<2x112xi32, #tpu.memory_space<vmem>> -> memref<1x112xi32, #tpu.memory_space<vmem>>
        %dma_start3A_115 = tpu.memref_squeeze %dma_start3A_114 : memref<1x112xi32, #tpu.memory_space<vmem>> -> memref<112xi32, #tpu.memory_space<vmem>>
        %dma_start3A_116 = arith.constant 0 : i32
        %dma_start3A_117 = arith.constant 0 : i32
        %dma_start3A_118 = tpu.memref_slice %arg2[%dma_start3A_116, %dma_start3A_117] : memref<10240x128xf32, #tpu.memory_space<hbm>> -> memref<10240x128xf32, #tpu.memory_space<hbm>>
        tpu.enqueue_indirect_dma source(%dma_start3A_118 : memref<10240x128xf32, #tpu.memory_space<hbm>>) target(%arg9 : memref<112x128xf32, #tpu.memory_space<vmem>>) offsets(%dma_start3A_115 : memref<112xi32, #tpu.memory_space<vmem>>) semaphore(%arg13 : memref<!tpu.dma_semaphore, #tpu.memory_space<semaphore_mem>>)
      } else {
      }
      %mul3A_93 = arith.constant 3 : i32
      %mul3A_94 = arith.muli %while3A_61, %mul3A_93 : i32
      %add3A_95 = arith.constant 2 : i32
      %add3A_96 = arith.addi %mul3A_94, %add3A_95 : i32
      %dma_wait3A_97 = arith.constant 0 : i32
      %dma_wait3A_98 = arith.constant 0 : i32
      %dma_wait3A_99 = tpu.memref_slice %arg7[%dma_wait3A_97, %dma_wait3A_98] : memref<2x112xi32, #tpu.memory_space<vmem>> -> memref<1x112xi32, #tpu.memory_space<vmem>>
      %dma_wait3A_100 = tpu.memref_squeeze %dma_wait3A_99 : memref<1x112xi32, #tpu.memory_space<vmem>> -> memref<112xi32, #tpu.memory_space<vmem>>
      %dma_wait3A_101 = arith.constant 0 : i32
      %dma_wait3A_102 = arith.constant 0 : i32
      %dma_wait3A_103 = tpu.memref_slice %arg2[%dma_wait3A_101, %dma_wait3A_102] : memref<10240x128xf32, #tpu.memory_space<hbm>> -> memref<10240x128xf32, #tpu.memory_space<hbm>>
      tpu.wait_indirect_dma semaphore(%arg14 : memref<!tpu.dma_semaphore, #tpu.memory_space<semaphore_mem>>) src(%dma_wait3A_103 : memref<10240x128xf32, #tpu.memory_space<hbm>>) dst(%arg10 : memref<112x128xf32, #tpu.memory_space<vmem>>)
      %run_scoped3A_104 = arith.constant 1 : i32
      "tpu.region"() ({
        %run_scoped3A_111 = tpu.sem_alloc : memref<!tpu.dma_semaphore, #tpu.memory_space<semaphore_mem>>
        %dma_start3A_112 = arith.constant 0 : i32
        %dma_start3A_113 = tpu.memref_slice %arg7[%run_scoped3A_104, %dma_start3A_112] : memref<2x112xi32, #tpu.memory_space<vmem>> -> memref<1x112xi32, #tpu.memory_space<vmem>>
        %dma_start3A_114 = tpu.memref_squeeze %dma_start3A_113 : memref<1x112xi32, #tpu.memory_space<vmem>> -> memref<112xi32, #tpu.memory_space<vmem>>
        %dma_start3A_115 = arith.constant 0 : i32
        %dma_start3A_116 = arith.constant 0 : i32
        %dma_start3A_117 = tpu.memref_slice %arg11[%dma_start3A_115, %dma_start3A_116] : memref<10240x128xf32, #tpu.memory_space<vmem_shared>> -> memref<10240x128xf32, #tpu.memory_space<vmem_shared>>
        tpu.enqueue_indirect_dma source(%arg10 : memref<112x128xf32, #tpu.memory_space<vmem>>) target(%dma_start3A_117 : memref<10240x128xf32, #tpu.memory_space<vmem_shared>>) offsets(%dma_start3A_114 : memref<112xi32, #tpu.memory_space<vmem>>) semaphore(%run_scoped3A_111 : memref<!tpu.dma_semaphore, #tpu.memory_space<semaphore_mem>>) {add = true}
        %dma_wait3A_118 = arith.constant 0 : i32
        %dma_wait3A_119 = tpu.memref_slice %arg7[%run_scoped3A_104, %dma_wait3A_118] : memref<2x112xi32, #tpu.memory_space<vmem>> -> memref<1x112xi32, #tpu.memory_space<vmem>>
        %dma_wait3A_120 = tpu.memref_squeeze %dma_wait3A_119 : memref<1x112xi32, #tpu.memory_space<vmem>> -> memref<112xi32, #tpu.memory_space<vmem>>
        %dma_wait3A_121 = arith.constant 0 : i32
        %dma_wait3A_122 = arith.constant 0 : i32
        %dma_wait3A_123 = tpu.memref_slice %arg11[%dma_wait3A_121, %dma_wait3A_122] : memref<10240x128xf32, #tpu.memory_space<vmem_shared>> -> memref<10240x128xf32, #tpu.memory_space<vmem_shared>>
        tpu.wait_indirect_dma semaphore(%run_scoped3A_111 : memref<!tpu.dma_semaphore, #tpu.memory_space<semaphore_mem>>) src(%arg10 : memref<112x128xf32, #tpu.memory_space<vmem>>) dst(%dma_wait3A_123 : memref<10240x128xf32, #tpu.memory_space<vmem_shared>>)
        tpu.yield
      }) : () -> ()
      %add3A_105 = arith.constant 3 : i32
      %add3A_106 = arith.addi %add3A_96, %add3A_105 : i32
      %lt3A_107 = arith.cmpi slt, %add3A_106, %select_n3A_7 : i32
      %convert_element_type3A_108 = arith.extui %lt3A_107 : i1 to i32
      %cond3A_109 = arith.constant 0 : i32
      %cond3A_110 = arith.cmpi ne, %convert_element_type3A_108, %cond3A_109 : i32
      scf.if %cond3A_110 {
        %add3A_111 = arith.addi %select_n3A, %add3A_106 : i32
        "tpu.region"() ({
          %run_scoped3A_119 = tpu.sem_alloc : memref<!tpu.dma_semaphore, #tpu.memory_space<semaphore_mem>>
          %dma_start3A_120 = arith.constant 0 : i32
          %dma_start3A_121 = arith.constant 0 : i32
          %dma_start3A_122 = tpu.memref_slice %arg3[%arg1, %add3A_111, %dma_start3A_120, %dma_start3A_121] : memref<16x180x2x112xi32, #tpu.memory_space<hbm>> -> memref<1x1x2x112xi32, #tpu.memory_space<hbm>>
          %dma_start3A_123 = tpu.memref_squeeze %dma_start3A_122 : memref<1x1x2x112xi32, #tpu.memory_space<hbm>> -> memref<2x112xi32, #tpu.memory_space<hbm>>
          %dma_start3A_124 = arith.constant 0 : i32
          %dma_start3A_125 = arith.constant 0 : i32
          %dma_start3A_126 = tpu.memref_slice %arg3[%arg1, %add3A_111, %dma_start3A_124, %dma_start3A_125] : memref<16x180x2x112xi32, #tpu.memory_space<hbm>> -> memref<1x1x2x112xi32, #tpu.memory_space<hbm>>
          %dma_start3A_127 = tpu.memref_squeeze %dma_start3A_126 : memref<1x1x2x112xi32, #tpu.memory_space<hbm>> -> memref<2x112xi32, #tpu.memory_space<hbm>>
          tpu.enqueue_dma source(%dma_start3A_127 : memref<2x112xi32, #tpu.memory_space<hbm>>) target(%arg7 : memref<2x112xi32, #tpu.memory_space<vmem>>) target_semaphore(%run_scoped3A_119 : memref<!tpu.dma_semaphore, #tpu.memory_space<semaphore_mem>>)
          %dma_wait3A_128 = arith.constant 0 : i32
          %dma_wait3A_129 = arith.constant 0 : i32
          %dma_wait3A_130 = tpu.memref_slice %arg3[%arg1, %add3A_111, %dma_wait3A_128, %dma_wait3A_129] : memref<16x180x2x112xi32, #tpu.memory_space<hbm>> -> memref<1x1x2x112xi32, #tpu.memory_space<hbm>>
          %dma_wait3A_131 = tpu.memref_squeeze %dma_wait3A_130 : memref<1x1x2x112xi32, #tpu.memory_space<hbm>> -> memref<2x112xi32, #tpu.memory_space<hbm>>
          %dma_wait3A_132 = arith.constant 0 : i32
          %dma_wait3A_133 = arith.constant 0 : i32
          %dma_wait3A_134 = tpu.memref_slice %arg3[%arg1, %add3A_111, %dma_wait3A_132, %dma_wait3A_133] : memref<16x180x2x112xi32, #tpu.memory_space<hbm>> -> memref<1x1x2x112xi32, #tpu.memory_space<hbm>>
          %dma_wait3A_135 = tpu.memref_squeeze %dma_wait3A_134 : memref<1x1x2x112xi32, #tpu.memory_space<hbm>> -> memref<2x112xi32, #tpu.memory_space<hbm>>
          tpu.wait_dma2 semaphore(%run_scoped3A_119 : memref<!tpu.dma_semaphore, #tpu.memory_space<semaphore_mem>>) src(%dma_wait3A_135 : memref<2x112xi32, #tpu.memory_space<hbm>>) dst(%arg7 : memref<2x112xi32, #tpu.memory_space<vmem>>)
          tpu.yield
        }) : () -> ()
        %dma_start3A_112 = arith.constant 0 : i32
        %dma_start3A_113 = arith.constant 0 : i32
        %dma_start3A_114 = tpu.memref_slice %arg7[%dma_start3A_112, %dma_start3A_113] : memref<2x112xi32, #tpu.memory_space<vmem>> -> memref<1x112xi32, #tpu.memory_space<vmem>>
        %dma_start3A_115 = tpu.memref_squeeze %dma_start3A_114 : memref<1x112xi32, #tpu.memory_space<vmem>> -> memref<112xi32, #tpu.memory_space<vmem>>
        %dma_start3A_116 = arith.constant 0 : i32
        %dma_start3A_117 = arith.constant 0 : i32
        %dma_start3A_118 = tpu.memref_slice %arg2[%dma_start3A_116, %dma_start3A_117] : memref<10240x128xf32, #tpu.memory_space<hbm>> -> memref<10240x128xf32, #tpu.memory_space<hbm>>
        tpu.enqueue_indirect_dma source(%dma_start3A_118 : memref<10240x128xf32, #tpu.memory_space<hbm>>) target(%arg10 : memref<112x128xf32, #tpu.memory_space<vmem>>) offsets(%dma_start3A_115 : memref<112xi32, #tpu.memory_space<vmem>>) semaphore(%arg14 : memref<!tpu.dma_semaphore, #tpu.memory_space<semaphore_mem>>)
      } else {
      }
    }
    %barrier3A_60 = arith.constant 0 : index
    tpu.barrier barrier_id(%barrier3A_60)
    "tpu.region"() ({
      %run_scoped3A = tpu.sem_alloc : memref<!tpu.dma_semaphore, #tpu.memory_space<semaphore_mem>>
      %dma_start3A_61 = arith.constant 0 : i32
      %dma_start3A_62 = tpu.memref_slice %arg4[%arg0, %mul3A_0, %dma_start3A_61] : memref<2x10240x128xf32, #tpu.memory_space<hbm>> -> memref<1x640x128xf32, #tpu.memory_space<hbm>>
      %dma_start3A_63 = tpu.memref_squeeze %dma_start3A_62 : memref<1x640x128xf32, #tpu.memory_space<hbm>> -> memref<640x128xf32, #tpu.memory_space<hbm>>
      %dma_start3A_64 = arith.constant 0 : i32
      %dma_start3A_65 = tpu.memref_slice %arg11[%mul3A_0, %dma_start3A_64] : memref<10240x128xf32, #tpu.memory_space<vmem_shared>> -> memref<640x128xf32, #tpu.memory_space<vmem_shared>>
      tpu.enqueue_dma source(%dma_start3A_65 : memref<640x128xf32, #tpu.memory_space<vmem_shared>>) target(%dma_start3A_63 : memref<640x128xf32, #tpu.memory_space<hbm>>) target_semaphore(%run_scoped3A : memref<!tpu.dma_semaphore, #tpu.memory_space<semaphore_mem>>)
      %dma_wait3A = arith.constant 0 : i32
      %dma_wait3A_66 = tpu.memref_slice %arg4[%arg0, %mul3A_0, %dma_wait3A] : memref<2x10240x128xf32, #tpu.memory_space<hbm>> -> memref<1x640x128xf32, #tpu.memory_space<hbm>>
      %dma_wait3A_67 = tpu.memref_squeeze %dma_wait3A_66 : memref<1x640x128xf32, #tpu.memory_space<hbm>> -> memref<640x128xf32, #tpu.memory_space<hbm>>
      %dma_wait3A_68 = arith.constant 0 : i32
      %dma_wait3A_69 = tpu.memref_slice %arg11[%mul3A_0, %dma_wait3A_68] : memref<10240x128xf32, #tpu.memory_space<vmem_shared>> -> memref<640x128xf32, #tpu.memory_space<vmem_shared>>
      tpu.wait_dma2 semaphore(%run_scoped3A : memref<!tpu.dma_semaphore, #tpu.memory_space<semaphore_mem>>) src(%dma_wait3A_69 : memref<640x128xf32, #tpu.memory_space<vmem_shared>>) dst(%dma_wait3A_67 : memref<640x128xf32, #tpu.memory_space<hbm>>)
      tpu.yield
    }) : () -> ()
    return
  }
}

#map = affine_map<(d0, d1) -> (0, 0)>
#map1 = affine_map<(d0, d1) -> (0, 0, 0, 0)>
#map2 = affine_map<(d0, d1) -> (0, 0, 0)>
module attributes {stable_mosaic.version = 14 : i64} {
  func.func @body(%arg0: i32, %arg1: i32, %arg2: memref<10240x128xf32, #tpu.memory_space<hbm>>, %arg3: memref<16x180x2x112xi32, #tpu.memory_space<hbm>>, %arg4: memref<2x10240x128xf32, #tpu.memory_space<hbm>>, %arg5: memref<2x112xi32, #tpu.memory_space<vmem>>, %arg6: memref<2x112xi32, #tpu.memory_space<vmem>>, %arg7: memref<2x112xi32, #tpu.memory_space<vmem>>, %arg8: memref<112x128xf32, #tpu.memory_space<vmem>>, %arg9: memref<112x128xf32, #tpu.memory_space<vmem>>, %arg10: memref<112x128xf32, #tpu.memory_space<vmem>>, %arg11: memref<10240x128xf32, #tpu.memory_space<vmem_shared>>, %arg12: memref<!tpu.dma_semaphore, #tpu.memory_space<semaphore_mem>>, %arg13: memref<!tpu.dma_semaphore, #tpu.memory_space<semaphore_mem>>, %arg14: memref<!tpu.dma_semaphore, #tpu.memory_space<semaphore_mem>>) attributes {dimension_semantics = [#tpu.dimension_semantics<core_parallel>, #tpu.dimension_semantics<subcore_parallel>], iteration_bounds = array<i64: 2, 16>, scalar_prefetch = 0 : i64, scratch_operands = 10 : i64, tpu.core_type = #tpu.core_type<sc_vector_subcore>, window_params = [{transform_indices = #map}, {transform_indices = #map1}, {transform_indices = #map2}]} {
    %mul3A = arith.constant 640 : i32
    %mul3A_0 = arith.muli %arg1, %mul3A : i32
    %eq3A = arith.constant 0 : i32
    %eq3A_1 = arith.cmpi eq, %arg0, %eq3A : i32
    %jit3A = arith.constant 0 : i32
    %jit3A_2 = arith.constant 141 : i32
    %select_n3A = arith.select %eq3A_1, %jit3A, %jit3A_2 : i32
    %eq3A_3 = arith.constant 0 : i32
    %eq3A_4 = arith.cmpi eq, %arg0, %eq3A_3 : i32
    %jit3A_5 = arith.constant 141 : i32
    %jit3A_6 = arith.constant 39 : i32
    %select_n3A_7 = arith.select %eq3A_4, %jit3A_5, %jit3A_6 : i32
    "tpu.region"() ({
      %run_scoped3A = tpu.sem_alloc : memref<!tpu.dma_semaphore, #tpu.memory_space<semaphore_mem>>
      %dma_start3A_61 = arith.constant 0 : i32
      %dma_start3A_62 = tpu.memref_slice %arg11[%mul3A_0, %dma_start3A_61] : memref<10240x128xf32, #tpu.memory_space<vmem_shared>> -> memref<640x128xf32, #tpu.memory_space<vmem_shared>>
      %dma_start3A_63 = arith.constant 0 : i32
      %dma_start3A_64 = tpu.memref_slice %arg2[%mul3A_0, %dma_start3A_63] : memref<10240x128xf32, #tpu.memory_space<hbm>> -> memref<640x128xf32, #tpu.memory_space<hbm>>
      tpu.enqueue_dma source(%dma_start3A_64 : memref<640x128xf32, #tpu.memory_space<hbm>>) target(%dma_start3A_62 : memref<640x128xf32, #tpu.memory_space<vmem_shared>>) target_semaphore(%run_scoped3A : memref<!tpu.dma_semaphore, #tpu.memory_space<semaphore_mem>>)
      %dma_wait3A = arith.constant 0 : i32
      %dma_wait3A_65 = tpu.memref_slice %arg11[%mul3A_0, %dma_wait3A] : memref<10240x128xf32, #tpu.memory_space<vmem_shared>> -> memref<640x128xf32, #tpu.memory_space<vmem_shared>>
      %dma_wait3A_66 = arith.constant 0 : i32
      %dma_wait3A_67 = tpu.memref_slice %arg2[%mul3A_0, %dma_wait3A_66] : memref<10240x128xf32, #tpu.memory_space<hbm>> -> memref<640x128xf32, #tpu.memory_space<hbm>>
      tpu.wait_dma2 semaphore(%run_scoped3A : memref<!tpu.dma_semaphore, #tpu.memory_space<semaphore_mem>>) src(%dma_wait3A_67 : memref<640x128xf32, #tpu.memory_space<hbm>>) dst(%dma_wait3A_65 : memref<640x128xf32, #tpu.memory_space<vmem_shared>>)
      tpu.yield
    }) : () -> ()
    %barrier3A = arith.constant 0 : index
    tpu.barrier barrier_id(%barrier3A)
    %add3A = arith.constant 0 : i32
    %add3A_8 = arith.addi %select_n3A, %add3A : i32
    "tpu.region"() ({
      %run_scoped3A = tpu.sem_alloc : memref<!tpu.dma_semaphore, #tpu.memory_space<semaphore_mem>>
      %dma_start3A_61 = arith.constant 0 : i32
      %dma_start3A_62 = arith.constant 0 : i32
      %dma_start3A_63 = tpu.memref_slice %arg3[%arg1, %add3A_8, %dma_start3A_61, %dma_start3A_62] : memref<16x180x2x112xi32, #tpu.memory_space<hbm>> -> memref<1x1x2x112xi32, #tpu.memory_space<hbm>>
      %dma_start3A_64 = tpu.memref_squeeze %dma_start3A_63 : memref<1x1x2x112xi32, #tpu.memory_space<hbm>> -> memref<2x112xi32, #tpu.memory_space<hbm>>
      %dma_start3A_65 = arith.constant 0 : i32
      %dma_start3A_66 = arith.constant 0 : i32
      %dma_start3A_67 = tpu.memref_slice %arg3[%arg1, %add3A_8, %dma_start3A_65, %dma_start3A_66] : memref<16x180x2x112xi32, #tpu.memory_space<hbm>> -> memref<1x1x2x112xi32, #tpu.memory_space<hbm>>
      %dma_start3A_68 = tpu.memref_squeeze %dma_start3A_67 : memref<1x1x2x112xi32, #tpu.memory_space<hbm>> -> memref<2x112xi32, #tpu.memory_space<hbm>>
      tpu.enqueue_dma source(%dma_start3A_68 : memref<2x112xi32, #tpu.memory_space<hbm>>) target(%arg5 : memref<2x112xi32, #tpu.memory_space<vmem>>) target_semaphore(%run_scoped3A : memref<!tpu.dma_semaphore, #tpu.memory_space<semaphore_mem>>)
      %dma_wait3A = arith.constant 0 : i32
      %dma_wait3A_69 = arith.constant 0 : i32
      %dma_wait3A_70 = tpu.memref_slice %arg3[%arg1, %add3A_8, %dma_wait3A, %dma_wait3A_69] : memref<16x180x2x112xi32, #tpu.memory_space<hbm>> -> memref<1x1x2x112xi32, #tpu.memory_space<hbm>>
      %dma_wait3A_71 = tpu.memref_squeeze %dma_wait3A_70 : memref<1x1x2x112xi32, #tpu.memory_space<hbm>> -> memref<2x112xi32, #tpu.memory_space<hbm>>
      %dma_wait3A_72 = arith.constant 0 : i32
      %dma_wait3A_73 = arith.constant 0 : i32
      %dma_wait3A_74 = tpu.memref_slice %arg3[%arg1, %add3A_8, %dma_wait3A_72, %dma_wait3A_73] : memref<16x180x2x112xi32, #tpu.memory_space<hbm>> -> memref<1x1x2x112xi32, #tpu.memory_space<hbm>>
      %dma_wait3A_75 = tpu.memref_squeeze %dma_wait3A_74 : memref<1x1x2x112xi32, #tpu.memory_space<hbm>> -> memref<2x112xi32, #tpu.memory_space<hbm>>
      tpu.wait_dma2 semaphore(%run_scoped3A : memref<!tpu.dma_semaphore, #tpu.memory_space<semaphore_mem>>) src(%dma_wait3A_75 : memref<2x112xi32, #tpu.memory_space<hbm>>) dst(%arg5 : memref<2x112xi32, #tpu.memory_space<vmem>>)
      tpu.yield
    }) : () -> ()
    %dma_start3A = arith.constant 0 : i32
    %dma_start3A_9 = arith.constant 0 : i32
    %dma_start3A_10 = tpu.memref_slice %arg5[%dma_start3A, %dma_start3A_9] : memref<2x112xi32, #tpu.memory_space<vmem>> -> memref<1x112xi32, #tpu.memory_space<vmem>>
    %dma_start3A_11 = tpu.memref_squeeze %dma_start3A_10 : memref<1x112xi32, #tpu.memory_space<vmem>> -> memref<112xi32, #tpu.memory_space<vmem>>
    %dma_start3A_12 = arith.constant 0 : i32
    %dma_start3A_13 = arith.constant 0 : i32
    %dma_start3A_14 = tpu.memref_slice %arg2[%dma_start3A_12, %dma_start3A_13] : memref<10240x128xf32, #tpu.memory_space<hbm>> -> memref<10240x128xf32, #tpu.memory_space<hbm>>
    tpu.enqueue_indirect_dma source(%dma_start3A_14 : memref<10240x128xf32, #tpu.memory_space<hbm>>) target(%arg8 : memref<112x128xf32, #tpu.memory_space<vmem>>) offsets(%dma_start3A_11 : memref<112xi32, #tpu.memory_space<vmem>>) semaphore(%arg12 : memref<!tpu.dma_semaphore, #tpu.memory_space<semaphore_mem>>)
    %add3A_15 = arith.constant 1 : i32
    %add3A_16 = arith.addi %select_n3A, %add3A_15 : i32
    "tpu.region"() ({
      %run_scoped3A = tpu.sem_alloc : memref<!tpu.dma_semaphore, #tpu.memory_space<semaphore_mem>>
      %dma_start3A_61 = arith.constant 0 : i32
      %dma_start3A_62 = arith.constant 0 : i32
      %dma_start3A_63 = tpu.memref_slice %arg3[%arg1, %add3A_16, %dma_start3A_61, %dma_start3A_62] : memref<16x180x2x112xi32, #tpu.memory_space<hbm>> -> memref<1x1x2x112xi32, #tpu.memory_space<hbm>>
      %dma_start3A_64 = tpu.memref_squeeze %dma_start3A_63 : memref<1x1x2x112xi32, #tpu.memory_space<hbm>> -> memref<2x112xi32, #tpu.memory_space<hbm>>
      %dma_start3A_65 = arith.constant 0 : i32
      %dma_start3A_66 = arith.constant 0 : i32
      %dma_start3A_67 = tpu.memref_slice %arg3[%arg1, %add3A_16, %dma_start3A_65, %dma_start3A_66] : memref<16x180x2x112xi32, #tpu.memory_space<hbm>> -> memref<1x1x2x112xi32, #tpu.memory_space<hbm>>
      %dma_start3A_68 = tpu.memref_squeeze %dma_start3A_67 : memref<1x1x2x112xi32, #tpu.memory_space<hbm>> -> memref<2x112xi32, #tpu.memory_space<hbm>>
      tpu.enqueue_dma source(%dma_start3A_68 : memref<2x112xi32, #tpu.memory_space<hbm>>) target(%arg6 : memref<2x112xi32, #tpu.memory_space<vmem>>) target_semaphore(%run_scoped3A : memref<!tpu.dma_semaphore, #tpu.memory_space<semaphore_mem>>)
      %dma_wait3A = arith.constant 0 : i32
      %dma_wait3A_69 = arith.constant 0 : i32
      %dma_wait3A_70 = tpu.memref_slice %arg3[%arg1, %add3A_16, %dma_wait3A, %dma_wait3A_69] : memref<16x180x2x112xi32, #tpu.memory_space<hbm>> -> memref<1x1x2x112xi32, #tpu.memory_space<hbm>>
      %dma_wait3A_71 = tpu.memref_squeeze %dma_wait3A_70 : memref<1x1x2x112xi32, #tpu.memory_space<hbm>> -> memref<2x112xi32, #tpu.memory_space<hbm>>
      %dma_wait3A_72 = arith.constant 0 : i32
      %dma_wait3A_73 = arith.constant 0 : i32
      %dma_wait3A_74 = tpu.memref_slice %arg3[%arg1, %add3A_16, %dma_wait3A_72, %dma_wait3A_73] : memref<16x180x2x112xi32, #tpu.memory_space<hbm>> -> memref<1x1x2x112xi32, #tpu.memory_space<hbm>>
      %dma_wait3A_75 = tpu.memref_squeeze %dma_wait3A_74 : memref<1x1x2x112xi32, #tpu.memory_space<hbm>> -> memref<2x112xi32, #tpu.memory_space<hbm>>
      tpu.wait_dma2 semaphore(%run_scoped3A : memref<!tpu.dma_semaphore, #tpu.memory_space<semaphore_mem>>) src(%dma_wait3A_75 : memref<2x112xi32, #tpu.memory_space<hbm>>) dst(%arg6 : memref<2x112xi32, #tpu.memory_space<vmem>>)
      tpu.yield
    }) : () -> ()
    %dma_start3A_17 = arith.constant 0 : i32
    %dma_start3A_18 = arith.constant 0 : i32
    %dma_start3A_19 = tpu.memref_slice %arg6[%dma_start3A_17, %dma_start3A_18] : memref<2x112xi32, #tpu.memory_space<vmem>> -> memref<1x112xi32, #tpu.memory_space<vmem>>
    %dma_start3A_20 = tpu.memref_squeeze %dma_start3A_19 : memref<1x112xi32, #tpu.memory_space<vmem>> -> memref<112xi32, #tpu.memory_space<vmem>>
    %dma_start3A_21 = arith.constant 0 : i32
    %dma_start3A_22 = arith.constant 0 : i32
    %dma_start3A_23 = tpu.memref_slice %arg2[%dma_start3A_21, %dma_start3A_22] : memref<10240x128xf32, #tpu.memory_space<hbm>> -> memref<10240x128xf32, #tpu.memory_space<hbm>>
    tpu.enqueue_indirect_dma source(%dma_start3A_23 : memref<10240x128xf32, #tpu.memory_space<hbm>>) target(%arg9 : memref<112x128xf32, #tpu.memory_space<vmem>>) offsets(%dma_start3A_20 : memref<112xi32, #tpu.memory_space<vmem>>) semaphore(%arg13 : memref<!tpu.dma_semaphore, #tpu.memory_space<semaphore_mem>>)
    %add3A_24 = arith.constant 2 : i32
    %add3A_25 = arith.addi %select_n3A, %add3A_24 : i32
    "tpu.region"() ({
      %run_scoped3A = tpu.sem_alloc : memref<!tpu.dma_semaphore, #tpu.memory_space<semaphore_mem>>
      %dma_start3A_61 = arith.constant 0 : i32
      %dma_start3A_62 = arith.constant 0 : i32
      %dma_start3A_63 = tpu.memref_slice %arg3[%arg1, %add3A_25, %dma_start3A_61, %dma_start3A_62] : memref<16x180x2x112xi32, #tpu.memory_space<hbm>> -> memref<1x1x2x112xi32, #tpu.memory_space<hbm>>
      %dma_start3A_64 = tpu.memref_squeeze %dma_start3A_63 : memref<1x1x2x112xi32, #tpu.memory_space<hbm>> -> memref<2x112xi32, #tpu.memory_space<hbm>>
      %dma_start3A_65 = arith.constant 0 : i32
      %dma_start3A_66 = arith.constant 0 : i32
      %dma_start3A_67 = tpu.memref_slice %arg3[%arg1, %add3A_25, %dma_start3A_65, %dma_start3A_66] : memref<16x180x2x112xi32, #tpu.memory_space<hbm>> -> memref<1x1x2x112xi32, #tpu.memory_space<hbm>>
      %dma_start3A_68 = tpu.memref_squeeze %dma_start3A_67 : memref<1x1x2x112xi32, #tpu.memory_space<hbm>> -> memref<2x112xi32, #tpu.memory_space<hbm>>
      tpu.enqueue_dma source(%dma_start3A_68 : memref<2x112xi32, #tpu.memory_space<hbm>>) target(%arg7 : memref<2x112xi32, #tpu.memory_space<vmem>>) target_semaphore(%run_scoped3A : memref<!tpu.dma_semaphore, #tpu.memory_space<semaphore_mem>>)
      %dma_wait3A = arith.constant 0 : i32
      %dma_wait3A_69 = arith.constant 0 : i32
      %dma_wait3A_70 = tpu.memref_slice %arg3[%arg1, %add3A_25, %dma_wait3A, %dma_wait3A_69] : memref<16x180x2x112xi32, #tpu.memory_space<hbm>> -> memref<1x1x2x112xi32, #tpu.memory_space<hbm>>
      %dma_wait3A_71 = tpu.memref_squeeze %dma_wait3A_70 : memref<1x1x2x112xi32, #tpu.memory_space<hbm>> -> memref<2x112xi32, #tpu.memory_space<hbm>>
      %dma_wait3A_72 = arith.constant 0 : i32
      %dma_wait3A_73 = arith.constant 0 : i32
      %dma_wait3A_74 = tpu.memref_slice %arg3[%arg1, %add3A_25, %dma_wait3A_72, %dma_wait3A_73] : memref<16x180x2x112xi32, #tpu.memory_space<hbm>> -> memref<1x1x2x112xi32, #tpu.memory_space<hbm>>
      %dma_wait3A_75 = tpu.memref_squeeze %dma_wait3A_74 : memref<1x1x2x112xi32, #tpu.memory_space<hbm>> -> memref<2x112xi32, #tpu.memory_space<hbm>>
      tpu.wait_dma2 semaphore(%run_scoped3A : memref<!tpu.dma_semaphore, #tpu.memory_space<semaphore_mem>>) src(%dma_wait3A_75 : memref<2x112xi32, #tpu.memory_space<hbm>>) dst(%arg7 : memref<2x112xi32, #tpu.memory_space<vmem>>)
      tpu.yield
    }) : () -> ()
    %dma_start3A_26 = arith.constant 0 : i32
    %dma_start3A_27 = arith.constant 0 : i32
    %dma_start3A_28 = tpu.memref_slice %arg7[%dma_start3A_26, %dma_start3A_27] : memref<2x112xi32, #tpu.memory_space<vmem>> -> memref<1x112xi32, #tpu.memory_space<vmem>>
    %dma_start3A_29 = tpu.memref_squeeze %dma_start3A_28 : memref<1x112xi32, #tpu.memory_space<vmem>> -> memref<112xi32, #tpu.memory_space<vmem>>
    %dma_start3A_30 = arith.constant 0 : i32
    %dma_start3A_31 = arith.constant 0 : i32
    %dma_start3A_32 = tpu.memref_slice %arg2[%dma_start3A_30, %dma_start3A_31] : memref<10240x128xf32, #tpu.memory_space<hbm>> -> memref<10240x128xf32, #tpu.memory_space<hbm>>
    tpu.enqueue_indirect_dma source(%dma_start3A_32 : memref<10240x128xf32, #tpu.memory_space<hbm>>) target(%arg10 : memref<112x128xf32, #tpu.memory_space<vmem>>) offsets(%dma_start3A_29 : memref<112xi32, #tpu.memory_space<vmem>>) semaphore(%arg14 : memref<!tpu.dma_semaphore, #tpu.memory_space<semaphore_mem>>)
    %jit3A_33 = arith.constant 3 : i32
    %div3A = arith.divsi %select_n3A_7, %jit3A_33 : i32
    %sign3A = arith.constant 0 : i32
    %sign3A_34 = arith.cmpi sgt, %select_n3A_7, %sign3A : i32
    %sign3A_35 = arith.extui %sign3A_34 : i1 to i32
    %sign3A_36 = arith.constant 0 : i32
    %sign3A_37 = arith.cmpi slt, %select_n3A_7, %sign3A_36 : i32
    %sign3A_38 = arith.extui %sign3A_37 : i1 to i32
    %sign3A_39 = arith.subi %sign3A_35, %sign3A_38 : i32
    %sign3A_40 = arith.constant 0 : i32
    %sign3A_41 = arith.cmpi sgt, %jit3A_33, %sign3A_40 : i32
    %sign3A_42 = arith.extui %sign3A_41 : i1 to i32
    %sign3A_43 = arith.constant 0 : i32
    %sign3A_44 = arith.cmpi slt, %jit3A_33, %sign3A_43 : i32
    %sign3A_45 = arith.extui %sign3A_44 : i1 to i32
    %sign3A_46 = arith.subi %sign3A_42, %sign3A_45 : i32
    %ne3A = arith.cmpi ne, %sign3A_39, %sign3A_46 : i32
    %rem3A = arith.remsi %select_n3A_7, %jit3A_33 : i32
    %ne3A_47 = arith.constant 0 : i32
    %ne3A_48 = arith.cmpi ne, %rem3A, %ne3A_47 : i32
    %and3A = arith.andi %ne3A, %ne3A_48 : i1
    %sub3A = arith.constant 1 : i32
    %sub3A_49 = arith.subi %div3A, %sub3A : i32
    %select_n3A_50 = arith.select %and3A, %sub3A_49, %div3A : i32
    %while3A = arith.constant 0 : i32
    %while3A_51 = arith.constant 0 : i32
    %while3A_52 = arith.subi %select_n3A_50, %while3A_51 : i32
    %while3A_53 = arith.addi %while3A_51, %while3A_52 : i32
    %while3A_54 = arith.constant 1 : i32
    %while3A_55 = arith.divsi %while3A_52, %while3A_54 : i32
    %while3A_56 = arith.muli %while3A_55, %while3A_54 : i32
    %while3A_57 = arith.addi %while3A_51, %while3A_56 : i32
    %while3A_58 = arith.constant 1 : i32
    scf.for %while3A_61 = %while3A_51 to %while3A_57 step %while3A_58  : i32 {
      %mul3A_62 = arith.constant 3 : i32
      %mul3A_63 = arith.muli %while3A_61, %mul3A_62 : i32
      %add3A_64 = arith.constant 0 : i32
      %add3A_65 = arith.addi %mul3A_63, %add3A_64 : i32
      %dma_wait3A = arith.constant 0 : i32
      %dma_wait3A_66 = arith.constant 0 : i32
      %dma_wait3A_67 = tpu.memref_slice %arg5[%dma_wait3A, %dma_wait3A_66] : memref<2x112xi32, #tpu.memory_space<vmem>> -> memref<1x112xi32, #tpu.memory_space<vmem>>
      %dma_wait3A_68 = tpu.memref_squeeze %dma_wait3A_67 : memref<1x112xi32, #tpu.memory_space<vmem>> -> memref<112xi32, #tpu.memory_space<vmem>>
      %dma_wait3A_69 = arith.constant 0 : i32
      %dma_wait3A_70 = arith.constant 0 : i32
      %dma_wait3A_71 = tpu.memref_slice %arg2[%dma_wait3A_69, %dma_wait3A_70] : memref<10240x128xf32, #tpu.memory_space<hbm>> -> memref<10240x128xf32, #tpu.memory_space<hbm>>
      tpu.wait_indirect_dma semaphore(%arg12 : memref<!tpu.dma_semaphore, #tpu.memory_space<semaphore_mem>>) src(%dma_wait3A_71 : memref<10240x128xf32, #tpu.memory_space<hbm>>) dst(%arg8 : memref<112x128xf32, #tpu.memory_space<vmem>>)
      %run_scoped3A = arith.constant 1 : i32
      "tpu.region"() ({
        %run_scoped3A_111 = tpu.sem_alloc : memref<!tpu.dma_semaphore, #tpu.memory_space<semaphore_mem>>
        %dma_start3A_112 = arith.constant 0 : i32
        %dma_start3A_113 = tpu.memref_slice %arg5[%run_scoped3A, %dma_start3A_112] : memref<2x112xi32, #tpu.memory_space<vmem>> -> memref<1x112xi32, #tpu.memory_space<vmem>>
        %dma_start3A_114 = tpu.memref_squeeze %dma_start3A_113 : memref<1x112xi32, #tpu.memory_space<vmem>> -> memref<112xi32, #tpu.memory_space<vmem>>
        %dma_start3A_115 = arith.constant 0 : i32
        %dma_start3A_116 = arith.constant 0 : i32
        %dma_start3A_117 = tpu.memref_slice %arg11[%dma_start3A_115, %dma_start3A_116] : memref<10240x128xf32, #tpu.memory_space<vmem_shared>> -> memref<10240x128xf32, #tpu.memory_space<vmem_shared>>
        tpu.enqueue_indirect_dma source(%arg8 : memref<112x128xf32, #tpu.memory_space<vmem>>) target(%dma_start3A_117 : memref<10240x128xf32, #tpu.memory_space<vmem_shared>>) offsets(%dma_start3A_114 : memref<112xi32, #tpu.memory_space<vmem>>) semaphore(%run_scoped3A_111 : memref<!tpu.dma_semaphore, #tpu.memory_space<semaphore_mem>>) {add = true}
        %dma_wait3A_118 = arith.constant 0 : i32
        %dma_wait3A_119 = tpu.memref_slice %arg5[%run_scoped3A, %dma_wait3A_118] : memref<2x112xi32, #tpu.memory_space<vmem>> -> memref<1x112xi32, #tpu.memory_space<vmem>>
        %dma_wait3A_120 = tpu.memref_squeeze %dma_wait3A_119 : memref<1x112xi32, #tpu.memory_space<vmem>> -> memref<112xi32, #tpu.memory_space<vmem>>
        %dma_wait3A_121 = arith.constant 0 : i32
        %dma_wait3A_122 = arith.constant 0 : i32
        %dma_wait3A_123 = tpu.memref_slice %arg11[%dma_wait3A_121, %dma_wait3A_122] : memref<10240x128xf32, #tpu.memory_space<vmem_shared>> -> memref<10240x128xf32, #tpu.memory_space<vmem_shared>>
        tpu.wait_indirect_dma semaphore(%run_scoped3A_111 : memref<!tpu.dma_semaphore, #tpu.memory_space<semaphore_mem>>) src(%arg8 : memref<112x128xf32, #tpu.memory_space<vmem>>) dst(%dma_wait3A_123 : memref<10240x128xf32, #tpu.memory_space<vmem_shared>>)
        tpu.yield
      }) : () -> ()
      %add3A_72 = arith.constant 3 : i32
      %add3A_73 = arith.addi %add3A_65, %add3A_72 : i32
      %lt3A = arith.cmpi slt, %add3A_73, %select_n3A_7 : i32
      %convert_element_type3A = arith.extui %lt3A : i1 to i32
      %cond3A = arith.constant 0 : i32
      %cond3A_74 = arith.cmpi ne, %convert_element_type3A, %cond3A : i32
      scf.if %cond3A_74 {
        %add3A_111 = arith.addi %select_n3A, %add3A_73 : i32
        "tpu.region"() ({
          %run_scoped3A_119 = tpu.sem_alloc : memref<!tpu.dma_semaphore, #tpu.memory_space<semaphore_mem>>
          %dma_start3A_120 = arith.constant 0 : i32
          %dma_start3A_121 = arith.constant 0 : i32
          %dma_start3A_122 = tpu.memref_slice %arg3[%arg1, %add3A_111, %dma_start3A_120, %dma_start3A_121] : memref<16x180x2x112xi32, #tpu.memory_space<hbm>> -> memref<1x1x2x112xi32, #tpu.memory_space<hbm>>
          %dma_start3A_123 = tpu.memref_squeeze %dma_start3A_122 : memref<1x1x2x112xi32, #tpu.memory_space<hbm>> -> memref<2x112xi32, #tpu.memory_space<hbm>>
          %dma_start3A_124 = arith.constant 0 : i32
          %dma_start3A_125 = arith.constant 0 : i32
          %dma_start3A_126 = tpu.memref_slice %arg3[%arg1, %add3A_111, %dma_start3A_124, %dma_start3A_125] : memref<16x180x2x112xi32, #tpu.memory_space<hbm>> -> memref<1x1x2x112xi32, #tpu.memory_space<hbm>>
          %dma_start3A_127 = tpu.memref_squeeze %dma_start3A_126 : memref<1x1x2x112xi32, #tpu.memory_space<hbm>> -> memref<2x112xi32, #tpu.memory_space<hbm>>
          tpu.enqueue_dma source(%dma_start3A_127 : memref<2x112xi32, #tpu.memory_space<hbm>>) target(%arg5 : memref<2x112xi32, #tpu.memory_space<vmem>>) target_semaphore(%run_scoped3A_119 : memref<!tpu.dma_semaphore, #tpu.memory_space<semaphore_mem>>)
          %dma_wait3A_128 = arith.constant 0 : i32
          %dma_wait3A_129 = arith.constant 0 : i32
          %dma_wait3A_130 = tpu.memref_slice %arg3[%arg1, %add3A_111, %dma_wait3A_128, %dma_wait3A_129] : memref<16x180x2x112xi32, #tpu.memory_space<hbm>> -> memref<1x1x2x112xi32, #tpu.memory_space<hbm>>
          %dma_wait3A_131 = tpu.memref_squeeze %dma_wait3A_130 : memref<1x1x2x112xi32, #tpu.memory_space<hbm>> -> memref<2x112xi32, #tpu.memory_space<hbm>>
          %dma_wait3A_132 = arith.constant 0 : i32
          %dma_wait3A_133 = arith.constant 0 : i32
          %dma_wait3A_134 = tpu.memref_slice %arg3[%arg1, %add3A_111, %dma_wait3A_132, %dma_wait3A_133] : memref<16x180x2x112xi32, #tpu.memory_space<hbm>> -> memref<1x1x2x112xi32, #tpu.memory_space<hbm>>
          %dma_wait3A_135 = tpu.memref_squeeze %dma_wait3A_134 : memref<1x1x2x112xi32, #tpu.memory_space<hbm>> -> memref<2x112xi32, #tpu.memory_space<hbm>>
          tpu.wait_dma2 semaphore(%run_scoped3A_119 : memref<!tpu.dma_semaphore, #tpu.memory_space<semaphore_mem>>) src(%dma_wait3A_135 : memref<2x112xi32, #tpu.memory_space<hbm>>) dst(%arg5 : memref<2x112xi32, #tpu.memory_space<vmem>>)
          tpu.yield
        }) : () -> ()
        %dma_start3A_112 = arith.constant 0 : i32
        %dma_start3A_113 = arith.constant 0 : i32
        %dma_start3A_114 = tpu.memref_slice %arg5[%dma_start3A_112, %dma_start3A_113] : memref<2x112xi32, #tpu.memory_space<vmem>> -> memref<1x112xi32, #tpu.memory_space<vmem>>
        %dma_start3A_115 = tpu.memref_squeeze %dma_start3A_114 : memref<1x112xi32, #tpu.memory_space<vmem>> -> memref<112xi32, #tpu.memory_space<vmem>>
        %dma_start3A_116 = arith.constant 0 : i32
        %dma_start3A_117 = arith.constant 0 : i32
        %dma_start3A_118 = tpu.memref_slice %arg2[%dma_start3A_116, %dma_start3A_117] : memref<10240x128xf32, #tpu.memory_space<hbm>> -> memref<10240x128xf32, #tpu.memory_space<hbm>>
        tpu.enqueue_indirect_dma source(%dma_start3A_118 : memref<10240x128xf32, #tpu.memory_space<hbm>>) target(%arg8 : memref<112x128xf32, #tpu.memory_space<vmem>>) offsets(%dma_start3A_115 : memref<112xi32, #tpu.memory_space<vmem>>) semaphore(%arg12 : memref<!tpu.dma_semaphore, #tpu.memory_space<semaphore_mem>>)
      } else {
      }
      %mul3A_75 = arith.constant 3 : i32
      %mul3A_76 = arith.muli %while3A_61, %mul3A_75 : i32
      %add3A_77 = arith.constant 1 : i32
      %add3A_78 = arith.addi %mul3A_76, %add3A_77 : i32
      %dma_wait3A_79 = arith.constant 0 : i32
      %dma_wait3A_80 = arith.constant 0 : i32
      %dma_wait3A_81 = tpu.memref_slice %arg6[%dma_wait3A_79, %dma_wait3A_80] : memref<2x112xi32, #tpu.memory_space<vmem>> -> memref<1x112xi32, #tpu.memory_space<vmem>>
      %dma_wait3A_82 = tpu.memref_squeeze %dma_wait3A_81 : memref<1x112xi32, #tpu.memory_space<vmem>> -> memref<112xi32, #tpu.memory_space<vmem>>
      %dma_wait3A_83 = arith.constant 0 : i32
      %dma_wait3A_84 = arith.constant 0 : i32
      %dma_wait3A_85 = tpu.memref_slice %arg2[%dma_wait3A_83, %dma_wait3A_84] : memref<10240x128xf32, #tpu.memory_space<hbm>> -> memref<10240x128xf32, #tpu.memory_space<hbm>>
      tpu.wait_indirect_dma semaphore(%arg13 : memref<!tpu.dma_semaphore, #tpu.memory_space<semaphore_mem>>) src(%dma_wait3A_85 : memref<10240x128xf32, #tpu.memory_space<hbm>>) dst(%arg9 : memref<112x128xf32, #tpu.memory_space<vmem>>)
      %run_scoped3A_86 = arith.constant 1 : i32
      "tpu.region"() ({
        %run_scoped3A_111 = tpu.sem_alloc : memref<!tpu.dma_semaphore, #tpu.memory_space<semaphore_mem>>
        %dma_start3A_112 = arith.constant 0 : i32
        %dma_start3A_113 = tpu.memref_slice %arg6[%run_scoped3A_86, %dma_start3A_112] : memref<2x112xi32, #tpu.memory_space<vmem>> -> memref<1x112xi32, #tpu.memory_space<vmem>>
        %dma_start3A_114 = tpu.memref_squeeze %dma_start3A_113 : memref<1x112xi32, #tpu.memory_space<vmem>> -> memref<112xi32, #tpu.memory_space<vmem>>
        %dma_start3A_115 = arith.constant 0 : i32
        %dma_start3A_116 = arith.constant 0 : i32
        %dma_start3A_117 = tpu.memref_slice %arg11[%dma_start3A_115, %dma_start3A_116] : memref<10240x128xf32, #tpu.memory_space<vmem_shared>> -> memref<10240x128xf32, #tpu.memory_space<vmem_shared>>
        tpu.enqueue_indirect_dma source(%arg9 : memref<112x128xf32, #tpu.memory_space<vmem>>) target(%dma_start3A_117 : memref<10240x128xf32, #tpu.memory_space<vmem_shared>>) offsets(%dma_start3A_114 : memref<112xi32, #tpu.memory_space<vmem>>) semaphore(%run_scoped3A_111 : memref<!tpu.dma_semaphore, #tpu.memory_space<semaphore_mem>>) {add = true}
        %dma_wait3A_118 = arith.constant 0 : i32
        %dma_wait3A_119 = tpu.memref_slice %arg6[%run_scoped3A_86, %dma_wait3A_118] : memref<2x112xi32, #tpu.memory_space<vmem>> -> memref<1x112xi32, #tpu.memory_space<vmem>>
        %dma_wait3A_120 = tpu.memref_squeeze %dma_wait3A_119 : memref<1x112xi32, #tpu.memory_space<vmem>> -> memref<112xi32, #tpu.memory_space<vmem>>
        %dma_wait3A_121 = arith.constant 0 : i32
        %dma_wait3A_122 = arith.constant 0 : i32
        %dma_wait3A_123 = tpu.memref_slice %arg11[%dma_wait3A_121, %dma_wait3A_122] : memref<10240x128xf32, #tpu.memory_space<vmem_shared>> -> memref<10240x128xf32, #tpu.memory_space<vmem_shared>>
        tpu.wait_indirect_dma semaphore(%run_scoped3A_111 : memref<!tpu.dma_semaphore, #tpu.memory_space<semaphore_mem>>) src(%arg9 : memref<112x128xf32, #tpu.memory_space<vmem>>) dst(%dma_wait3A_123 : memref<10240x128xf32, #tpu.memory_space<vmem_shared>>)
        tpu.yield
      }) : () -> ()
      %add3A_87 = arith.constant 3 : i32
      %add3A_88 = arith.addi %add3A_78, %add3A_87 : i32
      %lt3A_89 = arith.cmpi slt, %add3A_88, %select_n3A_7 : i32
      %convert_element_type3A_90 = arith.extui %lt3A_89 : i1 to i32
      %cond3A_91 = arith.constant 0 : i32
      %cond3A_92 = arith.cmpi ne, %convert_element_type3A_90, %cond3A_91 : i32
      scf.if %cond3A_92 {
        %add3A_111 = arith.addi %select_n3A, %add3A_88 : i32
        "tpu.region"() ({
          %run_scoped3A_119 = tpu.sem_alloc : memref<!tpu.dma_semaphore, #tpu.memory_space<semaphore_mem>>
          %dma_start3A_120 = arith.constant 0 : i32
          %dma_start3A_121 = arith.constant 0 : i32
          %dma_start3A_122 = tpu.memref_slice %arg3[%arg1, %add3A_111, %dma_start3A_120, %dma_start3A_121] : memref<16x180x2x112xi32, #tpu.memory_space<hbm>> -> memref<1x1x2x112xi32, #tpu.memory_space<hbm>>
          %dma_start3A_123 = tpu.memref_squeeze %dma_start3A_122 : memref<1x1x2x112xi32, #tpu.memory_space<hbm>> -> memref<2x112xi32, #tpu.memory_space<hbm>>
          %dma_start3A_124 = arith.constant 0 : i32
          %dma_start3A_125 = arith.constant 0 : i32
          %dma_start3A_126 = tpu.memref_slice %arg3[%arg1, %add3A_111, %dma_start3A_124, %dma_start3A_125] : memref<16x180x2x112xi32, #tpu.memory_space<hbm>> -> memref<1x1x2x112xi32, #tpu.memory_space<hbm>>
          %dma_start3A_127 = tpu.memref_squeeze %dma_start3A_126 : memref<1x1x2x112xi32, #tpu.memory_space<hbm>> -> memref<2x112xi32, #tpu.memory_space<hbm>>
          tpu.enqueue_dma source(%dma_start3A_127 : memref<2x112xi32, #tpu.memory_space<hbm>>) target(%arg6 : memref<2x112xi32, #tpu.memory_space<vmem>>) target_semaphore(%run_scoped3A_119 : memref<!tpu.dma_semaphore, #tpu.memory_space<semaphore_mem>>)
          %dma_wait3A_128 = arith.constant 0 : i32
          %dma_wait3A_129 = arith.constant 0 : i32
          %dma_wait3A_130 = tpu.memref_slice %arg3[%arg1, %add3A_111, %dma_wait3A_128, %dma_wait3A_129] : memref<16x180x2x112xi32, #tpu.memory_space<hbm>> -> memref<1x1x2x112xi32, #tpu.memory_space<hbm>>
          %dma_wait3A_131 = tpu.memref_squeeze %dma_wait3A_130 : memref<1x1x2x112xi32, #tpu.memory_space<hbm>> -> memref<2x112xi32, #tpu.memory_space<hbm>>
          %dma_wait3A_132 = arith.constant 0 : i32
          %dma_wait3A_133 = arith.constant 0 : i32
          %dma_wait3A_134 = tpu.memref_slice %arg3[%arg1, %add3A_111, %dma_wait3A_132, %dma_wait3A_133] : memref<16x180x2x112xi32, #tpu.memory_space<hbm>> -> memref<1x1x2x112xi32, #tpu.memory_space<hbm>>
          %dma_wait3A_135 = tpu.memref_squeeze %dma_wait3A_134 : memref<1x1x2x112xi32, #tpu.memory_space<hbm>> -> memref<2x112xi32, #tpu.memory_space<hbm>>
          tpu.wait_dma2 semaphore(%run_scoped3A_119 : memref<!tpu.dma_semaphore, #tpu.memory_space<semaphore_mem>>) src(%dma_wait3A_135 : memref<2x112xi32, #tpu.memory_space<hbm>>) dst(%arg6 : memref<2x112xi32, #tpu.memory_space<vmem>>)
          tpu.yield
        }) : () -> ()
        %dma_start3A_112 = arith.constant 0 : i32
        %dma_start3A_113 = arith.constant 0 : i32
        %dma_start3A_114 = tpu.memref_slice %arg6[%dma_start3A_112, %dma_start3A_113] : memref<2x112xi32, #tpu.memory_space<vmem>> -> memref<1x112xi32, #tpu.memory_space<vmem>>
        %dma_start3A_115 = tpu.memref_squeeze %dma_start3A_114 : memref<1x112xi32, #tpu.memory_space<vmem>> -> memref<112xi32, #tpu.memory_space<vmem>>
        %dma_start3A_116 = arith.constant 0 : i32
        %dma_start3A_117 = arith.constant 0 : i32
        %dma_start3A_118 = tpu.memref_slice %arg2[%dma_start3A_116, %dma_start3A_117] : memref<10240x128xf32, #tpu.memory_space<hbm>> -> memref<10240x128xf32, #tpu.memory_space<hbm>>
        tpu.enqueue_indirect_dma source(%dma_start3A_118 : memref<10240x128xf32, #tpu.memory_space<hbm>>) target(%arg9 : memref<112x128xf32, #tpu.memory_space<vmem>>) offsets(%dma_start3A_115 : memref<112xi32, #tpu.memory_space<vmem>>) semaphore(%arg13 : memref<!tpu.dma_semaphore, #tpu.memory_space<semaphore_mem>>)
      } else {
      }
      %mul3A_93 = arith.constant 3 : i32
      %mul3A_94 = arith.muli %while3A_61, %mul3A_93 : i32
      %add3A_95 = arith.constant 2 : i32
      %add3A_96 = arith.addi %mul3A_94, %add3A_95 : i32
      %dma_wait3A_97 = arith.constant 0 : i32
      %dma_wait3A_98 = arith.constant 0 : i32
      %dma_wait3A_99 = tpu.memref_slice %arg7[%dma_wait3A_97, %dma_wait3A_98] : memref<2x112xi32, #tpu.memory_space<vmem>> -> memref<1x112xi32, #tpu.memory_space<vmem>>
      %dma_wait3A_100 = tpu.memref_squeeze %dma_wait3A_99 : memref<1x112xi32, #tpu.memory_space<vmem>> -> memref<112xi32, #tpu.memory_space<vmem>>
      %dma_wait3A_101 = arith.constant 0 : i32
      %dma_wait3A_102 = arith.constant 0 : i32
      %dma_wait3A_103 = tpu.memref_slice %arg2[%dma_wait3A_101, %dma_wait3A_102] : memref<10240x128xf32, #tpu.memory_space<hbm>> -> memref<10240x128xf32, #tpu.memory_space<hbm>>
      tpu.wait_indirect_dma semaphore(%arg14 : memref<!tpu.dma_semaphore, #tpu.memory_space<semaphore_mem>>) src(%dma_wait3A_103 : memref<10240x128xf32, #tpu.memory_space<hbm>>) dst(%arg10 : memref<112x128xf32, #tpu.memory_space<vmem>>)
      %run_scoped3A_104 = arith.constant 1 : i32
      "tpu.region"() ({
        %run_scoped3A_111 = tpu.sem_alloc : memref<!tpu.dma_semaphore, #tpu.memory_space<semaphore_mem>>
        %dma_start3A_112 = arith.constant 0 : i32
        %dma_start3A_113 = tpu.memref_slice %arg7[%run_scoped3A_104, %dma_start3A_112] : memref<2x112xi32, #tpu.memory_space<vmem>> -> memref<1x112xi32, #tpu.memory_space<vmem>>
        %dma_start3A_114 = tpu.memref_squeeze %dma_start3A_113 : memref<1x112xi32, #tpu.memory_space<vmem>> -> memref<112xi32, #tpu.memory_space<vmem>>
        %dma_start3A_115 = arith.constant 0 : i32
        %dma_start3A_116 = arith.constant 0 : i32
        %dma_start3A_117 = tpu.memref_slice %arg11[%dma_start3A_115, %dma_start3A_116] : memref<10240x128xf32, #tpu.memory_space<vmem_shared>> -> memref<10240x128xf32, #tpu.memory_space<vmem_shared>>
        tpu.enqueue_indirect_dma source(%arg10 : memref<112x128xf32, #tpu.memory_space<vmem>>) target(%dma_start3A_117 : memref<10240x128xf32, #tpu.memory_space<vmem_shared>>) offsets(%dma_start3A_114 : memref<112xi32, #tpu.memory_space<vmem>>) semaphore(%run_scoped3A_111 : memref<!tpu.dma_semaphore, #tpu.memory_space<semaphore_mem>>) {add = true}
        %dma_wait3A_118 = arith.constant 0 : i32
        %dma_wait3A_119 = tpu.memref_slice %arg7[%run_scoped3A_104, %dma_wait3A_118] : memref<2x112xi32, #tpu.memory_space<vmem>> -> memref<1x112xi32, #tpu.memory_space<vmem>>
        %dma_wait3A_120 = tpu.memref_squeeze %dma_wait3A_119 : memref<1x112xi32, #tpu.memory_space<vmem>> -> memref<112xi32, #tpu.memory_space<vmem>>
        %dma_wait3A_121 = arith.constant 0 : i32
        %dma_wait3A_122 = arith.constant 0 : i32
        %dma_wait3A_123 = tpu.memref_slice %arg11[%dma_wait3A_121, %dma_wait3A_122] : memref<10240x128xf32, #tpu.memory_space<vmem_shared>> -> memref<10240x128xf32, #tpu.memory_space<vmem_shared>>
        tpu.wait_indirect_dma semaphore(%run_scoped3A_111 : memref<!tpu.dma_semaphore, #tpu.memory_space<semaphore_mem>>) src(%arg10 : memref<112x128xf32, #tpu.memory_space<vmem>>) dst(%dma_wait3A_123 : memref<10240x128xf32, #tpu.memory_space<vmem_shared>>)
        tpu.yield
      }) : () -> ()
      %add3A_105 = arith.constant 3 : i32
      %add3A_106 = arith.addi %add3A_96, %add3A_105 : i32
      %lt3A_107 = arith.cmpi slt, %add3A_106, %select_n3A_7 : i32
      %convert_element_type3A_108 = arith.extui %lt3A_107 : i1 to i32
      %cond3A_109 = arith.constant 0 : i32
      %cond3A_110 = arith.cmpi ne, %convert_element_type3A_108, %cond3A_109 : i32
      scf.if %cond3A_110 {
        %add3A_111 = arith.addi %select_n3A, %add3A_106 : i32
        "tpu.region"() ({
          %run_scoped3A_119 = tpu.sem_alloc : memref<!tpu.dma_semaphore, #tpu.memory_space<semaphore_mem>>
          %dma_start3A_120 = arith.constant 0 : i32
          %dma_start3A_121 = arith.constant 0 : i32
          %dma_start3A_122 = tpu.memref_slice %arg3[%arg1, %add3A_111, %dma_start3A_120, %dma_start3A_121] : memref<16x180x2x112xi32, #tpu.memory_space<hbm>> -> memref<1x1x2x112xi32, #tpu.memory_space<hbm>>
          %dma_start3A_123 = tpu.memref_squeeze %dma_start3A_122 : memref<1x1x2x112xi32, #tpu.memory_space<hbm>> -> memref<2x112xi32, #tpu.memory_space<hbm>>
          %dma_start3A_124 = arith.constant 0 : i32
          %dma_start3A_125 = arith.constant 0 : i32
          %dma_start3A_126 = tpu.memref_slice %arg3[%arg1, %add3A_111, %dma_start3A_124, %dma_start3A_125] : memref<16x180x2x112xi32, #tpu.memory_space<hbm>> -> memref<1x1x2x112xi32, #tpu.memory_space<hbm>>
          %dma_start3A_127 = tpu.memref_squeeze %dma_start3A_126 : memref<1x1x2x112xi32, #tpu.memory_space<hbm>> -> memref<2x112xi32, #tpu.memory_space<hbm>>
          tpu.enqueue_dma source(%dma_start3A_127 : memref<2x112xi32, #tpu.memory_space<hbm>>) target(%arg7 : memref<2x112xi32, #tpu.memory_space<vmem>>) target_semaphore(%run_scoped3A_119 : memref<!tpu.dma_semaphore, #tpu.memory_space<semaphore_mem>>)
          %dma_wait3A_128 = arith.constant 0 : i32
          %dma_wait3A_129 = arith.constant 0 : i32
          %dma_wait3A_130 = tpu.memref_slice %arg3[%arg1, %add3A_111, %dma_wait3A_128, %dma_wait3A_129] : memref<16x180x2x112xi32, #tpu.memory_space<hbm>> -> memref<1x1x2x112xi32, #tpu.memory_space<hbm>>
          %dma_wait3A_131 = tpu.memref_squeeze %dma_wait3A_130 : memref<1x1x2x112xi32, #tpu.memory_space<hbm>> -> memref<2x112xi32, #tpu.memory_space<hbm>>
          %dma_wait3A_132 = arith.constant 0 : i32
          %dma_wait3A_133 = arith.constant 0 : i32
          %dma_wait3A_134 = tpu.memref_slice %arg3[%arg1, %add3A_111, %dma_wait3A_132, %dma_wait3A_133] : memref<16x180x2x112xi32, #tpu.memory_space<hbm>> -> memref<1x1x2x112xi32, #tpu.memory_space<hbm>>
          %dma_wait3A_135 = tpu.memref_squeeze %dma_wait3A_134 : memref<1x1x2x112xi32, #tpu.memory_space<hbm>> -> memref<2x112xi32, #tpu.memory_space<hbm>>
          tpu.wait_dma2 semaphore(%run_scoped3A_119 : memref<!tpu.dma_semaphore, #tpu.memory_space<semaphore_mem>>) src(%dma_wait3A_135 : memref<2x112xi32, #tpu.memory_space<hbm>>) dst(%arg7 : memref<2x112xi32, #tpu.memory_space<vmem>>)
          tpu.yield
        }) : () -> ()
        %dma_start3A_112 = arith.constant 0 : i32
        %dma_start3A_113 = arith.constant 0 : i32
        %dma_start3A_114 = tpu.memref_slice %arg7[%dma_start3A_112, %dma_start3A_113] : memref<2x112xi32, #tpu.memory_space<vmem>> -> memref<1x112xi32, #tpu.memory_space<vmem>>
        %dma_start3A_115 = tpu.memref_squeeze %dma_start3A_114 : memref<1x112xi32, #tpu.memory_space<vmem>> -> memref<112xi32, #tpu.memory_space<vmem>>
        %dma_start3A_116 = arith.constant 0 : i32
        %dma_start3A_117 = arith.constant 0 : i32
        %dma_start3A_118 = tpu.memref_slice %arg2[%dma_start3A_116, %dma_start3A_117] : memref<10240x128xf32, #tpu.memory_space<hbm>> -> memref<10240x128xf32, #tpu.memory_space<hbm>>
        tpu.enqueue_indirect_dma source(%dma_start3A_118 : memref<10240x128xf32, #tpu.memory_space<hbm>>) target(%arg10 : memref<112x128xf32, #tpu.memory_space<vmem>>) offsets(%dma_start3A_115 : memref<112xi32, #tpu.memory_space<vmem>>) semaphore(%arg14 : memref<!tpu.dma_semaphore, #tpu.memory_space<semaphore_mem>>)
      } else {
      }
    }
    %while3A_59 = arith.constant 1 : i32
    scf.for %while3A_61 = %while3A_57 to %while3A_53 step %while3A_59  : i32 {
      %mul3A_62 = arith.constant 3 : i32
      %mul3A_63 = arith.muli %while3A_61, %mul3A_62 : i32
      %add3A_64 = arith.constant 0 : i32
      %add3A_65 = arith.addi %mul3A_63, %add3A_64 : i32
      %dma_wait3A = arith.constant 0 : i32
      %dma_wait3A_66 = arith.constant 0 : i32
      %dma_wait3A_67 = tpu.memref_slice %arg5[%dma_wait3A, %dma_wait3A_66] : memref<2x112xi32, #tpu.memory_space<vmem>> -> memref<1x112xi32, #tpu.memory_space<vmem>>
      %dma_wait3A_68 = tpu.memref_squeeze %dma_wait3A_67 : memref<1x112xi32, #tpu.memory_space<vmem>> -> memref<112xi32, #tpu.memory_space<vmem>>
      %dma_wait3A_69 = arith.constant 0 : i32
      %dma_wait3A_70 = arith.constant 0 : i32
      %dma_wait3A_71 = tpu.memref_slice %arg2[%dma_wait3A_69, %dma_wait3A_70] : memref<10240x128xf32, #tpu.memory_space<hbm>> -> memref<10240x128xf32, #tpu.memory_space<hbm>>
      tpu.wait_indirect_dma semaphore(%arg12 : memref<!tpu.dma_semaphore, #tpu.memory_space<semaphore_mem>>) src(%dma_wait3A_71 : memref<10240x128xf32, #tpu.memory_space<hbm>>) dst(%arg8 : memref<112x128xf32, #tpu.memory_space<vmem>>)
      %run_scoped3A = arith.constant 1 : i32
      "tpu.region"() ({
        %run_scoped3A_111 = tpu.sem_alloc : memref<!tpu.dma_semaphore, #tpu.memory_space<semaphore_mem>>
        %dma_start3A_112 = arith.constant 0 : i32
        %dma_start3A_113 = tpu.memref_slice %arg5[%run_scoped3A, %dma_start3A_112] : memref<2x112xi32, #tpu.memory_space<vmem>> -> memref<1x112xi32, #tpu.memory_space<vmem>>
        %dma_start3A_114 = tpu.memref_squeeze %dma_start3A_113 : memref<1x112xi32, #tpu.memory_space<vmem>> -> memref<112xi32, #tpu.memory_space<vmem>>
        %dma_start3A_115 = arith.constant 0 : i32
        %dma_start3A_116 = arith.constant 0 : i32
        %dma_start3A_117 = tpu.memref_slice %arg11[%dma_start3A_115, %dma_start3A_116] : memref<10240x128xf32, #tpu.memory_space<vmem_shared>> -> memref<10240x128xf32, #tpu.memory_space<vmem_shared>>
        tpu.enqueue_indirect_dma source(%arg8 : memref<112x128xf32, #tpu.memory_space<vmem>>) target(%dma_start3A_117 : memref<10240x128xf32, #tpu.memory_space<vmem_shared>>) offsets(%dma_start3A_114 : memref<112xi32, #tpu.memory_space<vmem>>) semaphore(%run_scoped3A_111 : memref<!tpu.dma_semaphore, #tpu.memory_space<semaphore_mem>>) {add = true}
        %dma_wait3A_118 = arith.constant 0 : i32
        %dma_wait3A_119 = tpu.memref_slice %arg5[%run_scoped3A, %dma_wait3A_118] : memref<2x112xi32, #tpu.memory_space<vmem>> -> memref<1x112xi32, #tpu.memory_space<vmem>>
        %dma_wait3A_120 = tpu.memref_squeeze %dma_wait3A_119 : memref<1x112xi32, #tpu.memory_space<vmem>> -> memref<112xi32, #tpu.memory_space<vmem>>
        %dma_wait3A_121 = arith.constant 0 : i32
        %dma_wait3A_122 = arith.constant 0 : i32
        %dma_wait3A_123 = tpu.memref_slice %arg11[%dma_wait3A_121, %dma_wait3A_122] : memref<10240x128xf32, #tpu.memory_space<vmem_shared>> -> memref<10240x128xf32, #tpu.memory_space<vmem_shared>>
        tpu.wait_indirect_dma semaphore(%run_scoped3A_111 : memref<!tpu.dma_semaphore, #tpu.memory_space<semaphore_mem>>) src(%arg8 : memref<112x128xf32, #tpu.memory_space<vmem>>) dst(%dma_wait3A_123 : memref<10240x128xf32, #tpu.memory_space<vmem_shared>>)
        tpu.yield
      }) : () -> ()
      %add3A_72 = arith.constant 3 : i32
      %add3A_73 = arith.addi %add3A_65, %add3A_72 : i32
      %lt3A = arith.cmpi slt, %add3A_73, %select_n3A_7 : i32
      %convert_element_type3A = arith.extui %lt3A : i1 to i32
      %cond3A = arith.constant 0 : i32
      %cond3A_74 = arith.cmpi ne, %convert_element_type3A, %cond3A : i32
      scf.if %cond3A_74 {
        %add3A_111 = arith.addi %select_n3A, %add3A_73 : i32
        "tpu.region"() ({
          %run_scoped3A_119 = tpu.sem_alloc : memref<!tpu.dma_semaphore, #tpu.memory_space<semaphore_mem>>
          %dma_start3A_120 = arith.constant 0 : i32
          %dma_start3A_121 = arith.constant 0 : i32
          %dma_start3A_122 = tpu.memref_slice %arg3[%arg1, %add3A_111, %dma_start3A_120, %dma_start3A_121] : memref<16x180x2x112xi32, #tpu.memory_space<hbm>> -> memref<1x1x2x112xi32, #tpu.memory_space<hbm>>
          %dma_start3A_123 = tpu.memref_squeeze %dma_start3A_122 : memref<1x1x2x112xi32, #tpu.memory_space<hbm>> -> memref<2x112xi32, #tpu.memory_space<hbm>>
          %dma_start3A_124 = arith.constant 0 : i32
          %dma_start3A_125 = arith.constant 0 : i32
          %dma_start3A_126 = tpu.memref_slice %arg3[%arg1, %add3A_111, %dma_start3A_124, %dma_start3A_125] : memref<16x180x2x112xi32, #tpu.memory_space<hbm>> -> memref<1x1x2x112xi32, #tpu.memory_space<hbm>>
          %dma_start3A_127 = tpu.memref_squeeze %dma_start3A_126 : memref<1x1x2x112xi32, #tpu.memory_space<hbm>> -> memref<2x112xi32, #tpu.memory_space<hbm>>
          tpu.enqueue_dma source(%dma_start3A_127 : memref<2x112xi32, #tpu.memory_space<hbm>>) target(%arg5 : memref<2x112xi32, #tpu.memory_space<vmem>>) target_semaphore(%run_scoped3A_119 : memref<!tpu.dma_semaphore, #tpu.memory_space<semaphore_mem>>)
          %dma_wait3A_128 = arith.constant 0 : i32
          %dma_wait3A_129 = arith.constant 0 : i32
          %dma_wait3A_130 = tpu.memref_slice %arg3[%arg1, %add3A_111, %dma_wait3A_128, %dma_wait3A_129] : memref<16x180x2x112xi32, #tpu.memory_space<hbm>> -> memref<1x1x2x112xi32, #tpu.memory_space<hbm>>
          %dma_wait3A_131 = tpu.memref_squeeze %dma_wait3A_130 : memref<1x1x2x112xi32, #tpu.memory_space<hbm>> -> memref<2x112xi32, #tpu.memory_space<hbm>>
          %dma_wait3A_132 = arith.constant 0 : i32
          %dma_wait3A_133 = arith.constant 0 : i32
          %dma_wait3A_134 = tpu.memref_slice %arg3[%arg1, %add3A_111, %dma_wait3A_132, %dma_wait3A_133] : memref<16x180x2x112xi32, #tpu.memory_space<hbm>> -> memref<1x1x2x112xi32, #tpu.memory_space<hbm>>
          %dma_wait3A_135 = tpu.memref_squeeze %dma_wait3A_134 : memref<1x1x2x112xi32, #tpu.memory_space<hbm>> -> memref<2x112xi32, #tpu.memory_space<hbm>>
          tpu.wait_dma2 semaphore(%run_scoped3A_119 : memref<!tpu.dma_semaphore, #tpu.memory_space<semaphore_mem>>) src(%dma_wait3A_135 : memref<2x112xi32, #tpu.memory_space<hbm>>) dst(%arg5 : memref<2x112xi32, #tpu.memory_space<vmem>>)
          tpu.yield
        }) : () -> ()
        %dma_start3A_112 = arith.constant 0 : i32
        %dma_start3A_113 = arith.constant 0 : i32
        %dma_start3A_114 = tpu.memref_slice %arg5[%dma_start3A_112, %dma_start3A_113] : memref<2x112xi32, #tpu.memory_space<vmem>> -> memref<1x112xi32, #tpu.memory_space<vmem>>
        %dma_start3A_115 = tpu.memref_squeeze %dma_start3A_114 : memref<1x112xi32, #tpu.memory_space<vmem>> -> memref<112xi32, #tpu.memory_space<vmem>>
        %dma_start3A_116 = arith.constant 0 : i32
        %dma_start3A_117 = arith.constant 0 : i32
        %dma_start3A_118 = tpu.memref_slice %arg2[%dma_start3A_116, %dma_start3A_117] : memref<10240x128xf32, #tpu.memory_space<hbm>> -> memref<10240x128xf32, #tpu.memory_space<hbm>>
        tpu.enqueue_indirect_dma source(%dma_start3A_118 : memref<10240x128xf32, #tpu.memory_space<hbm>>) target(%arg8 : memref<112x128xf32, #tpu.memory_space<vmem>>) offsets(%dma_start3A_115 : memref<112xi32, #tpu.memory_space<vmem>>) semaphore(%arg12 : memref<!tpu.dma_semaphore, #tpu.memory_space<semaphore_mem>>)
      } else {
      }
      %mul3A_75 = arith.constant 3 : i32
      %mul3A_76 = arith.muli %while3A_61, %mul3A_75 : i32
      %add3A_77 = arith.constant 1 : i32
      %add3A_78 = arith.addi %mul3A_76, %add3A_77 : i32
      %dma_wait3A_79 = arith.constant 0 : i32
      %dma_wait3A_80 = arith.constant 0 : i32
      %dma_wait3A_81 = tpu.memref_slice %arg6[%dma_wait3A_79, %dma_wait3A_80] : memref<2x112xi32, #tpu.memory_space<vmem>> -> memref<1x112xi32, #tpu.memory_space<vmem>>
      %dma_wait3A_82 = tpu.memref_squeeze %dma_wait3A_81 : memref<1x112xi32, #tpu.memory_space<vmem>> -> memref<112xi32, #tpu.memory_space<vmem>>
      %dma_wait3A_83 = arith.constant 0 : i32
      %dma_wait3A_84 = arith.constant 0 : i32
      %dma_wait3A_85 = tpu.memref_slice %arg2[%dma_wait3A_83, %dma_wait3A_84] : memref<10240x128xf32, #tpu.memory_space<hbm>> -> memref<10240x128xf32, #tpu.memory_space<hbm>>
      tpu.wait_indirect_dma semaphore(%arg13 : memref<!tpu.dma_semaphore, #tpu.memory_space<semaphore_mem>>) src(%dma_wait3A_85 : memref<10240x128xf32, #tpu.memory_space<hbm>>) dst(%arg9 : memref<112x128xf32, #tpu.memory_space<vmem>>)
      %run_scoped3A_86 = arith.constant 1 : i32
      "tpu.region"() ({
        %run_scoped3A_111 = tpu.sem_alloc : memref<!tpu.dma_semaphore, #tpu.memory_space<semaphore_mem>>
        %dma_start3A_112 = arith.constant 0 : i32
        %dma_start3A_113 = tpu.memref_slice %arg6[%run_scoped3A_86, %dma_start3A_112] : memref<2x112xi32, #tpu.memory_space<vmem>> -> memref<1x112xi32, #tpu.memory_space<vmem>>
        %dma_start3A_114 = tpu.memref_squeeze %dma_start3A_113 : memref<1x112xi32, #tpu.memory_space<vmem>> -> memref<112xi32, #tpu.memory_space<vmem>>
        %dma_start3A_115 = arith.constant 0 : i32
        %dma_start3A_116 = arith.constant 0 : i32
        %dma_start3A_117 = tpu.memref_slice %arg11[%dma_start3A_115, %dma_start3A_116] : memref<10240x128xf32, #tpu.memory_space<vmem_shared>> -> memref<10240x128xf32, #tpu.memory_space<vmem_shared>>
        tpu.enqueue_indirect_dma source(%arg9 : memref<112x128xf32, #tpu.memory_space<vmem>>) target(%dma_start3A_117 : memref<10240x128xf32, #tpu.memory_space<vmem_shared>>) offsets(%dma_start3A_114 : memref<112xi32, #tpu.memory_space<vmem>>) semaphore(%run_scoped3A_111 : memref<!tpu.dma_semaphore, #tpu.memory_space<semaphore_mem>>) {add = true}
        %dma_wait3A_118 = arith.constant 0 : i32
        %dma_wait3A_119 = tpu.memref_slice %arg6[%run_scoped3A_86, %dma_wait3A_118] : memref<2x112xi32, #tpu.memory_space<vmem>> -> memref<1x112xi32, #tpu.memory_space<vmem>>
        %dma_wait3A_120 = tpu.memref_squeeze %dma_wait3A_119 : memref<1x112xi32, #tpu.memory_space<vmem>> -> memref<112xi32, #tpu.memory_space<vmem>>
        %dma_wait3A_121 = arith.constant 0 : i32
        %dma_wait3A_122 = arith.constant 0 : i32
        %dma_wait3A_123 = tpu.memref_slice %arg11[%dma_wait3A_121, %dma_wait3A_122] : memref<10240x128xf32, #tpu.memory_space<vmem_shared>> -> memref<10240x128xf32, #tpu.memory_space<vmem_shared>>
        tpu.wait_indirect_dma semaphore(%run_scoped3A_111 : memref<!tpu.dma_semaphore, #tpu.memory_space<semaphore_mem>>) src(%arg9 : memref<112x128xf32, #tpu.memory_space<vmem>>) dst(%dma_wait3A_123 : memref<10240x128xf32, #tpu.memory_space<vmem_shared>>)
        tpu.yield
      }) : () -> ()
      %add3A_87 = arith.constant 3 : i32
      %add3A_88 = arith.addi %add3A_78, %add3A_87 : i32
      %lt3A_89 = arith.cmpi slt, %add3A_88, %select_n3A_7 : i32
      %convert_element_type3A_90 = arith.extui %lt3A_89 : i1 to i32
      %cond3A_91 = arith.constant 0 : i32
      %cond3A_92 = arith.cmpi ne, %convert_element_type3A_90, %cond3A_91 : i32
      scf.if %cond3A_92 {
        %add3A_111 = arith.addi %select_n3A, %add3A_88 : i32
        "tpu.region"() ({
          %run_scoped3A_119 = tpu.sem_alloc : memref<!tpu.dma_semaphore, #tpu.memory_space<semaphore_mem>>
          %dma_start3A_120 = arith.constant 0 : i32
          %dma_start3A_121 = arith.constant 0 : i32
          %dma_start3A_122 = tpu.memref_slice %arg3[%arg1, %add3A_111, %dma_start3A_120, %dma_start3A_121] : memref<16x180x2x112xi32, #tpu.memory_space<hbm>> -> memref<1x1x2x112xi32, #tpu.memory_space<hbm>>
          %dma_start3A_123 = tpu.memref_squeeze %dma_start3A_122 : memref<1x1x2x112xi32, #tpu.memory_space<hbm>> -> memref<2x112xi32, #tpu.memory_space<hbm>>
          %dma_start3A_124 = arith.constant 0 : i32
          %dma_start3A_125 = arith.constant 0 : i32
          %dma_start3A_126 = tpu.memref_slice %arg3[%arg1, %add3A_111, %dma_start3A_124, %dma_start3A_125] : memref<16x180x2x112xi32, #tpu.memory_space<hbm>> -> memref<1x1x2x112xi32, #tpu.memory_space<hbm>>
          %dma_start3A_127 = tpu.memref_squeeze %dma_start3A_126 : memref<1x1x2x112xi32, #tpu.memory_space<hbm>> -> memref<2x112xi32, #tpu.memory_space<hbm>>
          tpu.enqueue_dma source(%dma_start3A_127 : memref<2x112xi32, #tpu.memory_space<hbm>>) target(%arg6 : memref<2x112xi32, #tpu.memory_space<vmem>>) target_semaphore(%run_scoped3A_119 : memref<!tpu.dma_semaphore, #tpu.memory_space<semaphore_mem>>)
          %dma_wait3A_128 = arith.constant 0 : i32
          %dma_wait3A_129 = arith.constant 0 : i32
          %dma_wait3A_130 = tpu.memref_slice %arg3[%arg1, %add3A_111, %dma_wait3A_128, %dma_wait3A_129] : memref<16x180x2x112xi32, #tpu.memory_space<hbm>> -> memref<1x1x2x112xi32, #tpu.memory_space<hbm>>
          %dma_wait3A_131 = tpu.memref_squeeze %dma_wait3A_130 : memref<1x1x2x112xi32, #tpu.memory_space<hbm>> -> memref<2x112xi32, #tpu.memory_space<hbm>>
          %dma_wait3A_132 = arith.constant 0 : i32
          %dma_wait3A_133 = arith.constant 0 : i32
          %dma_wait3A_134 = tpu.memref_slice %arg3[%arg1, %add3A_111, %dma_wait3A_132, %dma_wait3A_133] : memref<16x180x2x112xi32, #tpu.memory_space<hbm>> -> memref<1x1x2x112xi32, #tpu.memory_space<hbm>>
          %dma_wait3A_135 = tpu.memref_squeeze %dma_wait3A_134 : memref<1x1x2x112xi32, #tpu.memory_space<hbm>> -> memref<2x112xi32, #tpu.memory_space<hbm>>
          tpu.wait_dma2 semaphore(%run_scoped3A_119 : memref<!tpu.dma_semaphore, #tpu.memory_space<semaphore_mem>>) src(%dma_wait3A_135 : memref<2x112xi32, #tpu.memory_space<hbm>>) dst(%arg6 : memref<2x112xi32, #tpu.memory_space<vmem>>)
          tpu.yield
        }) : () -> ()
        %dma_start3A_112 = arith.constant 0 : i32
        %dma_start3A_113 = arith.constant 0 : i32
        %dma_start3A_114 = tpu.memref_slice %arg6[%dma_start3A_112, %dma_start3A_113] : memref<2x112xi32, #tpu.memory_space<vmem>> -> memref<1x112xi32, #tpu.memory_space<vmem>>
        %dma_start3A_115 = tpu.memref_squeeze %dma_start3A_114 : memref<1x112xi32, #tpu.memory_space<vmem>> -> memref<112xi32, #tpu.memory_space<vmem>>
        %dma_start3A_116 = arith.constant 0 : i32
        %dma_start3A_117 = arith.constant 0 : i32
        %dma_start3A_118 = tpu.memref_slice %arg2[%dma_start3A_116, %dma_start3A_117] : memref<10240x128xf32, #tpu.memory_space<hbm>> -> memref<10240x128xf32, #tpu.memory_space<hbm>>
        tpu.enqueue_indirect_dma source(%dma_start3A_118 : memref<10240x128xf32, #tpu.memory_space<hbm>>) target(%arg9 : memref<112x128xf32, #tpu.memory_space<vmem>>) offsets(%dma_start3A_115 : memref<112xi32, #tpu.memory_space<vmem>>) semaphore(%arg13 : memref<!tpu.dma_semaphore, #tpu.memory_space<semaphore_mem>>)
      } else {
      }
      %mul3A_93 = arith.constant 3 : i32
      %mul3A_94 = arith.muli %while3A_61, %mul3A_93 : i32
      %add3A_95 = arith.constant 2 : i32
      %add3A_96 = arith.addi %mul3A_94, %add3A_95 : i32
      %dma_wait3A_97 = arith.constant 0 : i32
      %dma_wait3A_98 = arith.constant 0 : i32
      %dma_wait3A_99 = tpu.memref_slice %arg7[%dma_wait3A_97, %dma_wait3A_98] : memref<2x112xi32, #tpu.memory_space<vmem>> -> memref<1x112xi32, #tpu.memory_space<vmem>>
      %dma_wait3A_100 = tpu.memref_squeeze %dma_wait3A_99 : memref<1x112xi32, #tpu.memory_space<vmem>> -> memref<112xi32, #tpu.memory_space<vmem>>
      %dma_wait3A_101 = arith.constant 0 : i32
      %dma_wait3A_102 = arith.constant 0 : i32
      %dma_wait3A_103 = tpu.memref_slice %arg2[%dma_wait3A_101, %dma_wait3A_102] : memref<10240x128xf32, #tpu.memory_space<hbm>> -> memref<10240x128xf32, #tpu.memory_space<hbm>>
      tpu.wait_indirect_dma semaphore(%arg14 : memref<!tpu.dma_semaphore, #tpu.memory_space<semaphore_mem>>) src(%dma_wait3A_103 : memref<10240x128xf32, #tpu.memory_space<hbm>>) dst(%arg10 : memref<112x128xf32, #tpu.memory_space<vmem>>)
      %run_scoped3A_104 = arith.constant 1 : i32
      "tpu.region"() ({
        %run_scoped3A_111 = tpu.sem_alloc : memref<!tpu.dma_semaphore, #tpu.memory_space<semaphore_mem>>
        %dma_start3A_112 = arith.constant 0 : i32
        %dma_start3A_113 = tpu.memref_slice %arg7[%run_scoped3A_104, %dma_start3A_112] : memref<2x112xi32, #tpu.memory_space<vmem>> -> memref<1x112xi32, #tpu.memory_space<vmem>>
        %dma_start3A_114 = tpu.memref_squeeze %dma_start3A_113 : memref<1x112xi32, #tpu.memory_space<vmem>> -> memref<112xi32, #tpu.memory_space<vmem>>
        %dma_start3A_115 = arith.constant 0 : i32
        %dma_start3A_116 = arith.constant 0 : i32
        %dma_start3A_117 = tpu.memref_slice %arg11[%dma_start3A_115, %dma_start3A_116] : memref<10240x128xf32, #tpu.memory_space<vmem_shared>> -> memref<10240x128xf32, #tpu.memory_space<vmem_shared>>
        tpu.enqueue_indirect_dma source(%arg10 : memref<112x128xf32, #tpu.memory_space<vmem>>) target(%dma_start3A_117 : memref<10240x128xf32, #tpu.memory_space<vmem_shared>>) offsets(%dma_start3A_114 : memref<112xi32, #tpu.memory_space<vmem>>) semaphore(%run_scoped3A_111 : memref<!tpu.dma_semaphore, #tpu.memory_space<semaphore_mem>>) {add = true}
        %dma_wait3A_118 = arith.constant 0 : i32
        %dma_wait3A_119 = tpu.memref_slice %arg7[%run_scoped3A_104, %dma_wait3A_118] : memref<2x112xi32, #tpu.memory_space<vmem>> -> memref<1x112xi32, #tpu.memory_space<vmem>>
        %dma_wait3A_120 = tpu.memref_squeeze %dma_wait3A_119 : memref<1x112xi32, #tpu.memory_space<vmem>> -> memref<112xi32, #tpu.memory_space<vmem>>
        %dma_wait3A_121 = arith.constant 0 : i32
        %dma_wait3A_122 = arith.constant 0 : i32
        %dma_wait3A_123 = tpu.memref_slice %arg11[%dma_wait3A_121, %dma_wait3A_122] : memref<10240x128xf32, #tpu.memory_space<vmem_shared>> -> memref<10240x128xf32, #tpu.memory_space<vmem_shared>>
        tpu.wait_indirect_dma semaphore(%run_scoped3A_111 : memref<!tpu.dma_semaphore, #tpu.memory_space<semaphore_mem>>) src(%arg10 : memref<112x128xf32, #tpu.memory_space<vmem>>) dst(%dma_wait3A_123 : memref<10240x128xf32, #tpu.memory_space<vmem_shared>>)
        tpu.yield
      }) : () -> ()
      %add3A_105 = arith.constant 3 : i32
      %add3A_106 = arith.addi %add3A_96, %add3A_105 : i32
      %lt3A_107 = arith.cmpi slt, %add3A_106, %select_n3A_7 : i32
      %convert_element_type3A_108 = arith.extui %lt3A_107 : i1 to i32
      %cond3A_109 = arith.constant 0 : i32
      %cond3A_110 = arith.cmpi ne, %convert_element_type3A_108, %cond3A_109 : i32
      scf.if %cond3A_110 {
        %add3A_111 = arith.addi %select_n3A, %add3A_106 : i32
        "tpu.region"() ({
          %run_scoped3A_119 = tpu.sem_alloc : memref<!tpu.dma_semaphore, #tpu.memory_space<semaphore_mem>>
          %dma_start3A_120 = arith.constant 0 : i32
          %dma_start3A_121 = arith.constant 0 : i32
          %dma_start3A_122 = tpu.memref_slice %arg3[%arg1, %add3A_111, %dma_start3A_120, %dma_start3A_121] : memref<16x180x2x112xi32, #tpu.memory_space<hbm>> -> memref<1x1x2x112xi32, #tpu.memory_space<hbm>>
          %dma_start3A_123 = tpu.memref_squeeze %dma_start3A_122 : memref<1x1x2x112xi32, #tpu.memory_space<hbm>> -> memref<2x112xi32, #tpu.memory_space<hbm>>
          %dma_start3A_124 = arith.constant 0 : i32
          %dma_start3A_125 = arith.constant 0 : i32
          %dma_start3A_126 = tpu.memref_slice %arg3[%arg1, %add3A_111, %dma_start3A_124, %dma_start3A_125] : memref<16x180x2x112xi32, #tpu.memory_space<hbm>> -> memref<1x1x2x112xi32, #tpu.memory_space<hbm>>
          %dma_start3A_127 = tpu.memref_squeeze %dma_start3A_126 : memref<1x1x2x112xi32, #tpu.memory_space<hbm>> -> memref<2x112xi32, #tpu.memory_space<hbm>>
          tpu.enqueue_dma source(%dma_start3A_127 : memref<2x112xi32, #tpu.memory_space<hbm>>) target(%arg7 : memref<2x112xi32, #tpu.memory_space<vmem>>) target_semaphore(%run_scoped3A_119 : memref<!tpu.dma_semaphore, #tpu.memory_space<semaphore_mem>>)
          %dma_wait3A_128 = arith.constant 0 : i32
          %dma_wait3A_129 = arith.constant 0 : i32
          %dma_wait3A_130 = tpu.memref_slice %arg3[%arg1, %add3A_111, %dma_wait3A_128, %dma_wait3A_129] : memref<16x180x2x112xi32, #tpu.memory_space<hbm>> -> memref<1x1x2x112xi32, #tpu.memory_space<hbm>>
          %dma_wait3A_131 = tpu.memref_squeeze %dma_wait3A_130 : memref<1x1x2x112xi32, #tpu.memory_space<hbm>> -> memref<2x112xi32, #tpu.memory_space<hbm>>
          %dma_wait3A_132 = arith.constant 0 : i32
          %dma_wait3A_133 = arith.constant 0 : i32
          %dma_wait3A_134 = tpu.memref_slice %arg3[%arg1, %add3A_111, %dma_wait3A_132, %dma_wait3A_133] : memref<16x180x2x112xi32, #tpu.memory_space<hbm>> -> memref<1x1x2x112xi32, #tpu.memory_space<hbm>>
          %dma_wait3A_135 = tpu.memref_squeeze %dma_wait3A_134 : memref<1x1x2x112xi32, #tpu.memory_space<hbm>> -> memref<2x112xi32, #tpu.memory_space<hbm>>
          tpu.wait_dma2 semaphore(%run_scoped3A_119 : memref<!tpu.dma_semaphore, #tpu.memory_space<semaphore_mem>>) src(%dma_wait3A_135 : memref<2x112xi32, #tpu.memory_space<hbm>>) dst(%arg7 : memref<2x112xi32, #tpu.memory_space<vmem>>)
          tpu.yield
        }) : () -> ()
        %dma_start3A_112 = arith.constant 0 : i32
        %dma_start3A_113 = arith.constant 0 : i32
        %dma_start3A_114 = tpu.memref_slice %arg7[%dma_start3A_112, %dma_start3A_113] : memref<2x112xi32, #tpu.memory_space<vmem>> -> memref<1x112xi32, #tpu.memory_space<vmem>>
        %dma_start3A_115 = tpu.memref_squeeze %dma_start3A_114 : memref<1x112xi32, #tpu.memory_space<vmem>> -> memref<112xi32, #tpu.memory_space<vmem>>
        %dma_start3A_116 = arith.constant 0 : i32
        %dma_start3A_117 = arith.constant 0 : i32
        %dma_start3A_118 = tpu.memref_slice %arg2[%dma_start3A_116, %dma_start3A_117] : memref<10240x128xf32, #tpu.memory_space<hbm>> -> memref<10240x128xf32, #tpu.memory_space<hbm>>
        tpu.enqueue_indirect_dma source(%dma_start3A_118 : memref<10240x128xf32, #tpu.memory_space<hbm>>) target(%arg10 : memref<112x128xf32, #tpu.memory_space<vmem>>) offsets(%dma_start3A_115 : memref<112xi32, #tpu.memory_space<vmem>>) semaphore(%arg14 : memref<!tpu.dma_semaphore, #tpu.memory_space<semaphore_mem>>)
      } else {
      }
    }
    %barrier3A_60 = arith.constant 0 : index
    tpu.barrier barrier_id(%barrier3A_60)
    "tpu.region"() ({
      %run_scoped3A = tpu.sem_alloc : memref<!tpu.dma_semaphore, #tpu.memory_space<semaphore_mem>>
      %dma_start3A_61 = arith.constant 0 : i32
      %dma_start3A_62 = tpu.memref_slice %arg4[%arg0, %mul3A_0, %dma_start3A_61] : memref<2x10240x128xf32, #tpu.memory_space<hbm>> -> memref<1x640x128xf32, #tpu.memory_space<hbm>>
      %dma_start3A_63 = tpu.memref_squeeze %dma_start3A_62 : memref<1x640x128xf32, #tpu.memory_space<hbm>> -> memref<640x128xf32, #tpu.memory_space<hbm>>
      %dma_start3A_64 = arith.constant 0 : i32
      %dma_start3A_65 = tpu.memref_slice %arg11[%mul3A_0, %dma_start3A_64] : memref<10240x128xf32, #tpu.memory_space<vmem_shared>> -> memref<640x128xf32, #tpu.memory_space<vmem_shared>>
      tpu.enqueue_dma source(%dma_start3A_65 : memref<640x128xf32, #tpu.memory_space<vmem_shared>>) target(%dma_start3A_63 : memref<640x128xf32, #tpu.memory_space<hbm>>) target_semaphore(%run_scoped3A : memref<!tpu.dma_semaphore, #tpu.memory_space<semaphore_mem>>)
      %dma_wait3A = arith.constant 0 : i32
      %dma_wait3A_66 = tpu.memref_slice %arg4[%arg0, %mul3A_0, %dma_wait3A] : memref<2x10240x128xf32, #tpu.memory_space<hbm>> -> memref<1x640x128xf32, #tpu.memory_space<hbm>>
      %dma_wait3A_67 = tpu.memref_squeeze %dma_wait3A_66 : memref<1x640x128xf32, #tpu.memory_space<hbm>> -> memref<640x128xf32, #tpu.memory_space<hbm>>
      %dma_wait3A_68 = arith.constant 0 : i32
      %dma_wait3A_69 = tpu.memref_slice %arg11[%mul3A_0, %dma_wait3A_68] : memref<10240x128xf32, #tpu.memory_space<vmem_shared>> -> memref<640x128xf32, #tpu.memory_space<vmem_shared>>
      tpu.wait_dma2 semaphore(%run_scoped3A : memref<!tpu.dma_semaphore, #tpu.memory_space<semaphore_mem>>) src(%dma_wait3A_69 : memref<640x128xf32, #tpu.memory_space<vmem_shared>>) dst(%dma_wait3A_67 : memref<640x128xf32, #tpu.memory_space<hbm>>)
      tpu.yield
    }) : () -> ()
    return
  }
}

#map = affine_map<(d0, d1) -> (0, 0)>
#map1 = affine_map<(d0, d1) -> (0, 0, 0, 0)>
#map2 = affine_map<(d0, d1) -> (0, 0, 0)>
module attributes {stable_mosaic.version = 14 : i64} {
  func.func @body(%arg0: i32, %arg1: i32, %arg2: memref<10240x128xf32, #tpu.memory_space<hbm>>, %arg3: memref<16x180x2x112xi32, #tpu.memory_space<hbm>>, %arg4: memref<2x10240x128xf32, #tpu.memory_space<hbm>>, %arg5: memref<2x112xi32, #tpu.memory_space<vmem>>, %arg6: memref<2x112xi32, #tpu.memory_space<vmem>>, %arg7: memref<2x112xi32, #tpu.memory_space<vmem>>, %arg8: memref<112x128xf32, #tpu.memory_space<vmem>>, %arg9: memref<112x128xf32, #tpu.memory_space<vmem>>, %arg10: memref<112x128xf32, #tpu.memory_space<vmem>>, %arg11: memref<10240x128xf32, #tpu.memory_space<vmem_shared>>, %arg12: memref<!tpu.dma_semaphore, #tpu.memory_space<semaphore_mem>>, %arg13: memref<!tpu.dma_semaphore, #tpu.memory_space<semaphore_mem>>, %arg14: memref<!tpu.dma_semaphore, #tpu.memory_space<semaphore_mem>>) attributes {dimension_semantics = [#tpu.dimension_semantics<core_parallel>, #tpu.dimension_semantics<subcore_parallel>], iteration_bounds = array<i64: 2, 16>, scalar_prefetch = 0 : i64, scratch_operands = 10 : i64, tpu.core_type = #tpu.core_type<sc_vector_subcore>, window_params = [{transform_indices = #map}, {transform_indices = #map1}, {transform_indices = #map2}]} {
    %mul3A = arith.constant 640 : i32
    %mul3A_0 = arith.muli %arg1, %mul3A : i32
    %eq3A = arith.constant 0 : i32
    %eq3A_1 = arith.cmpi eq, %arg0, %eq3A : i32
    %jit3A = arith.constant 0 : i32
    %jit3A_2 = arith.constant 141 : i32
    %select_n3A = arith.select %eq3A_1, %jit3A, %jit3A_2 : i32
    %eq3A_3 = arith.constant 0 : i32
    %eq3A_4 = arith.cmpi eq, %arg0, %eq3A_3 : i32
    %jit3A_5 = arith.constant 141 : i32
    %jit3A_6 = arith.constant 39 : i32
    %select_n3A_7 = arith.select %eq3A_4, %jit3A_5, %jit3A_6 : i32
    "tpu.region"() ({
      %run_scoped3A = tpu.sem_alloc : memref<!tpu.dma_semaphore, #tpu.memory_space<semaphore_mem>>
      %dma_start3A_61 = arith.constant 0 : i32
      %dma_start3A_62 = tpu.memref_slice %arg11[%mul3A_0, %dma_start3A_61] : memref<10240x128xf32, #tpu.memory_space<vmem_shared>> -> memref<640x128xf32, #tpu.memory_space<vmem_shared>>
      %dma_start3A_63 = arith.constant 0 : i32
      %dma_start3A_64 = tpu.memref_slice %arg2[%mul3A_0, %dma_start3A_63] : memref<10240x128xf32, #tpu.memory_space<hbm>> -> memref<640x128xf32, #tpu.memory_space<hbm>>
      tpu.enqueue_dma source(%dma_start3A_64 : memref<640x128xf32, #tpu.memory_space<hbm>>) target(%dma_start3A_62 : memref<640x128xf32, #tpu.memory_space<vmem_shared>>) target_semaphore(%run_scoped3A : memref<!tpu.dma_semaphore, #tpu.memory_space<semaphore_mem>>)
      %dma_wait3A = arith.constant 0 : i32
      %dma_wait3A_65 = tpu.memref_slice %arg11[%mul3A_0, %dma_wait3A] : memref<10240x128xf32, #tpu.memory_space<vmem_shared>> -> memref<640x128xf32, #tpu.memory_space<vmem_shared>>
      %dma_wait3A_66 = arith.constant 0 : i32
      %dma_wait3A_67 = tpu.memref_slice %arg2[%mul3A_0, %dma_wait3A_66] : memref<10240x128xf32, #tpu.memory_space<hbm>> -> memref<640x128xf32, #tpu.memory_space<hbm>>
      tpu.wait_dma2 semaphore(%run_scoped3A : memref<!tpu.dma_semaphore, #tpu.memory_space<semaphore_mem>>) src(%dma_wait3A_67 : memref<640x128xf32, #tpu.memory_space<hbm>>) dst(%dma_wait3A_65 : memref<640x128xf32, #tpu.memory_space<vmem_shared>>)
      tpu.yield
    }) : () -> ()
    %barrier3A = arith.constant 0 : index
    tpu.barrier barrier_id(%barrier3A)
    %add3A = arith.constant 0 : i32
    %add3A_8 = arith.addi %select_n3A, %add3A : i32
    "tpu.region"() ({
      %run_scoped3A = tpu.sem_alloc : memref<!tpu.dma_semaphore, #tpu.memory_space<semaphore_mem>>
      %dma_start3A_61 = arith.constant 0 : i32
      %dma_start3A_62 = arith.constant 0 : i32
      %dma_start3A_63 = tpu.memref_slice %arg3[%arg1, %add3A_8, %dma_start3A_61, %dma_start3A_62] : memref<16x180x2x112xi32, #tpu.memory_space<hbm>> -> memref<1x1x2x112xi32, #tpu.memory_space<hbm>>
      %dma_start3A_64 = tpu.memref_squeeze %dma_start3A_63 : memref<1x1x2x112xi32, #tpu.memory_space<hbm>> -> memref<2x112xi32, #tpu.memory_space<hbm>>
      %dma_start3A_65 = arith.constant 0 : i32
      %dma_start3A_66 = arith.constant 0 : i32
      %dma_start3A_67 = tpu.memref_slice %arg3[%arg1, %add3A_8, %dma_start3A_65, %dma_start3A_66] : memref<16x180x2x112xi32, #tpu.memory_space<hbm>> -> memref<1x1x2x112xi32, #tpu.memory_space<hbm>>
      %dma_start3A_68 = tpu.memref_squeeze %dma_start3A_67 : memref<1x1x2x112xi32, #tpu.memory_space<hbm>> -> memref<2x112xi32, #tpu.memory_space<hbm>>
      tpu.enqueue_dma source(%dma_start3A_68 : memref<2x112xi32, #tpu.memory_space<hbm>>) target(%arg5 : memref<2x112xi32, #tpu.memory_space<vmem>>) target_semaphore(%run_scoped3A : memref<!tpu.dma_semaphore, #tpu.memory_space<semaphore_mem>>)
      %dma_wait3A = arith.constant 0 : i32
      %dma_wait3A_69 = arith.constant 0 : i32
      %dma_wait3A_70 = tpu.memref_slice %arg3[%arg1, %add3A_8, %dma_wait3A, %dma_wait3A_69] : memref<16x180x2x112xi32, #tpu.memory_space<hbm>> -> memref<1x1x2x112xi32, #tpu.memory_space<hbm>>
      %dma_wait3A_71 = tpu.memref_squeeze %dma_wait3A_70 : memref<1x1x2x112xi32, #tpu.memory_space<hbm>> -> memref<2x112xi32, #tpu.memory_space<hbm>>
      %dma_wait3A_72 = arith.constant 0 : i32
      %dma_wait3A_73 = arith.constant 0 : i32
      %dma_wait3A_74 = tpu.memref_slice %arg3[%arg1, %add3A_8, %dma_wait3A_72, %dma_wait3A_73] : memref<16x180x2x112xi32, #tpu.memory_space<hbm>> -> memref<1x1x2x112xi32, #tpu.memory_space<hbm>>
      %dma_wait3A_75 = tpu.memref_squeeze %dma_wait3A_74 : memref<1x1x2x112xi32, #tpu.memory_space<hbm>> -> memref<2x112xi32, #tpu.memory_space<hbm>>
      tpu.wait_dma2 semaphore(%run_scoped3A : memref<!tpu.dma_semaphore, #tpu.memory_space<semaphore_mem>>) src(%dma_wait3A_75 : memref<2x112xi32, #tpu.memory_space<hbm>>) dst(%arg5 : memref<2x112xi32, #tpu.memory_space<vmem>>)
      tpu.yield
    }) : () -> ()
    %dma_start3A = arith.constant 0 : i32
    %dma_start3A_9 = arith.constant 0 : i32
    %dma_start3A_10 = tpu.memref_slice %arg5[%dma_start3A, %dma_start3A_9] : memref<2x112xi32, #tpu.memory_space<vmem>> -> memref<1x112xi32, #tpu.memory_space<vmem>>
    %dma_start3A_11 = tpu.memref_squeeze %dma_start3A_10 : memref<1x112xi32, #tpu.memory_space<vmem>> -> memref<112xi32, #tpu.memory_space<vmem>>
    %dma_start3A_12 = arith.constant 0 : i32
    %dma_start3A_13 = arith.constant 0 : i32
    %dma_start3A_14 = tpu.memref_slice %arg2[%dma_start3A_12, %dma_start3A_13] : memref<10240x128xf32, #tpu.memory_space<hbm>> -> memref<10240x128xf32, #tpu.memory_space<hbm>>
    tpu.enqueue_indirect_dma source(%dma_start3A_14 : memref<10240x128xf32, #tpu.memory_space<hbm>>) target(%arg8 : memref<112x128xf32, #tpu.memory_space<vmem>>) offsets(%dma_start3A_11 : memref<112xi32, #tpu.memory_space<vmem>>) semaphore(%arg12 : memref<!tpu.dma_semaphore, #tpu.memory_space<semaphore_mem>>)
    %add3A_15 = arith.constant 1 : i32
    %add3A_16 = arith.addi %select_n3A, %add3A_15 : i32
    "tpu.region"() ({
      %run_scoped3A = tpu.sem_alloc : memref<!tpu.dma_semaphore, #tpu.memory_space<semaphore_mem>>
      %dma_start3A_61 = arith.constant 0 : i32
      %dma_start3A_62 = arith.constant 0 : i32
      %dma_start3A_63 = tpu.memref_slice %arg3[%arg1, %add3A_16, %dma_start3A_61, %dma_start3A_62] : memref<16x180x2x112xi32, #tpu.memory_space<hbm>> -> memref<1x1x2x112xi32, #tpu.memory_space<hbm>>
      %dma_start3A_64 = tpu.memref_squeeze %dma_start3A_63 : memref<1x1x2x112xi32, #tpu.memory_space<hbm>> -> memref<2x112xi32, #tpu.memory_space<hbm>>
      %dma_start3A_65 = arith.constant 0 : i32
      %dma_start3A_66 = arith.constant 0 : i32
      %dma_start3A_67 = tpu.memref_slice %arg3[%arg1, %add3A_16, %dma_start3A_65, %dma_start3A_66] : memref<16x180x2x112xi32, #tpu.memory_space<hbm>> -> memref<1x1x2x112xi32, #tpu.memory_space<hbm>>
      %dma_start3A_68 = tpu.memref_squeeze %dma_start3A_67 : memref<1x1x2x112xi32, #tpu.memory_space<hbm>> -> memref<2x112xi32, #tpu.memory_space<hbm>>
      tpu.enqueue_dma source(%dma_start3A_68 : memref<2x112xi32, #tpu.memory_space<hbm>>) target(%arg6 : memref<2x112xi32, #tpu.memory_space<vmem>>) target_semaphore(%run_scoped3A : memref<!tpu.dma_semaphore, #tpu.memory_space<semaphore_mem>>)
      %dma_wait3A = arith.constant 0 : i32
      %dma_wait3A_69 = arith.constant 0 : i32
      %dma_wait3A_70 = tpu.memref_slice %arg3[%arg1, %add3A_16, %dma_wait3A, %dma_wait3A_69] : memref<16x180x2x112xi32, #tpu.memory_space<hbm>> -> memref<1x1x2x112xi32, #tpu.memory_space<hbm>>
      %dma_wait3A_71 = tpu.memref_squeeze %dma_wait3A_70 : memref<1x1x2x112xi32, #tpu.memory_space<hbm>> -> memref<2x112xi32, #tpu.memory_space<hbm>>
      %dma_wait3A_72 = arith.constant 0 : i32
      %dma_wait3A_73 = arith.constant 0 : i32
      %dma_wait3A_74 = tpu.memref_slice %arg3[%arg1, %add3A_16, %dma_wait3A_72, %dma_wait3A_73] : memref<16x180x2x112xi32, #tpu.memory_space<hbm>> -> memref<1x1x2x112xi32, #tpu.memory_space<hbm>>
      %dma_wait3A_75 = tpu.memref_squeeze %dma_wait3A_74 : memref<1x1x2x112xi32, #tpu.memory_space<hbm>> -> memref<2x112xi32, #tpu.memory_space<hbm>>
      tpu.wait_dma2 semaphore(%run_scoped3A : memref<!tpu.dma_semaphore, #tpu.memory_space<semaphore_mem>>) src(%dma_wait3A_75 : memref<2x112xi32, #tpu.memory_space<hbm>>) dst(%arg6 : memref<2x112xi32, #tpu.memory_space<vmem>>)
      tpu.yield
    }) : () -> ()
    %dma_start3A_17 = arith.constant 0 : i32
    %dma_start3A_18 = arith.constant 0 : i32
    %dma_start3A_19 = tpu.memref_slice %arg6[%dma_start3A_17, %dma_start3A_18] : memref<2x112xi32, #tpu.memory_space<vmem>> -> memref<1x112xi32, #tpu.memory_space<vmem>>
    %dma_start3A_20 = tpu.memref_squeeze %dma_start3A_19 : memref<1x112xi32, #tpu.memory_space<vmem>> -> memref<112xi32, #tpu.memory_space<vmem>>
    %dma_start3A_21 = arith.constant 0 : i32
    %dma_start3A_22 = arith.constant 0 : i32
    %dma_start3A_23 = tpu.memref_slice %arg2[%dma_start3A_21, %dma_start3A_22] : memref<10240x128xf32, #tpu.memory_space<hbm>> -> memref<10240x128xf32, #tpu.memory_space<hbm>>
    tpu.enqueue_indirect_dma source(%dma_start3A_23 : memref<10240x128xf32, #tpu.memory_space<hbm>>) target(%arg9 : memref<112x128xf32, #tpu.memory_space<vmem>>) offsets(%dma_start3A_20 : memref<112xi32, #tpu.memory_space<vmem>>) semaphore(%arg13 : memref<!tpu.dma_semaphore, #tpu.memory_space<semaphore_mem>>)
    %add3A_24 = arith.constant 2 : i32
    %add3A_25 = arith.addi %select_n3A, %add3A_24 : i32
    "tpu.region"() ({
      %run_scoped3A = tpu.sem_alloc : memref<!tpu.dma_semaphore, #tpu.memory_space<semaphore_mem>>
      %dma_start3A_61 = arith.constant 0 : i32
      %dma_start3A_62 = arith.constant 0 : i32
      %dma_start3A_63 = tpu.memref_slice %arg3[%arg1, %add3A_25, %dma_start3A_61, %dma_start3A_62] : memref<16x180x2x112xi32, #tpu.memory_space<hbm>> -> memref<1x1x2x112xi32, #tpu.memory_space<hbm>>
      %dma_start3A_64 = tpu.memref_squeeze %dma_start3A_63 : memref<1x1x2x112xi32, #tpu.memory_space<hbm>> -> memref<2x112xi32, #tpu.memory_space<hbm>>
      %dma_start3A_65 = arith.constant 0 : i32
      %dma_start3A_66 = arith.constant 0 : i32
      %dma_start3A_67 = tpu.memref_slice %arg3[%arg1, %add3A_25, %dma_start3A_65, %dma_start3A_66] : memref<16x180x2x112xi32, #tpu.memory_space<hbm>> -> memref<1x1x2x112xi32, #tpu.memory_space<hbm>>
      %dma_start3A_68 = tpu.memref_squeeze %dma_start3A_67 : memref<1x1x2x112xi32, #tpu.memory_space<hbm>> -> memref<2x112xi32, #tpu.memory_space<hbm>>
      tpu.enqueue_dma source(%dma_start3A_68 : memref<2x112xi32, #tpu.memory_space<hbm>>) target(%arg7 : memref<2x112xi32, #tpu.memory_space<vmem>>) target_semaphore(%run_scoped3A : memref<!tpu.dma_semaphore, #tpu.memory_space<semaphore_mem>>)
      %dma_wait3A = arith.constant 0 : i32
      %dma_wait3A_69 = arith.constant 0 : i32
      %dma_wait3A_70 = tpu.memref_slice %arg3[%arg1, %add3A_25, %dma_wait3A, %dma_wait3A_69] : memref<16x180x2x112xi32, #tpu.memory_space<hbm>> -> memref<1x1x2x112xi32, #tpu.memory_space<hbm>>
      %dma_wait3A_71 = tpu.memref_squeeze %dma_wait3A_70 : memref<1x1x2x112xi32, #tpu.memory_space<hbm>> -> memref<2x112xi32, #tpu.memory_space<hbm>>
      %dma_wait3A_72 = arith.constant 0 : i32
      %dma_wait3A_73 = arith.constant 0 : i32
      %dma_wait3A_74 = tpu.memref_slice %arg3[%arg1, %add3A_25, %dma_wait3A_72, %dma_wait3A_73] : memref<16x180x2x112xi32, #tpu.memory_space<hbm>> -> memref<1x1x2x112xi32, #tpu.memory_space<hbm>>
      %dma_wait3A_75 = tpu.memref_squeeze %dma_wait3A_74 : memref<1x1x2x112xi32, #tpu.memory_space<hbm>> -> memref<2x112xi32, #tpu.memory_space<hbm>>
      tpu.wait_dma2 semaphore(%run_scoped3A : memref<!tpu.dma_semaphore, #tpu.memory_space<semaphore_mem>>) src(%dma_wait3A_75 : memref<2x112xi32, #tpu.memory_space<hbm>>) dst(%arg7 : memref<2x112xi32, #tpu.memory_space<vmem>>)
      tpu.yield
    }) : () -> ()
    %dma_start3A_26 = arith.constant 0 : i32
    %dma_start3A_27 = arith.constant 0 : i32
    %dma_start3A_28 = tpu.memref_slice %arg7[%dma_start3A_26, %dma_start3A_27] : memref<2x112xi32, #tpu.memory_space<vmem>> -> memref<1x112xi32, #tpu.memory_space<vmem>>
    %dma_start3A_29 = tpu.memref_squeeze %dma_start3A_28 : memref<1x112xi32, #tpu.memory_space<vmem>> -> memref<112xi32, #tpu.memory_space<vmem>>
    %dma_start3A_30 = arith.constant 0 : i32
    %dma_start3A_31 = arith.constant 0 : i32
    %dma_start3A_32 = tpu.memref_slice %arg2[%dma_start3A_30, %dma_start3A_31] : memref<10240x128xf32, #tpu.memory_space<hbm>> -> memref<10240x128xf32, #tpu.memory_space<hbm>>
    tpu.enqueue_indirect_dma source(%dma_start3A_32 : memref<10240x128xf32, #tpu.memory_space<hbm>>) target(%arg10 : memref<112x128xf32, #tpu.memory_space<vmem>>) offsets(%dma_start3A_29 : memref<112xi32, #tpu.memory_space<vmem>>) semaphore(%arg14 : memref<!tpu.dma_semaphore, #tpu.memory_space<semaphore_mem>>)
    %jit3A_33 = arith.constant 3 : i32
    %div3A = arith.divsi %select_n3A_7, %jit3A_33 : i32
    %sign3A = arith.constant 0 : i32
    %sign3A_34 = arith.cmpi sgt, %select_n3A_7, %sign3A : i32
    %sign3A_35 = arith.extui %sign3A_34 : i1 to i32
    %sign3A_36 = arith.constant 0 : i32
    %sign3A_37 = arith.cmpi slt, %select_n3A_7, %sign3A_36 : i32
    %sign3A_38 = arith.extui %sign3A_37 : i1 to i32
    %sign3A_39 = arith.subi %sign3A_35, %sign3A_38 : i32
    %sign3A_40 = arith.constant 0 : i32
    %sign3A_41 = arith.cmpi sgt, %jit3A_33, %sign3A_40 : i32
    %sign3A_42 = arith.extui %sign3A_41 : i1 to i32
    %sign3A_43 = arith.constant 0 : i32
    %sign3A_44 = arith.cmpi slt, %jit3A_33, %sign3A_43 : i32
    %sign3A_45 = arith.extui %sign3A_44 : i1 to i32
    %sign3A_46 = arith.subi %sign3A_42, %sign3A_45 : i32
    %ne3A = arith.cmpi ne, %sign3A_39, %sign3A_46 : i32
    %rem3A = arith.remsi %select_n3A_7, %jit3A_33 : i32
    %ne3A_47 = arith.constant 0 : i32
    %ne3A_48 = arith.cmpi ne, %rem3A, %ne3A_47 : i32
    %and3A = arith.andi %ne3A, %ne3A_48 : i1
    %sub3A = arith.constant 1 : i32
    %sub3A_49 = arith.subi %div3A, %sub3A : i32
    %select_n3A_50 = arith.select %and3A, %sub3A_49, %div3A : i32
    %while3A = arith.constant 0 : i32
    %while3A_51 = arith.constant 0 : i32
    %while3A_52 = arith.subi %select_n3A_50, %while3A_51 : i32
    %while3A_53 = arith.addi %while3A_51, %while3A_52 : i32
    %while3A_54 = arith.constant 1 : i32
    %while3A_55 = arith.divsi %while3A_52, %while3A_54 : i32
    %while3A_56 = arith.muli %while3A_55, %while3A_54 : i32
    %while3A_57 = arith.addi %while3A_51, %while3A_56 : i32
    %while3A_58 = arith.constant 1 : i32
    scf.for %while3A_61 = %while3A_51 to %while3A_57 step %while3A_58  : i32 {
      %mul3A_62 = arith.constant 3 : i32
      %mul3A_63 = arith.muli %while3A_61, %mul3A_62 : i32
      %add3A_64 = arith.constant 0 : i32
      %add3A_65 = arith.addi %mul3A_63, %add3A_64 : i32
      %dma_wait3A = arith.constant 0 : i32
      %dma_wait3A_66 = arith.constant 0 : i32
      %dma_wait3A_67 = tpu.memref_slice %arg5[%dma_wait3A, %dma_wait3A_66] : memref<2x112xi32, #tpu.memory_space<vmem>> -> memref<1x112xi32, #tpu.memory_space<vmem>>
      %dma_wait3A_68 = tpu.memref_squeeze %dma_wait3A_67 : memref<1x112xi32, #tpu.memory_space<vmem>> -> memref<112xi32, #tpu.memory_space<vmem>>
      %dma_wait3A_69 = arith.constant 0 : i32
      %dma_wait3A_70 = arith.constant 0 : i32
      %dma_wait3A_71 = tpu.memref_slice %arg2[%dma_wait3A_69, %dma_wait3A_70] : memref<10240x128xf32, #tpu.memory_space<hbm>> -> memref<10240x128xf32, #tpu.memory_space<hbm>>
      tpu.wait_indirect_dma semaphore(%arg12 : memref<!tpu.dma_semaphore, #tpu.memory_space<semaphore_mem>>) src(%dma_wait3A_71 : memref<10240x128xf32, #tpu.memory_space<hbm>>) dst(%arg8 : memref<112x128xf32, #tpu.memory_space<vmem>>)
      %run_scoped3A = arith.constant 1 : i32
      "tpu.region"() ({
        %run_scoped3A_111 = tpu.sem_alloc : memref<!tpu.dma_semaphore, #tpu.memory_space<semaphore_mem>>
        %dma_start3A_112 = arith.constant 0 : i32
        %dma_start3A_113 = tpu.memref_slice %arg5[%run_scoped3A, %dma_start3A_112] : memref<2x112xi32, #tpu.memory_space<vmem>> -> memref<1x112xi32, #tpu.memory_space<vmem>>
        %dma_start3A_114 = tpu.memref_squeeze %dma_start3A_113 : memref<1x112xi32, #tpu.memory_space<vmem>> -> memref<112xi32, #tpu.memory_space<vmem>>
        %dma_start3A_115 = arith.constant 0 : i32
        %dma_start3A_116 = arith.constant 0 : i32
        %dma_start3A_117 = tpu.memref_slice %arg11[%dma_start3A_115, %dma_start3A_116] : memref<10240x128xf32, #tpu.memory_space<vmem_shared>> -> memref<10240x128xf32, #tpu.memory_space<vmem_shared>>
        tpu.enqueue_indirect_dma source(%arg8 : memref<112x128xf32, #tpu.memory_space<vmem>>) target(%dma_start3A_117 : memref<10240x128xf32, #tpu.memory_space<vmem_shared>>) offsets(%dma_start3A_114 : memref<112xi32, #tpu.memory_space<vmem>>) semaphore(%run_scoped3A_111 : memref<!tpu.dma_semaphore, #tpu.memory_space<semaphore_mem>>) {add = true}
        %dma_wait3A_118 = arith.constant 0 : i32
        %dma_wait3A_119 = tpu.memref_slice %arg5[%run_scoped3A, %dma_wait3A_118] : memref<2x112xi32, #tpu.memory_space<vmem>> -> memref<1x112xi32, #tpu.memory_space<vmem>>
        %dma_wait3A_120 = tpu.memref_squeeze %dma_wait3A_119 : memref<1x112xi32, #tpu.memory_space<vmem>> -> memref<112xi32, #tpu.memory_space<vmem>>
        %dma_wait3A_121 = arith.constant 0 : i32
        %dma_wait3A_122 = arith.constant 0 : i32
        %dma_wait3A_123 = tpu.memref_slice %arg11[%dma_wait3A_121, %dma_wait3A_122] : memref<10240x128xf32, #tpu.memory_space<vmem_shared>> -> memref<10240x128xf32, #tpu.memory_space<vmem_shared>>
        tpu.wait_indirect_dma semaphore(%run_scoped3A_111 : memref<!tpu.dma_semaphore, #tpu.memory_space<semaphore_mem>>) src(%arg8 : memref<112x128xf32, #tpu.memory_space<vmem>>) dst(%dma_wait3A_123 : memref<10240x128xf32, #tpu.memory_space<vmem_shared>>)
        tpu.yield
      }) : () -> ()
      %add3A_72 = arith.constant 3 : i32
      %add3A_73 = arith.addi %add3A_65, %add3A_72 : i32
      %lt3A = arith.cmpi slt, %add3A_73, %select_n3A_7 : i32
      %convert_element_type3A = arith.extui %lt3A : i1 to i32
      %cond3A = arith.constant 0 : i32
      %cond3A_74 = arith.cmpi ne, %convert_element_type3A, %cond3A : i32
      scf.if %cond3A_74 {
        %add3A_111 = arith.addi %select_n3A, %add3A_73 : i32
        "tpu.region"() ({
          %run_scoped3A_119 = tpu.sem_alloc : memref<!tpu.dma_semaphore, #tpu.memory_space<semaphore_mem>>
          %dma_start3A_120 = arith.constant 0 : i32
          %dma_start3A_121 = arith.constant 0 : i32
          %dma_start3A_122 = tpu.memref_slice %arg3[%arg1, %add3A_111, %dma_start3A_120, %dma_start3A_121] : memref<16x180x2x112xi32, #tpu.memory_space<hbm>> -> memref<1x1x2x112xi32, #tpu.memory_space<hbm>>
          %dma_start3A_123 = tpu.memref_squeeze %dma_start3A_122 : memref<1x1x2x112xi32, #tpu.memory_space<hbm>> -> memref<2x112xi32, #tpu.memory_space<hbm>>
          %dma_start3A_124 = arith.constant 0 : i32
          %dma_start3A_125 = arith.constant 0 : i32
          %dma_start3A_126 = tpu.memref_slice %arg3[%arg1, %add3A_111, %dma_start3A_124, %dma_start3A_125] : memref<16x180x2x112xi32, #tpu.memory_space<hbm>> -> memref<1x1x2x112xi32, #tpu.memory_space<hbm>>
          %dma_start3A_127 = tpu.memref_squeeze %dma_start3A_126 : memref<1x1x2x112xi32, #tpu.memory_space<hbm>> -> memref<2x112xi32, #tpu.memory_space<hbm>>
          tpu.enqueue_dma source(%dma_start3A_127 : memref<2x112xi32, #tpu.memory_space<hbm>>) target(%arg5 : memref<2x112xi32, #tpu.memory_space<vmem>>) target_semaphore(%run_scoped3A_119 : memref<!tpu.dma_semaphore, #tpu.memory_space<semaphore_mem>>)
          %dma_wait3A_128 = arith.constant 0 : i32
          %dma_wait3A_129 = arith.constant 0 : i32
          %dma_wait3A_130 = tpu.memref_slice %arg3[%arg1, %add3A_111, %dma_wait3A_128, %dma_wait3A_129] : memref<16x180x2x112xi32, #tpu.memory_space<hbm>> -> memref<1x1x2x112xi32, #tpu.memory_space<hbm>>
          %dma_wait3A_131 = tpu.memref_squeeze %dma_wait3A_130 : memref<1x1x2x112xi32, #tpu.memory_space<hbm>> -> memref<2x112xi32, #tpu.memory_space<hbm>>
          %dma_wait3A_132 = arith.constant 0 : i32
          %dma_wait3A_133 = arith.constant 0 : i32
          %dma_wait3A_134 = tpu.memref_slice %arg3[%arg1, %add3A_111, %dma_wait3A_132, %dma_wait3A_133] : memref<16x180x2x112xi32, #tpu.memory_space<hbm>> -> memref<1x1x2x112xi32, #tpu.memory_space<hbm>>
          %dma_wait3A_135 = tpu.memref_squeeze %dma_wait3A_134 : memref<1x1x2x112xi32, #tpu.memory_space<hbm>> -> memref<2x112xi32, #tpu.memory_space<hbm>>
          tpu.wait_dma2 semaphore(%run_scoped3A_119 : memref<!tpu.dma_semaphore, #tpu.memory_space<semaphore_mem>>) src(%dma_wait3A_135 : memref<2x112xi32, #tpu.memory_space<hbm>>) dst(%arg5 : memref<2x112xi32, #tpu.memory_space<vmem>>)
          tpu.yield
        }) : () -> ()
        %dma_start3A_112 = arith.constant 0 : i32
        %dma_start3A_113 = arith.constant 0 : i32
        %dma_start3A_114 = tpu.memref_slice %arg5[%dma_start3A_112, %dma_start3A_113] : memref<2x112xi32, #tpu.memory_space<vmem>> -> memref<1x112xi32, #tpu.memory_space<vmem>>
        %dma_start3A_115 = tpu.memref_squeeze %dma_start3A_114 : memref<1x112xi32, #tpu.memory_space<vmem>> -> memref<112xi32, #tpu.memory_space<vmem>>
        %dma_start3A_116 = arith.constant 0 : i32
        %dma_start3A_117 = arith.constant 0 : i32
        %dma_start3A_118 = tpu.memref_slice %arg2[%dma_start3A_116, %dma_start3A_117] : memref<10240x128xf32, #tpu.memory_space<hbm>> -> memref<10240x128xf32, #tpu.memory_space<hbm>>
        tpu.enqueue_indirect_dma source(%dma_start3A_118 : memref<10240x128xf32, #tpu.memory_space<hbm>>) target(%arg8 : memref<112x128xf32, #tpu.memory_space<vmem>>) offsets(%dma_start3A_115 : memref<112xi32, #tpu.memory_space<vmem>>) semaphore(%arg12 : memref<!tpu.dma_semaphore, #tpu.memory_space<semaphore_mem>>)
      } else {
      }
      %mul3A_75 = arith.constant 3 : i32
      %mul3A_76 = arith.muli %while3A_61, %mul3A_75 : i32
      %add3A_77 = arith.constant 1 : i32
      %add3A_78 = arith.addi %mul3A_76, %add3A_77 : i32
      %dma_wait3A_79 = arith.constant 0 : i32
      %dma_wait3A_80 = arith.constant 0 : i32
      %dma_wait3A_81 = tpu.memref_slice %arg6[%dma_wait3A_79, %dma_wait3A_80] : memref<2x112xi32, #tpu.memory_space<vmem>> -> memref<1x112xi32, #tpu.memory_space<vmem>>
      %dma_wait3A_82 = tpu.memref_squeeze %dma_wait3A_81 : memref<1x112xi32, #tpu.memory_space<vmem>> -> memref<112xi32, #tpu.memory_space<vmem>>
      %dma_wait3A_83 = arith.constant 0 : i32
      %dma_wait3A_84 = arith.constant 0 : i32
      %dma_wait3A_85 = tpu.memref_slice %arg2[%dma_wait3A_83, %dma_wait3A_84] : memref<10240x128xf32, #tpu.memory_space<hbm>> -> memref<10240x128xf32, #tpu.memory_space<hbm>>
      tpu.wait_indirect_dma semaphore(%arg13 : memref<!tpu.dma_semaphore, #tpu.memory_space<semaphore_mem>>) src(%dma_wait3A_85 : memref<10240x128xf32, #tpu.memory_space<hbm>>) dst(%arg9 : memref<112x128xf32, #tpu.memory_space<vmem>>)
      %run_scoped3A_86 = arith.constant 1 : i32
      "tpu.region"() ({
        %run_scoped3A_111 = tpu.sem_alloc : memref<!tpu.dma_semaphore, #tpu.memory_space<semaphore_mem>>
        %dma_start3A_112 = arith.constant 0 : i32
        %dma_start3A_113 = tpu.memref_slice %arg6[%run_scoped3A_86, %dma_start3A_112] : memref<2x112xi32, #tpu.memory_space<vmem>> -> memref<1x112xi32, #tpu.memory_space<vmem>>
        %dma_start3A_114 = tpu.memref_squeeze %dma_start3A_113 : memref<1x112xi32, #tpu.memory_space<vmem>> -> memref<112xi32, #tpu.memory_space<vmem>>
        %dma_start3A_115 = arith.constant 0 : i32
        %dma_start3A_116 = arith.constant 0 : i32
        %dma_start3A_117 = tpu.memref_slice %arg11[%dma_start3A_115, %dma_start3A_116] : memref<10240x128xf32, #tpu.memory_space<vmem_shared>> -> memref<10240x128xf32, #tpu.memory_space<vmem_shared>>
        tpu.enqueue_indirect_dma source(%arg9 : memref<112x128xf32, #tpu.memory_space<vmem>>) target(%dma_start3A_117 : memref<10240x128xf32, #tpu.memory_space<vmem_shared>>) offsets(%dma_start3A_114 : memref<112xi32, #tpu.memory_space<vmem>>) semaphore(%run_scoped3A_111 : memref<!tpu.dma_semaphore, #tpu.memory_space<semaphore_mem>>) {add = true}
        %dma_wait3A_118 = arith.constant 0 : i32
        %dma_wait3A_119 = tpu.memref_slice %arg6[%run_scoped3A_86, %dma_wait3A_118] : memref<2x112xi32, #tpu.memory_space<vmem>> -> memref<1x112xi32, #tpu.memory_space<vmem>>
        %dma_wait3A_120 = tpu.memref_squeeze %dma_wait3A_119 : memref<1x112xi32, #tpu.memory_space<vmem>> -> memref<112xi32, #tpu.memory_space<vmem>>
        %dma_wait3A_121 = arith.constant 0 : i32
        %dma_wait3A_122 = arith.constant 0 : i32
        %dma_wait3A_123 = tpu.memref_slice %arg11[%dma_wait3A_121, %dma_wait3A_122] : memref<10240x128xf32, #tpu.memory_space<vmem_shared>> -> memref<10240x128xf32, #tpu.memory_space<vmem_shared>>
        tpu.wait_indirect_dma semaphore(%run_scoped3A_111 : memref<!tpu.dma_semaphore, #tpu.memory_space<semaphore_mem>>) src(%arg9 : memref<112x128xf32, #tpu.memory_space<vmem>>) dst(%dma_wait3A_123 : memref<10240x128xf32, #tpu.memory_space<vmem_shared>>)
        tpu.yield
      }) : () -> ()
      %add3A_87 = arith.constant 3 : i32
      %add3A_88 = arith.addi %add3A_78, %add3A_87 : i32
      %lt3A_89 = arith.cmpi slt, %add3A_88, %select_n3A_7 : i32
      %convert_element_type3A_90 = arith.extui %lt3A_89 : i1 to i32
      %cond3A_91 = arith.constant 0 : i32
      %cond3A_92 = arith.cmpi ne, %convert_element_type3A_90, %cond3A_91 : i32
      scf.if %cond3A_92 {
        %add3A_111 = arith.addi %select_n3A, %add3A_88 : i32
        "tpu.region"() ({
          %run_scoped3A_119 = tpu.sem_alloc : memref<!tpu.dma_semaphore, #tpu.memory_space<semaphore_mem>>
          %dma_start3A_120 = arith.constant 0 : i32
          %dma_start3A_121 = arith.constant 0 : i32
          %dma_start3A_122 = tpu.memref_slice %arg3[%arg1, %add3A_111, %dma_start3A_120, %dma_start3A_121] : memref<16x180x2x112xi32, #tpu.memory_space<hbm>> -> memref<1x1x2x112xi32, #tpu.memory_space<hbm>>
          %dma_start3A_123 = tpu.memref_squeeze %dma_start3A_122 : memref<1x1x2x112xi32, #tpu.memory_space<hbm>> -> memref<2x112xi32, #tpu.memory_space<hbm>>
          %dma_start3A_124 = arith.constant 0 : i32
          %dma_start3A_125 = arith.constant 0 : i32
          %dma_start3A_126 = tpu.memref_slice %arg3[%arg1, %add3A_111, %dma_start3A_124, %dma_start3A_125] : memref<16x180x2x112xi32, #tpu.memory_space<hbm>> -> memref<1x1x2x112xi32, #tpu.memory_space<hbm>>
          %dma_start3A_127 = tpu.memref_squeeze %dma_start3A_126 : memref<1x1x2x112xi32, #tpu.memory_space<hbm>> -> memref<2x112xi32, #tpu.memory_space<hbm>>
          tpu.enqueue_dma source(%dma_start3A_127 : memref<2x112xi32, #tpu.memory_space<hbm>>) target(%arg6 : memref<2x112xi32, #tpu.memory_space<vmem>>) target_semaphore(%run_scoped3A_119 : memref<!tpu.dma_semaphore, #tpu.memory_space<semaphore_mem>>)
          %dma_wait3A_128 = arith.constant 0 : i32
          %dma_wait3A_129 = arith.constant 0 : i32
          %dma_wait3A_130 = tpu.memref_slice %arg3[%arg1, %add3A_111, %dma_wait3A_128, %dma_wait3A_129] : memref<16x180x2x112xi32, #tpu.memory_space<hbm>> -> memref<1x1x2x112xi32, #tpu.memory_space<hbm>>
          %dma_wait3A_131 = tpu.memref_squeeze %dma_wait3A_130 : memref<1x1x2x112xi32, #tpu.memory_space<hbm>> -> memref<2x112xi32, #tpu.memory_space<hbm>>
          %dma_wait3A_132 = arith.constant 0 : i32
          %dma_wait3A_133 = arith.constant 0 : i32
          %dma_wait3A_134 = tpu.memref_slice %arg3[%arg1, %add3A_111, %dma_wait3A_132, %dma_wait3A_133] : memref<16x180x2x112xi32, #tpu.memory_space<hbm>> -> memref<1x1x2x112xi32, #tpu.memory_space<hbm>>
          %dma_wait3A_135 = tpu.memref_squeeze %dma_wait3A_134 : memref<1x1x2x112xi32, #tpu.memory_space<hbm>> -> memref<2x112xi32, #tpu.memory_space<hbm>>
          tpu.wait_dma2 semaphore(%run_scoped3A_119 : memref<!tpu.dma_semaphore, #tpu.memory_space<semaphore_mem>>) src(%dma_wait3A_135 : memref<2x112xi32, #tpu.memory_space<hbm>>) dst(%arg6 : memref<2x112xi32, #tpu.memory_space<vmem>>)
          tpu.yield
        }) : () -> ()
        %dma_start3A_112 = arith.constant 0 : i32
        %dma_start3A_113 = arith.constant 0 : i32
        %dma_start3A_114 = tpu.memref_slice %arg6[%dma_start3A_112, %dma_start3A_113] : memref<2x112xi32, #tpu.memory_space<vmem>> -> memref<1x112xi32, #tpu.memory_space<vmem>>
        %dma_start3A_115 = tpu.memref_squeeze %dma_start3A_114 : memref<1x112xi32, #tpu.memory_space<vmem>> -> memref<112xi32, #tpu.memory_space<vmem>>
        %dma_start3A_116 = arith.constant 0 : i32
        %dma_start3A_117 = arith.constant 0 : i32
        %dma_start3A_118 = tpu.memref_slice %arg2[%dma_start3A_116, %dma_start3A_117] : memref<10240x128xf32, #tpu.memory_space<hbm>> -> memref<10240x128xf32, #tpu.memory_space<hbm>>
        tpu.enqueue_indirect_dma source(%dma_start3A_118 : memref<10240x128xf32, #tpu.memory_space<hbm>>) target(%arg9 : memref<112x128xf32, #tpu.memory_space<vmem>>) offsets(%dma_start3A_115 : memref<112xi32, #tpu.memory_space<vmem>>) semaphore(%arg13 : memref<!tpu.dma_semaphore, #tpu.memory_space<semaphore_mem>>)
      } else {
      }
      %mul3A_93 = arith.constant 3 : i32
      %mul3A_94 = arith.muli %while3A_61, %mul3A_93 : i32
      %add3A_95 = arith.constant 2 : i32
      %add3A_96 = arith.addi %mul3A_94, %add3A_95 : i32
      %dma_wait3A_97 = arith.constant 0 : i32
      %dma_wait3A_98 = arith.constant 0 : i32
      %dma_wait3A_99 = tpu.memref_slice %arg7[%dma_wait3A_97, %dma_wait3A_98] : memref<2x112xi32, #tpu.memory_space<vmem>> -> memref<1x112xi32, #tpu.memory_space<vmem>>
      %dma_wait3A_100 = tpu.memref_squeeze %dma_wait3A_99 : memref<1x112xi32, #tpu.memory_space<vmem>> -> memref<112xi32, #tpu.memory_space<vmem>>
      %dma_wait3A_101 = arith.constant 0 : i32
      %dma_wait3A_102 = arith.constant 0 : i32
      %dma_wait3A_103 = tpu.memref_slice %arg2[%dma_wait3A_101, %dma_wait3A_102] : memref<10240x128xf32, #tpu.memory_space<hbm>> -> memref<10240x128xf32, #tpu.memory_space<hbm>>
      tpu.wait_indirect_dma semaphore(%arg14 : memref<!tpu.dma_semaphore, #tpu.memory_space<semaphore_mem>>) src(%dma_wait3A_103 : memref<10240x128xf32, #tpu.memory_space<hbm>>) dst(%arg10 : memref<112x128xf32, #tpu.memory_space<vmem>>)
      %run_scoped3A_104 = arith.constant 1 : i32
      "tpu.region"() ({
        %run_scoped3A_111 = tpu.sem_alloc : memref<!tpu.dma_semaphore, #tpu.memory_space<semaphore_mem>>
        %dma_start3A_112 = arith.constant 0 : i32
        %dma_start3A_113 = tpu.memref_slice %arg7[%run_scoped3A_104, %dma_start3A_112] : memref<2x112xi32, #tpu.memory_space<vmem>> -> memref<1x112xi32, #tpu.memory_space<vmem>>
        %dma_start3A_114 = tpu.memref_squeeze %dma_start3A_113 : memref<1x112xi32, #tpu.memory_space<vmem>> -> memref<112xi32, #tpu.memory_space<vmem>>
        %dma_start3A_115 = arith.constant 0 : i32
        %dma_start3A_116 = arith.constant 0 : i32
        %dma_start3A_117 = tpu.memref_slice %arg11[%dma_start3A_115, %dma_start3A_116] : memref<10240x128xf32, #tpu.memory_space<vmem_shared>> -> memref<10240x128xf32, #tpu.memory_space<vmem_shared>>
        tpu.enqueue_indirect_dma source(%arg10 : memref<112x128xf32, #tpu.memory_space<vmem>>) target(%dma_start3A_117 : memref<10240x128xf32, #tpu.memory_space<vmem_shared>>) offsets(%dma_start3A_114 : memref<112xi32, #tpu.memory_space<vmem>>) semaphore(%run_scoped3A_111 : memref<!tpu.dma_semaphore, #tpu.memory_space<semaphore_mem>>) {add = true}
        %dma_wait3A_118 = arith.constant 0 : i32
        %dma_wait3A_119 = tpu.memref_slice %arg7[%run_scoped3A_104, %dma_wait3A_118] : memref<2x112xi32, #tpu.memory_space<vmem>> -> memref<1x112xi32, #tpu.memory_space<vmem>>
        %dma_wait3A_120 = tpu.memref_squeeze %dma_wait3A_119 : memref<1x112xi32, #tpu.memory_space<vmem>> -> memref<112xi32, #tpu.memory_space<vmem>>
        %dma_wait3A_121 = arith.constant 0 : i32
        %dma_wait3A_122 = arith.constant 0 : i32
        %dma_wait3A_123 = tpu.memref_slice %arg11[%dma_wait3A_121, %dma_wait3A_122] : memref<10240x128xf32, #tpu.memory_space<vmem_shared>> -> memref<10240x128xf32, #tpu.memory_space<vmem_shared>>
        tpu.wait_indirect_dma semaphore(%run_scoped3A_111 : memref<!tpu.dma_semaphore, #tpu.memory_space<semaphore_mem>>) src(%arg10 : memref<112x128xf32, #tpu.memory_space<vmem>>) dst(%dma_wait3A_123 : memref<10240x128xf32, #tpu.memory_space<vmem_shared>>)
        tpu.yield
      }) : () -> ()
      %add3A_105 = arith.constant 3 : i32
      %add3A_106 = arith.addi %add3A_96, %add3A_105 : i32
      %lt3A_107 = arith.cmpi slt, %add3A_106, %select_n3A_7 : i32
      %convert_element_type3A_108 = arith.extui %lt3A_107 : i1 to i32
      %cond3A_109 = arith.constant 0 : i32
      %cond3A_110 = arith.cmpi ne, %convert_element_type3A_108, %cond3A_109 : i32
      scf.if %cond3A_110 {
        %add3A_111 = arith.addi %select_n3A, %add3A_106 : i32
        "tpu.region"() ({
          %run_scoped3A_119 = tpu.sem_alloc : memref<!tpu.dma_semaphore, #tpu.memory_space<semaphore_mem>>
          %dma_start3A_120 = arith.constant 0 : i32
          %dma_start3A_121 = arith.constant 0 : i32
          %dma_start3A_122 = tpu.memref_slice %arg3[%arg1, %add3A_111, %dma_start3A_120, %dma_start3A_121] : memref<16x180x2x112xi32, #tpu.memory_space<hbm>> -> memref<1x1x2x112xi32, #tpu.memory_space<hbm>>
          %dma_start3A_123 = tpu.memref_squeeze %dma_start3A_122 : memref<1x1x2x112xi32, #tpu.memory_space<hbm>> -> memref<2x112xi32, #tpu.memory_space<hbm>>
          %dma_start3A_124 = arith.constant 0 : i32
          %dma_start3A_125 = arith.constant 0 : i32
          %dma_start3A_126 = tpu.memref_slice %arg3[%arg1, %add3A_111, %dma_start3A_124, %dma_start3A_125] : memref<16x180x2x112xi32, #tpu.memory_space<hbm>> -> memref<1x1x2x112xi32, #tpu.memory_space<hbm>>
          %dma_start3A_127 = tpu.memref_squeeze %dma_start3A_126 : memref<1x1x2x112xi32, #tpu.memory_space<hbm>> -> memref<2x112xi32, #tpu.memory_space<hbm>>
          tpu.enqueue_dma source(%dma_start3A_127 : memref<2x112xi32, #tpu.memory_space<hbm>>) target(%arg7 : memref<2x112xi32, #tpu.memory_space<vmem>>) target_semaphore(%run_scoped3A_119 : memref<!tpu.dma_semaphore, #tpu.memory_space<semaphore_mem>>)
          %dma_wait3A_128 = arith.constant 0 : i32
          %dma_wait3A_129 = arith.constant 0 : i32
          %dma_wait3A_130 = tpu.memref_slice %arg3[%arg1, %add3A_111, %dma_wait3A_128, %dma_wait3A_129] : memref<16x180x2x112xi32, #tpu.memory_space<hbm>> -> memref<1x1x2x112xi32, #tpu.memory_space<hbm>>
          %dma_wait3A_131 = tpu.memref_squeeze %dma_wait3A_130 : memref<1x1x2x112xi32, #tpu.memory_space<hbm>> -> memref<2x112xi32, #tpu.memory_space<hbm>>
          %dma_wait3A_132 = arith.constant 0 : i32
          %dma_wait3A_133 = arith.constant 0 : i32
          %dma_wait3A_134 = tpu.memref_slice %arg3[%arg1, %add3A_111, %dma_wait3A_132, %dma_wait3A_133] : memref<16x180x2x112xi32, #tpu.memory_space<hbm>> -> memref<1x1x2x112xi32, #tpu.memory_space<hbm>>
          %dma_wait3A_135 = tpu.memref_squeeze %dma_wait3A_134 : memref<1x1x2x112xi32, #tpu.memory_space<hbm>> -> memref<2x112xi32, #tpu.memory_space<hbm>>
          tpu.wait_dma2 semaphore(%run_scoped3A_119 : memref<!tpu.dma_semaphore, #tpu.memory_space<semaphore_mem>>) src(%dma_wait3A_135 : memref<2x112xi32, #tpu.memory_space<hbm>>) dst(%arg7 : memref<2x112xi32, #tpu.memory_space<vmem>>)
          tpu.yield
        }) : () -> ()
        %dma_start3A_112 = arith.constant 0 : i32
        %dma_start3A_113 = arith.constant 0 : i32
        %dma_start3A_114 = tpu.memref_slice %arg7[%dma_start3A_112, %dma_start3A_113] : memref<2x112xi32, #tpu.memory_space<vmem>> -> memref<1x112xi32, #tpu.memory_space<vmem>>
        %dma_start3A_115 = tpu.memref_squeeze %dma_start3A_114 : memref<1x112xi32, #tpu.memory_space<vmem>> -> memref<112xi32, #tpu.memory_space<vmem>>
        %dma_start3A_116 = arith.constant 0 : i32
        %dma_start3A_117 = arith.constant 0 : i32
        %dma_start3A_118 = tpu.memref_slice %arg2[%dma_start3A_116, %dma_start3A_117] : memref<10240x128xf32, #tpu.memory_space<hbm>> -> memref<10240x128xf32, #tpu.memory_space<hbm>>
        tpu.enqueue_indirect_dma source(%dma_start3A_118 : memref<10240x128xf32, #tpu.memory_space<hbm>>) target(%arg10 : memref<112x128xf32, #tpu.memory_space<vmem>>) offsets(%dma_start3A_115 : memref<112xi32, #tpu.memory_space<vmem>>) semaphore(%arg14 : memref<!tpu.dma_semaphore, #tpu.memory_space<semaphore_mem>>)
      } else {
      }
    }
    %while3A_59 = arith.constant 1 : i32
    scf.for %while3A_61 = %while3A_57 to %while3A_53 step %while3A_59  : i32 {
      %mul3A_62 = arith.constant 3 : i32
      %mul3A_63 = arith.muli %while3A_61, %mul3A_62 : i32
      %add3A_64 = arith.constant 0 : i32
      %add3A_65 = arith.addi %mul3A_63, %add3A_64 : i32
      %dma_wait3A = arith.constant 0 : i32
      %dma_wait3A_66 = arith.constant 0 : i32
      %dma_wait3A_67 = tpu.memref_slice %arg5[%dma_wait3A, %dma_wait3A_66] : memref<2x112xi32, #tpu.memory_space<vmem>> -> memref<1x112xi32, #tpu.memory_space<vmem>>
      %dma_wait3A_68 = tpu.memref_squeeze %dma_wait3A_67 : memref<1x112xi32, #tpu.memory_space<vmem>> -> memref<112xi32, #tpu.memory_space<vmem>>
      %dma_wait3A_69 = arith.constant 0 : i32
      %dma_wait3A_70 = arith.constant 0 : i32
      %dma_wait3A_71 = tpu.memref_slice %arg2[%dma_wait3A_69, %dma_wait3A_70] : memref<10240x128xf32, #tpu.memory_space<hbm>> -> memref<10240x128xf32, #tpu.memory_space<hbm>>
      tpu.wait_indirect_dma semaphore(%arg12 : memref<!tpu.dma_semaphore, #tpu.memory_space<semaphore_mem>>) src(%dma_wait3A_71 : memref<10240x128xf32, #tpu.memory_space<hbm>>) dst(%arg8 : memref<112x128xf32, #tpu.memory_space<vmem>>)
      %run_scoped3A = arith.constant 1 : i32
      "tpu.region"() ({
        %run_scoped3A_111 = tpu.sem_alloc : memref<!tpu.dma_semaphore, #tpu.memory_space<semaphore_mem>>
        %dma_start3A_112 = arith.constant 0 : i32
        %dma_start3A_113 = tpu.memref_slice %arg5[%run_scoped3A, %dma_start3A_112] : memref<2x112xi32, #tpu.memory_space<vmem>> -> memref<1x112xi32, #tpu.memory_space<vmem>>
        %dma_start3A_114 = tpu.memref_squeeze %dma_start3A_113 : memref<1x112xi32, #tpu.memory_space<vmem>> -> memref<112xi32, #tpu.memory_space<vmem>>
        %dma_start3A_115 = arith.constant 0 : i32
        %dma_start3A_116 = arith.constant 0 : i32
        %dma_start3A_117 = tpu.memref_slice %arg11[%dma_start3A_115, %dma_start3A_116] : memref<10240x128xf32, #tpu.memory_space<vmem_shared>> -> memref<10240x128xf32, #tpu.memory_space<vmem_shared>>
        tpu.enqueue_indirect_dma source(%arg8 : memref<112x128xf32, #tpu.memory_space<vmem>>) target(%dma_start3A_117 : memref<10240x128xf32, #tpu.memory_space<vmem_shared>>) offsets(%dma_start3A_114 : memref<112xi32, #tpu.memory_space<vmem>>) semaphore(%run_scoped3A_111 : memref<!tpu.dma_semaphore, #tpu.memory_space<semaphore_mem>>) {add = true}
        %dma_wait3A_118 = arith.constant 0 : i32
        %dma_wait3A_119 = tpu.memref_slice %arg5[%run_scoped3A, %dma_wait3A_118] : memref<2x112xi32, #tpu.memory_space<vmem>> -> memref<1x112xi32, #tpu.memory_space<vmem>>
        %dma_wait3A_120 = tpu.memref_squeeze %dma_wait3A_119 : memref<1x112xi32, #tpu.memory_space<vmem>> -> memref<112xi32, #tpu.memory_space<vmem>>
        %dma_wait3A_121 = arith.constant 0 : i32
        %dma_wait3A_122 = arith.constant 0 : i32
        %dma_wait3A_123 = tpu.memref_slice %arg11[%dma_wait3A_121, %dma_wait3A_122] : memref<10240x128xf32, #tpu.memory_space<vmem_shared>> -> memref<10240x128xf32, #tpu.memory_space<vmem_shared>>
        tpu.wait_indirect_dma semaphore(%run_scoped3A_111 : memref<!tpu.dma_semaphore, #tpu.memory_space<semaphore_mem>>) src(%arg8 : memref<112x128xf32, #tpu.memory_space<vmem>>) dst(%dma_wait3A_123 : memref<10240x128xf32, #tpu.memory_space<vmem_shared>>)
        tpu.yield
      }) : () -> ()
      %add3A_72 = arith.constant 3 : i32
      %add3A_73 = arith.addi %add3A_65, %add3A_72 : i32
      %lt3A = arith.cmpi slt, %add3A_73, %select_n3A_7 : i32
      %convert_element_type3A = arith.extui %lt3A : i1 to i32
      %cond3A = arith.constant 0 : i32
      %cond3A_74 = arith.cmpi ne, %convert_element_type3A, %cond3A : i32
      scf.if %cond3A_74 {
        %add3A_111 = arith.addi %select_n3A, %add3A_73 : i32
        "tpu.region"() ({
          %run_scoped3A_119 = tpu.sem_alloc : memref<!tpu.dma_semaphore, #tpu.memory_space<semaphore_mem>>
          %dma_start3A_120 = arith.constant 0 : i32
          %dma_start3A_121 = arith.constant 0 : i32
          %dma_start3A_122 = tpu.memref_slice %arg3[%arg1, %add3A_111, %dma_start3A_120, %dma_start3A_121] : memref<16x180x2x112xi32, #tpu.memory_space<hbm>> -> memref<1x1x2x112xi32, #tpu.memory_space<hbm>>
          %dma_start3A_123 = tpu.memref_squeeze %dma_start3A_122 : memref<1x1x2x112xi32, #tpu.memory_space<hbm>> -> memref<2x112xi32, #tpu.memory_space<hbm>>
          %dma_start3A_124 = arith.constant 0 : i32
          %dma_start3A_125 = arith.constant 0 : i32
          %dma_start3A_126 = tpu.memref_slice %arg3[%arg1, %add3A_111, %dma_start3A_124, %dma_start3A_125] : memref<16x180x2x112xi32, #tpu.memory_space<hbm>> -> memref<1x1x2x112xi32, #tpu.memory_space<hbm>>
          %dma_start3A_127 = tpu.memref_squeeze %dma_start3A_126 : memref<1x1x2x112xi32, #tpu.memory_space<hbm>> -> memref<2x112xi32, #tpu.memory_space<hbm>>
          tpu.enqueue_dma source(%dma_start3A_127 : memref<2x112xi32, #tpu.memory_space<hbm>>) target(%arg5 : memref<2x112xi32, #tpu.memory_space<vmem>>) target_semaphore(%run_scoped3A_119 : memref<!tpu.dma_semaphore, #tpu.memory_space<semaphore_mem>>)
          %dma_wait3A_128 = arith.constant 0 : i32
          %dma_wait3A_129 = arith.constant 0 : i32
          %dma_wait3A_130 = tpu.memref_slice %arg3[%arg1, %add3A_111, %dma_wait3A_128, %dma_wait3A_129] : memref<16x180x2x112xi32, #tpu.memory_space<hbm>> -> memref<1x1x2x112xi32, #tpu.memory_space<hbm>>
          %dma_wait3A_131 = tpu.memref_squeeze %dma_wait3A_130 : memref<1x1x2x112xi32, #tpu.memory_space<hbm>> -> memref<2x112xi32, #tpu.memory_space<hbm>>
          %dma_wait3A_132 = arith.constant 0 : i32
          %dma_wait3A_133 = arith.constant 0 : i32
          %dma_wait3A_134 = tpu.memref_slice %arg3[%arg1, %add3A_111, %dma_wait3A_132, %dma_wait3A_133] : memref<16x180x2x112xi32, #tpu.memory_space<hbm>> -> memref<1x1x2x112xi32, #tpu.memory_space<hbm>>
          %dma_wait3A_135 = tpu.memref_squeeze %dma_wait3A_134 : memref<1x1x2x112xi32, #tpu.memory_space<hbm>> -> memref<2x112xi32, #tpu.memory_space<hbm>>
          tpu.wait_dma2 semaphore(%run_scoped3A_119 : memref<!tpu.dma_semaphore, #tpu.memory_space<semaphore_mem>>) src(%dma_wait3A_135 : memref<2x112xi32, #tpu.memory_space<hbm>>) dst(%arg5 : memref<2x112xi32, #tpu.memory_space<vmem>>)
          tpu.yield
        }) : () -> ()
        %dma_start3A_112 = arith.constant 0 : i32
        %dma_start3A_113 = arith.constant 0 : i32
        %dma_start3A_114 = tpu.memref_slice %arg5[%dma_start3A_112, %dma_start3A_113] : memref<2x112xi32, #tpu.memory_space<vmem>> -> memref<1x112xi32, #tpu.memory_space<vmem>>
        %dma_start3A_115 = tpu.memref_squeeze %dma_start3A_114 : memref<1x112xi32, #tpu.memory_space<vmem>> -> memref<112xi32, #tpu.memory_space<vmem>>
        %dma_start3A_116 = arith.constant 0 : i32
        %dma_start3A_117 = arith.constant 0 : i32
        %dma_start3A_118 = tpu.memref_slice %arg2[%dma_start3A_116, %dma_start3A_117] : memref<10240x128xf32, #tpu.memory_space<hbm>> -> memref<10240x128xf32, #tpu.memory_space<hbm>>
        tpu.enqueue_indirect_dma source(%dma_start3A_118 : memref<10240x128xf32, #tpu.memory_space<hbm>>) target(%arg8 : memref<112x128xf32, #tpu.memory_space<vmem>>) offsets(%dma_start3A_115 : memref<112xi32, #tpu.memory_space<vmem>>) semaphore(%arg12 : memref<!tpu.dma_semaphore, #tpu.memory_space<semaphore_mem>>)
      } else {
      }
      %mul3A_75 = arith.constant 3 : i32
      %mul3A_76 = arith.muli %while3A_61, %mul3A_75 : i32
      %add3A_77 = arith.constant 1 : i32
      %add3A_78 = arith.addi %mul3A_76, %add3A_77 : i32
      %dma_wait3A_79 = arith.constant 0 : i32
      %dma_wait3A_80 = arith.constant 0 : i32
      %dma_wait3A_81 = tpu.memref_slice %arg6[%dma_wait3A_79, %dma_wait3A_80] : memref<2x112xi32, #tpu.memory_space<vmem>> -> memref<1x112xi32, #tpu.memory_space<vmem>>
      %dma_wait3A_82 = tpu.memref_squeeze %dma_wait3A_81 : memref<1x112xi32, #tpu.memory_space<vmem>> -> memref<112xi32, #tpu.memory_space<vmem>>
      %dma_wait3A_83 = arith.constant 0 : i32
      %dma_wait3A_84 = arith.constant 0 : i32
      %dma_wait3A_85 = tpu.memref_slice %arg2[%dma_wait3A_83, %dma_wait3A_84] : memref<10240x128xf32, #tpu.memory_space<hbm>> -> memref<10240x128xf32, #tpu.memory_space<hbm>>
      tpu.wait_indirect_dma semaphore(%arg13 : memref<!tpu.dma_semaphore, #tpu.memory_space<semaphore_mem>>) src(%dma_wait3A_85 : memref<10240x128xf32, #tpu.memory_space<hbm>>) dst(%arg9 : memref<112x128xf32, #tpu.memory_space<vmem>>)
      %run_scoped3A_86 = arith.constant 1 : i32
      "tpu.region"() ({
        %run_scoped3A_111 = tpu.sem_alloc : memref<!tpu.dma_semaphore, #tpu.memory_space<semaphore_mem>>
        %dma_start3A_112 = arith.constant 0 : i32
        %dma_start3A_113 = tpu.memref_slice %arg6[%run_scoped3A_86, %dma_start3A_112] : memref<2x112xi32, #tpu.memory_space<vmem>> -> memref<1x112xi32, #tpu.memory_space<vmem>>
        %dma_start3A_114 = tpu.memref_squeeze %dma_start3A_113 : memref<1x112xi32, #tpu.memory_space<vmem>> -> memref<112xi32, #tpu.memory_space<vmem>>
        %dma_start3A_115 = arith.constant 0 : i32
        %dma_start3A_116 = arith.constant 0 : i32
        %dma_start3A_117 = tpu.memref_slice %arg11[%dma_start3A_115, %dma_start3A_116] : memref<10240x128xf32, #tpu.memory_space<vmem_shared>> -> memref<10240x128xf32, #tpu.memory_space<vmem_shared>>
        tpu.enqueue_indirect_dma source(%arg9 : memref<112x128xf32, #tpu.memory_space<vmem>>) target(%dma_start3A_117 : memref<10240x128xf32, #tpu.memory_space<vmem_shared>>) offsets(%dma_start3A_114 : memref<112xi32, #tpu.memory_space<vmem>>) semaphore(%run_scoped3A_111 : memref<!tpu.dma_semaphore, #tpu.memory_space<semaphore_mem>>) {add = true}
        %dma_wait3A_118 = arith.constant 0 : i32
        %dma_wait3A_119 = tpu.memref_slice %arg6[%run_scoped3A_86, %dma_wait3A_118] : memref<2x112xi32, #tpu.memory_space<vmem>> -> memref<1x112xi32, #tpu.memory_space<vmem>>
        %dma_wait3A_120 = tpu.memref_squeeze %dma_wait3A_119 : memref<1x112xi32, #tpu.memory_space<vmem>> -> memref<112xi32, #tpu.memory_space<vmem>>
        %dma_wait3A_121 = arith.constant 0 : i32
        %dma_wait3A_122 = arith.constant 0 : i32
        %dma_wait3A_123 = tpu.memref_slice %arg11[%dma_wait3A_121, %dma_wait3A_122] : memref<10240x128xf32, #tpu.memory_space<vmem_shared>> -> memref<10240x128xf32, #tpu.memory_space<vmem_shared>>
        tpu.wait_indirect_dma semaphore(%run_scoped3A_111 : memref<!tpu.dma_semaphore, #tpu.memory_space<semaphore_mem>>) src(%arg9 : memref<112x128xf32, #tpu.memory_space<vmem>>) dst(%dma_wait3A_123 : memref<10240x128xf32, #tpu.memory_space<vmem_shared>>)
        tpu.yield
      }) : () -> ()
      %add3A_87 = arith.constant 3 : i32
      %add3A_88 = arith.addi %add3A_78, %add3A_87 : i32
      %lt3A_89 = arith.cmpi slt, %add3A_88, %select_n3A_7 : i32
      %convert_element_type3A_90 = arith.extui %lt3A_89 : i1 to i32
      %cond3A_91 = arith.constant 0 : i32
      %cond3A_92 = arith.cmpi ne, %convert_element_type3A_90, %cond3A_91 : i32
      scf.if %cond3A_92 {
        %add3A_111 = arith.addi %select_n3A, %add3A_88 : i32
        "tpu.region"() ({
          %run_scoped3A_119 = tpu.sem_alloc : memref<!tpu.dma_semaphore, #tpu.memory_space<semaphore_mem>>
          %dma_start3A_120 = arith.constant 0 : i32
          %dma_start3A_121 = arith.constant 0 : i32
          %dma_start3A_122 = tpu.memref_slice %arg3[%arg1, %add3A_111, %dma_start3A_120, %dma_start3A_121] : memref<16x180x2x112xi32, #tpu.memory_space<hbm>> -> memref<1x1x2x112xi32, #tpu.memory_space<hbm>>
          %dma_start3A_123 = tpu.memref_squeeze %dma_start3A_122 : memref<1x1x2x112xi32, #tpu.memory_space<hbm>> -> memref<2x112xi32, #tpu.memory_space<hbm>>
          %dma_start3A_124 = arith.constant 0 : i32
          %dma_start3A_125 = arith.constant 0 : i32
          %dma_start3A_126 = tpu.memref_slice %arg3[%arg1, %add3A_111, %dma_start3A_124, %dma_start3A_125] : memref<16x180x2x112xi32, #tpu.memory_space<hbm>> -> memref<1x1x2x112xi32, #tpu.memory_space<hbm>>
          %dma_start3A_127 = tpu.memref_squeeze %dma_start3A_126 : memref<1x1x2x112xi32, #tpu.memory_space<hbm>> -> memref<2x112xi32, #tpu.memory_space<hbm>>
          tpu.enqueue_dma source(%dma_start3A_127 : memref<2x112xi32, #tpu.memory_space<hbm>>) target(%arg6 : memref<2x112xi32, #tpu.memory_space<vmem>>) target_semaphore(%run_scoped3A_119 : memref<!tpu.dma_semaphore, #tpu.memory_space<semaphore_mem>>)
          %dma_wait3A_128 = arith.constant 0 : i32
          %dma_wait3A_129 = arith.constant 0 : i32
          %dma_wait3A_130 = tpu.memref_slice %arg3[%arg1, %add3A_111, %dma_wait3A_128, %dma_wait3A_129] : memref<16x180x2x112xi32, #tpu.memory_space<hbm>> -> memref<1x1x2x112xi32, #tpu.memory_space<hbm>>
          %dma_wait3A_131 = tpu.memref_squeeze %dma_wait3A_130 : memref<1x1x2x112xi32, #tpu.memory_space<hbm>> -> memref<2x112xi32, #tpu.memory_space<hbm>>
          %dma_wait3A_132 = arith.constant 0 : i32
          %dma_wait3A_133 = arith.constant 0 : i32
          %dma_wait3A_134 = tpu.memref_slice %arg3[%arg1, %add3A_111, %dma_wait3A_132, %dma_wait3A_133] : memref<16x180x2x112xi32, #tpu.memory_space<hbm>> -> memref<1x1x2x112xi32, #tpu.memory_space<hbm>>
          %dma_wait3A_135 = tpu.memref_squeeze %dma_wait3A_134 : memref<1x1x2x112xi32, #tpu.memory_space<hbm>> -> memref<2x112xi32, #tpu.memory_space<hbm>>
          tpu.wait_dma2 semaphore(%run_scoped3A_119 : memref<!tpu.dma_semaphore, #tpu.memory_space<semaphore_mem>>) src(%dma_wait3A_135 : memref<2x112xi32, #tpu.memory_space<hbm>>) dst(%arg6 : memref<2x112xi32, #tpu.memory_space<vmem>>)
          tpu.yield
        }) : () -> ()
        %dma_start3A_112 = arith.constant 0 : i32
        %dma_start3A_113 = arith.constant 0 : i32
        %dma_start3A_114 = tpu.memref_slice %arg6[%dma_start3A_112, %dma_start3A_113] : memref<2x112xi32, #tpu.memory_space<vmem>> -> memref<1x112xi32, #tpu.memory_space<vmem>>
        %dma_start3A_115 = tpu.memref_squeeze %dma_start3A_114 : memref<1x112xi32, #tpu.memory_space<vmem>> -> memref<112xi32, #tpu.memory_space<vmem>>
        %dma_start3A_116 = arith.constant 0 : i32
        %dma_start3A_117 = arith.constant 0 : i32
        %dma_start3A_118 = tpu.memref_slice %arg2[%dma_start3A_116, %dma_start3A_117] : memref<10240x128xf32, #tpu.memory_space<hbm>> -> memref<10240x128xf32, #tpu.memory_space<hbm>>
        tpu.enqueue_indirect_dma source(%dma_start3A_118 : memref<10240x128xf32, #tpu.memory_space<hbm>>) target(%arg9 : memref<112x128xf32, #tpu.memory_space<vmem>>) offsets(%dma_start3A_115 : memref<112xi32, #tpu.memory_space<vmem>>) semaphore(%arg13 : memref<!tpu.dma_semaphore, #tpu.memory_space<semaphore_mem>>)
      } else {
      }
      %mul3A_93 = arith.constant 3 : i32
      %mul3A_94 = arith.muli %while3A_61, %mul3A_93 : i32
      %add3A_95 = arith.constant 2 : i32
      %add3A_96 = arith.addi %mul3A_94, %add3A_95 : i32
      %dma_wait3A_97 = arith.constant 0 : i32
      %dma_wait3A_98 = arith.constant 0 : i32
      %dma_wait3A_99 = tpu.memref_slice %arg7[%dma_wait3A_97, %dma_wait3A_98] : memref<2x112xi32, #tpu.memory_space<vmem>> -> memref<1x112xi32, #tpu.memory_space<vmem>>
      %dma_wait3A_100 = tpu.memref_squeeze %dma_wait3A_99 : memref<1x112xi32, #tpu.memory_space<vmem>> -> memref<112xi32, #tpu.memory_space<vmem>>
      %dma_wait3A_101 = arith.constant 0 : i32
      %dma_wait3A_102 = arith.constant 0 : i32
      %dma_wait3A_103 = tpu.memref_slice %arg2[%dma_wait3A_101, %dma_wait3A_102] : memref<10240x128xf32, #tpu.memory_space<hbm>> -> memref<10240x128xf32, #tpu.memory_space<hbm>>
      tpu.wait_indirect_dma semaphore(%arg14 : memref<!tpu.dma_semaphore, #tpu.memory_space<semaphore_mem>>) src(%dma_wait3A_103 : memref<10240x128xf32, #tpu.memory_space<hbm>>) dst(%arg10 : memref<112x128xf32, #tpu.memory_space<vmem>>)
      %run_scoped3A_104 = arith.constant 1 : i32
      "tpu.region"() ({
        %run_scoped3A_111 = tpu.sem_alloc : memref<!tpu.dma_semaphore, #tpu.memory_space<semaphore_mem>>
        %dma_start3A_112 = arith.constant 0 : i32
        %dma_start3A_113 = tpu.memref_slice %arg7[%run_scoped3A_104, %dma_start3A_112] : memref<2x112xi32, #tpu.memory_space<vmem>> -> memref<1x112xi32, #tpu.memory_space<vmem>>
        %dma_start3A_114 = tpu.memref_squeeze %dma_start3A_113 : memref<1x112xi32, #tpu.memory_space<vmem>> -> memref<112xi32, #tpu.memory_space<vmem>>
        %dma_start3A_115 = arith.constant 0 : i32
        %dma_start3A_116 = arith.constant 0 : i32
        %dma_start3A_117 = tpu.memref_slice %arg11[%dma_start3A_115, %dma_start3A_116] : memref<10240x128xf32, #tpu.memory_space<vmem_shared>> -> memref<10240x128xf32, #tpu.memory_space<vmem_shared>>
        tpu.enqueue_indirect_dma source(%arg10 : memref<112x128xf32, #tpu.memory_space<vmem>>) target(%dma_start3A_117 : memref<10240x128xf32, #tpu.memory_space<vmem_shared>>) offsets(%dma_start3A_114 : memref<112xi32, #tpu.memory_space<vmem>>) semaphore(%run_scoped3A_111 : memref<!tpu.dma_semaphore, #tpu.memory_space<semaphore_mem>>) {add = true}
        %dma_wait3A_118 = arith.constant 0 : i32
        %dma_wait3A_119 = tpu.memref_slice %arg7[%run_scoped3A_104, %dma_wait3A_118] : memref<2x112xi32, #tpu.memory_space<vmem>> -> memref<1x112xi32, #tpu.memory_space<vmem>>
        %dma_wait3A_120 = tpu.memref_squeeze %dma_wait3A_119 : memref<1x112xi32, #tpu.memory_space<vmem>> -> memref<112xi32, #tpu.memory_space<vmem>>
        %dma_wait3A_121 = arith.constant 0 : i32
        %dma_wait3A_122 = arith.constant 0 : i32
        %dma_wait3A_123 = tpu.memref_slice %arg11[%dma_wait3A_121, %dma_wait3A_122] : memref<10240x128xf32, #tpu.memory_space<vmem_shared>> -> memref<10240x128xf32, #tpu.memory_space<vmem_shared>>
        tpu.wait_indirect_dma semaphore(%run_scoped3A_111 : memref<!tpu.dma_semaphore, #tpu.memory_space<semaphore_mem>>) src(%arg10 : memref<112x128xf32, #tpu.memory_space<vmem>>) dst(%dma_wait3A_123 : memref<10240x128xf32, #tpu.memory_space<vmem_shared>>)
        tpu.yield
      }) : () -> ()
      %add3A_105 = arith.constant 3 : i32
      %add3A_106 = arith.addi %add3A_96, %add3A_105 : i32
      %lt3A_107 = arith.cmpi slt, %add3A_106, %select_n3A_7 : i32
      %convert_element_type3A_108 = arith.extui %lt3A_107 : i1 to i32
      %cond3A_109 = arith.constant 0 : i32
      %cond3A_110 = arith.cmpi ne, %convert_element_type3A_108, %cond3A_109 : i32
      scf.if %cond3A_110 {
        %add3A_111 = arith.addi %select_n3A, %add3A_106 : i32
        "tpu.region"() ({
          %run_scoped3A_119 = tpu.sem_alloc : memref<!tpu.dma_semaphore, #tpu.memory_space<semaphore_mem>>
          %dma_start3A_120 = arith.constant 0 : i32
          %dma_start3A_121 = arith.constant 0 : i32
          %dma_start3A_122 = tpu.memref_slice %arg3[%arg1, %add3A_111, %dma_start3A_120, %dma_start3A_121] : memref<16x180x2x112xi32, #tpu.memory_space<hbm>> -> memref<1x1x2x112xi32, #tpu.memory_space<hbm>>
          %dma_start3A_123 = tpu.memref_squeeze %dma_start3A_122 : memref<1x1x2x112xi32, #tpu.memory_space<hbm>> -> memref<2x112xi32, #tpu.memory_space<hbm>>
          %dma_start3A_124 = arith.constant 0 : i32
          %dma_start3A_125 = arith.constant 0 : i32
          %dma_start3A_126 = tpu.memref_slice %arg3[%arg1, %add3A_111, %dma_start3A_124, %dma_start3A_125] : memref<16x180x2x112xi32, #tpu.memory_space<hbm>> -> memref<1x1x2x112xi32, #tpu.memory_space<hbm>>
          %dma_start3A_127 = tpu.memref_squeeze %dma_start3A_126 : memref<1x1x2x112xi32, #tpu.memory_space<hbm>> -> memref<2x112xi32, #tpu.memory_space<hbm>>
          tpu.enqueue_dma source(%dma_start3A_127 : memref<2x112xi32, #tpu.memory_space<hbm>>) target(%arg7 : memref<2x112xi32, #tpu.memory_space<vmem>>) target_semaphore(%run_scoped3A_119 : memref<!tpu.dma_semaphore, #tpu.memory_space<semaphore_mem>>)
          %dma_wait3A_128 = arith.constant 0 : i32
          %dma_wait3A_129 = arith.constant 0 : i32
          %dma_wait3A_130 = tpu.memref_slice %arg3[%arg1, %add3A_111, %dma_wait3A_128, %dma_wait3A_129] : memref<16x180x2x112xi32, #tpu.memory_space<hbm>> -> memref<1x1x2x112xi32, #tpu.memory_space<hbm>>
          %dma_wait3A_131 = tpu.memref_squeeze %dma_wait3A_130 : memref<1x1x2x112xi32, #tpu.memory_space<hbm>> -> memref<2x112xi32, #tpu.memory_space<hbm>>
          %dma_wait3A_132 = arith.constant 0 : i32
          %dma_wait3A_133 = arith.constant 0 : i32
          %dma_wait3A_134 = tpu.memref_slice %arg3[%arg1, %add3A_111, %dma_wait3A_132, %dma_wait3A_133] : memref<16x180x2x112xi32, #tpu.memory_space<hbm>> -> memref<1x1x2x112xi32, #tpu.memory_space<hbm>>
          %dma_wait3A_135 = tpu.memref_squeeze %dma_wait3A_134 : memref<1x1x2x112xi32, #tpu.memory_space<hbm>> -> memref<2x112xi32, #tpu.memory_space<hbm>>
          tpu.wait_dma2 semaphore(%run_scoped3A_119 : memref<!tpu.dma_semaphore, #tpu.memory_space<semaphore_mem>>) src(%dma_wait3A_135 : memref<2x112xi32, #tpu.memory_space<hbm>>) dst(%arg7 : memref<2x112xi32, #tpu.memory_space<vmem>>)
          tpu.yield
        }) : () -> ()
        %dma_start3A_112 = arith.constant 0 : i32
        %dma_start3A_113 = arith.constant 0 : i32
        %dma_start3A_114 = tpu.memref_slice %arg7[%dma_start3A_112, %dma_start3A_113] : memref<2x112xi32, #tpu.memory_space<vmem>> -> memref<1x112xi32, #tpu.memory_space<vmem>>
        %dma_start3A_115 = tpu.memref_squeeze %dma_start3A_114 : memref<1x112xi32, #tpu.memory_space<vmem>> -> memref<112xi32, #tpu.memory_space<vmem>>
        %dma_start3A_116 = arith.constant 0 : i32
        %dma_start3A_117 = arith.constant 0 : i32
        %dma_start3A_118 = tpu.memref_slice %arg2[%dma_start3A_116, %dma_start3A_117] : memref<10240x128xf32, #tpu.memory_space<hbm>> -> memref<10240x128xf32, #tpu.memory_space<hbm>>
        tpu.enqueue_indirect_dma source(%dma_start3A_118 : memref<10240x128xf32, #tpu.memory_space<hbm>>) target(%arg10 : memref<112x128xf32, #tpu.memory_space<vmem>>) offsets(%dma_start3A_115 : memref<112xi32, #tpu.memory_space<vmem>>) semaphore(%arg14 : memref<!tpu.dma_semaphore, #tpu.memory_space<semaphore_mem>>)
      } else {
      }
    }
    %barrier3A_60 = arith.constant 0 : index
    tpu.barrier barrier_id(%barrier3A_60)
    "tpu.region"() ({
      %run_scoped3A = tpu.sem_alloc : memref<!tpu.dma_semaphore, #tpu.memory_space<semaphore_mem>>
      %dma_start3A_61 = arith.constant 0 : i32
      %dma_start3A_62 = tpu.memref_slice %arg4[%arg0, %mul3A_0, %dma_start3A_61] : memref<2x10240x128xf32, #tpu.memory_space<hbm>> -> memref<1x640x128xf32, #tpu.memory_space<hbm>>
      %dma_start3A_63 = tpu.memref_squeeze %dma_start3A_62 : memref<1x640x128xf32, #tpu.memory_space<hbm>> -> memref<640x128xf32, #tpu.memory_space<hbm>>
      %dma_start3A_64 = arith.constant 0 : i32
      %dma_start3A_65 = tpu.memref_slice %arg11[%mul3A_0, %dma_start3A_64] : memref<10240x128xf32, #tpu.memory_space<vmem_shared>> -> memref<640x128xf32, #tpu.memory_space<vmem_shared>>
      tpu.enqueue_dma source(%dma_start3A_65 : memref<640x128xf32, #tpu.memory_space<vmem_shared>>) target(%dma_start3A_63 : memref<640x128xf32, #tpu.memory_space<hbm>>) target_semaphore(%run_scoped3A : memref<!tpu.dma_semaphore, #tpu.memory_space<semaphore_mem>>)
      %dma_wait3A = arith.constant 0 : i32
      %dma_wait3A_66 = tpu.memref_slice %arg4[%arg0, %mul3A_0, %dma_wait3A] : memref<2x10240x128xf32, #tpu.memory_space<hbm>> -> memref<1x640x128xf32, #tpu.memory_space<hbm>>
      %dma_wait3A_67 = tpu.memref_squeeze %dma_wait3A_66 : memref<1x640x128xf32, #tpu.memory_space<hbm>> -> memref<640x128xf32, #tpu.memory_space<hbm>>
      %dma_wait3A_68 = arith.constant 0 : i32
      %dma_wait3A_69 = tpu.memref_slice %arg11[%mul3A_0, %dma_wait3A_68] : memref<10240x128xf32, #tpu.memory_space<vmem_shared>> -> memref<640x128xf32, #tpu.memory_space<vmem_shared>>
      tpu.wait_dma2 semaphore(%run_scoped3A : memref<!tpu.dma_semaphore, #tpu.memory_space<semaphore_mem>>) src(%dma_wait3A_69 : memref<640x128xf32, #tpu.memory_space<vmem_shared>>) dst(%dma_wait3A_67 : memref<640x128xf32, #tpu.memory_space<hbm>>)
      tpu.yield
    }) : () -> ()
    return
  }
}

module attributes {stable_mosaic.version = 14 : i64} {
  func.func @_t1_body(%arg0: i32, %arg1: memref<1024x128xf32, #tpu.memory_space<vmem>>, %arg2: memref<1024x1xf32, #tpu.memory_space<vmem>>, %arg3: memref<128x128xf32, #tpu.memory_space<vmem>>, %arg4: memref<1024x128xf32, #tpu.memory_space<vmem>>, %arg5: memref<1024x128xf32, #tpu.memory_space<vmem>>) attributes {dimension_semantics = [#tpu.dimension_semantics<arbitrary>], iteration_bounds = array<i64: 10>, scalar_prefetch = 0 : i64, scratch_operands = 0 : i64, tpu.core_type = #tpu.core_type<tc>, window_params = [{transform_indices = @transform_0, window_bounds = array<i64: 1024, 128>}, {transform_indices = @transform_1, window_bounds = array<i64: 1024, 1>}, {pipeline_mode = #tpu.pipeline_mode<synchronous>, transform_indices = @transform_2, window_bounds = array<i64: 128, 128>}, {transform_indices = @transform_3, window_bounds = array<i64: 1024, 128>}, {transform_indices = @transform_4, window_bounds = array<i64: 1024, 128>}]} {
    %get3A = arith.constant 0 : index
    %get3A_0 = arith.constant 0 : index
    %get3A_1 = vector.load %arg1[%get3A, %get3A_0] : memref<1024x128xf32, #tpu.memory_space<vmem>>, vector<1024x128xf32>
    %get3A_2 = arith.constant 0 : index
    %get3A_3 = arith.constant 0 : index
    %get3A_4 = vector.load %arg2[%get3A_2, %get3A_3] : memref<1024x1xf32, #tpu.memory_space<vmem>>, vector<1024x1xf32>
    %mul3A = vector.broadcast %get3A_4 : vector<1024x1xf32> to vector<1024x128xf32>
    %mul3A_5 = arith.mulf %get3A_1, %mul3A : vector<1024x128xf32>
    %swap3A = arith.constant 0 : index
    %swap3A_6 = arith.constant 0 : index
    %swap3A_7 = vector.load %arg4[%swap3A, %swap3A_6] : memref<1024x128xf32, #tpu.memory_space<vmem>>, vector<1024x128xf32>
    tpu.vector_store %arg4[%swap3A, %swap3A_6], %mul3A_5 {strides = array<i32>} : memref<1024x128xf32, #tpu.memory_space<vmem>>, vector<1024x128xf32>,
    %get3A_8 = arith.constant 0 : index
    %get3A_9 = arith.constant 0 : index
    %get3A_10 = vector.load %arg3[%get3A_8, %get3A_9] : memref<128x128xf32, #tpu.memory_space<vmem>>, vector<128x128xf32>
    %dot_general3A = arith.constant dense<0.000000e+00> : vector<1024x128xf32>
    %dot_general3A_11 = tpu.matmul %get3A_1, %get3A_10, %dot_general3A {dimension_numbers = #tpu.dot_dimension_numbers<[1], [0], [0], [1], [0, 0, 1, 1], [], []>, transpose_lhs_hint = false} : vector<1024x128xf32>, vector<128x128xf32>, vector<1024x128xf32> -> vector<1024x128xf32>
    %swap3A_12 = arith.constant 0 : index
    %swap3A_13 = arith.constant 0 : index
    %swap3A_14 = vector.load %arg5[%swap3A_12, %swap3A_13] : memref<1024x128xf32, #tpu.memory_space<vmem>>, vector<1024x128xf32>
    tpu.vector_store %arg5[%swap3A_12, %swap3A_13], %dot_general3A_11 {strides = array<i32>} : memref<1024x128xf32, #tpu.memory_space<vmem>>, vector<1024x128xf32>,
    return
  }
  func.func @transform_0(%arg0: i32) -> (i32, i32) {
    %c0_i32 = arith.constant 0 : i32
    %c0_i32_0 = arith.constant 0 : i32
    return %arg0, %c0_i32 : i32, i32
  }
  func.func @transform_1(%arg0: i32) -> (i32, i32) {
    %c0_i32 = arith.constant 0 : i32
    %c0_i32_0 = arith.constant 0 : i32
    return %arg0, %c0_i32 : i32, i32
  }
  func.func @transform_2(%arg0: i32) -> (i32, i32) {
    %c0_i32 = arith.constant 0 : i32
    %c0_i32_0 = arith.constant 0 : i32
    %c0_i32_1 = arith.constant 0 : i32
    return %c0_i32, %c0_i32_0 : i32, i32
  }
  func.func @transform_3(%arg0: i32) -> (i32, i32) {
    %c0_i32 = arith.constant 0 : i32
    %c0_i32_0 = arith.constant 0 : i32
    return %arg0, %c0_i32 : i32, i32
  }
  func.func @transform_4(%arg0: i32) -> (i32, i32) {
    %c0_i32 = arith.constant 0 : i32
    %c0_i32_0 = arith.constant 0 : i32
    return %arg0, %c0_i32 : i32, i32
  }
}

module attributes {stable_mosaic.version = 14 : i64} {
  func.func @_t2_body(%arg0: i32, %arg1: memref<2x1024x128xf32, #tpu.memory_space<vmem>>, %arg2: memref<1024x128xf32, #tpu.memory_space<vmem>>, %arg3: memref<1024x1xf32, #tpu.memory_space<vmem>>, %arg4: memref<1024x1xf32, #tpu.memory_space<vmem>>, %arg5: memref<128x128xf32, #tpu.memory_space<vmem>>, %arg6: memref<1024x128xf32, #tpu.memory_space<vmem>>, %arg7: memref<1024x128xf32, #tpu.memory_space<vmem>>) attributes {dimension_semantics = [#tpu.dimension_semantics<arbitrary>], iteration_bounds = array<i64: 10>, scalar_prefetch = 0 : i64, scratch_operands = 0 : i64, tpu.core_type = #tpu.core_type<tc>, window_params = [{transform_indices = @transform_0, window_bounds = array<i64: 2, 1024, 128>}, {transform_indices = @transform_1, window_bounds = array<i64: 1024, 128>}, {transform_indices = @transform_2, window_bounds = array<i64: 1024, 1>}, {transform_indices = @transform_3, window_bounds = array<i64: 1024, 1>}, {pipeline_mode = #tpu.pipeline_mode<synchronous>, transform_indices = @transform_4, window_bounds = array<i64: 128, 128>}, {transform_indices = @transform_5, window_bounds = array<i64: 1024, 128>}, {transform_indices = @transform_6, window_bounds = array<i64: 1024, 128>}]} {
    %get3A = arith.constant 0 : index
    %get3A_0 = arith.constant 0 : index
    %get3A_1 = arith.constant 0 : index
    %get3A_2 = vector.load %arg1[%get3A, %get3A_0, %get3A_1] : memref<2x1024x128xf32, #tpu.memory_space<vmem>>, vector<1x1024x128xf32>
    %get3A_3 = vector.shape_cast %get3A_2 : vector<1x1024x128xf32> to vector<1024x128xf32>
    %get3A_4 = arith.constant 1 : index
    %get3A_5 = arith.constant 0 : index
    %get3A_6 = arith.constant 0 : index
    %get3A_7 = vector.load %arg1[%get3A_4, %get3A_5, %get3A_6] : memref<2x1024x128xf32, #tpu.memory_space<vmem>>, vector<1x1024x128xf32>
    %get3A_8 = vector.shape_cast %get3A_7 : vector<1x1024x128xf32> to vector<1024x128xf32>
    %add3A = arith.addf %get3A_3, %get3A_8 : vector<1024x128xf32>
    %get3A_9 = arith.constant 0 : index
    %get3A_10 = arith.constant 0 : index
    %get3A_11 = vector.load %arg2[%get3A_9, %get3A_10] : memref<1024x128xf32, #tpu.memory_space<vmem>>, vector<1024x128xf32>
    %sub3A = arith.subf %add3A, %get3A_11 : vector<1024x128xf32>
    %get3A_12 = arith.constant 0 : index
    %get3A_13 = arith.constant 0 : index
    %get3A_14 = vector.load %arg3[%get3A_12, %get3A_13] : memref<1024x1xf32, #tpu.memory_space<vmem>>, vector<1024x1xf32>
    %mul3A = vector.broadcast %get3A_14 : vector<1024x1xf32> to vector<1024x128xf32>
    %mul3A_15 = arith.mulf %sub3A, %mul3A : vector<1024x128xf32>
    %get3A_16 = arith.constant 0 : index
    %get3A_17 = arith.constant 0 : index
    %get3A_18 = vector.load %arg5[%get3A_16, %get3A_17] : memref<128x128xf32, #tpu.memory_space<vmem>>, vector<128x128xf32>
    %dot_general3A = arith.constant dense<0.000000e+00> : vector<1024x128xf32>
    %dot_general3A_19 = tpu.matmul %mul3A_15, %get3A_18, %dot_general3A {dimension_numbers = #tpu.dot_dimension_numbers<[1], [0], [0], [1], [0, 0, 1, 1], [], []>, transpose_lhs_hint = false} : vector<1024x128xf32>, vector<128x128xf32>, vector<1024x128xf32> -> vector<1024x128xf32>
    %swap3A = arith.constant 0 : index
    %swap3A_20 = arith.constant 0 : index
    %swap3A_21 = vector.load %arg6[%swap3A, %swap3A_20] : memref<1024x128xf32, #tpu.memory_space<vmem>>, vector<1024x128xf32>
    tpu.vector_store %arg6[%swap3A, %swap3A_20], %dot_general3A_19 {strides = array<i32>} : memref<1024x128xf32, #tpu.memory_space<vmem>>, vector<1024x128xf32>,
    %get3A_22 = arith.constant 0 : index
    %get3A_23 = arith.constant 0 : index
    %get3A_24 = vector.load %arg4[%get3A_22, %get3A_23] : memref<1024x1xf32, #tpu.memory_space<vmem>>, vector<1024x1xf32>
    %mul3A_25 = vector.broadcast %get3A_24 : vector<1024x1xf32> to vector<1024x128xf32>
    %mul3A_26 = arith.mulf %sub3A, %mul3A_25 : vector<1024x128xf32>
    %swap3A_27 = arith.constant 0 : index
    %swap3A_28 = arith.constant 0 : index
    %swap3A_29 = vector.load %arg7[%swap3A_27, %swap3A_28] : memref<1024x128xf32, #tpu.memory_space<vmem>>, vector<1024x128xf32>
    tpu.vector_store %arg7[%swap3A_27, %swap3A_28], %mul3A_26 {strides = array<i32>} : memref<1024x128xf32, #tpu.memory_space<vmem>>, vector<1024x128xf32>,
    return
  }
  func.func @transform_0(%arg0: i32) -> (i32, i32, i32) {
    %c0_i32 = arith.constant 0 : i32
    %c0_i32_0 = arith.constant 0 : i32
    %c0_i32_1 = arith.constant 0 : i32
    return %c0_i32, %arg0, %c0_i32_0 : i32, i32, i32
  }
  func.func @transform_1(%arg0: i32) -> (i32, i32) {
    %c0_i32 = arith.constant 0 : i32
    %c0_i32_0 = arith.constant 0 : i32
    return %arg0, %c0_i32 : i32, i32
  }
  func.func @transform_2(%arg0: i32) -> (i32, i32) {
    %c0_i32 = arith.constant 0 : i32
    %c0_i32_0 = arith.constant 0 : i32
    return %arg0, %c0_i32 : i32, i32
  }
  func.func @transform_3(%arg0: i32) -> (i32, i32) {
    %c0_i32 = arith.constant 0 : i32
    %c0_i32_0 = arith.constant 0 : i32
    return %arg0, %c0_i32 : i32, i32
  }
  func.func @transform_4(%arg0: i32) -> (i32, i32) {
    %c0_i32 = arith.constant 0 : i32
    %c0_i32_0 = arith.constant 0 : i32
    %c0_i32_1 = arith.constant 0 : i32
    return %c0_i32, %c0_i32_0 : i32, i32
  }
  func.func @transform_5(%arg0: i32) -> (i32, i32) {
    %c0_i32 = arith.constant 0 : i32
    %c0_i32_0 = arith.constant 0 : i32
    return %arg0, %c0_i32 : i32, i32
  }
  func.func @transform_6(%arg0: i32) -> (i32, i32) {
    %c0_i32 = arith.constant 0 : i32
    %c0_i32_0 = arith.constant 0 : i32
    return %arg0, %c0_i32 : i32, i32
  }
}

module attributes {stable_mosaic.version = 14 : i64} {
  func.func @_t3_body(%arg0: i32, %arg1: memref<2x1024x128xf32, #tpu.memory_space<vmem>>, %arg2: memref<1024x128xf32, #tpu.memory_space<vmem>>, %arg3: memref<1024x128xf32, #tpu.memory_space<vmem>>, %arg4: memref<1024x128xf32, #tpu.memory_space<vmem>>, %arg5: memref<1024x1xf32, #tpu.memory_space<vmem>>, %arg6: memref<128x128xf32, #tpu.memory_space<vmem>>, %arg7: memref<1x128xf32, #tpu.memory_space<vmem>>, %arg8: memref<1x128xf32, #tpu.memory_space<vmem>>, %arg9: memref<1x128xf32, #tpu.memory_space<vmem>>, %arg10: memref<128x40xf32, #tpu.memory_space<vmem>>, %arg11: memref<128x40xf32, #tpu.memory_space<vmem>>, %arg12: memref<128x40xf32, #tpu.memory_space<vmem>>, %arg13: memref<128x40xf32, #tpu.memory_space<vmem>>, %arg14: memref<128x40xf32, #tpu.memory_space<vmem>>, %arg15: memref<128x40xf32, #tpu.memory_space<vmem>>, %arg16: memref<128x40xf32, #tpu.memory_space<vmem>>, %arg17: memref<128x40xf32, #tpu.memory_space<vmem>>, %arg18: memref<128x40xf32, #tpu.memory_space<vmem>>, %arg19: memref<1024x40xf32, #tpu.memory_space<vmem>>, %arg20: memref<1024x40xf32, #tpu.memory_space<vmem>>, %arg21: memref<1024x40xf32, #tpu.memory_space<vmem>>) attributes {dimension_semantics = [#tpu.dimension_semantics<arbitrary>], iteration_bounds = array<i64: 10>, scalar_prefetch = 0 : i64, scratch_operands = 0 : i64, tpu.core_type = #tpu.core_type<tc>, window_params = [{transform_indices = @transform_0, window_bounds = array<i64: 2, 1024, 128>}, {transform_indices = @transform_1, window_bounds = array<i64: 1024, 128>}, {transform_indices = @transform_2, window_bounds = array<i64: 1024, 128>}, {transform_indices = @transform_3, window_bounds = array<i64: 1024, 128>}, {transform_indices = @transform_4, window_bounds = array<i64: 1024, 1>}, {pipeline_mode = #tpu.pipeline_mode<synchronous>, transform_indices = @transform_5, window_bounds = array<i64: 128, 128>}, {pipeline_mode = #tpu.pipeline_mode<synchronous>, transform_indices = @transform_6, window_bounds = array<i64: 1, 128>}, {pipeline_mode = #tpu.pipeline_mode<synchronous>, transform_indices = @transform_7, window_bounds = array<i64: 1, 128>}, {pipeline_mode = #tpu.pipeline_mode<synchronous>, transform_indices = @transform_8, window_bounds = array<i64: 1, 128>}, {pipeline_mode = #tpu.pipeline_mode<synchronous>, transform_indices = @transform_9, window_bounds = array<i64: 128, 40>}, {pipeline_mode = #tpu.pipeline_mode<synchronous>, transform_indices = @transform_10, window_bounds = array<i64: 128, 40>}, {pipeline_mode = #tpu.pipeline_mode<synchronous>, transform_indices = @transform_11, window_bounds = array<i64: 128, 40>}, {pipeline_mode = #tpu.pipeline_mode<synchronous>, transform_indices = @transform_12, window_bounds = array<i64: 128, 40>}, {pipeline_mode = #tpu.pipeline_mode<synchronous>, transform_indices = @transform_13, window_bounds = array<i64: 128, 40>}, {pipeline_mode = #tpu.pipeline_mode<synchronous>, transform_indices = @transform_14, window_bounds = array<i64: 128, 40>}, {pipeline_mode = #tpu.pipeline_mode<synchronous>, transform_indices = @transform_15, window_bounds = array<i64: 128, 40>}, {pipeline_mode = #tpu.pipeline_mode<synchronous>, transform_indices = @transform_16, window_bounds = array<i64: 128, 40>}, {pipeline_mode = #tpu.pipeline_mode<synchronous>, transform_indices = @transform_17, window_bounds = array<i64: 128, 40>}, {transform_indices = @transform_18, window_bounds = array<i64: 1024, 40>}, {transform_indices = @transform_19, window_bounds = array<i64: 1024, 40>}, {transform_indices = @transform_20, window_bounds = array<i64: 1024, 40>}]} {
    %get3A = arith.constant 0 : index
    %get3A_0 = arith.constant 0 : index
    %get3A_1 = vector.load %arg5[%get3A, %get3A_0] : memref<1024x1xf32, #tpu.memory_space<vmem>>, vector<1024x1xf32>
    %get3A_2 = arith.constant 0 : index
    %get3A_3 = arith.constant 0 : index
    %get3A_4 = arith.constant 0 : index
    %get3A_5 = vector.load %arg1[%get3A_2, %get3A_3, %get3A_4] : memref<2x1024x128xf32, #tpu.memory_space<vmem>>, vector<1x1024x128xf32>
    %get3A_6 = vector.shape_cast %get3A_5 : vector<1x1024x128xf32> to vector<1024x128xf32>
    %get3A_7 = arith.constant 1 : index
    %get3A_8 = arith.constant 0 : index
    %get3A_9 = arith.constant 0 : index
    %get3A_10 = vector.load %arg1[%get3A_7, %get3A_8, %get3A_9] : memref<2x1024x128xf32, #tpu.memory_space<vmem>>, vector<1x1024x128xf32>
    %get3A_11 = vector.shape_cast %get3A_10 : vector<1x1024x128xf32> to vector<1024x128xf32>
    %add3A = arith.addf %get3A_6, %get3A_11 : vector<1024x128xf32>
    %get3A_12 = arith.constant 0 : index
    %get3A_13 = arith.constant 0 : index
    %get3A_14 = vector.load %arg2[%get3A_12, %get3A_13] : memref<1024x128xf32, #tpu.memory_space<vmem>>, vector<1024x128xf32>
    %sub3A = arith.subf %add3A, %get3A_14 : vector<1024x128xf32>
    %mul3A = vector.broadcast %get3A_1 : vector<1024x1xf32> to vector<1024x128xf32>
    %mul3A_15 = arith.mulf %sub3A, %mul3A : vector<1024x128xf32>
    %get3A_16 = arith.constant 0 : index
    %get3A_17 = arith.constant 0 : index
    %get3A_18 = vector.load %arg6[%get3A_16, %get3A_17] : memref<128x128xf32, #tpu.memory_space<vmem>>, vector<128x128xf32>
    %dot_general3A = arith.constant dense<0.000000e+00> : vector<1024x128xf32>
    %dot_general3A_19 = tpu.matmul %mul3A_15, %get3A_18, %dot_general3A {dimension_numbers = #tpu.dot_dimension_numbers<[1], [0], [0], [1], [0, 0, 1, 1], [], []>, transpose_lhs_hint = false} : vector<1024x128xf32>, vector<128x128xf32>, vector<1024x128xf32> -> vector<1024x128xf32>
    %get3A_20 = arith.constant 0 : index
    %get3A_21 = arith.constant 0 : index
    %get3A_22 = vector.load %arg3[%get3A_20, %get3A_21] : memref<1024x128xf32, #tpu.memory_space<vmem>>, vector<1024x128xf32>
    %get3A_23 = arith.constant 0 : index
    %get3A_24 = arith.constant 0 : index
    %get3A_25 = vector.load %arg7[%get3A_23, %get3A_24] : memref<1x128xf32, #tpu.memory_space<vmem>>, vector<1x128xf32>
    %add3A_26 = vector.broadcast %get3A_25 : vector<1x128xf32> to vector<1024x128xf32>
    %add3A_27 = arith.addf %get3A_22, %add3A_26 : vector<1024x128xf32>
    %max3A = arith.constant 0.000000e+00 : f32
    %max3A_28 = vector.broadcast %max3A : f32 to vector<1024x128xf32>
    %max3A_29 = arith.maximumf %add3A_27, %max3A_28 : vector<1024x128xf32>
    %get3A_30 = arith.constant 0 : index
    %get3A_31 = arith.constant 0 : index
    %get3A_32 = vector.load %arg4[%get3A_30, %get3A_31] : memref<1024x128xf32, #tpu.memory_space<vmem>>, vector<1024x128xf32>
    %get3A_33 = arith.constant 0 : index
    %get3A_34 = arith.constant 0 : index
    %get3A_35 = vector.load %arg8[%get3A_33, %get3A_34] : memref<1x128xf32, #tpu.memory_space<vmem>>, vector<1x128xf32>
    %add3A_36 = vector.broadcast %get3A_35 : vector<1x128xf32> to vector<1024x128xf32>
    %add3A_37 = arith.addf %get3A_32, %add3A_36 : vector<1024x128xf32>
    %max3A_38 = arith.constant 0.000000e+00 : f32
    %max3A_39 = vector.broadcast %max3A_38 : f32 to vector<1024x128xf32>
    %max3A_40 = arith.maximumf %add3A_37, %max3A_39 : vector<1024x128xf32>
    %get3A_41 = arith.constant 0 : index
    %get3A_42 = arith.constant 0 : index
    %get3A_43 = vector.load %arg9[%get3A_41, %get3A_42] : memref<1x128xf32, #tpu.memory_space<vmem>>, vector<1x128xf32>
    %add3A_44 = vector.broadcast %get3A_43 : vector<1x128xf32> to vector<1024x128xf32>
    %add3A_45 = arith.addf %dot_general3A_19, %add3A_44 : vector<1024x128xf32>
    %max3A_46 = arith.constant 0.000000e+00 : f32
    %max3A_47 = vector.broadcast %max3A_46 : f32 to vector<1024x128xf32>
    %max3A_48 = arith.maximumf %add3A_45, %max3A_47 : vector<1024x128xf32>
    %get3A_49 = arith.constant 0 : index
    %get3A_50 = arith.constant 0 : index
    %get3A_51 = vector.load %arg10[%get3A_49, %get3A_50] : memref<128x40xf32, #tpu.memory_space<vmem>>, vector<128x40xf32>
    %dot_general3A_52 = arith.constant dense<0.000000e+00> : vector<1024x40xf32>
    %dot_general3A_53 = tpu.matmul %max3A_29, %get3A_51, %dot_general3A_52 {dimension_numbers = #tpu.dot_dimension_numbers<[1], [0], [0], [1], [0, 0, 1, 1], [], []>, transpose_lhs_hint = false} : vector<1024x128xf32>, vector<128x40xf32>, vector<1024x40xf32> -> vector<1024x40xf32>
    %get3A_54 = arith.constant 0 : index
    %get3A_55 = arith.constant 0 : index
    %get3A_56 = vector.load %arg11[%get3A_54, %get3A_55] : memref<128x40xf32, #tpu.memory_space<vmem>>, vector<128x40xf32>
    %dot_general3A_57 = arith.constant dense<0.000000e+00> : vector<1024x40xf32>
    %dot_general3A_58 = tpu.matmul %max3A_40, %get3A_56, %dot_general3A_57 {dimension_numbers = #tpu.dot_dimension_numbers<[1], [0], [0], [1], [0, 0, 1, 1], [], []>, transpose_lhs_hint = false} : vector<1024x128xf32>, vector<128x40xf32>, vector<1024x40xf32> -> vector<1024x40xf32>
    %add3A_59 = arith.addf %dot_general3A_53, %dot_general3A_58 : vector<1024x40xf32>
    %get3A_60 = arith.constant 0 : index
    %get3A_61 = arith.constant 0 : index
    %get3A_62 = vector.load %arg12[%get3A_60, %get3A_61] : memref<128x40xf32, #tpu.memory_space<vmem>>, vector<128x40xf32>
    %dot_general3A_63 = arith.constant dense<0.000000e+00> : vector<1024x40xf32>
    %dot_general3A_64 = tpu.matmul %max3A_48, %get3A_62, %dot_general3A_63 {dimension_numbers = #tpu.dot_dimension_numbers<[1], [0], [0], [1], [0, 0, 1, 1], [], []>, transpose_lhs_hint = false} : vector<1024x128xf32>, vector<128x40xf32>, vector<1024x40xf32> -> vector<1024x40xf32>
    %add3A_65 = arith.addf %add3A_59, %dot_general3A_64 : vector<1024x40xf32>
    %swap3A = arith.constant 0 : index
    %swap3A_66 = arith.constant 0 : index
    %swap3A_67 = vector.load %arg19[%swap3A, %swap3A_66] : memref<1024x40xf32, #tpu.memory_space<vmem>>, vector<1024x40xf32>
    tpu.vector_store %arg19[%swap3A, %swap3A_66], %add3A_65 {strides = array<i32>} : memref<1024x40xf32, #tpu.memory_space<vmem>>, vector<1024x40xf32>,
    %get3A_68 = arith.constant 0 : index
    %get3A_69 = arith.constant 0 : index
    %get3A_70 = vector.load %arg13[%get3A_68, %get3A_69] : memref<128x40xf32, #tpu.memory_space<vmem>>, vector<128x40xf32>
    %dot_general3A_71 = arith.constant dense<0.000000e+00> : vector<1024x40xf32>
    %dot_general3A_72 = tpu.matmul %max3A_29, %get3A_70, %dot_general3A_71 {dimension_numbers = #tpu.dot_dimension_numbers<[1], [0], [0], [1], [0, 0, 1, 1], [], []>, transpose_lhs_hint = false} : vector<1024x128xf32>, vector<128x40xf32>, vector<1024x40xf32> -> vector<1024x40xf32>
    %get3A_73 = arith.constant 0 : index
    %get3A_74 = arith.constant 0 : index
    %get3A_75 = vector.load %arg14[%get3A_73, %get3A_74] : memref<128x40xf32, #tpu.memory_space<vmem>>, vector<128x40xf32>
    %dot_general3A_76 = arith.constant dense<0.000000e+00> : vector<1024x40xf32>
    %dot_general3A_77 = tpu.matmul %max3A_40, %get3A_75, %dot_general3A_76 {dimension_numbers = #tpu.dot_dimension_numbers<[1], [0], [0], [1], [0, 0, 1, 1], [], []>, transpose_lhs_hint = false} : vector<1024x128xf32>, vector<128x40xf32>, vector<1024x40xf32> -> vector<1024x40xf32>
    %add3A_78 = arith.addf %dot_general3A_72, %dot_general3A_77 : vector<1024x40xf32>
    %get3A_79 = arith.constant 0 : index
    %get3A_80 = arith.constant 0 : index
    %get3A_81 = vector.load %arg15[%get3A_79, %get3A_80] : memref<128x40xf32, #tpu.memory_space<vmem>>, vector<128x40xf32>
    %dot_general3A_82 = arith.constant dense<0.000000e+00> : vector<1024x40xf32>
    %dot_general3A_83 = tpu.matmul %max3A_48, %get3A_81, %dot_general3A_82 {dimension_numbers = #tpu.dot_dimension_numbers<[1], [0], [0], [1], [0, 0, 1, 1], [], []>, transpose_lhs_hint = false} : vector<1024x128xf32>, vector<128x40xf32>, vector<1024x40xf32> -> vector<1024x40xf32>
    %add3A_84 = arith.addf %add3A_78, %dot_general3A_83 : vector<1024x40xf32>
    %mul3A_85 = vector.broadcast %get3A_1 : vector<1024x1xf32> to vector<1024x40xf32>
    %mul3A_86 = arith.mulf %add3A_84, %mul3A_85 : vector<1024x40xf32>
    %swap3A_87 = arith.constant 0 : index
    %swap3A_88 = arith.constant 0 : index
    %swap3A_89 = vector.load %arg20[%swap3A_87, %swap3A_88] : memref<1024x40xf32, #tpu.memory_space<vmem>>, vector<1024x40xf32>
    tpu.vector_store %arg20[%swap3A_87, %swap3A_88], %mul3A_86 {strides = array<i32>} : memref<1024x40xf32, #tpu.memory_space<vmem>>, vector<1024x40xf32>,
    %get3A_90 = arith.constant 0 : index
    %get3A_91 = arith.constant 0 : index
    %get3A_92 = vector.load %arg16[%get3A_90, %get3A_91] : memref<128x40xf32, #tpu.memory_space<vmem>>, vector<128x40xf32>
    %dot_general3A_93 = arith.constant dense<0.000000e+00> : vector<1024x40xf32>
    %dot_general3A_94 = tpu.matmul %max3A_29, %get3A_92, %dot_general3A_93 {dimension_numbers = #tpu.dot_dimension_numbers<[1], [0], [0], [1], [0, 0, 1, 1], [], []>, transpose_lhs_hint = false} : vector<1024x128xf32>, vector<128x40xf32>, vector<1024x40xf32> -> vector<1024x40xf32>
    %get3A_95 = arith.constant 0 : index
    %get3A_96 = arith.constant 0 : index
    %get3A_97 = vector.load %arg17[%get3A_95, %get3A_96] : memref<128x40xf32, #tpu.memory_space<vmem>>, vector<128x40xf32>
    %dot_general3A_98 = arith.constant dense<0.000000e+00> : vector<1024x40xf32>
    %dot_general3A_99 = tpu.matmul %max3A_40, %get3A_97, %dot_general3A_98 {dimension_numbers = #tpu.dot_dimension_numbers<[1], [0], [0], [1], [0, 0, 1, 1], [], []>, transpose_lhs_hint = false} : vector<1024x128xf32>, vector<128x40xf32>, vector<1024x40xf32> -> vector<1024x40xf32>
    %add3A_100 = arith.addf %dot_general3A_94, %dot_general3A_99 : vector<1024x40xf32>
    %get3A_101 = arith.constant 0 : index
    %get3A_102 = arith.constant 0 : index
    %get3A_103 = vector.load %arg18[%get3A_101, %get3A_102] : memref<128x40xf32, #tpu.memory_space<vmem>>, vector<128x40xf32>
    %dot_general3A_104 = arith.constant dense<0.000000e+00> : vector<1024x40xf32>
    %dot_general3A_105 = tpu.matmul %max3A_48, %get3A_103, %dot_general3A_104 {dimension_numbers = #tpu.dot_dimension_numbers<[1], [0], [0], [1], [0, 0, 1, 1], [], []>, transpose_lhs_hint = false} : vector<1024x128xf32>, vector<128x40xf32>, vector<1024x40xf32> -> vector<1024x40xf32>
    %add3A_106 = arith.addf %add3A_100, %dot_general3A_105 : vector<1024x40xf32>
    %mul3A_107 = vector.broadcast %get3A_1 : vector<1024x1xf32> to vector<1024x40xf32>
    %mul3A_108 = arith.mulf %add3A_106, %mul3A_107 : vector<1024x40xf32>
    %swap3A_109 = arith.constant 0 : index
    %swap3A_110 = arith.constant 0 : index
    %swap3A_111 = vector.load %arg21[%swap3A_109, %swap3A_110] : memref<1024x40xf32, #tpu.memory_space<vmem>>, vector<1024x40xf32>
    tpu.vector_store %arg21[%swap3A_109, %swap3A_110], %mul3A_108 {strides = array<i32>} : memref<1024x40xf32, #tpu.memory_space<vmem>>, vector<1024x40xf32>,
    return
  }
  func.func @transform_0(%arg0: i32) -> (i32, i32, i32) {
    %c0_i32 = arith.constant 0 : i32
    %c0_i32_0 = arith.constant 0 : i32
    %c0_i32_1 = arith.constant 0 : i32
    return %c0_i32, %arg0, %c0_i32_0 : i32, i32, i32
  }
  func.func @transform_1(%arg0: i32) -> (i32, i32) {
    %c0_i32 = arith.constant 0 : i32
    %c0_i32_0 = arith.constant 0 : i32
    return %arg0, %c0_i32 : i32, i32
  }
  func.func @transform_2(%arg0: i32) -> (i32, i32) {
    %c0_i32 = arith.constant 0 : i32
    %c0_i32_0 = arith.constant 0 : i32
    return %arg0, %c0_i32 : i32, i32
  }
  func.func @transform_3(%arg0: i32) -> (i32, i32) {
    %c0_i32 = arith.constant 0 : i32
    %c0_i32_0 = arith.constant 0 : i32
    return %arg0, %c0_i32 : i32, i32
  }
  func.func @transform_4(%arg0: i32) -> (i32, i32) {
    %c0_i32 = arith.constant 0 : i32
    %c0_i32_0 = arith.constant 0 : i32
    return %arg0, %c0_i32 : i32, i32
  }
  func.func @transform_5(%arg0: i32) -> (i32, i32) {
    %c0_i32 = arith.constant 0 : i32
    %c0_i32_0 = arith.constant 0 : i32
    %c0_i32_1 = arith.constant 0 : i32
    return %c0_i32, %c0_i32_0 : i32, i32
  }
  func.func @transform_6(%arg0: i32) -> (i32, i32) {
    %c0_i32 = arith.constant 0 : i32
    %c0_i32_0 = arith.constant 0 : i32
    %c0_i32_1 = arith.constant 0 : i32
    return %c0_i32, %c0_i32_0 : i32, i32
  }
  func.func @transform_7(%arg0: i32) -> (i32, i32) {
    %c0_i32 = arith.constant 0 : i32
    %c0_i32_0 = arith.constant 0 : i32
    %c0_i32_1 = arith.constant 0 : i32
    return %c0_i32, %c0_i32_0 : i32, i32
  }
  func.func @transform_8(%arg0: i32) -> (i32, i32) {
    %c0_i32 = arith.constant 0 : i32
    %c0_i32_0 = arith.constant 0 : i32
    %c0_i32_1 = arith.constant 0 : i32
    return %c0_i32, %c0_i32_0 : i32, i32
  }
  func.func @transform_9(%arg0: i32) -> (i32, i32) {
    %c0_i32 = arith.constant 0 : i32
    %c0_i32_0 = arith.constant 0 : i32
    %c0_i32_1 = arith.constant 0 : i32
    return %c0_i32, %c0_i32_0 : i32, i32
  }
  func.func @transform_10(%arg0: i32) -> (i32, i32) {
    %c0_i32 = arith.constant 0 : i32
    %c0_i32_0 = arith.constant 0 : i32
    %c0_i32_1 = arith.constant 0 : i32
    return %c0_i32, %c0_i32_0 : i32, i32
  }
  func.func @transform_11(%arg0: i32) -> (i32, i32) {
    %c0_i32 = arith.constant 0 : i32
    %c0_i32_0 = arith.constant 0 : i32
    %c0_i32_1 = arith.constant 0 : i32
    return %c0_i32, %c0_i32_0 : i32, i32
  }
  func.func @transform_12(%arg0: i32) -> (i32, i32) {
    %c0_i32 = arith.constant 0 : i32
    %c0_i32_0 = arith.constant 0 : i32
    %c0_i32_1 = arith.constant 0 : i32
    return %c0_i32, %c0_i32_0 : i32, i32
  }
  func.func @transform_13(%arg0: i32) -> (i32, i32) {
    %c0_i32 = arith.constant 0 : i32
    %c0_i32_0 = arith.constant 0 : i32
    %c0_i32_1 = arith.constant 0 : i32
    return %c0_i32, %c0_i32_0 : i32, i32
  }
  func.func @transform_14(%arg0: i32) -> (i32, i32) {
    %c0_i32 = arith.constant 0 : i32
    %c0_i32_0 = arith.constant 0 : i32
    %c0_i32_1 = arith.constant 0 : i32
    return %c0_i32, %c0_i32_0 : i32, i32
  }
  func.func @transform_15(%arg0: i32) -> (i32, i32) {
    %c0_i32 = arith.constant 0 : i32
    %c0_i32_0 = arith.constant 0 : i32
    %c0_i32_1 = arith.constant 0 : i32
    return %c0_i32, %c0_i32_0 : i32, i32
  }
  func.func @transform_16(%arg0: i32) -> (i32, i32) {
    %c0_i32 = arith.constant 0 : i32
    %c0_i32_0 = arith.constant 0 : i32
    %c0_i32_1 = arith.constant 0 : i32
    return %c0_i32, %c0_i32_0 : i32, i32
  }
  func.func @transform_17(%arg0: i32) -> (i32, i32) {
    %c0_i32 = arith.constant 0 : i32
    %c0_i32_0 = arith.constant 0 : i32
    %c0_i32_1 = arith.constant 0 : i32
    return %c0_i32, %c0_i32_0 : i32, i32
  }
  func.func @transform_18(%arg0: i32) -> (i32, i32) {
    %c0_i32 = arith.constant 0 : i32
    %c0_i32_0 = arith.constant 0 : i32
    return %arg0, %c0_i32 : i32, i32
  }
  func.func @transform_19(%arg0: i32) -> (i32, i32) {
    %c0_i32 = arith.constant 0 : i32
    %c0_i32_0 = arith.constant 0 : i32
    return %arg0, %c0_i32 : i32, i32
  }
  func.func @transform_20(%arg0: i32) -> (i32, i32) {
    %c0_i32 = arith.constant 0 : i32
    %c0_i32_0 = arith.constant 0 : i32
    return %arg0, %c0_i32 : i32, i32
  }
}

module attributes {stable_mosaic.version = 14 : i64} {
  func.func @_t4_body(%arg0: i32, %arg1: memref<2x1024x2x64xf32, #tpu.memory_space<vmem>>, %arg2: memref<1024x2x64xf32, #tpu.memory_space<vmem>>, %arg3: memref<1024x2x1xf32, #tpu.memory_space<vmem>>, %arg4: memref<1024x2x64xf32, #tpu.memory_space<vmem>>) attributes {dimension_semantics = [#tpu.dimension_semantics<arbitrary>], iteration_bounds = array<i64: 10>, scalar_prefetch = 0 : i64, scratch_operands = 0 : i64, tpu.core_type = #tpu.core_type<tc>, window_params = [{transform_indices = @transform_0, window_bounds = array<i64: 2, 1024, 2, 64>}, {transform_indices = @transform_1, window_bounds = array<i64: 1024, 2, 64>}, {transform_indices = @transform_2, window_bounds = array<i64: 1024, 2, 1>}, {transform_indices = @transform_3, window_bounds = array<i64: 1024, 2, 64>}]} {
    %get3A = arith.constant 0 : index
    %get3A_0 = arith.constant 0 : index
    %get3A_1 = arith.constant 0 : index
    %get3A_2 = arith.constant 0 : index
    %get3A_3 = vector.load %arg1[%get3A, %get3A_0, %get3A_1, %get3A_2] : memref<2x1024x2x64xf32, #tpu.memory_space<vmem>>, vector<1x1024x2x64xf32>
    %get3A_4 = vector.shape_cast %get3A_3 : vector<1x1024x2x64xf32> to vector<1024x2x64xf32>
    %get3A_5 = arith.constant 1 : index
    %get3A_6 = arith.constant 0 : index
    %get3A_7 = arith.constant 0 : index
    %get3A_8 = arith.constant 0 : index
    %get3A_9 = vector.load %arg1[%get3A_5, %get3A_6, %get3A_7, %get3A_8] : memref<2x1024x2x64xf32, #tpu.memory_space<vmem>>, vector<1x1024x2x64xf32>
    %get3A_10 = vector.shape_cast %get3A_9 : vector<1x1024x2x64xf32> to vector<1024x2x64xf32>
    %add3A = arith.addf %get3A_4, %get3A_10 : vector<1024x2x64xf32>
    %get3A_11 = arith.constant 0 : index
    %get3A_12 = arith.constant 0 : index
    %get3A_13 = arith.constant 0 : index
    %get3A_14 = vector.load %arg2[%get3A_11, %get3A_12, %get3A_13] : memref<1024x2x64xf32, #tpu.memory_space<vmem>>, vector<1024x2x64xf32>
    %sub3A = arith.subf %add3A, %get3A_14 : vector<1024x2x64xf32>
    %get3A_15 = arith.constant 0 : index
    %get3A_16 = arith.constant 0 : index
    %get3A_17 = arith.constant 0 : index
    %get3A_18 = vector.load %arg3[%get3A_15, %get3A_16, %get3A_17] : memref<1024x2x1xf32, #tpu.memory_space<vmem>>, vector<1024x2x1xf32>
    %mul3A = vector.broadcast %get3A_18 : vector<1024x2x1xf32> to vector<1024x2x64xf32>
    %mul3A_19 = arith.mulf %sub3A, %mul3A : vector<1024x2x64xf32>
    %swap3A = arith.constant 0 : index
    %swap3A_20 = arith.constant 0 : index
    %swap3A_21 = arith.constant 0 : index
    %swap3A_22 = vector.load %arg4[%swap3A, %swap3A_20, %swap3A_21] : memref<1024x2x64xf32, #tpu.memory_space<vmem>>, vector<1024x2x64xf32>
    tpu.vector_store %arg4[%swap3A, %swap3A_20, %swap3A_21], %mul3A_19 {strides = array<i32>} : memref<1024x2x64xf32, #tpu.memory_space<vmem>>, vector<1024x2x64xf32>,
    return
  }
  func.func @transform_0(%arg0: i32) -> (i32, i32, i32, i32) {
    %c0_i32 = arith.constant 0 : i32
    %c0_i32_0 = arith.constant 0 : i32
    %c0_i32_1 = arith.constant 0 : i32
    %c0_i32_2 = arith.constant 0 : i32
    return %c0_i32, %arg0, %c0_i32_0, %c0_i32_1 : i32, i32, i32, i32
  }
  func.func @transform_1(%arg0: i32) -> (i32, i32, i32) {
    %c0_i32 = arith.constant 0 : i32
    %c0_i32_0 = arith.constant 0 : i32
    %c0_i32_1 = arith.constant 0 : i32
    return %arg0, %c0_i32, %c0_i32_0 : i32, i32, i32
  }
  func.func @transform_2(%arg0: i32) -> (i32, i32, i32) {
    %c0_i32 = arith.constant 0 : i32
    %c0_i32_0 = arith.constant 0 : i32
    %c0_i32_1 = arith.constant 0 : i32
    return %arg0, %c0_i32, %c0_i32_0 : i32, i32, i32
  }
  func.func @transform_3(%arg0: i32) -> (i32, i32, i32) {
    %c0_i32 = arith.constant 0 : i32
    %c0_i32_0 = arith.constant 0 : i32
    %c0_i32_1 = arith.constant 0 : i32
    return %arg0, %c0_i32, %c0_i32_0 : i32, i32, i32
  }
}

module attributes {stable_mosaic.version = 14 : i64} {
  func.func @_t5_body(%arg0: i32, %arg1: memref<2x1024x128xf32, #tpu.memory_space<vmem>>, %arg2: memref<1024x40xf32, #tpu.memory_space<vmem>>, %arg3: memref<1024x40xf32, #tpu.memory_space<vmem>>, %arg4: memref<1024x40xf32, #tpu.memory_space<vmem>>, %arg5: memref<1024x1xf32, #tpu.memory_space<vmem>>, %arg6: memref<1x40xf32, #tpu.memory_space<vmem>>, %arg7: memref<1x40xf32, #tpu.memory_space<vmem>>, %arg8: memref<1x40xf32, #tpu.memory_space<vmem>>, %arg9: memref<1024x40xf32, #tpu.memory_space<vmem>>, %arg10: memref<1024x40xf32, #tpu.memory_space<vmem>>, %arg11: memref<1024x40xf32, #tpu.memory_space<vmem>>) attributes {dimension_semantics = [#tpu.dimension_semantics<arbitrary>], iteration_bounds = array<i64: 10>, scalar_prefetch = 0 : i64, scratch_operands = 0 : i64, tpu.core_type = #tpu.core_type<tc>, window_params = [{transform_indices = @transform_0, window_bounds = array<i64: 2, 1024, 128>}, {transform_indices = @transform_1, window_bounds = array<i64: 1024, 40>}, {transform_indices = @transform_2, window_bounds = array<i64: 1024, 40>}, {transform_indices = @transform_3, window_bounds = array<i64: 1024, 40>}, {transform_indices = @transform_4, window_bounds = array<i64: 1024, 1>}, {pipeline_mode = #tpu.pipeline_mode<synchronous>, transform_indices = @transform_5, window_bounds = array<i64: 1, 40>}, {pipeline_mode = #tpu.pipeline_mode<synchronous>, transform_indices = @transform_6, window_bounds = array<i64: 1, 40>}, {pipeline_mode = #tpu.pipeline_mode<synchronous>, transform_indices = @transform_7, window_bounds = array<i64: 1, 40>}, {transform_indices = @transform_8, window_bounds = array<i64: 1024, 40>}, {transform_indices = @transform_9, window_bounds = array<i64: 1024, 40>}, {transform_indices = @transform_10, window_bounds = array<i64: 1024, 40>}]} {
    %get3A = arith.constant 0 : index
    %get3A_0 = arith.constant 0 : index
    %get3A_1 = arith.constant 0 : index
    %get3A_2 = vector.load %arg1[%get3A, %get3A_0, %get3A_1] : memref<2x1024x128xf32, #tpu.memory_space<vmem>>, vector<1x1024x128xf32>
    %get3A_3 = vector.shape_cast %get3A_2 : vector<1x1024x128xf32> to vector<1024x128xf32>
    %slice3A = vector.extract_strided_slice %get3A_3 {offsets = [0, 0], sizes = [1024, 40], strides = [1, 1]} : vector<1024x128xf32> to vector<1024x40xf32>
    %get3A_4 = arith.constant 1 : index
    %get3A_5 = arith.constant 0 : index
    %get3A_6 = arith.constant 0 : index
    %get3A_7 = vector.load %arg1[%get3A_4, %get3A_5, %get3A_6] : memref<2x1024x128xf32, #tpu.memory_space<vmem>>, vector<1x1024x128xf32>
    %get3A_8 = vector.shape_cast %get3A_7 : vector<1x1024x128xf32> to vector<1024x128xf32>
    %slice3A_9 = vector.extract_strided_slice %get3A_8 {offsets = [0, 0], sizes = [1024, 40], strides = [1, 1]} : vector<1024x128xf32> to vector<1024x40xf32>
    %add3A = arith.addf %slice3A, %slice3A_9 : vector<1024x40xf32>
    %get3A_10 = arith.constant 0 : index
    %get3A_11 = arith.constant 0 : index
    %get3A_12 = vector.load %arg2[%get3A_10, %get3A_11] : memref<1024x40xf32, #tpu.memory_space<vmem>>, vector<1024x40xf32>
    %sub3A = arith.subf %add3A, %get3A_12 : vector<1024x40xf32>
    %get3A_13 = arith.constant 0 : index
    %get3A_14 = arith.constant 0 : index
    %get3A_15 = vector.load %arg5[%get3A_13, %get3A_14] : memref<1024x1xf32, #tpu.memory_space<vmem>>, vector<1024x1xf32>
    %mul3A = vector.broadcast %get3A_15 : vector<1024x1xf32> to vector<1024x40xf32>
    %mul3A_16 = arith.mulf %sub3A, %mul3A : vector<1024x40xf32>
    %get3A_17 = arith.constant 0 : index
    %get3A_18 = arith.constant 0 : index
    %get3A_19 = vector.load %arg3[%get3A_17, %get3A_18] : memref<1024x40xf32, #tpu.memory_space<vmem>>, vector<1024x40xf32>
    %get3A_20 = arith.constant 0 : index
    %get3A_21 = arith.constant 0 : index
    %get3A_22 = vector.load %arg6[%get3A_20, %get3A_21] : memref<1x40xf32, #tpu.memory_space<vmem>>, vector<1x40xf32>
    %add3A_23 = vector.broadcast %get3A_22 : vector<1x40xf32> to vector<1024x40xf32>
    %add3A_24 = arith.addf %get3A_19, %add3A_23 : vector<1024x40xf32>
    %get3A_25 = arith.constant 0 : index
    %get3A_26 = arith.constant 0 : index
    %get3A_27 = vector.load %arg4[%get3A_25, %get3A_26] : memref<1024x40xf32, #tpu.memory_space<vmem>>, vector<1024x40xf32>
    %get3A_28 = arith.constant 0 : index
    %get3A_29 = arith.constant 0 : index
    %get3A_30 = vector.load %arg7[%get3A_28, %get3A_29] : memref<1x40xf32, #tpu.memory_space<vmem>>, vector<1x40xf32>
    %add3A_31 = vector.broadcast %get3A_30 : vector<1x40xf32> to vector<1024x40xf32>
    %add3A_32 = arith.addf %get3A_27, %add3A_31 : vector<1024x40xf32>
    %get3A_33 = arith.constant 0 : index
    %get3A_34 = arith.constant 0 : index
    %get3A_35 = vector.load %arg8[%get3A_33, %get3A_34] : memref<1x40xf32, #tpu.memory_space<vmem>>, vector<1x40xf32>
    %add3A_36 = vector.broadcast %get3A_35 : vector<1x40xf32> to vector<1024x40xf32>
    %add3A_37 = arith.addf %mul3A_16, %add3A_36 : vector<1024x40xf32>
    %reduce_max3A = arith.constant dense<0xFF800000> : vector<1024xf32>
    %reduce_max3A_38 = vector.multi_reduction <maximumf>, %add3A_24, %reduce_max3A [1] : vector<1024x40xf32> to vector<1024xf32>
    %broadcast_in_dim3A = vector.shape_cast %reduce_max3A_38 : vector<1024xf32> to vector<1024x1xf32>
    %reduce_max3A_39 = arith.constant dense<0xFF800000> : vector<1024xf32>
    %reduce_max3A_40 = vector.multi_reduction <maximumf>, %add3A_32, %reduce_max3A_39 [1] : vector<1024x40xf32> to vector<1024xf32>
    %broadcast_in_dim3A_41 = vector.shape_cast %reduce_max3A_40 : vector<1024xf32> to vector<1024x1xf32>
    %max3A = arith.maximumf %broadcast_in_dim3A, %broadcast_in_dim3A_41 : vector<1024x1xf32>
    %reduce_max3A_42 = arith.constant dense<0xFF800000> : vector<1024xf32>
    %reduce_max3A_43 = vector.multi_reduction <maximumf>, %add3A_37, %reduce_max3A_42 [1] : vector<1024x40xf32> to vector<1024xf32>
    %broadcast_in_dim3A_44 = vector.shape_cast %reduce_max3A_43 : vector<1024xf32> to vector<1024x1xf32>
    %max3A_45 = arith.maximumf %max3A, %broadcast_in_dim3A_44 : vector<1024x1xf32>
    %sub3A_46 = vector.broadcast %max3A_45 : vector<1024x1xf32> to vector<1024x40xf32>
    %sub3A_47 = arith.subf %add3A_24, %sub3A_46 : vector<1024x40xf32>
    %exp3A = math.exp %sub3A_47 : vector<1024x40xf32>
    %sub3A_48 = vector.broadcast %max3A_45 : vector<1024x1xf32> to vector<1024x40xf32>
    %sub3A_49 = arith.subf %add3A_32, %sub3A_48 : vector<1024x40xf32>
    %exp3A_50 = math.exp %sub3A_49 : vector<1024x40xf32>
    %sub3A_51 = vector.broadcast %max3A_45 : vector<1024x1xf32> to vector<1024x40xf32>
    %sub3A_52 = arith.subf %add3A_37, %sub3A_51 : vector<1024x40xf32>
    %exp3A_53 = math.exp %sub3A_52 : vector<1024x40xf32>
    %reduce_sum3A = arith.constant dense<0.000000e+00> : vector<1024xf32>
    %reduce_sum3A_54 = vector.multi_reduction <add>, %exp3A, %reduce_sum3A [1] : vector<1024x40xf32> to vector<1024xf32>
    %broadcast_in_dim3A_55 = vector.shape_cast %reduce_sum3A_54 : vector<1024xf32> to vector<1024x1xf32>
    %reduce_sum3A_56 = arith.constant dense<0.000000e+00> : vector<1024xf32>
    %reduce_sum3A_57 = vector.multi_reduction <add>, %exp3A_50, %reduce_sum3A_56 [1] : vector<1024x40xf32> to vector<1024xf32>
    %broadcast_in_dim3A_58 = vector.shape_cast %reduce_sum3A_57 : vector<1024xf32> to vector<1024x1xf32>
    %add3A_59 = arith.addf %broadcast_in_dim3A_55, %broadcast_in_dim3A_58 : vector<1024x1xf32>
    %reduce_sum3A_60 = arith.constant dense<0.000000e+00> : vector<1024xf32>
    %reduce_sum3A_61 = vector.multi_reduction <add>, %exp3A_53, %reduce_sum3A_60 [1] : vector<1024x40xf32> to vector<1024xf32>
    %broadcast_in_dim3A_62 = vector.shape_cast %reduce_sum3A_61 : vector<1024xf32> to vector<1024x1xf32>
    %add3A_63 = arith.addf %add3A_59, %broadcast_in_dim3A_62 : vector<1024x1xf32>
    %log3A = math.log %add3A_63 : vector<1024x1xf32>
    %add3A_64 = arith.addf %max3A_45, %log3A : vector<1024x1xf32>
    %sub3A_65 = vector.broadcast %add3A_64 : vector<1024x1xf32> to vector<1024x40xf32>
    %sub3A_66 = arith.subf %add3A_24, %sub3A_65 : vector<1024x40xf32>
    %swap3A = arith.constant 0 : index
    %swap3A_67 = arith.constant 0 : index
    %swap3A_68 = vector.load %arg9[%swap3A, %swap3A_67] : memref<1024x40xf32, #tpu.memory_space<vmem>>, vector<1024x40xf32>
    tpu.vector_store %arg9[%swap3A, %swap3A_67], %sub3A_66 {strides = array<i32>} : memref<1024x40xf32, #tpu.memory_space<vmem>>, vector<1024x40xf32>,
    %sub3A_69 = vector.broadcast %add3A_64 : vector<1024x1xf32> to vector<1024x40xf32>
    %sub3A_70 = arith.subf %add3A_32, %sub3A_69 : vector<1024x40xf32>
    %swap3A_71 = arith.constant 0 : index
    %swap3A_72 = arith.constant 0 : index
    %swap3A_73 = vector.load %arg10[%swap3A_71, %swap3A_72] : memref<1024x40xf32, #tpu.memory_space<vmem>>, vector<1024x40xf32>
    tpu.vector_store %arg10[%swap3A_71, %swap3A_72], %sub3A_70 {strides = array<i32>} : memref<1024x40xf32, #tpu.memory_space<vmem>>, vector<1024x40xf32>,
    %sub3A_74 = vector.broadcast %add3A_64 : vector<1024x1xf32> to vector<1024x40xf32>
    %sub3A_75 = arith.subf %add3A_37, %sub3A_74 : vector<1024x40xf32>
    %swap3A_76 = arith.constant 0 : index
    %swap3A_77 = arith.constant 0 : index
    %swap3A_78 = vector.load %arg11[%swap3A_76, %swap3A_77] : memref<1024x40xf32, #tpu.memory_space<vmem>>, vector<1024x40xf32>
    tpu.vector_store %arg11[%swap3A_76, %swap3A_77], %sub3A_75 {strides = array<i32>} : memref<1024x40xf32, #tpu.memory_space<vmem>>, vector<1024x40xf32>,
    return
  }
  func.func @transform_0(%arg0: i32) -> (i32, i32, i32) {
    %c0_i32 = arith.constant 0 : i32
    %c0_i32_0 = arith.constant 0 : i32
    %c0_i32_1 = arith.constant 0 : i32
    return %c0_i32, %arg0, %c0_i32_0 : i32, i32, i32
  }
  func.func @transform_1(%arg0: i32) -> (i32, i32) {
    %c0_i32 = arith.constant 0 : i32
    %c0_i32_0 = arith.constant 0 : i32
    return %arg0, %c0_i32 : i32, i32
  }
  func.func @transform_2(%arg0: i32) -> (i32, i32) {
    %c0_i32 = arith.constant 0 : i32
    %c0_i32_0 = arith.constant 0 : i32
    return %arg0, %c0_i32 : i32, i32
  }
  func.func @transform_3(%arg0: i32) -> (i32, i32) {
    %c0_i32 = arith.constant 0 : i32
    %c0_i32_0 = arith.constant 0 : i32
    return %arg0, %c0_i32 : i32, i32
  }
  func.func @transform_4(%arg0: i32) -> (i32, i32) {
    %c0_i32 = arith.constant 0 : i32
    %c0_i32_0 = arith.constant 0 : i32
    return %arg0, %c0_i32 : i32, i32
  }
  func.func @transform_5(%arg0: i32) -> (i32, i32) {
    %c0_i32 = arith.constant 0 : i32
    %c0_i32_0 = arith.constant 0 : i32
    %c0_i32_1 = arith.constant 0 : i32
    return %c0_i32, %c0_i32_0 : i32, i32
  }
  func.func @transform_6(%arg0: i32) -> (i32, i32) {
    %c0_i32 = arith.constant 0 : i32
    %c0_i32_0 = arith.constant 0 : i32
    %c0_i32_1 = arith.constant 0 : i32
    return %c0_i32, %c0_i32_0 : i32, i32
  }
  func.func @transform_7(%arg0: i32) -> (i32, i32) {
    %c0_i32 = arith.constant 0 : i32
    %c0_i32_0 = arith.constant 0 : i32
    %c0_i32_1 = arith.constant 0 : i32
    return %c0_i32, %c0_i32_0 : i32, i32
  }
  func.func @transform_8(%arg0: i32) -> (i32, i32) {
    %c0_i32 = arith.constant 0 : i32
    %c0_i32_0 = arith.constant 0 : i32
    return %arg0, %c0_i32 : i32, i32
  }
  func.func @transform_9(%arg0: i32) -> (i32, i32) {
    %c0_i32 = arith.constant 0 : i32
    %c0_i32_0 = arith.constant 0 : i32
    return %arg0, %c0_i32 : i32, i32
  }
  func.func @transform_10(%arg0: i32) -> (i32, i32) {
    %c0_i32 = arith.constant 0 : i32
    %c0_i32_0 = arith.constant 0 : i32
    return %arg0, %c0_i32 : i32, i32
  }
}

</mosaic_0001>

<sc_bundles>
// kernel: kernel.12.cloned.1.call-start
scs
__scs_entry_jumppad:
0x0: {  	(pc) =	sbr.rel $0x88, $3  }
0x1: {  	(tag) =	ssettag $0x0;
	lr =	simm.s32 $0x1  }
0x2: {  	[smem:$0x3F97] =	sst lr;
	_ =	strace $0xD0000000  }
0x3: {  	_ = 	snop  }
0x4: {  	_ = 	snop  }
0x5: {  	_ = 	snop  }
0x6: {  	_ = 	snop  }
0x7: {  	_ = 	snop  }
__scs_overlays_trampoline_lowered:
0x8: {  	[smem:$0x3FA6] =	sst s0  }
0x9: {  	[smem:$0x3FA7] =	sst s1  }
0xa: {  	[smem:$0x3FA8] =	sst s2  }
0xb: {  	[smem:$0x3FA9] =	sst s3  }
0xc: {  	[smem:$0x3FAA] =	sst s4  }
0xd: {  	[smem:$0x3FAB] =	sst s5  }
0xe: {  	[smem:$0x3FAC] =	sst s6  }
0xf: {  	[smem:$0x3FAD] =	sst s7  }
0x10: {  	[smem:$0x3FAE] =	sst s8  }
0x11: {  	[smem:$0x3FAF] =	sst s9;
	s0 =	simm.s32 @!p0 $0x0  }
0x12: {  	s1 =	sld [smem:$0x3F95];
	s0 =	simm.s32 @p0 $0x1  }
0x13: {  	[smem:$0x3FB0] =	sst s0;
	s0 =	simm.s32 @!p1 $0x0  }
0x14: {  	s2 =	sld [smem:$0x3F94];
	s0 =	simm.s32 @p1 $0x1  }
0x15: {  	[smem:$0x3FB1] =	sst s0;
	s0 =	simm.s32 @!p2 $0x0  }
0x16: {  	s3 =	sld [smem:$0x3FDB];
	s0 =	simm.s32 @p2 $0x1  }
0x17: {  	s4 =	simm.s32 $0x1BF5;
	[smem:$0x3FB3] =	sst s0  }
0x18: {  	s0 =	sld [smem:$0x3F96];
	_ =	swait.ge [sflag:s4], $0x0  }
0x19: {  	s7 =	sld [smem:$0x3F97]  }
0x1a: {  	s8 =	sadd.s32 $0xFFFFE003, lr  }
0x1b: {  	s9 =	sadd.s32 $0xFFFFFEF7, lr;
	s5 =	simm.s32 $0xFFFFFFFF;
	p2 =	slt.u32 s8, $0xFFFFF086  }
0x1c: {  	p1 =	slt.u32 s9, $0xF7A;
	s5 =	simm.s32 @!p2 $0x0  }
0x1d: {  	s5 =	simm.s32 @p1 $0x1;
	p0 =	seq.s32 s7, s2  }
0x1e: {  	s7 =	smul.u32 @!p0 $0xF7A, s2;
	p2 =	seq.s32 @!p0 s5, $0x0  }
0x1f: {  	s9 =	smul.u32 $0xF7A, s1;
	s8 =	simm.s32 @!p0 $0x1BF5;
	p2 =	por !p2, p0  }
0x20: {  	[sflag:s8] =	ssyncset.s32 @!p0 $0xFFFFF086;
	s6 =	sadd.s32 @!p0 s3, s7;
	s7 =	simm.s32 @!p0 $0x108  }
0x21: {  	s3 =	sadd.s32 s3, s9;
	s6 =	sadd.s32 @!p0 $0x88, s6;
	s7 =	simm.s32 @p2 $0x1082  }
0x22: {  	[simem:s7], [sflag:s8] =	dma.local @!p0 [hbm:s6], $0xF7A  }
0x23: {  	s9 =	sor.u32 $0xD0000000, s2;
	s6 =	simm.s32 $0x108;
	_ =	swait.ge @!p0 [sflag:s8], $0x0  }
0x24: {  	s3 =	sadd.s32 $0x88, s3;
	s6 =	simm.s32 @!p1 $0x1082;
	[sflag:s4] =	ssyncset.s32 $0xFFFFF086  }
0x25: {  	[simem:s6], [sflag:s4] =	dma.local [hbm:s3], $0xF7A  }
0x26: {  	[smem:$0x3F97] =	sst s1;
	(tag) =	ssettag s2;
	_ =	strace s9  }
0x27: {  	s1 =	sld [smem:$0x3FA7]  }
0x28: {  	s2 =	sld [smem:$0x3FA8]  }
0x29: {  	s4 =	sld [smem:$0x3FAA]  }
0x2a: {  	p0 =	seq.s32 s5, $0x0;
	s5 =	sld [smem:$0x3FAB]  }
0x2b: {  	s6 =	sld [smem:$0x3FAC]  }
0x2c: {  	s7 =	sld [smem:$0x3FAD]  }
0x2d: {  	s3 =	simm.s32 $0x108;
	s8 =	sld [smem:$0x3FAE]  }
0x2e: {  	s3 =	simm.s32 @!p0 $0x1082;
	s9 =	sld [smem:$0x3FAF]  }
0x2f: {  	lr =	sadd.s32 s0, s3;
	s0 =	sld [smem:$0x3FA6]  }
0x30: {  	s3 =	sld [smem:$0x3FA9]  }
0x31: {  	[smem:$0x3FB2] =	sst s10  }
0x32: {  	s10 =	sld [smem:$0x3FB0];
	_ =	sdelay $0x3  }
0x33: {  	p0 =	seq.s32 s10, $0x1;
	s10 =	sld [smem:$0x3FB2];
	_ =	sdelay $0x3  }
0x34: {  	[smem:$0x3FB2] =	sst s10  }
0x35: {  	s10 =	sld [smem:$0x3FB1];
	_ =	sdelay $0x3  }
0x36: {  	p1 =	seq.s32 s10, $0x1;
	s10 =	sld [smem:$0x3FB2];
	_ =	sdelay $0x3  }
0x37: {  	[smem:$0x3FB2] =	sst s10  }
0x38: {  	s10 =	sld [smem:$0x3FB3]  }
0x39: {  	_ = 	snop;
	(pc) =	sbr.ind lr, $3  }
0x3a: {  	_ = 	snop  }
0x3b: {  	_ = 	snop  }
0x3c: {  	p2 =	seq.s32 s10, $0x1;
	s10 =	sld [smem:$0x3FB2]  }
0x3d: {  	_ =	shalt  }
0x3e: {  	_ =	shalt  }
0x3f: {  	_ =	shalt  }
0x40: {  	_ =	shalt  }
0x41: {  	_ =	shalt  }
0x42: {  	_ =	shalt  }
0x43: {  	_ =	shalt  }
0x44: {  	_ =	shalt  }
0x45: {  	_ =	shalt  }
0x46: {  	_ =	shalt  }
0x47: {  	_ =	shalt  }
0x48: {  	_ =	shalt  }
0x49: {  	_ =	shalt  }
0x4a: {  	_ =	shalt  }
0x4b: {  	_ =	shalt  }
0x4c: {  	_ =	shalt  }
0x4d: {  	_ =	shalt  }
0x4e: {  	_ =	shalt  }
0x4f: {  	_ =	shalt  }
0x50: {  	_ =	shalt  }
0x51: {  	_ =	shalt  }
0x52: {  	_ =	shalt  }
0x53: {  	_ =	shalt  }
0x54: {  	_ =	shalt  }
0x55: {  	_ =	shalt  }
0x56: {  	_ =	shalt  }
0x57: {  	_ =	shalt  }
0x58: {  	_ =	shalt  }
0x59: {  	_ =	shalt  }
0x5a: {  	_ =	shalt  }
0x5b: {  	_ =	shalt  }
0x5c: {  	_ =	shalt  }
0x5d: {  	_ =	shalt  }
0x5e: {  	_ =	shalt  }
0x5f: {  	_ =	shalt  }
0x60: {  	_ =	shalt  }
0x61: {  	_ =	shalt  }
0x62: {  	_ =	shalt  }
0x63: {  	_ =	shalt  }
0x64: {  	_ =	shalt  }
0x65: {  	_ =	shalt  }
0x66: {  	_ =	shalt  }
0x67: {  	_ =	shalt  }
0x68: {  	_ =	shalt  }
0x69: {  	_ =	shalt  }
0x6a: {  	_ =	shalt  }
0x6b: {  	_ =	shalt  }
0x6c: {  	_ =	shalt  }
0x6d: {  	_ =	shalt  }
0x6e: {  	_ =	shalt  }
0x6f: {  	_ =	shalt  }
0x70: {  	_ =	shalt  }
0x71: {  	_ =	shalt  }
0x72: {  	_ =	shalt  }
0x73: {  	_ =	shalt  }
0x74: {  	_ =	shalt  }
0x75: {  	_ =	shalt  }
0x76: {  	_ =	shalt  }
0x77: {  	_ =	shalt  }
0x78: {  	_ =	shalt  }
0x79: {  	_ =	shalt  }
0x7a: {  	_ =	shalt  }
0x7b: {  	_ =	shalt  }
0x7c: {  	_ =	shalt  }
0x7d: {  	_ =	shalt  }
0x7e: {  	_ =	shalt  }
0x7f: {  	_ =	shalt  }
0x80: {  	_ =	shalt  }
0x81: {  	_ =	shalt  }
0x82: {  	_ =	shalt  }
0x83: {  	_ =	shalt  }
0x84: {  	_ =	shalt  }
0x85: {  	_ =	shalt  }
0x86: {  	_ =	shalt  }
0x87: {  	_ =	shalt  }
.Lfunc_end0:
.L_simem_size_0:
called_computation_lowered:
.L_overlay_start_0:
0x88: {  	s2 =	sld [smem:$0x3FD9]  }
0x89: {  	s3 =	sld [smem:$0x3FFE];
	_ =	sdelay $0x1  }
0x8a: {  	s1 =	srdreg.scid  }
0x8b: {  	s0 =	sand.u32 $0x1, s1  }
0x8c: {  	s16 =	sshll.u32 s0, $0xA;
	s2 =	sadd.s32 s3, s2  }
0x8d: {  	s2 =	sadd.s32 s2, s16  }
0x8e: {  	[smem:$0x3FBE] =	sst s2  }
0x8f: {  	_ = 	snop  }
0x90: {  	(tm) =	ssettm $0x1  }
0x91: {  	s17 =	sld [smem:$0x3FFB];
	_ =	sdelay $0x3  }
0x92: {  	_ =	strace s17  }
0x93: {  	s2 =	sld [smem:$0x3FFC];
	_ =	sdelay $0x3  }
0x94: {  	_ =	strace s2  }
0x95: {  	s2 =	sld [smem:$0x3FFD];
	_ =	sdelay $0x3  }
0x96: {  	_ =	strace s2  }
0x97: {  	_ =	strace $0x8FFFFFFF  }
0x98: {  	s18 =	sld [smem:$0x3FDB];
	_ =	sdelay $0x1  }
0x99: {  	s19 =	simm.s32 $_scs_section_size  }
0x9a: {  	s4 =	simm.s32 $_size__tile_overlayer_lowered;
	s5 =	simm.s32 $_tile_overlayer_lowered  }
0x9b: {  	s22 =	simm.s32 $0x1BFF;
	s21 =	sshll.u32 s5, $0x1;
	s2 =	sadd.s32 s19, s18  }
0x9c: {  	s6 =	simm.s32 $0x0;
	s20 =	sshll.u32 s4, $0x1;
	s4 =	sadd.s32 s21, s2  }
0x9d: {  	[timem:s6], [sflag:s22] =	dma.local [hbm:s4], s20  }
0x9e: {  	_ =	swait.ge [sflag:s22], s20  }
0x9f: {  	s3 =	ssub.s32 $0x0, s20;
	[sflag:s22] =	ssyncset.done $0x0  }
0xa0: {  	[sflag:s22] =	ssyncadd.s32 s3;
	_ =	sdelay $0x1  }
0xa1: {  	s23 =	simm.s32 $0x1B8B  }
0xa2: {  	_ =	swait.ge [sflag:s23], $0x1  }
0xa3: {  	[sflag:s23] =	ssyncset.done $0x0  }
0xa4: {  	s25 =	simm.s32 $0x1B8E;
	s24 =	sld [smem:$0x3FFE];
	[sflag:s23] =	ssyncadd.s32 $0xFFFFFFFF  }
0xa5: {  	s26 =	simm.s32 $execute0_lowered;
	[smem:$0x3FD2] =	sst s25  }
0xa6: {  	s4 =	sshll.u32 s26, $0x1;
	_ =	strace $0x80000046;
	[dreg:$0x1] =	wrdreg $0xFFFFFFFF  }
0xa7: {  	s28 =	simm.s32 $_size_execute0_lowered;
	s2 =	sadd.s32 s2, s4;
	[dreg:$0x0] =	wrdreg $0x0  }
0xa8: {  	s4 =	sshll.u32 s28, $0x1;
	[dreg:$0x2] =	wrdreg s2  }
0xa9: {  	[dreg:$0x3] =	wrdreg s4  }
0xaa: {  	[dreg:$0x4] =	wrdreg $0xC0  }
0xab: {  	_ =	task [dreg:s6], $0x5FFFF  }
0xac: {  	[dreg:$0x1] =	wrdreg $0xFFFFFFFF  }
0xad: {  	[dreg:$0x0] =	wrdreg $0x60  }
0xae: {  	[dreg:$0x2] =	wrdreg s24  }
0xaf: {  	[dreg:$0x3] =	wrdreg $0x30800  }
0xb0: {  	[dreg:$0x4] =	wrdreg $0x9  }
0xb1: {  	_ =	task.clear_ibuf [dreg:s6], $0x5FFFF;
	_ =	strace $0x90000046  }
0xb2: {  	s29 =	simm.s32 $0x9;
	_ =	strace $0x80000048  }
0xb3: {  	_ =	swait.ge [sflag:s29], $0x1  }
0xb4: {  	[sflag:s29] =	ssyncadd.s32 $0xFFFFFFFF  }
0xb5: {  	_ =	strace $0x90000048  }
0xb6: {  	_ =	sfence  }
0xb7: {  	s30 =	sld [smem:$0x0];
	_ =	sdelay $0x2  }
0xb8: {  	s31 =	sshll.u32 s1, $0xD;
	s1 =	sshrl.u32 s1, $0x2  }
0xb9: {  	s3 =	sand.u32 $0x4000, s31;
	s1 =	sadd.s32 s1, s30  }
0xba: {  	s0 =	sor.u32 s3, s0;
	s1 =	sshll.u32 s1, $0x11  }
0xbb: {  	s0 =	sor.u32 s1, s0  }
0xbc: {  	s0 =	sadd.s32 $0x8F2B, s0  }
0xbd: {  	[sflag:s0] =	ssyncadd.remote.s32 $0x1  }
0xbe: {  	_ =	sfence.sel $0xFFFF  }
0xbf: {  	[dreg:$0x0] =	wrdreg $0xFFFFFFFF;
	(pc) =	sbr.abs _section_cstart, $3  }
0xc0: {  	[dreg:$0x1] =	wrdreg $0xFFFFFFFF  }
0xc1: {  	_ =	task.clear_ibuf [dreg:s6], $0x2FFFF;
	_ =	strace $0x9FFFFFFF  }
0xc2: {  	(tm) =	ssettm $0x7FFFFFFF  }
0xc3: {  	_ =	shalt  }
tec
execute0_lowered:
.L_overlay_start_1:
0x0: {  	(tag) =	ssettag $0x1  }
0x1: {  	s5 =	rddreg [dreg:$0x0]  }
0x2: {  	s0 =	srdreg.scid;
	s2 =	rddreg [dreg:$0x1]  }
0x3: {  	s3 =	simm.s32 $0x0;
	s12 =	simm.s32 $0x3000;
	s13 =	simm.s32 $0x1  }
0x4: {  	s14 =	simm.s32 $0x0;
	s4 =	sand.u32 $0x1, s0;
	s0 =	stileid.u32  }
0x5: {  	[smem:$0x7FF] =	sst s3;
	s1 =	sshll.u32 s4, $0x4;
	s7 =	smul.u32 $0x280, s0  }
0x6: {  	s8 =	smul.u32 $0x2800, s4;
	s4 =	ssub.s32 $0x2, s4;
	s1 =	sor.u32 s0, s1  }
0x7: {  	s31 =	sshll.u32 s0, $0x6;
	s10 =	sshrl.u32 s4, $0x1;
	s6 =	smul.u32 $0x600, s1  }
0x8: {  	s1 =	rddreg [dreg:$0x2];
	_ =	strace $0x80000047;
	s9 =	sshrl.u32 s7, $0x3  }
0x9: {  	s8 =	sadd.s32 s7, s8;
	s10 =	ssub.s32 s4, s10;
	s11 =	sadd.s32 s7, s2  }
0xa: {  	s9 =	sadd.s32 s9, s5;
	s8 =	sshrl.u32 s8, $0x3;
	s6 =	sadd.s32 s6, s5  }
0xb: {  	s8 =	sadd.s32 s8, s5;
	s4 =	sadd.s32 $0x11C00, s9;
	s5 =	sor.u32 $0x1C02, s31  }
0xc: {  	s9 =	sshrl.u32 s11, $0x3;
	s11 =	simm.s32 $0x70;
	s6 =	sadd.s32 $0x5C00, s6  }
0xd: {  	v0 =	vimm.f32 $1.000000000e+00;
	s7 =	sadd.s32 $0x12200, s8;
	s8 =	smax.u32 s10, $0x1;
	s10 =	simm.s32 $0x2  }
.LBB2_1:
0xe: {  	[tilespmem:$0x3000] =	vst v0  }
0xf: {  	[tilespmem:$0x3010] =	vst v0  }
0x10: {  	[tilespmem:$0x3020] =	vst v0  }
0x11: {  	[tilespmem:$0x3030] =	vst v0  }
0x12: {  	[tilespmem:$0x3040] =	vst v0  }
0x13: {  	[tilespmem:$0x3050] =	vst v0  }
0x14: {  	[tilespmem:$0x3060] =	vst v0  }
0x15: {  	[spmem:s9], [sflag:s5] =	dma.local [hbm:s4], $0x50  }
0x16: {  	_ =	swait.ge [sflag:s10], $0x50  }
0x17: {  	[sflag:s10] =	ssyncset.done $0x0  }
0x18: {  	[sflag:s10] =	ssyncadd.s32 $0xFFFFFFB0  }
0x19: {  	[tilespmem:s3], [sflag:$0x2] =	stream.linear.gather [hbm4b:s6+s3], $0x2D00, $0x38;
	[tilespmem:$0x3300] =	vst v63  }
0x1a: {  	_ =	swait.ge [sflag:s10], $0x2D00  }
0x1b: {  	[sflag:s10] =	ssyncset.done $0x0  }
0x1c: {  	[sflag:s10] =	ssyncadd.s32 $0xFFFFD300  }
0x1d: {  	s15 =	simm.s32 $0x0;
	[bflag:$0x0] =	sbarrier.arrive $0xFFFF  }
.LBB2_2:
0x1e: {  	p0 =	sne.s32 s15, $0xB200  }
.Ltmp0:
0x1f: {  	_ = 	snop;
	(pc) =	sbr.rel @p0 .LBB2_2-.Ltmp0, $3  }
0x20: {  	_ =	sdelay $0x1  }
0x21: {  	s16 =	sshra.s32 s15, $0x2;
	s15 =	sadd.s32 $0x200, s15  }
0x22: {  	[spmem:s2] =	stream.indirect.scatter.add.f32 [tilespmem:s12], [sflag:$0x1], $0x1, s16, s11, $0xb8;
	[tilespmem:$0x3300] =	vst v63  }
0x23: {  	_ =	swait.ge [sflag:s13], $0x70  }
0x24: {  	s15 =	simm.s32 $0x59;
	[sflag:s13] =	ssyncset.done $0x0  }
.LBB2_4:
0x25: {  	p0 =	sne.s32 s15, $0x1;
	s15 =	sadd.s32 $0xFFFFFFFF, s15;
	[sflag:s13] =	ssyncadd.s32 $0xFFFFFF90  }
.Ltmp1:
0x26: {  	(pc) =	sbr.rel @p0 .LBB2_4-.Ltmp1, $3  }
0x27: {  	_ =	sdelay $0x1  }
0x28: {  	_ =	swait.ge [sflag:s13], $0x70  }
0x29: {  	[sflag:s13] =	ssyncset.done $0x0  }
0x2a: {  	s14 =	sadd.s32 $0x1, s14  }
0x2b: {  	[sflag:s13] =	ssyncadd.s32 $0xFFFFFF90;
	p0 =	sne.s32 s14, s8  }
.Ltmp2:
0x2c: {  	[bflag:$0x0] =	sbarrier.arrive $0xFFFF;
	(pc) =	sbr.rel @p0 .LBB2_1-.Ltmp2, $4  }
0x2d: {  	[hbm:s7], [sflag:s5] =	dma.local [spmem:s9], $0x50  }
0x2e: {  	_ =	swait.ge [sflag:s10], $0x50  }
0x2f: {  	[sflag:s10] =	ssyncset.done $0x0  }
0x30: {  	[sflag:s10] =	ssyncadd.s32 $0xFFFFFFB0  }
0x31: {  	_ =	sfence.sel $0x180000  }
0x32: {  	[bflag:$0x0] =	sbarrier.arrive $0xFFFF  }
0x33: {  	p0 =	sne.s32 s0, $0x0;
	_ =	strace $0x90000047  }
0x34: {  	s0 =	sadd.s32 @!p0 $0x100000, s1;
	[bflag:$0x2] =	sbarrier.arrive $0xFFFF  }
0x35: {  	[sflag:s0] =	ssyncadd.tile.s32 @!p0 $0x1;
	_ =	shalt  }
.Lfunc_end2:
_tile_overlayer_lowered:
.L_overlay_start_2:
0x36: {  	(tag) =	ssettag $0x2  }
0x37: {  	s0 =	rddreg [dreg:$0x0];
	s2 =	stileid.u32  }
0x38: {  	s1 =	rddreg [dreg:$0x1];
	p0 =	sne.s32 s2, $0x0  }
0x39: {  	s3 =	rddreg [dreg:$0x2];
	[bflag:$0x3] =	sbarrier.arrive $0xFFFF;
	s2 =	simm.s32 @!p0 $0x1C02  }
0x3a: {  	[timem:s3], [sflag:s2] =	dma.local @!p0 [hbm:s0], s1  }
0x3b: {  	s0 =	simm.s32 @!p0 $0x2  }
0x3c: {  	_ =	swait.ge @!p0 [sflag:s0], s1  }
0x3d: {  	s1 =	ssub.s32 @!p0 $0x0, s1;
	[sflag:s0] =	ssyncset.done @!p0 $0x0  }
0x3e: {  	[sflag:s0] =	ssyncadd.s32 @!p0 s1  }
0x3f: {  	[bflag:$0x3] =	sbarrier.arrive $0xFFFF  }
0x40: {  	_ =	shalt  }

// kernel: kernel.15.cloned.1.call-start
scs
__scs_entry_jumppad:
0x0: {  	(pc) =	sbr.rel $0x88, $3  }
0x1: {  	(tag) =	ssettag $0x0;
	lr =	simm.s32 $0x1  }
0x2: {  	[smem:$0x3F97] =	sst lr;
	_ =	strace $0xD0000000  }
0x3: {  	_ = 	snop  }
0x4: {  	_ = 	snop  }
0x5: {  	_ = 	snop  }
0x6: {  	_ = 	snop  }
0x7: {  	_ = 	snop  }
__scs_overlays_trampoline_lowered:
0x8: {  	[smem:$0x3FA6] =	sst s0  }
0x9: {  	[smem:$0x3FA7] =	sst s1  }
0xa: {  	[smem:$0x3FA8] =	sst s2  }
0xb: {  	[smem:$0x3FA9] =	sst s3  }
0xc: {  	[smem:$0x3FAA] =	sst s4  }
0xd: {  	[smem:$0x3FAB] =	sst s5  }
0xe: {  	[smem:$0x3FAC] =	sst s6  }
0xf: {  	[smem:$0x3FAD] =	sst s7  }
0x10: {  	[smem:$0x3FAE] =	sst s8  }
0x11: {  	[smem:$0x3FAF] =	sst s9;
	s0 =	simm.s32 @!p0 $0x0  }
0x12: {  	s1 =	sld [smem:$0x3F95];
	s0 =	simm.s32 @p0 $0x1  }
0x13: {  	[smem:$0x3FB0] =	sst s0;
	s0 =	simm.s32 @!p1 $0x0  }
0x14: {  	s2 =	sld [smem:$0x3F94];
	s0 =	simm.s32 @p1 $0x1  }
0x15: {  	[smem:$0x3FB1] =	sst s0;
	s0 =	simm.s32 @!p2 $0x0  }
0x16: {  	s3 =	sld [smem:$0x3FDB];
	s0 =	simm.s32 @p2 $0x1  }
0x17: {  	s4 =	simm.s32 $0x1BF5;
	[smem:$0x3FB3] =	sst s0  }
0x18: {  	s0 =	sld [smem:$0x3F96];
	_ =	swait.ge [sflag:s4], $0x0  }
0x19: {  	s7 =	sld [smem:$0x3F97]  }
0x1a: {  	s8 =	sadd.s32 $0xFFFFE003, lr  }
0x1b: {  	s9 =	sadd.s32 $0xFFFFFEF7, lr;
	s5 =	simm.s32 $0xFFFFFFFF;
	p2 =	slt.u32 s8, $0xFFFFF086  }
0x1c: {  	p1 =	slt.u32 s9, $0xF7A;
	s5 =	simm.s32 @!p2 $0x0  }
0x1d: {  	s5 =	simm.s32 @p1 $0x1;
	p0 =	seq.s32 s7, s2  }
0x1e: {  	s7 =	smul.u32 @!p0 $0xF7A, s2;
	p2 =	seq.s32 @!p0 s5, $0x0  }
0x1f: {  	s9 =	smul.u32 $0xF7A, s1;
	s8 =	simm.s32 @!p0 $0x1BF5;
	p2 =	por !p2, p0  }
0x20: {  	[sflag:s8] =	ssyncset.s32 @!p0 $0xFFFFF086;
	s6 =	sadd.s32 @!p0 s3, s7;
	s7 =	simm.s32 @!p0 $0x108  }
0x21: {  	s3 =	sadd.s32 s3, s9;
	s6 =	sadd.s32 @!p0 $0x88, s6;
	s7 =	simm.s32 @p2 $0x1082  }
0x22: {  	[simem:s7], [sflag:s8] =	dma.local @!p0 [hbm:s6], $0xF7A  }
0x23: {  	s9 =	sor.u32 $0xD0000000, s2;
	s6 =	simm.s32 $0x108;
	_ =	swait.ge @!p0 [sflag:s8], $0x0  }
0x24: {  	s3 =	sadd.s32 $0x88, s3;
	s6 =	simm.s32 @!p1 $0x1082;
	[sflag:s4] =	ssyncset.s32 $0xFFFFF086  }
0x25: {  	[simem:s6], [sflag:s4] =	dma.local [hbm:s3], $0xF7A  }
0x26: {  	[smem:$0x3F97] =	sst s1;
	(tag) =	ssettag s2;
	_ =	strace s9  }
0x27: {  	s1 =	sld [smem:$0x3FA7]  }
0x28: {  	s2 =	sld [smem:$0x3FA8]  }
0x29: {  	s4 =	sld [smem:$0x3FAA]  }
0x2a: {  	p0 =	seq.s32 s5, $0x0;
	s5 =	sld [smem:$0x3FAB]  }
0x2b: {  	s6 =	sld [smem:$0x3FAC]  }
0x2c: {  	s7 =	sld [smem:$0x3FAD]  }
0x2d: {  	s3 =	simm.s32 $0x108;
	s8 =	sld [smem:$0x3FAE]  }
0x2e: {  	s3 =	simm.s32 @!p0 $0x1082;
	s9 =	sld [smem:$0x3FAF]  }
0x2f: {  	lr =	sadd.s32 s0, s3;
	s0 =	sld [smem:$0x3FA6]  }
0x30: {  	s3 =	sld [smem:$0x3FA9]  }
0x31: {  	[smem:$0x3FB2] =	sst s10  }
0x32: {  	s10 =	sld [smem:$0x3FB0];
	_ =	sdelay $0x3  }
0x33: {  	p0 =	seq.s32 s10, $0x1;
	s10 =	sld [smem:$0x3FB2];
	_ =	sdelay $0x3  }
0x34: {  	[smem:$0x3FB2] =	sst s10  }
0x35: {  	s10 =	sld [smem:$0x3FB1];
	_ =	sdelay $0x3  }
0x36: {  	p1 =	seq.s32 s10, $0x1;
	s10 =	sld [smem:$0x3FB2];
	_ =	sdelay $0x3  }
0x37: {  	[smem:$0x3FB2] =	sst s10  }
0x38: {  	s10 =	sld [smem:$0x3FB3]  }
0x39: {  	_ = 	snop;
	(pc) =	sbr.ind lr, $3  }
0x3a: {  	_ = 	snop  }
0x3b: {  	_ = 	snop  }
0x3c: {  	p2 =	seq.s32 s10, $0x1;
	s10 =	sld [smem:$0x3FB2]  }
0x3d: {  	_ =	shalt  }
0x3e: {  	_ =	shalt  }
0x3f: {  	_ =	shalt  }
0x40: {  	_ =	shalt  }
0x41: {  	_ =	shalt  }
0x42: {  	_ =	shalt  }
0x43: {  	_ =	shalt  }
0x44: {  	_ =	shalt  }
0x45: {  	_ =	shalt  }
0x46: {  	_ =	shalt  }
0x47: {  	_ =	shalt  }
0x48: {  	_ =	shalt  }
0x49: {  	_ =	shalt  }
0x4a: {  	_ =	shalt  }
0x4b: {  	_ =	shalt  }
0x4c: {  	_ =	shalt  }
0x4d: {  	_ =	shalt  }
0x4e: {  	_ =	shalt  }
0x4f: {  	_ =	shalt  }
0x50: {  	_ =	shalt  }
0x51: {  	_ =	shalt  }
0x52: {  	_ =	shalt  }
0x53: {  	_ =	shalt  }
0x54: {  	_ =	shalt  }
0x55: {  	_ =	shalt  }
0x56: {  	_ =	shalt  }
0x57: {  	_ =	shalt  }
0x58: {  	_ =	shalt  }
0x59: {  	_ =	shalt  }
0x5a: {  	_ =	shalt  }
0x5b: {  	_ =	shalt  }
0x5c: {  	_ =	shalt  }
0x5d: {  	_ =	shalt  }
0x5e: {  	_ =	shalt  }
0x5f: {  	_ =	shalt  }
0x60: {  	_ =	shalt  }
0x61: {  	_ =	shalt  }
0x62: {  	_ =	shalt  }
0x63: {  	_ =	shalt  }
0x64: {  	_ =	shalt  }
0x65: {  	_ =	shalt  }
0x66: {  	_ =	shalt  }
0x67: {  	_ =	shalt  }
0x68: {  	_ =	shalt  }
0x69: {  	_ =	shalt  }
0x6a: {  	_ =	shalt  }
0x6b: {  	_ =	shalt  }
0x6c: {  	_ =	shalt  }
0x6d: {  	_ =	shalt  }
0x6e: {  	_ =	shalt  }
0x6f: {  	_ =	shalt  }
0x70: {  	_ =	shalt  }
0x71: {  	_ =	shalt  }
0x72: {  	_ =	shalt  }
0x73: {  	_ =	shalt  }
0x74: {  	_ =	shalt  }
0x75: {  	_ =	shalt  }
0x76: {  	_ =	shalt  }
0x77: {  	_ =	shalt  }
0x78: {  	_ =	shalt  }
0x79: {  	_ =	shalt  }
0x7a: {  	_ =	shalt  }
0x7b: {  	_ =	shalt  }
0x7c: {  	_ =	shalt  }
0x7d: {  	_ =	shalt  }
0x7e: {  	_ =	shalt  }
0x7f: {  	_ =	shalt  }
0x80: {  	_ =	shalt  }
0x81: {  	_ =	shalt  }
0x82: {  	_ =	shalt  }
0x83: {  	_ =	shalt  }
0x84: {  	_ =	shalt  }
0x85: {  	_ =	shalt  }
0x86: {  	_ =	shalt  }
0x87: {  	_ =	shalt  }
.Lfunc_end0:
.L_simem_size_0:
called_computation.1_lowered:
.L_overlay_start_0:
0x88: {  	s2 =	sld [smem:$0x3FD9]  }
0x89: {  	s3 =	sld [smem:$0x3FFE];
	_ =	sdelay $0x1  }
0x8a: {  	s1 =	srdreg.scid  }
0x8b: {  	s0 =	sand.u32 $0x1, s1  }
0x8c: {  	s17 =	sshll.u32 s0, $0xA;
	s2 =	sadd.s32 s3, s2  }
0x8d: {  	s2 =	sadd.s32 s2, s17  }
0x8e: {  	[smem:$0x3FBE] =	sst s2  }
0x8f: {  	_ = 	snop  }
0x90: {  	s2 =	sld [smem:$0x3FD0];
	(tm) =	ssettm $0x1  }
0x91: {  	s18 =	sld [smem:$0x3FFB];
	_ =	sdelay $0x3  }
0x92: {  	_ =	strace s18  }
0x93: {  	s3 =	sld [smem:$0x3FFC];
	_ =	sdelay $0x3  }
0x94: {  	_ =	strace s3  }
0x95: {  	s3 =	sld [smem:$0x3FFD];
	_ =	sdelay $0x3  }
0x96: {  	_ =	strace s3  }
0x97: {  	_ =	strace $0x8FFFFFFF  }
0x98: {  	s19 =	sld [smem:$0x3FDB];
	_ =	sdelay $0x1  }
0x99: {  	s4 =	simm.s32 $_scs_section_size  }
0x9a: {  	s5 =	simm.s32 $_size__tile_overlayer_lowered;
	s6 =	simm.s32 $_tile_overlayer_lowered  }
0x9b: {  	s22 =	simm.s32 $0x1BFF;
	s21 =	sshll.u32 s6, $0x1;
	s3 =	sadd.s32 s4, s19  }
0x9c: {  	s7 =	simm.s32 $0x0;
	s20 =	sshll.u32 s5, $0x1;
	s5 =	sadd.s32 s21, s3  }
0x9d: {  	[timem:s7], [sflag:s22] =	dma.local [hbm:s5], s20  }
0x9e: {  	_ =	swait.ge [sflag:s22], s20  }
0x9f: {  	s4 =	ssub.s32 $0x0, s20;
	[sflag:s22] =	ssyncset.done $0x0  }
0xa0: {  	[sflag:s22] =	ssyncadd.s32 s4;
	_ =	sdelay $0x1  }
0xa1: {  	s23 =	simm.s32 $0x1B8B  }
0xa2: {  	_ =	swait.ge [sflag:s23], $0x1  }
0xa3: {  	[sflag:s23] =	ssyncset.done $0x0  }
0xa4: {  	s25 =	simm.s32 $0x1B8E;
	s24 =	sld [smem:$0x3FFE];
	[sflag:s23] =	ssyncadd.s32 $0xFFFFFFFF  }
0xa5: {  	s26 =	simm.s32 $execute0_lowered;
	[smem:$0x3FD2] =	sst s25  }
0xa6: {  	s5 =	sshll.u32 s26, $0x1;
	_ =	strace $0x80000049;
	[dreg:$0x1] =	wrdreg $0xFFFFFFFF  }
0xa7: {  	s28 =	simm.s32 $_size_execute0_lowered;
	s3 =	sadd.s32 s3, s5;
	[dreg:$0x0] =	wrdreg $0x0  }
0xa8: {  	s5 =	sshll.u32 s28, $0x1;
	[dreg:$0x2] =	wrdreg s3  }
0xa9: {  	[dreg:$0x3] =	wrdreg s5  }
0xaa: {  	[dreg:$0x4] =	wrdreg $0xC0  }
0xab: {  	_ =	task [dreg:s7], $0x5FFFF  }
0xac: {  	[dreg:$0x1] =	wrdreg $0xFFFFFFFF  }
0xad: {  	[dreg:$0x0] =	wrdreg $0x60  }
0xae: {  	[dreg:$0x2] =	wrdreg s24  }
0xaf: {  	[dreg:$0x3] =	wrdreg s2  }
0xb0: {  	[dreg:$0x4] =	wrdreg $0xAB000  }
0xb1: {  	[dreg:$0x5] =	wrdreg $0x9  }
0xb2: {  	_ =	task.clear_ibuf [dreg:s7], $0x6FFFF;
	_ =	strace $0x90000049  }
0xb3: {  	s29 =	simm.s32 $0x9;
	_ =	strace $0x8000004B  }
0xb4: {  	_ =	swait.ge [sflag:s29], $0x1  }
0xb5: {  	[sflag:s29] =	ssyncadd.s32 $0xFFFFFFFF  }
0xb6: {  	_ =	strace $0x9000004B  }
0xb7: {  	_ =	sfence  }
0xb8: {  	s30 =	sld [smem:$0x0];
	_ =	sdelay $0x2  }
0xb9: {  	s31 =	sshll.u32 s1, $0xD;
	s1 =	sshrl.u32 s1, $0x2  }
0xba: {  	s3 =	sand.u32 $0x4000, s31;
	s1 =	sadd.s32 s1, s30  }
0xbb: {  	s0 =	sor.u32 s3, s0;
	s1 =	sshll.u32 s1, $0x11  }
0xbc: {  	s0 =	sor.u32 s1, s0  }
0xbd: {  	s0 =	sadd.s32 $0x8F2B, s0  }
0xbe: {  	[sflag:s0] =	ssyncadd.remote.s32 $0x1  }
0xbf: {  	_ =	sfence.sel $0xFFFF  }
0xc0: {  	[dreg:$0x0] =	wrdreg $0xFFFFFFFF;
	(pc) =	sbr.abs _section_cstart, $3  }
0xc1: {  	[dreg:$0x1] =	wrdreg $0xFFFFFFFF  }
0xc2: {  	_ =	task.clear_ibuf [dreg:s7], $0x2FFFF;
	_ =	strace $0x9FFFFFFF  }
0xc3: {  	(tm) =	ssettm $0x7FFFFFFF  }
tec
execute0_lowered:
.L_overlay_start_1:
0x0: {  	(tag) =	ssettag $0x1  }
0x1: {  	s0 =	rddreg [dreg:$0x0]  }
0x2: {  	s1 =	srdreg.scid;
	s2 =	rddreg [dreg:$0x1]  }
0x3: {  	s12 =	stileid.u32;
	s3 =	rddreg [dreg:$0x2]  }
0x4: {  	s4 =	simm.s32 $0x0;
	s26 =	simm.s32 $0x80;
	s30 =	simm.s32 $0x180  }
0x5: {  	s31 =	simm.s32 $0x280;
	s28 =	simm.s32 $0x3;
	s7 =	smul.u32 $0x14000, s12  }
0x6: {  	s29 =	simm.s32 $0x0;
	s1 =	sand.u32 $0x1, s1;
	s10 =	smul.u32 $0x50000, s12  }
0x7: {  	[smem:$0x7FF] =	sst s4;
	s16 =	smul.u32 $0xB400, s12;
	s19 =	sshll.u32 s12, $0x6  }
0x8: {  	s5 =	smul.u32 $0x140000, s1;
	_ =	strace $0x8000004A;
	[dreg:$0x4] =	wrdreg s26  }
0x9: {  	s15 =	ssub.s32 $0x2, s1;
	s8 =	ssub.s32 $0x0, s1;
	[dreg:$0x5] =	wrdreg s30  }
0xa: {  	p0 =	seq.s32 s1, $0x0;
	[dreg:$0x6] =	wrdreg s31;
	s26 =	simm.s32 $0x2  }
0xb: {  	s9 =	sshrl.u32 s15, $0x1;
	s8 =	sand.u32 $0x8D00, s8;
	s17 =	sshrl.u32 s10, $0x2  }
0xc: {  	s18 =	sshrl.u32 s7, $0x3;
	s5 =	sadd.s32 s7, s5;
	s13 =	ssub.s32 s15, s9  }
0xd: {  	s14 =	sadd.s32 s17, s3;
	s16 =	sadd.s32 s16, s8;
	s9 =	sor.u32 $0x1C04, s19  }
0xe: {  	s19 =	simm.s32 $0x70;
	s6 =	sshrl.u32 s5, $0x3;
	s5 =	sadd.s32 $0x2DC00, s0  }
0xf: {  	s8 =	sshrl.u32 s16, $0x3;
	s13 =	smax.u32 s13, $0x1;
	s24 =	sadd.s32 $0x500, s16  }
0x10: {  	s15 =	sadd.s32 $0x400, s16;
	s16 =	sadd.s32 $0x300, s16;
	s17 =	sshrl.u32 s14, $0x3  }
0x11: {  	s0 =	sadd.s32 s6, s0;
	s6 =	simm.s32 $0x8D;
	s1 =	sadd.s32 s5, s18  }
0x12: {  	s8 =	sadd.s32 s2, s8;
	s25 =	sshrl.u32 s24, $0x3;
	s15 =	sshrl.u32 s15, $0x3  }
0x13: {  	s18 =	simm.s32 $0x4;
	s24 =	simm.s32 $0x7300;
	s6 =	simm.s32 @!p0 $0x27  }
0x14: {  	[dreg:$0x8] =	wrdreg s1;
	s20 =	sadd.s32 $0x20, s8;
	s11 =	smul.u32 $0xAB, s6  }
0x15: {  	s22 =	sadd.s32 $0x40, s8;
	s0 =	sadd.s32 $0x7DC00, s0;
	s1 =	sadd.s32 s25, s2  }
0x16: {  	s15 =	sadd.s32 s15, s2;
	[dreg:$0x9] =	wrdreg s20;
	s21 =	sshrl.u32 s11, $0x9  }
0x17: {  	s25 =	simm.s32 $0x1;
	[dreg:$0xa] =	wrdreg s22;
	s23 =	smul.u32 $0x3, s21  }
0x18: {  	[dreg:$0xb] =	wrdreg s0;
	s20 =	simm.s32 $0x300;
	s22 =	simm.s32 $0x3B00  }
0x19: {  	s21 =	simm.s32 $0x100;
	[dreg:$0x7] =	wrdreg s23;
	s23 =	simm.s32 $0x200  }
.LBB2_1:
0x1a: {  	s0 =	rddreg [dreg:$0x8]  }
0x1b: {  	[spmem:s17], [sflag:s9] =	dma.local [hbm:s0], $0x2800  }
0x1c: {  	_ =	swait.ge [sflag:s18], $0x2800  }
0x1d: {  	[sflag:s18] =	ssyncset.done $0x0  }
0x1e: {  	[sflag:s18] =	ssyncadd.s32 $0xFFFFD800  }
0x1f: {  	[bflag:$0x0] =	sbarrier.arrive $0xFFFF  }
0x20: {  	[tilespmem:s4], [sflag:$0x4] =	stream.linear.gather [hbm4b:s8+s4], $0x100, $0x38;
	[tilespmem:$0x1EB00] =	vst v63  }
0x21: {  	_ =	swait.ge [sflag:s18], $0x100  }
0x22: {  	[sflag:s18] =	ssyncset.done $0x0  }
0x23: {  	[sflag:s18] =	ssyncadd.s32 $0xFFFFFF00  }
0x24: {  	[tilespmem:s20], [sflag:$0x1] =	stream.indirect.gather [hbm4b:s5+s19], $0x80, s4, s19, $0xb8;
	[tilespmem:$0x1EB00] =	vst v63  }
0x25: {  	s12 =	rddreg [dreg:$0x9]  }
0x26: {  	[tilespmem:s21], [sflag:$0x4] =	stream.linear.gather [hbm4b:s12+s4], $0x100, $0x38;
	[tilespmem:$0x1EB00] =	vst v63  }
0x27: {  	_ =	swait.ge [sflag:s18], $0x100  }
0x28: {  	[sflag:s18] =	ssyncset.done $0x0  }
0x29: {  	[sflag:s18] =	ssyncadd.s32 $0xFFFFFF00  }
0x2a: {  	[tilespmem:s22], [sflag:$0x2] =	stream.indirect.gather [hbm4b:s5+s19], $0x80, s21, s19, $0xb8;
	[tilespmem:$0x1EB00] =	vst v63  }
0x2b: {  	s14 =	rddreg [dreg:$0xa]  }
0x2c: {  	[tilespmem:s23], [sflag:$0x4] =	stream.linear.gather [hbm4b:s14+s4], $0x100, $0x38;
	[tilespmem:$0x1EB00] =	vst v63  }
0x2d: {  	_ =	swait.ge [sflag:s18], $0x100  }
0x2e: {  	s30 =	smov.u32 s16;
	s31 =	smov.u32 s15;
	[sflag:s18] =	ssyncset.done $0x0  }
0x2f: {  	s0 =	simm.s32 $0x0;
	s14 =	smov.u32 s1;
	[sflag:s18] =	ssyncadd.s32 $0xFFFFFF00  }
0x30: {  	[tilespmem:s24], [sflag:$0x3] =	stream.indirect.gather [hbm4b:s5+s19], $0x80, s23, s19, $0xb8;
	[tilespmem:$0x1EB00] =	vst v63  }
.LBB2_2:
0x31: {  	_ =	swait.ge [sflag:s25], $0x3800  }
0x32: {  	[sflag:s25] =	ssyncset.done $0x0  }
0x33: {  	s7 =	rddreg [dreg:$0x4];
	[sflag:s25] =	ssyncadd.s32 $0xFFFFC800  }
0x34: {  	[spmem:s3] =	stream.indirect.scatter.add.f32 [tilespmem:s20], [sflag:$0x4], $0x80, s7, s19, $0xb8;
	[tilespmem:$0x1EB00] =	vst v63  }
0x35: {  	s7 =	sadd.s32 $0x3, s0  }
0x36: {  	_ =	swait.ge [sflag:s18], $0x3800;
	p0 =	sge.u32 s7, s6  }
0x37: {  	[sflag:s18] =	ssyncset.done $0x0;
	s10 =	sshrl.u32 @!p0 s30, $0x3  }
0x38: {  	s11 =	simm.s32 @!p0 $0x0;
	[sflag:s18] =	ssyncadd.s32 $0xFFFFC800;
	s10 =	sadd.s32 @!p0 s2, s10  }
0x39: {  	[tilespmem:s11], [sflag:$0x4] =	stream.linear.gather @!p0 [hbm4b:s10+s11], $0x100, $0x38;
	[tilespmem:$0x1EB00] =	vst v63  }
0x3a: {  	s10 =	simm.s32 @!p0 $0x4  }
0x3b: {  	_ =	swait.ge @!p0 [sflag:s10], $0x100  }
0x3c: {  	[sflag:s10] =	ssyncset.done @!p0 $0x0  }
0x3d: {  	s12 =	simm.s32 @!p0 $0x300;
	[sflag:s10] =	ssyncadd.s32 @!p0 $0xFFFFFF00;
	s10 =	simm.s32 @!p0 $0x70  }
0x3e: {  	[tilespmem:s12], [sflag:$0x1] =	stream.indirect.gather @!p0 [hbm4b:s5+s10], $0x80, s11, s10, $0xb8;
	[tilespmem:$0x1EB00] =	vst v63  }
0x3f: {  	_ =	swait.ge [sflag:s26], $0x3800  }
0x40: {  	[sflag:s26] =	ssyncset.done $0x0  }
0x41: {  	s11 =	rddreg [dreg:$0x5];
	[sflag:s26] =	ssyncadd.s32 $0xFFFFC800  }
0x42: {  	[spmem:s3] =	stream.indirect.scatter.add.f32 [tilespmem:s22], [sflag:$0x4], $0x80, s11, s19, $0xb8;
	[tilespmem:$0x1EB00] =	vst v63  }
0x43: {  	s12 =	sadd.s32 $0x4, s0;
	_ =	swait.ge [sflag:s18], $0x3800  }
0x44: {  	p0 =	sge.u32 s12, s6;
	[sflag:s18] =	ssyncset.done $0x0  }
0x45: {  	s10 =	simm.s32 @!p0 $0x0;
	s11 =	simm.s32 @!p0 $0x100;
	[sflag:s18] =	ssyncadd.s32 $0xFFFFC800  }
0x46: {  	[tilespmem:s11], [sflag:$0x4] =	stream.linear.gather @!p0 [hbm4b:s31+s10], $0x100, $0x38;
	[tilespmem:$0x1EB00] =	vst v63  }
0x47: {  	s10 =	simm.s32 @!p0 $0x4  }
0x48: {  	_ =	swait.ge @!p0 [sflag:s10], $0x100  }
0x49: {  	[sflag:s10] =	ssyncset.done @!p0 $0x0  }
0x4a: {  	s12 =	simm.s32 @!p0 $0x3B00;
	[sflag:s10] =	ssyncadd.s32 @!p0 $0xFFFFFF00;
	s10 =	simm.s32 @!p0 $0x70  }
0x4b: {  	[tilespmem:s12], [sflag:$0x2] =	stream.indirect.gather @!p0 [hbm4b:s5+s10], $0x80, s11, s10, $0xb8;
	[tilespmem:$0x1EB00] =	vst v63  }
0x4c: {  	_ =	swait.ge [sflag:s28], $0x3800  }
0x4d: {  	[sflag:s28] =	ssyncset.done $0x0  }
0x4e: {  	s11 =	rddreg [dreg:$0x6];
	[sflag:s28] =	ssyncadd.s32 $0xFFFFC800  }
0x4f: {  	[spmem:s3] =	stream.indirect.scatter.add.f32 [tilespmem:s24], [sflag:$0x4], $0x80, s11, s19, $0xb8;
	[tilespmem:$0x1EB00] =	vst v63  }
0x50: {  	s12 =	sadd.s32 $0x5, s0;
	_ =	swait.ge [sflag:s18], $0x3800  }
0x51: {  	p0 =	sge.u32 s12, s6;
	[sflag:s18] =	ssyncset.done $0x0  }
0x52: {  	s0 =	simm.s32 @!p0 $0x0;
	s10 =	simm.s32 @!p0 $0x200;
	[sflag:s18] =	ssyncadd.s32 $0xFFFFC800  }
0x53: {  	[tilespmem:s10], [sflag:$0x4] =	stream.linear.gather @!p0 [hbm4b:s14+s0], $0x100, $0x38;
	[tilespmem:$0x1EB00] =	vst v63  }
0x54: {  	s0 =	simm.s32 @!p0 $0x4  }
0x55: {  	_ =	swait.ge @!p0 [sflag:s0], $0x100  }
0x56: {  	s12 =	simm.s32 @!p0 $0x7300;
	[sflag:s0] =	ssyncset.done @!p0 $0x0  }
0x57: {  	s11 =	rddreg [dreg:$0x7];
	[sflag:s0] =	ssyncadd.s32 @!p0 $0xFFFFFF00;
	s0 =	simm.s32 @!p0 $0x70  }
0x58: {  	[tilespmem:s12], [sflag:$0x3] =	stream.indirect.gather @!p0 [hbm4b:s5+s0], $0x80, s10, s0, $0xb8;
	[tilespmem:$0x1EB00] =	vst v63  }
0x59: {  	p0 =	sne.s32 s11, s7  }
.Ltmp0:
0x5a: {  	_ = 	snop;
	(pc) =	sbr.rel @p0 .LBB2_2-.Ltmp0, $3  }
0x5b: {  	_ =	sdelay $0x1  }
0x5c: {  	s30 =	sadd.s32 $0x300, s30  }
0x5d: {  	s31 =	sadd.s32 $0x60, s31;
	s14 =	sadd.s32 $0x60, s14;
	s0 =	smov.u32 s7  }
0x5e: {  	s29 =	sadd.s32 $0x1, s29  }
0x5f: {  	[bflag:$0x0] =	sbarrier.arrive $0xFFFF;
	p0 =	sne.s32 s29, s13  }
.Ltmp1:
0x60: {  	s0 =	rddreg [dreg:$0xb];
	(pc) =	sbr.rel @p0 .LBB2_1-.Ltmp1, $4  }
0x61: {  	[hbm:s0], [sflag:s9] =	dma.local [spmem:s17], $0x2800  }
0x62: {  	_ =	swait.ge [sflag:s18], $0x2800  }
0x63: {  	[sflag:s18] =	ssyncset.done $0x0  }
0x64: {  	[sflag:s18] =	ssyncadd.s32 $0xFFFFD800  }
0x65: {  	_ =	sfence.sel $0x180000  }
0x66: {  	[bflag:$0x0] =	sbarrier.arrive $0xFFFF  }
0x67: {  	_ =	strace $0x9000004A  }
0x68: {  	s0 =	stileid.u32;
	[bflag:$0x2] =	sbarrier.arrive $0xFFFF  }
0x69: {  	p0 =	sne.s32 s0, $0x0;
	s0 =	rddreg [dreg:$0x3]  }
0x6a: {  	s0 =	sadd.s32 @!p0 $0x100000, s0  }
0x6b: {  	[sflag:s0] =	ssyncadd.tile.s32 @!p0 $0x1;
	_ =	shalt  }
.Lfunc_end2:
_tile_overlayer_lowered:
.L_overlay_start_2:
0x6c: {  	(tag) =	ssettag $0x2  }
0x6d: {  	s0 =	rddreg [dreg:$0x0];
	s2 =	stileid.u32  }
0x6e: {  	s1 =	rddreg [dreg:$0x1];
	p0 =	sne.s32 s2, $0x0  }
0x6f: {  	s3 =	rddreg [dreg:$0x2];
	[bflag:$0x3] =	sbarrier.arrive $0xFFFF;
	s2 =	simm.s32 @!p0 $0x1C04  }
0x70: {  	[timem:s3], [sflag:s2] =	dma.local @!p0 [hbm:s0], s1  }
0x71: {  	s0 =	simm.s32 @!p0 $0x4  }
0x72: {  	_ =	swait.ge @!p0 [sflag:s0], s1  }
0x73: {  	s1 =	ssub.s32 @!p0 $0x0, s1;
	[sflag:s0] =	ssyncset.done @!p0 $0x0  }
0x74: {  	[sflag:s0] =	ssyncadd.s32 @!p0 s1  }
0x75: {  	[bflag:$0x3] =	sbarrier.arrive $0xFFFF  }
0x76: {  	_ =	shalt  }

// kernel: kernel.18.cloned.1.call-start
scs
__scs_entry_jumppad:
0x0: {  	(pc) =	sbr.rel $0x88, $3  }
0x1: {  	(tag) =	ssettag $0x0;
	lr =	simm.s32 $0x1  }
0x2: {  	[smem:$0x3F97] =	sst lr;
	_ =	strace $0xD0000000  }
0x3: {  	_ = 	snop  }
0x4: {  	_ = 	snop  }
0x5: {  	_ = 	snop  }
0x6: {  	_ = 	snop  }
0x7: {  	_ = 	snop  }
__scs_overlays_trampoline_lowered:
0x8: {  	[smem:$0x3FA6] =	sst s0  }
0x9: {  	[smem:$0x3FA7] =	sst s1  }
0xa: {  	[smem:$0x3FA8] =	sst s2  }
0xb: {  	[smem:$0x3FA9] =	sst s3  }
0xc: {  	[smem:$0x3FAA] =	sst s4  }
0xd: {  	[smem:$0x3FAB] =	sst s5  }
0xe: {  	[smem:$0x3FAC] =	sst s6  }
0xf: {  	[smem:$0x3FAD] =	sst s7  }
0x10: {  	[smem:$0x3FAE] =	sst s8  }
0x11: {  	[smem:$0x3FAF] =	sst s9;
	s0 =	simm.s32 @!p0 $0x0  }
0x12: {  	s1 =	sld [smem:$0x3F95];
	s0 =	simm.s32 @p0 $0x1  }
0x13: {  	[smem:$0x3FB0] =	sst s0;
	s0 =	simm.s32 @!p1 $0x0  }
0x14: {  	s2 =	sld [smem:$0x3F94];
	s0 =	simm.s32 @p1 $0x1  }
0x15: {  	[smem:$0x3FB1] =	sst s0;
	s0 =	simm.s32 @!p2 $0x0  }
0x16: {  	s3 =	sld [smem:$0x3FDB];
	s0 =	simm.s32 @p2 $0x1  }
0x17: {  	s4 =	simm.s32 $0x1BF5;
	[smem:$0x3FB3] =	sst s0  }
0x18: {  	s0 =	sld [smem:$0x3F96];
	_ =	swait.ge [sflag:s4], $0x0  }
0x19: {  	s7 =	sld [smem:$0x3F97]  }
0x1a: {  	s8 =	sadd.s32 $0xFFFFE003, lr  }
0x1b: {  	s9 =	sadd.s32 $0xFFFFFEF7, lr;
	s5 =	simm.s32 $0xFFFFFFFF;
	p2 =	slt.u32 s8, $0xFFFFF086  }
0x1c: {  	p1 =	slt.u32 s9, $0xF7A;
	s5 =	simm.s32 @!p2 $0x0  }
0x1d: {  	s5 =	simm.s32 @p1 $0x1;
	p0 =	seq.s32 s7, s2  }
0x1e: {  	s7 =	smul.u32 @!p0 $0xF7A, s2;
	p2 =	seq.s32 @!p0 s5, $0x0  }
0x1f: {  	s9 =	smul.u32 $0xF7A, s1;
	s8 =	simm.s32 @!p0 $0x1BF5;
	p2 =	por !p2, p0  }
0x20: {  	[sflag:s8] =	ssyncset.s32 @!p0 $0xFFFFF086;
	s6 =	sadd.s32 @!p0 s3, s7;
	s7 =	simm.s32 @!p0 $0x108  }
0x21: {  	s3 =	sadd.s32 s3, s9;
	s6 =	sadd.s32 @!p0 $0x88, s6;
	s7 =	simm.s32 @p2 $0x1082  }
0x22: {  	[simem:s7], [sflag:s8] =	dma.local @!p0 [hbm:s6], $0xF7A  }
0x23: {  	s9 =	sor.u32 $0xD0000000, s2;
	s6 =	simm.s32 $0x108;
	_ =	swait.ge @!p0 [sflag:s8], $0x0  }
0x24: {  	s3 =	sadd.s32 $0x88, s3;
	s6 =	simm.s32 @!p1 $0x1082;
	[sflag:s4] =	ssyncset.s32 $0xFFFFF086  }
0x25: {  	[simem:s6], [sflag:s4] =	dma.local [hbm:s3], $0xF7A  }
0x26: {  	[smem:$0x3F97] =	sst s1;
	(tag) =	ssettag s2;
	_ =	strace s9  }
0x27: {  	s1 =	sld [smem:$0x3FA7]  }
0x28: {  	s2 =	sld [smem:$0x3FA8]  }
0x29: {  	s4 =	sld [smem:$0x3FAA]  }
0x2a: {  	p0 =	seq.s32 s5, $0x0;
	s5 =	sld [smem:$0x3FAB]  }
0x2b: {  	s6 =	sld [smem:$0x3FAC]  }
0x2c: {  	s7 =	sld [smem:$0x3FAD]  }
0x2d: {  	s3 =	simm.s32 $0x108;
	s8 =	sld [smem:$0x3FAE]  }
0x2e: {  	s3 =	simm.s32 @!p0 $0x1082;
	s9 =	sld [smem:$0x3FAF]  }
0x2f: {  	lr =	sadd.s32 s0, s3;
	s0 =	sld [smem:$0x3FA6]  }
0x30: {  	s3 =	sld [smem:$0x3FA9]  }
0x31: {  	[smem:$0x3FB2] =	sst s10  }
0x32: {  	s10 =	sld [smem:$0x3FB0];
	_ =	sdelay $0x3  }
0x33: {  	p0 =	seq.s32 s10, $0x1;
	s10 =	sld [smem:$0x3FB2];
	_ =	sdelay $0x3  }
0x34: {  	[smem:$0x3FB2] =	sst s10  }
0x35: {  	s10 =	sld [smem:$0x3FB1];
	_ =	sdelay $0x3  }
0x36: {  	p1 =	seq.s32 s10, $0x1;
	s10 =	sld [smem:$0x3FB2];
	_ =	sdelay $0x3  }
0x37: {  	[smem:$0x3FB2] =	sst s10  }
0x38: {  	s10 =	sld [smem:$0x3FB3]  }
0x39: {  	_ = 	snop;
	(pc) =	sbr.ind lr, $3  }
0x3a: {  	_ = 	snop  }
0x3b: {  	_ = 	snop  }
0x3c: {  	p2 =	seq.s32 s10, $0x1;
	s10 =	sld [smem:$0x3FB2]  }
0x3d: {  	_ =	shalt  }
0x3e: {  	_ =	shalt  }
0x3f: {  	_ =	shalt  }
0x40: {  	_ =	shalt  }
0x41: {  	_ =	shalt  }
0x42: {  	_ =	shalt  }
0x43: {  	_ =	shalt  }
0x44: {  	_ =	shalt  }
0x45: {  	_ =	shalt  }
0x46: {  	_ =	shalt  }
0x47: {  	_ =	shalt  }
0x48: {  	_ =	shalt  }
0x49: {  	_ =	shalt  }
0x4a: {  	_ =	shalt  }
0x4b: {  	_ =	shalt  }
0x4c: {  	_ =	shalt  }
0x4d: {  	_ =	shalt  }
0x4e: {  	_ =	shalt  }
0x4f: {  	_ =	shalt  }
0x50: {  	_ =	shalt  }
0x51: {  	_ =	shalt  }
0x52: {  	_ =	shalt  }
0x53: {  	_ =	shalt  }
0x54: {  	_ =	shalt  }
0x55: {  	_ =	shalt  }
0x56: {  	_ =	shalt  }
0x57: {  	_ =	shalt  }
0x58: {  	_ =	shalt  }
0x59: {  	_ =	shalt  }
0x5a: {  	_ =	shalt  }
0x5b: {  	_ =	shalt  }
0x5c: {  	_ =	shalt  }
0x5d: {  	_ =	shalt  }
0x5e: {  	_ =	shalt  }
0x5f: {  	_ =	shalt  }
0x60: {  	_ =	shalt  }
0x61: {  	_ =	shalt  }
0x62: {  	_ =	shalt  }
0x63: {  	_ =	shalt  }
0x64: {  	_ =	shalt  }
0x65: {  	_ =	shalt  }
0x66: {  	_ =	shalt  }
0x67: {  	_ =	shalt  }
0x68: {  	_ =	shalt  }
0x69: {  	_ =	shalt  }
0x6a: {  	_ =	shalt  }
0x6b: {  	_ =	shalt  }
0x6c: {  	_ =	shalt  }
0x6d: {  	_ =	shalt  }
0x6e: {  	_ =	shalt  }
0x6f: {  	_ =	shalt  }
0x70: {  	_ =	shalt  }
0x71: {  	_ =	shalt  }
0x72: {  	_ =	shalt  }
0x73: {  	_ =	shalt  }
0x74: {  	_ =	shalt  }
0x75: {  	_ =	shalt  }
0x76: {  	_ =	shalt  }
0x77: {  	_ =	shalt  }
0x78: {  	_ =	shalt  }
0x79: {  	_ =	shalt  }
0x7a: {  	_ =	shalt  }
0x7b: {  	_ =	shalt  }
0x7c: {  	_ =	shalt  }
0x7d: {  	_ =	shalt  }
0x7e: {  	_ =	shalt  }
0x7f: {  	_ =	shalt  }
0x80: {  	_ =	shalt  }
0x81: {  	_ =	shalt  }
0x82: {  	_ =	shalt  }
0x83: {  	_ =	shalt  }
0x84: {  	_ =	shalt  }
0x85: {  	_ =	shalt  }
0x86: {  	_ =	shalt  }
0x87: {  	_ =	shalt  }
.Lfunc_end0:
.L_simem_size_0:
called_computation.2_lowered:
.L_overlay_start_0:
0x88: {  	s2 =	sld [smem:$0x3FD9]  }
0x89: {  	s3 =	sld [smem:$0x3FFE];
	_ =	sdelay $0x1  }
0x8a: {  	s1 =	srdreg.scid  }
0x8b: {  	s0 =	sand.u32 $0x1, s1  }
0x8c: {  	s17 =	sshll.u32 s0, $0xA;
	s2 =	sadd.s32 s3, s2  }
0x8d: {  	s2 =	sadd.s32 s2, s17  }
0x8e: {  	[smem:$0x3FBE] =	sst s2  }
0x8f: {  	_ = 	snop  }
0x90: {  	s2 =	sld [smem:$0x3FD0];
	(tm) =	ssettm $0x1  }
0x91: {  	s18 =	sld [smem:$0x3FFB];
	_ =	sdelay $0x3  }
0x92: {  	_ =	strace s18  }
0x93: {  	s3 =	sld [smem:$0x3FFC];
	_ =	sdelay $0x3  }
0x94: {  	_ =	strace s3  }
0x95: {  	s3 =	sld [smem:$0x3FFD];
	_ =	sdelay $0x3  }
0x96: {  	_ =	strace s3  }
0x97: {  	_ =	strace $0x8FFFFFFF  }
0x98: {  	s19 =	sld [smem:$0x3FDB];
	_ =	sdelay $0x1  }
0x99: {  	s4 =	simm.s32 $_scs_section_size  }
0x9a: {  	s5 =	simm.s32 $_size__tile_overlayer_lowered;
	s6 =	simm.s32 $_tile_overlayer_lowered  }
0x9b: {  	s22 =	simm.s32 $0x1BFF;
	s21 =	sshll.u32 s6, $0x1;
	s3 =	sadd.s32 s4, s19  }
0x9c: {  	s7 =	simm.s32 $0x0;
	s20 =	sshll.u32 s5, $0x1;
	s5 =	sadd.s32 s21, s3  }
0x9d: {  	[timem:s7], [sflag:s22] =	dma.local [hbm:s5], s20  }
0x9e: {  	_ =	swait.ge [sflag:s22], s20  }
0x9f: {  	s4 =	ssub.s32 $0x0, s20;
	[sflag:s22] =	ssyncset.done $0x0  }
0xa0: {  	[sflag:s22] =	ssyncadd.s32 s4;
	_ =	sdelay $0x1  }
0xa1: {  	s23 =	simm.s32 $0x1B8B  }
0xa2: {  	_ =	swait.ge [sflag:s23], $0x1  }
0xa3: {  	[sflag:s23] =	ssyncset.done $0x0  }
0xa4: {  	s25 =	simm.s32 $0x1B8E;
	s24 =	sld [smem:$0x3FFE];
	[sflag:s23] =	ssyncadd.s32 $0xFFFFFFFF  }
0xa5: {  	s26 =	simm.s32 $execute0_lowered;
	[smem:$0x3FD2] =	sst s25  }
0xa6: {  	s5 =	sshll.u32 s26, $0x1;
	_ =	strace $0x8000004C;
	[dreg:$0x1] =	wrdreg $0xFFFFFFFF  }
0xa7: {  	s28 =	simm.s32 $_size_execute0_lowered;
	s3 =	sadd.s32 s3, s5;
	[dreg:$0x0] =	wrdreg $0x0  }
0xa8: {  	s5 =	sshll.u32 s28, $0x1;
	[dreg:$0x2] =	wrdreg s3  }
0xa9: {  	[dreg:$0x3] =	wrdreg s5  }
0xaa: {  	[dreg:$0x4] =	wrdreg $0xC0  }
0xab: {  	_ =	task [dreg:s7], $0x5FFFF  }
0xac: {  	[dreg:$0x1] =	wrdreg $0xFFFFFFFF  }
0xad: {  	[dreg:$0x0] =	wrdreg $0x60  }
0xae: {  	[dreg:$0x2] =	wrdreg s24  }
0xaf: {  	[dreg:$0x3] =	wrdreg s2  }
0xb0: {  	[dreg:$0x4] =	wrdreg $0xAB000  }
0xb1: {  	[dreg:$0x5] =	wrdreg $0x9  }
0xb2: {  	_ =	task.clear_ibuf [dreg:s7], $0x6FFFF;
	_ =	strace $0x9000004C  }
0xb3: {  	s29 =	simm.s32 $0x9;
	_ =	strace $0x8000004E  }
0xb4: {  	_ =	swait.ge [sflag:s29], $0x1  }
0xb5: {  	[sflag:s29] =	ssyncadd.s32 $0xFFFFFFFF  }
0xb6: {  	_ =	strace $0x9000004E  }
0xb7: {  	_ =	sfence  }
0xb8: {  	s30 =	sld [smem:$0x0];
	_ =	sdelay $0x2  }
0xb9: {  	s31 =	sshll.u32 s1, $0xD;
	s1 =	sshrl.u32 s1, $0x2  }
0xba: {  	s3 =	sand.u32 $0x4000, s31;
	s1 =	sadd.s32 s1, s30  }
0xbb: {  	s0 =	sor.u32 s3, s0;
	s1 =	sshll.u32 s1, $0x11  }
0xbc: {  	s0 =	sor.u32 s1, s0  }
0xbd: {  	s0 =	sadd.s32 $0x8F2B, s0  }
0xbe: {  	[sflag:s0] =	ssyncadd.remote.s32 $0x1  }
0xbf: {  	_ =	sfence.sel $0xFFFF  }
0xc0: {  	[dreg:$0x0] =	wrdreg $0xFFFFFFFF;
	(pc) =	sbr.abs _section_cstart, $3  }
0xc1: {  	[dreg:$0x1] =	wrdreg $0xFFFFFFFF  }
0xc2: {  	_ =	task.clear_ibuf [dreg:s7], $0x2FFFF;
	_ =	strace $0x9FFFFFFF  }
0xc3: {  	(tm) =	ssettm $0x7FFFFFFF  }
tec
execute0_lowered:
.L_overlay_start_1:
0x0: {  	(tag) =	ssettag $0x1  }
0x1: {  	s0 =	rddreg [dreg:$0x0]  }
0x2: {  	s1 =	srdreg.scid;
	s2 =	rddreg [dreg:$0x1]  }
0x3: {  	s12 =	stileid.u32;
	s3 =	rddreg [dreg:$0x2]  }
0x4: {  	s4 =	simm.s32 $0x0;
	s26 =	simm.s32 $0x80;
	s30 =	simm.s32 $0x180  }
0x5: {  	s31 =	simm.s32 $0x280;
	s28 =	simm.s32 $0x3;
	s7 =	smul.u32 $0x14000, s12  }
0x6: {  	s29 =	simm.s32 $0x0;
	s1 =	sand.u32 $0x1, s1;
	s10 =	smul.u32 $0x50000, s12  }
0x7: {  	[smem:$0x7FF] =	sst s4;
	s16 =	smul.u32 $0xB400, s12;
	s19 =	sshll.u32 s12, $0x6  }
0x8: {  	s5 =	smul.u32 $0x140000, s1;
	_ =	strace $0x8000004D;
	[dreg:$0x4] =	wrdreg s26  }
0x9: {  	s15 =	ssub.s32 $0x2, s1;
	s8 =	ssub.s32 $0x0, s1;
	[dreg:$0x5] =	wrdreg s30  }
0xa: {  	p0 =	seq.s32 s1, $0x0;
	[dreg:$0x6] =	wrdreg s31;
	s26 =	simm.s32 $0x2  }
0xb: {  	s9 =	sshrl.u32 s15, $0x1;
	s8 =	sand.u32 $0x8D00, s8;
	s17 =	sshrl.u32 s10, $0x2  }
0xc: {  	s18 =	sshrl.u32 s7, $0x3;
	s5 =	sadd.s32 s7, s5;
	s13 =	ssub.s32 s15, s9  }
0xd: {  	s14 =	sadd.s32 s17, s3;
	s16 =	sadd.s32 s16, s8;
	s9 =	sor.u32 $0x1C04, s19  }
0xe: {  	s19 =	simm.s32 $0x70;
	s6 =	sshrl.u32 s5, $0x3;
	s5 =	sadd.s32 $0x2DC00, s0  }
0xf: {  	s8 =	sshrl.u32 s16, $0x3;
	s13 =	smax.u32 s13, $0x1;
	s24 =	sadd.s32 $0x500, s16  }
0x10: {  	s15 =	sadd.s32 $0x400, s16;
	s16 =	sadd.s32 $0x300, s16;
	s17 =	sshrl.u32 s14, $0x3  }
0x11: {  	s0 =	sadd.s32 s6, s0;
	s6 =	simm.s32 $0x8D;
	s1 =	sadd.s32 s5, s18  }
0x12: {  	s8 =	sadd.s32 s2, s8;
	s25 =	sshrl.u32 s24, $0x3;
	s15 =	sshrl.u32 s15, $0x3  }
0x13: {  	s18 =	simm.s32 $0x4;
	s24 =	simm.s32 $0x7300;
	s6 =	simm.s32 @!p0 $0x27  }
0x14: {  	[dreg:$0x8] =	wrdreg s1;
	s20 =	sadd.s32 $0x20, s8;
	s11 =	smul.u32 $0xAB, s6  }
0x15: {  	s22 =	sadd.s32 $0x40, s8;
	s0 =	sadd.s32 $0xA5C00, s0;
	s1 =	sadd.s32 s25, s2  }
0x16: {  	s15 =	sadd.s32 s15, s2;
	[dreg:$0x9] =	wrdreg s20;
	s21 =	sshrl.u32 s11, $0x9  }
0x17: {  	s25 =	simm.s32 $0x1;
	[dreg:$0xa] =	wrdreg s22;
	s23 =	smul.u32 $0x3, s21  }
0x18: {  	[dreg:$0xb] =	wrdreg s0;
	s20 =	simm.s32 $0x300;
	s22 =	simm.s32 $0x3B00  }
0x19: {  	s21 =	simm.s32 $0x100;
	[dreg:$0x7] =	wrdreg s23;
	s23 =	simm.s32 $0x200  }
.LBB2_1:
0x1a: {  	s0 =	rddreg [dreg:$0x8]  }
0x1b: {  	[spmem:s17], [sflag:s9] =	dma.local [hbm:s0], $0x2800  }
0x1c: {  	_ =	swait.ge [sflag:s18], $0x2800  }
0x1d: {  	[sflag:s18] =	ssyncset.done $0x0  }
0x1e: {  	[sflag:s18] =	ssyncadd.s32 $0xFFFFD800  }
0x1f: {  	[bflag:$0x0] =	sbarrier.arrive $0xFFFF  }
0x20: {  	[tilespmem:s4], [sflag:$0x4] =	stream.linear.gather [hbm4b:s8+s4], $0x100, $0x38;
	[tilespmem:$0x1EB00] =	vst v63  }
0x21: {  	_ =	swait.ge [sflag:s18], $0x100  }
0x22: {  	[sflag:s18] =	ssyncset.done $0x0  }
0x23: {  	[sflag:s18] =	ssyncadd.s32 $0xFFFFFF00  }
0x24: {  	[tilespmem:s20], [sflag:$0x1] =	stream.indirect.gather [hbm4b:s5+s19], $0x80, s4, s19, $0xb8;
	[tilespmem:$0x1EB00] =	vst v63  }
0x25: {  	s12 =	rddreg [dreg:$0x9]  }
0x26: {  	[tilespmem:s21], [sflag:$0x4] =	stream.linear.gather [hbm4b:s12+s4], $0x100, $0x38;
	[tilespmem:$0x1EB00] =	vst v63  }
0x27: {  	_ =	swait.ge [sflag:s18], $0x100  }
0x28: {  	[sflag:s18] =	ssyncset.done $0x0  }
0x29: {  	[sflag:s18] =	ssyncadd.s32 $0xFFFFFF00  }
0x2a: {  	[tilespmem:s22], [sflag:$0x2] =	stream.indirect.gather [hbm4b:s5+s19], $0x80, s21, s19, $0xb8;
	[tilespmem:$0x1EB00] =	vst v63  }
0x2b: {  	s14 =	rddreg [dreg:$0xa]  }
0x2c: {  	[tilespmem:s23], [sflag:$0x4] =	stream.linear.gather [hbm4b:s14+s4], $0x100, $0x38;
	[tilespmem:$0x1EB00] =	vst v63  }
0x2d: {  	_ =	swait.ge [sflag:s18], $0x100  }
0x2e: {  	s30 =	smov.u32 s16;
	s31 =	smov.u32 s15;
	[sflag:s18] =	ssyncset.done $0x0  }
0x2f: {  	s0 =	simm.s32 $0x0;
	s14 =	smov.u32 s1;
	[sflag:s18] =	ssyncadd.s32 $0xFFFFFF00  }
0x30: {  	[tilespmem:s24], [sflag:$0x3] =	stream.indirect.gather [hbm4b:s5+s19], $0x80, s23, s19, $0xb8;
	[tilespmem:$0x1EB00] =	vst v63  }
.LBB2_2:
0x31: {  	_ =	swait.ge [sflag:s25], $0x3800  }
0x32: {  	[sflag:s25] =	ssyncset.done $0x0  }
0x33: {  	s7 =	rddreg [dreg:$0x4];
	[sflag:s25] =	ssyncadd.s32 $0xFFFFC800  }
0x34: {  	[spmem:s3] =	stream.indirect.scatter.add.f32 [tilespmem:s20], [sflag:$0x4], $0x80, s7, s19, $0xb8;
	[tilespmem:$0x1EB00] =	vst v63  }
0x35: {  	s7 =	sadd.s32 $0x3, s0  }
0x36: {  	_ =	swait.ge [sflag:s18], $0x3800;
	p0 =	sge.u32 s7, s6  }
0x37: {  	[sflag:s18] =	ssyncset.done $0x0;
	s10 =	sshrl.u32 @!p0 s30, $0x3  }
0x38: {  	s11 =	simm.s32 @!p0 $0x0;
	[sflag:s18] =	ssyncadd.s32 $0xFFFFC800;
	s10 =	sadd.s32 @!p0 s2, s10  }
0x39: {  	[tilespmem:s11], [sflag:$0x4] =	stream.linear.gather @!p0 [hbm4b:s10+s11], $0x100, $0x38;
	[tilespmem:$0x1EB00] =	vst v63  }
0x3a: {  	s10 =	simm.s32 @!p0 $0x4  }
0x3b: {  	_ =	swait.ge @!p0 [sflag:s10], $0x100  }
0x3c: {  	[sflag:s10] =	ssyncset.done @!p0 $0x0  }
0x3d: {  	s12 =	simm.s32 @!p0 $0x300;
	[sflag:s10] =	ssyncadd.s32 @!p0 $0xFFFFFF00;
	s10 =	simm.s32 @!p0 $0x70  }
0x3e: {  	[tilespmem:s12], [sflag:$0x1] =	stream.indirect.gather @!p0 [hbm4b:s5+s10], $0x80, s11, s10, $0xb8;
	[tilespmem:$0x1EB00] =	vst v63  }
0x3f: {  	_ =	swait.ge [sflag:s26], $0x3800  }
0x40: {  	[sflag:s26] =	ssyncset.done $0x0  }
0x41: {  	s11 =	rddreg [dreg:$0x5];
	[sflag:s26] =	ssyncadd.s32 $0xFFFFC800  }
0x42: {  	[spmem:s3] =	stream.indirect.scatter.add.f32 [tilespmem:s22], [sflag:$0x4], $0x80, s11, s19, $0xb8;
	[tilespmem:$0x1EB00] =	vst v63  }
0x43: {  	s12 =	sadd.s32 $0x4, s0;
	_ =	swait.ge [sflag:s18], $0x3800  }
0x44: {  	p0 =	sge.u32 s12, s6;
	[sflag:s18] =	ssyncset.done $0x0  }
0x45: {  	s10 =	simm.s32 @!p0 $0x0;
	s11 =	simm.s32 @!p0 $0x100;
	[sflag:s18] =	ssyncadd.s32 $0xFFFFC800  }
0x46: {  	[tilespmem:s11], [sflag:$0x4] =	stream.linear.gather @!p0 [hbm4b:s31+s10], $0x100, $0x38;
	[tilespmem:$0x1EB00] =	vst v63  }
0x47: {  	s10 =	simm.s32 @!p0 $0x4  }
0x48: {  	_ =	swait.ge @!p0 [sflag:s10], $0x100  }
0x49: {  	[sflag:s10] =	ssyncset.done @!p0 $0x0  }
0x4a: {  	s12 =	simm.s32 @!p0 $0x3B00;
	[sflag:s10] =	ssyncadd.s32 @!p0 $0xFFFFFF00;
	s10 =	simm.s32 @!p0 $0x70  }
0x4b: {  	[tilespmem:s12], [sflag:$0x2] =	stream.indirect.gather @!p0 [hbm4b:s5+s10], $0x80, s11, s10, $0xb8;
	[tilespmem:$0x1EB00] =	vst v63  }
0x4c: {  	_ =	swait.ge [sflag:s28], $0x3800  }
0x4d: {  	[sflag:s28] =	ssyncset.done $0x0  }
0x4e: {  	s11 =	rddreg [dreg:$0x6];
	[sflag:s28] =	ssyncadd.s32 $0xFFFFC800  }
0x4f: {  	[spmem:s3] =	stream.indirect.scatter.add.f32 [tilespmem:s24], [sflag:$0x4], $0x80, s11, s19, $0xb8;
	[tilespmem:$0x1EB00] =	vst v63  }
0x50: {  	s12 =	sadd.s32 $0x5, s0;
	_ =	swait.ge [sflag:s18], $0x3800  }
0x51: {  	p0 =	sge.u32 s12, s6;
	[sflag:s18] =	ssyncset.done $0x0  }
0x52: {  	s0 =	simm.s32 @!p0 $0x0;
	s10 =	simm.s32 @!p0 $0x200;
	[sflag:s18] =	ssyncadd.s32 $0xFFFFC800  }
0x53: {  	[tilespmem:s10], [sflag:$0x4] =	stream.linear.gather @!p0 [hbm4b:s14+s0], $0x100, $0x38;
	[tilespmem:$0x1EB00] =	vst v63  }
0x54: {  	s0 =	simm.s32 @!p0 $0x4  }
0x55: {  	_ =	swait.ge @!p0 [sflag:s0], $0x100  }
0x56: {  	s12 =	simm.s32 @!p0 $0x7300;
	[sflag:s0] =	ssyncset.done @!p0 $0x0  }
0x57: {  	s11 =	rddreg [dreg:$0x7];
	[sflag:s0] =	ssyncadd.s32 @!p0 $0xFFFFFF00;
	s0 =	simm.s32 @!p0 $0x70  }
0x58: {  	[tilespmem:s12], [sflag:$0x3] =	stream.indirect.gather @!p0 [hbm4b:s5+s0], $0x80, s10, s0, $0xb8;
	[tilespmem:$0x1EB00] =	vst v63  }
0x59: {  	p0 =	sne.s32 s11, s7  }
.Ltmp0:
0x5a: {  	_ = 	snop;
	(pc) =	sbr.rel @p0 .LBB2_2-.Ltmp0, $3  }
0x5b: {  	_ =	sdelay $0x1  }
0x5c: {  	s30 =	sadd.s32 $0x300, s30  }
0x5d: {  	s31 =	sadd.s32 $0x60, s31;
	s14 =	sadd.s32 $0x60, s14;
	s0 =	smov.u32 s7  }
0x5e: {  	s29 =	sadd.s32 $0x1, s29  }
0x5f: {  	[bflag:$0x0] =	sbarrier.arrive $0xFFFF;
	p0 =	sne.s32 s29, s13  }
.Ltmp1:
0x60: {  	s0 =	rddreg [dreg:$0xb];
	(pc) =	sbr.rel @p0 .LBB2_1-.Ltmp1, $4  }
0x61: {  	[hbm:s0], [sflag:s9] =	dma.local [spmem:s17], $0x2800  }
0x62: {  	_ =	swait.ge [sflag:s18], $0x2800  }
0x63: {  	[sflag:s18] =	ssyncset.done $0x0  }
0x64: {  	[sflag:s18] =	ssyncadd.s32 $0xFFFFD800  }
0x65: {  	_ =	sfence.sel $0x180000  }
0x66: {  	[bflag:$0x0] =	sbarrier.arrive $0xFFFF  }
0x67: {  	_ =	strace $0x9000004D  }
0x68: {  	s0 =	stileid.u32;
	[bflag:$0x2] =	sbarrier.arrive $0xFFFF  }
0x69: {  	p0 =	sne.s32 s0, $0x0;
	s0 =	rddreg [dreg:$0x3]  }
0x6a: {  	s0 =	sadd.s32 @!p0 $0x100000, s0  }
0x6b: {  	[sflag:s0] =	ssyncadd.tile.s32 @!p0 $0x1;
	_ =	shalt  }
.Lfunc_end2:
_tile_overlayer_lowered:
.L_overlay_start_2:
0x6c: {  	(tag) =	ssettag $0x2  }
0x6d: {  	s0 =	rddreg [dreg:$0x0];
	s2 =	stileid.u32  }
0x6e: {  	s1 =	rddreg [dreg:$0x1];
	p0 =	sne.s32 s2, $0x0  }
0x6f: {  	s3 =	rddreg [dreg:$0x2];
	[bflag:$0x3] =	sbarrier.arrive $0xFFFF;
	s2 =	simm.s32 @!p0 $0x1C04  }
0x70: {  	[timem:s3], [sflag:s2] =	dma.local @!p0 [hbm:s0], s1  }
0x71: {  	s0 =	simm.s32 @!p0 $0x4  }
0x72: {  	_ =	swait.ge @!p0 [sflag:s0], s1  }
0x73: {  	s1 =	ssub.s32 @!p0 $0x0, s1;
	[sflag:s0] =	ssyncset.done @!p0 $0x0  }
0x74: {  	[sflag:s0] =	ssyncadd.s32 @!p0 s1  }
0x75: {  	[bflag:$0x3] =	sbarrier.arrive $0xFFFF  }
0x76: {  	_ =	shalt  }

// kernel: kernel.21.cloned.1.call-start
scs
__scs_entry_jumppad:
0x0: {  	(pc) =	sbr.rel $0x88, $3  }
0x1: {  	(tag) =	ssettag $0x0;
	lr =	simm.s32 $0x1  }
0x2: {  	[smem:$0x3F97] =	sst lr;
	_ =	strace $0xD0000000  }
0x3: {  	_ = 	snop  }
0x4: {  	_ = 	snop  }
0x5: {  	_ = 	snop  }
0x6: {  	_ = 	snop  }
0x7: {  	_ = 	snop  }
__scs_overlays_trampoline_lowered:
0x8: {  	[smem:$0x3FA6] =	sst s0  }
0x9: {  	[smem:$0x3FA7] =	sst s1  }
0xa: {  	[smem:$0x3FA8] =	sst s2  }
0xb: {  	[smem:$0x3FA9] =	sst s3  }
0xc: {  	[smem:$0x3FAA] =	sst s4  }
0xd: {  	[smem:$0x3FAB] =	sst s5  }
0xe: {  	[smem:$0x3FAC] =	sst s6  }
0xf: {  	[smem:$0x3FAD] =	sst s7  }
0x10: {  	[smem:$0x3FAE] =	sst s8  }
0x11: {  	[smem:$0x3FAF] =	sst s9;
	s0 =	simm.s32 @!p0 $0x0  }
0x12: {  	s1 =	sld [smem:$0x3F95];
	s0 =	simm.s32 @p0 $0x1  }
0x13: {  	[smem:$0x3FB0] =	sst s0;
	s0 =	simm.s32 @!p1 $0x0  }
0x14: {  	s2 =	sld [smem:$0x3F94];
	s0 =	simm.s32 @p1 $0x1  }
0x15: {  	[smem:$0x3FB1] =	sst s0;
	s0 =	simm.s32 @!p2 $0x0  }
0x16: {  	s3 =	sld [smem:$0x3FDB];
	s0 =	simm.s32 @p2 $0x1  }
0x17: {  	s4 =	simm.s32 $0x1BF5;
	[smem:$0x3FB3] =	sst s0  }
0x18: {  	s0 =	sld [smem:$0x3F96];
	_ =	swait.ge [sflag:s4], $0x0  }
0x19: {  	s7 =	sld [smem:$0x3F97]  }
0x1a: {  	s8 =	sadd.s32 $0xFFFFE003, lr  }
0x1b: {  	s9 =	sadd.s32 $0xFFFFFEF7, lr;
	s5 =	simm.s32 $0xFFFFFFFF;
	p2 =	slt.u32 s8, $0xFFFFF086  }
0x1c: {  	p1 =	slt.u32 s9, $0xF7A;
	s5 =	simm.s32 @!p2 $0x0  }
0x1d: {  	s5 =	simm.s32 @p1 $0x1;
	p0 =	seq.s32 s7, s2  }
0x1e: {  	s7 =	smul.u32 @!p0 $0xF7A, s2;
	p2 =	seq.s32 @!p0 s5, $0x0  }
0x1f: {  	s9 =	smul.u32 $0xF7A, s1;
	s8 =	simm.s32 @!p0 $0x1BF5;
	p2 =	por !p2, p0  }
0x20: {  	[sflag:s8] =	ssyncset.s32 @!p0 $0xFFFFF086;
	s6 =	sadd.s32 @!p0 s3, s7;
	s7 =	simm.s32 @!p0 $0x108  }
0x21: {  	s3 =	sadd.s32 s3, s9;
	s6 =	sadd.s32 @!p0 $0x88, s6;
	s7 =	simm.s32 @p2 $0x1082  }
0x22: {  	[simem:s7], [sflag:s8] =	dma.local @!p0 [hbm:s6], $0xF7A  }
0x23: {  	s9 =	sor.u32 $0xD0000000, s2;
	s6 =	simm.s32 $0x108;
	_ =	swait.ge @!p0 [sflag:s8], $0x0  }
0x24: {  	s3 =	sadd.s32 $0x88, s3;
	s6 =	simm.s32 @!p1 $0x1082;
	[sflag:s4] =	ssyncset.s32 $0xFFFFF086  }
0x25: {  	[simem:s6], [sflag:s4] =	dma.local [hbm:s3], $0xF7A  }
0x26: {  	[smem:$0x3F97] =	sst s1;
	(tag) =	ssettag s2;
	_ =	strace s9  }
0x27: {  	s1 =	sld [smem:$0x3FA7]  }
0x28: {  	s2 =	sld [smem:$0x3FA8]  }
0x29: {  	s4 =	sld [smem:$0x3FAA]  }
0x2a: {  	p0 =	seq.s32 s5, $0x0;
	s5 =	sld [smem:$0x3FAB]  }
0x2b: {  	s6 =	sld [smem:$0x3FAC]  }
0x2c: {  	s7 =	sld [smem:$0x3FAD]  }
0x2d: {  	s3 =	simm.s32 $0x108;
	s8 =	sld [smem:$0x3FAE]  }
0x2e: {  	s3 =	simm.s32 @!p0 $0x1082;
	s9 =	sld [smem:$0x3FAF]  }
0x2f: {  	lr =	sadd.s32 s0, s3;
	s0 =	sld [smem:$0x3FA6]  }
0x30: {  	s3 =	sld [smem:$0x3FA9]  }
0x31: {  	[smem:$0x3FB2] =	sst s10  }
0x32: {  	s10 =	sld [smem:$0x3FB0];
	_ =	sdelay $0x3  }
0x33: {  	p0 =	seq.s32 s10, $0x1;
	s10 =	sld [smem:$0x3FB2];
	_ =	sdelay $0x3  }
0x34: {  	[smem:$0x3FB2] =	sst s10  }
0x35: {  	s10 =	sld [smem:$0x3FB1];
	_ =	sdelay $0x3  }
0x36: {  	p1 =	seq.s32 s10, $0x1;
	s10 =	sld [smem:$0x3FB2];
	_ =	sdelay $0x3  }
0x37: {  	[smem:$0x3FB2] =	sst s10  }
0x38: {  	s10 =	sld [smem:$0x3FB3]  }
0x39: {  	_ = 	snop;
	(pc) =	sbr.ind lr, $3  }
0x3a: {  	_ = 	snop  }
0x3b: {  	_ = 	snop  }
0x3c: {  	p2 =	seq.s32 s10, $0x1;
	s10 =	sld [smem:$0x3FB2]  }
0x3d: {  	_ =	shalt  }
0x3e: {  	_ =	shalt  }
0x3f: {  	_ =	shalt  }
0x40: {  	_ =	shalt  }
0x41: {  	_ =	shalt  }
0x42: {  	_ =	shalt  }
0x43: {  	_ =	shalt  }
0x44: {  	_ =	shalt  }
0x45: {  	_ =	shalt  }
0x46: {  	_ =	shalt  }
0x47: {  	_ =	shalt  }
0x48: {  	_ =	shalt  }
0x49: {  	_ =	shalt  }
0x4a: {  	_ =	shalt  }
0x4b: {  	_ =	shalt  }
0x4c: {  	_ =	shalt  }
0x4d: {  	_ =	shalt  }
0x4e: {  	_ =	shalt  }
0x4f: {  	_ =	shalt  }
0x50: {  	_ =	shalt  }
0x51: {  	_ =	shalt  }
0x52: {  	_ =	shalt  }
0x53: {  	_ =	shalt  }
0x54: {  	_ =	shalt  }
0x55: {  	_ =	shalt  }
0x56: {  	_ =	shalt  }
0x57: {  	_ =	shalt  }
0x58: {  	_ =	shalt  }
0x59: {  	_ =	shalt  }
0x5a: {  	_ =	shalt  }
0x5b: {  	_ =	shalt  }
0x5c: {  	_ =	shalt  }
0x5d: {  	_ =	shalt  }
0x5e: {  	_ =	shalt  }
0x5f: {  	_ =	shalt  }
0x60: {  	_ =	shalt  }
0x61: {  	_ =	shalt  }
0x62: {  	_ =	shalt  }
0x63: {  	_ =	shalt  }
0x64: {  	_ =	shalt  }
0x65: {  	_ =	shalt  }
0x66: {  	_ =	shalt  }
0x67: {  	_ =	shalt  }
0x68: {  	_ =	shalt  }
0x69: {  	_ =	shalt  }
0x6a: {  	_ =	shalt  }
0x6b: {  	_ =	shalt  }
0x6c: {  	_ =	shalt  }
0x6d: {  	_ =	shalt  }
0x6e: {  	_ =	shalt  }
0x6f: {  	_ =	shalt  }
0x70: {  	_ =	shalt  }
0x71: {  	_ =	shalt  }
0x72: {  	_ =	shalt  }
0x73: {  	_ =	shalt  }
0x74: {  	_ =	shalt  }
0x75: {  	_ =	shalt  }
0x76: {  	_ =	shalt  }
0x77: {  	_ =	shalt  }
0x78: {  	_ =	shalt  }
0x79: {  	_ =	shalt  }
0x7a: {  	_ =	shalt  }
0x7b: {  	_ =	shalt  }
0x7c: {  	_ =	shalt  }
0x7d: {  	_ =	shalt  }
0x7e: {  	_ =	shalt  }
0x7f: {  	_ =	shalt  }
0x80: {  	_ =	shalt  }
0x81: {  	_ =	shalt  }
0x82: {  	_ =	shalt  }
0x83: {  	_ =	shalt  }
0x84: {  	_ =	shalt  }
0x85: {  	_ =	shalt  }
0x86: {  	_ =	shalt  }
0x87: {  	_ =	shalt  }
.Lfunc_end0:
.L_simem_size_0:
called_computation.3_lowered:
.L_overlay_start_0:
0x88: {  	s2 =	sld [smem:$0x3FD9]  }
0x89: {  	s3 =	sld [smem:$0x3FFE];
	_ =	sdelay $0x1  }
0x8a: {  	s1 =	srdreg.scid  }
0x8b: {  	s0 =	sand.u32 $0x1, s1  }
0x8c: {  	s17 =	sshll.u32 s0, $0xA;
	s2 =	sadd.s32 s3, s2  }
0x8d: {  	s2 =	sadd.s32 s2, s17  }
0x8e: {  	[smem:$0x3FBE] =	sst s2  }
0x8f: {  	_ = 	snop  }
0x90: {  	s2 =	sld [smem:$0x3FD0];
	(tm) =	ssettm $0x1  }
0x91: {  	s18 =	sld [smem:$0x3FFB];
	_ =	sdelay $0x3  }
0x92: {  	_ =	strace s18  }
0x93: {  	s3 =	sld [smem:$0x3FFC];
	_ =	sdelay $0x3  }
0x94: {  	_ =	strace s3  }
0x95: {  	s3 =	sld [smem:$0x3FFD];
	_ =	sdelay $0x3  }
0x96: {  	_ =	strace s3  }
0x97: {  	_ =	strace $0x8FFFFFFF  }
0x98: {  	s19 =	sld [smem:$0x3FDB];
	_ =	sdelay $0x1  }
0x99: {  	s4 =	simm.s32 $_scs_section_size  }
0x9a: {  	s5 =	simm.s32 $_size__tile_overlayer_lowered;
	s6 =	simm.s32 $_tile_overlayer_lowered  }
0x9b: {  	s22 =	simm.s32 $0x1BFF;
	s21 =	sshll.u32 s6, $0x1;
	s3 =	sadd.s32 s4, s19  }
0x9c: {  	s7 =	simm.s32 $0x0;
	s20 =	sshll.u32 s5, $0x1;
	s5 =	sadd.s32 s21, s3  }
0x9d: {  	[timem:s7], [sflag:s22] =	dma.local [hbm:s5], s20  }
0x9e: {  	_ =	swait.ge [sflag:s22], s20  }
0x9f: {  	s4 =	ssub.s32 $0x0, s20;
	[sflag:s22] =	ssyncset.done $0x0  }
0xa0: {  	[sflag:s22] =	ssyncadd.s32 s4;
	_ =	sdelay $0x1  }
0xa1: {  	s23 =	simm.s32 $0x1B8B  }
0xa2: {  	_ =	swait.ge [sflag:s23], $0x1  }
0xa3: {  	[sflag:s23] =	ssyncset.done $0x0  }
0xa4: {  	s25 =	simm.s32 $0x1B8E;
	s24 =	sld [smem:$0x3FFE];
	[sflag:s23] =	ssyncadd.s32 $0xFFFFFFFF  }
0xa5: {  	s26 =	simm.s32 $execute0_lowered;
	[smem:$0x3FD2] =	sst s25  }
0xa6: {  	s5 =	sshll.u32 s26, $0x1;
	_ =	strace $0x8000004F;
	[dreg:$0x1] =	wrdreg $0xFFFFFFFF  }
0xa7: {  	s28 =	simm.s32 $_size_execute0_lowered;
	s3 =	sadd.s32 s3, s5;
	[dreg:$0x0] =	wrdreg $0x0  }
0xa8: {  	s5 =	sshll.u32 s28, $0x1;
	[dreg:$0x2] =	wrdreg s3  }
0xa9: {  	[dreg:$0x3] =	wrdreg s5  }
0xaa: {  	[dreg:$0x4] =	wrdreg $0xC0  }
0xab: {  	_ =	task [dreg:s7], $0x5FFFF  }
0xac: {  	[dreg:$0x1] =	wrdreg $0xFFFFFFFF  }
0xad: {  	[dreg:$0x0] =	wrdreg $0x60  }
0xae: {  	[dreg:$0x2] =	wrdreg s24  }
0xaf: {  	[dreg:$0x3] =	wrdreg s2  }
0xb0: {  	[dreg:$0x4] =	wrdreg $0xAB000  }
0xb1: {  	[dreg:$0x5] =	wrdreg $0x9  }
0xb2: {  	_ =	task.clear_ibuf [dreg:s7], $0x6FFFF;
	_ =	strace $0x9000004F  }
0xb3: {  	s29 =	simm.s32 $0x9;
	_ =	strace $0x80000051  }
0xb4: {  	_ =	swait.ge [sflag:s29], $0x1  }
0xb5: {  	[sflag:s29] =	ssyncadd.s32 $0xFFFFFFFF  }
0xb6: {  	_ =	strace $0x90000051  }
0xb7: {  	_ =	sfence  }
0xb8: {  	s30 =	sld [smem:$0x0];
	_ =	sdelay $0x2  }
0xb9: {  	s31 =	sshll.u32 s1, $0xD;
	s1 =	sshrl.u32 s1, $0x2  }
0xba: {  	s3 =	sand.u32 $0x4000, s31;
	s1 =	sadd.s32 s1, s30  }
0xbb: {  	s0 =	sor.u32 s3, s0;
	s1 =	sshll.u32 s1, $0x11  }
0xbc: {  	s0 =	sor.u32 s1, s0  }
0xbd: {  	s0 =	sadd.s32 $0x8F2B, s0  }
0xbe: {  	[sflag:s0] =	ssyncadd.remote.s32 $0x1  }
0xbf: {  	_ =	sfence.sel $0xFFFF  }
0xc0: {  	[dreg:$0x0] =	wrdreg $0xFFFFFFFF;
	(pc) =	sbr.abs _section_cstart, $3  }
0xc1: {  	[dreg:$0x1] =	wrdreg $0xFFFFFFFF  }
0xc2: {  	_ =	task.clear_ibuf [dreg:s7], $0x2FFFF;
	_ =	strace $0x9FFFFFFF  }
0xc3: {  	(tm) =	ssettm $0x7FFFFFFF  }
tec
execute0_lowered:
.L_overlay_start_1:
0x0: {  	(tag) =	ssettag $0x1  }
0x1: {  	s0 =	rddreg [dreg:$0x0]  }
0x2: {  	s1 =	srdreg.scid;
	s2 =	rddreg [dreg:$0x1]  }
0x3: {  	s12 =	stileid.u32;
	s3 =	rddreg [dreg:$0x2]  }
0x4: {  	s4 =	simm.s32 $0x0;
	s26 =	simm.s32 $0x80;
	s30 =	simm.s32 $0x180  }
0x5: {  	s31 =	simm.s32 $0x280;
	s28 =	simm.s32 $0x3;
	s7 =	smul.u32 $0x14000, s12  }
0x6: {  	s29 =	simm.s32 $0x0;
	s1 =	sand.u32 $0x1, s1;
	s10 =	smul.u32 $0x50000, s12  }
0x7: {  	[smem:$0x7FF] =	sst s4;
	s16 =	smul.u32 $0xB400, s12;
	s19 =	sshll.u32 s12, $0x6  }
0x8: {  	s5 =	smul.u32 $0x140000, s1;
	_ =	strace $0x80000050;
	[dreg:$0x4] =	wrdreg s26  }
0x9: {  	s15 =	ssub.s32 $0x2, s1;
	s8 =	ssub.s32 $0x0, s1;
	[dreg:$0x5] =	wrdreg s30  }
0xa: {  	p0 =	seq.s32 s1, $0x0;
	[dreg:$0x6] =	wrdreg s31;
	s26 =	simm.s32 $0x2  }
0xb: {  	s9 =	sshrl.u32 s15, $0x1;
	s8 =	sand.u32 $0x8D00, s8;
	s17 =	sshrl.u32 s10, $0x2  }
0xc: {  	s18 =	sshrl.u32 s7, $0x3;
	s5 =	sadd.s32 s7, s5;
	s13 =	ssub.s32 s15, s9  }
0xd: {  	s14 =	sadd.s32 s17, s3;
	s16 =	sadd.s32 s16, s8;
	s9 =	sor.u32 $0x1C04, s19  }
0xe: {  	s19 =	simm.s32 $0x70;
	s6 =	sshrl.u32 s5, $0x3;
	s5 =	sadd.s32 $0x55C00, s0  }
0xf: {  	s8 =	sshrl.u32 s16, $0x3;
	s13 =	smax.u32 s13, $0x1;
	s24 =	sadd.s32 $0x500, s16  }
0x10: {  	s15 =	sadd.s32 $0x400, s16;
	s16 =	sadd.s32 $0x300, s16;
	s17 =	sshrl.u32 s14, $0x3  }
0x11: {  	s0 =	sadd.s32 s6, s0;
	s6 =	simm.s32 $0x8D;
	s1 =	sadd.s32 s5, s18  }
0x12: {  	s8 =	sadd.s32 s2, s8;
	s25 =	sshrl.u32 s24, $0x3;
	s15 =	sshrl.u32 s15, $0x3  }
0x13: {  	s18 =	simm.s32 $0x4;
	s24 =	simm.s32 $0x7300;
	s6 =	simm.s32 @!p0 $0x27  }
0x14: {  	[dreg:$0x8] =	wrdreg s1;
	s20 =	sadd.s32 $0x20, s8;
	s11 =	smul.u32 $0xAB, s6  }
0x15: {  	s22 =	sadd.s32 $0x40, s8;
	s0 =	sadd.s32 $0x7DC00, s0;
	s1 =	sadd.s32 s25, s2  }
0x16: {  	s15 =	sadd.s32 s15, s2;
	[dreg:$0x9] =	wrdreg s20;
	s21 =	sshrl.u32 s11, $0x9  }
0x17: {  	s25 =	simm.s32 $0x1;
	[dreg:$0xa] =	wrdreg s22;
	s23 =	smul.u32 $0x3, s21  }
0x18: {  	[dreg:$0xb] =	wrdreg s0;
	s20 =	simm.s32 $0x300;
	s22 =	simm.s32 $0x3B00  }
0x19: {  	s21 =	simm.s32 $0x100;
	[dreg:$0x7] =	wrdreg s23;
	s23 =	simm.s32 $0x200  }
.LBB2_1:
0x1a: {  	s0 =	rddreg [dreg:$0x8]  }
0x1b: {  	[spmem:s17], [sflag:s9] =	dma.local [hbm:s0], $0x2800  }
0x1c: {  	_ =	swait.ge [sflag:s18], $0x2800  }
0x1d: {  	[sflag:s18] =	ssyncset.done $0x0  }
0x1e: {  	[sflag:s18] =	ssyncadd.s32 $0xFFFFD800  }
0x1f: {  	[bflag:$0x0] =	sbarrier.arrive $0xFFFF  }
0x20: {  	[tilespmem:s4], [sflag:$0x4] =	stream.linear.gather [hbm4b:s8+s4], $0x100, $0x38;
	[tilespmem:$0x1EB00] =	vst v63  }
0x21: {  	_ =	swait.ge [sflag:s18], $0x100  }
0x22: {  	[sflag:s18] =	ssyncset.done $0x0  }
0x23: {  	[sflag:s18] =	ssyncadd.s32 $0xFFFFFF00  }
0x24: {  	[tilespmem:s20], [sflag:$0x1] =	stream.indirect.gather [hbm4b:s5+s19], $0x80, s4, s19, $0xb8;
	[tilespmem:$0x1EB00] =	vst v63  }
0x25: {  	s12 =	rddreg [dreg:$0x9]  }
0x26: {  	[tilespmem:s21], [sflag:$0x4] =	stream.linear.gather [hbm4b:s12+s4], $0x100, $0x38;
	[tilespmem:$0x1EB00] =	vst v63  }
0x27: {  	_ =	swait.ge [sflag:s18], $0x100  }
0x28: {  	[sflag:s18] =	ssyncset.done $0x0  }
0x29: {  	[sflag:s18] =	ssyncadd.s32 $0xFFFFFF00  }
0x2a: {  	[tilespmem:s22], [sflag:$0x2] =	stream.indirect.gather [hbm4b:s5+s19], $0x80, s21, s19, $0xb8;
	[tilespmem:$0x1EB00] =	vst v63  }
0x2b: {  	s14 =	rddreg [dreg:$0xa]  }
0x2c: {  	[tilespmem:s23], [sflag:$0x4] =	stream.linear.gather [hbm4b:s14+s4], $0x100, $0x38;
	[tilespmem:$0x1EB00] =	vst v63  }
0x2d: {  	_ =	swait.ge [sflag:s18], $0x100  }
0x2e: {  	s30 =	smov.u32 s16;
	s31 =	smov.u32 s15;
	[sflag:s18] =	ssyncset.done $0x0  }
0x2f: {  	s0 =	simm.s32 $0x0;
	s14 =	smov.u32 s1;
	[sflag:s18] =	ssyncadd.s32 $0xFFFFFF00  }
0x30: {  	[tilespmem:s24], [sflag:$0x3] =	stream.indirect.gather [hbm4b:s5+s19], $0x80, s23, s19, $0xb8;
	[tilespmem:$0x1EB00] =	vst v63  }
.LBB2_2:
0x31: {  	_ =	swait.ge [sflag:s25], $0x3800  }
0x32: {  	[sflag:s25] =	ssyncset.done $0x0  }
0x33: {  	s7 =	rddreg [dreg:$0x4];
	[sflag:s25] =	ssyncadd.s32 $0xFFFFC800  }
0x34: {  	[spmem:s3] =	stream.indirect.scatter.add.f32 [tilespmem:s20], [sflag:$0x4], $0x80, s7, s19, $0xb8;
	[tilespmem:$0x1EB00] =	vst v63  }
0x35: {  	s7 =	sadd.s32 $0x3, s0  }
0x36: {  	_ =	swait.ge [sflag:s18], $0x3800;
	p0 =	sge.u32 s7, s6  }
0x37: {  	[sflag:s18] =	ssyncset.done $0x0;
	s10 =	sshrl.u32 @!p0 s30, $0x3  }
0x38: {  	s11 =	simm.s32 @!p0 $0x0;
	[sflag:s18] =	ssyncadd.s32 $0xFFFFC800;
	s10 =	sadd.s32 @!p0 s2, s10  }
0x39: {  	[tilespmem:s11], [sflag:$0x4] =	stream.linear.gather @!p0 [hbm4b:s10+s11], $0x100, $0x38;
	[tilespmem:$0x1EB00] =	vst v63  }
0x3a: {  	s10 =	simm.s32 @!p0 $0x4  }
0x3b: {  	_ =	swait.ge @!p0 [sflag:s10], $0x100  }
0x3c: {  	[sflag:s10] =	ssyncset.done @!p0 $0x0  }
0x3d: {  	s12 =	simm.s32 @!p0 $0x300;
	[sflag:s10] =	ssyncadd.s32 @!p0 $0xFFFFFF00;
	s10 =	simm.s32 @!p0 $0x70  }
0x3e: {  	[tilespmem:s12], [sflag:$0x1] =	stream.indirect.gather @!p0 [hbm4b:s5+s10], $0x80, s11, s10, $0xb8;
	[tilespmem:$0x1EB00] =	vst v63  }
0x3f: {  	_ =	swait.ge [sflag:s26], $0x3800  }
0x40: {  	[sflag:s26] =	ssyncset.done $0x0  }
0x41: {  	s11 =	rddreg [dreg:$0x5];
	[sflag:s26] =	ssyncadd.s32 $0xFFFFC800  }
0x42: {  	[spmem:s3] =	stream.indirect.scatter.add.f32 [tilespmem:s22], [sflag:$0x4], $0x80, s11, s19, $0xb8;
	[tilespmem:$0x1EB00] =	vst v63  }
0x43: {  	s12 =	sadd.s32 $0x4, s0;
	_ =	swait.ge [sflag:s18], $0x3800  }
0x44: {  	p0 =	sge.u32 s12, s6;
	[sflag:s18] =	ssyncset.done $0x0  }
0x45: {  	s10 =	simm.s32 @!p0 $0x0;
	s11 =	simm.s32 @!p0 $0x100;
	[sflag:s18] =	ssyncadd.s32 $0xFFFFC800  }
0x46: {  	[tilespmem:s11], [sflag:$0x4] =	stream.linear.gather @!p0 [hbm4b:s31+s10], $0x100, $0x38;
	[tilespmem:$0x1EB00] =	vst v63  }
0x47: {  	s10 =	simm.s32 @!p0 $0x4  }
0x48: {  	_ =	swait.ge @!p0 [sflag:s10], $0x100  }
0x49: {  	[sflag:s10] =	ssyncset.done @!p0 $0x0  }
0x4a: {  	s12 =	simm.s32 @!p0 $0x3B00;
	[sflag:s10] =	ssyncadd.s32 @!p0 $0xFFFFFF00;
	s10 =	simm.s32 @!p0 $0x70  }
0x4b: {  	[tilespmem:s12], [sflag:$0x2] =	stream.indirect.gather @!p0 [hbm4b:s5+s10], $0x80, s11, s10, $0xb8;
	[tilespmem:$0x1EB00] =	vst v63  }
0x4c: {  	_ =	swait.ge [sflag:s28], $0x3800  }
0x4d: {  	[sflag:s28] =	ssyncset.done $0x0  }
0x4e: {  	s11 =	rddreg [dreg:$0x6];
	[sflag:s28] =	ssyncadd.s32 $0xFFFFC800  }
0x4f: {  	[spmem:s3] =	stream.indirect.scatter.add.f32 [tilespmem:s24], [sflag:$0x4], $0x80, s11, s19, $0xb8;
	[tilespmem:$0x1EB00] =	vst v63  }
0x50: {  	s12 =	sadd.s32 $0x5, s0;
	_ =	swait.ge [sflag:s18], $0x3800  }
0x51: {  	p0 =	sge.u32 s12, s6;
	[sflag:s18] =	ssyncset.done $0x0  }
0x52: {  	s0 =	simm.s32 @!p0 $0x0;
	s10 =	simm.s32 @!p0 $0x200;
	[sflag:s18] =	ssyncadd.s32 $0xFFFFC800  }
0x53: {  	[tilespmem:s10], [sflag:$0x4] =	stream.linear.gather @!p0 [hbm4b:s14+s0], $0x100, $0x38;
	[tilespmem:$0x1EB00] =	vst v63  }
0x54: {  	s0 =	simm.s32 @!p0 $0x4  }
0x55: {  	_ =	swait.ge @!p0 [sflag:s0], $0x100  }
0x56: {  	s12 =	simm.s32 @!p0 $0x7300;
	[sflag:s0] =	ssyncset.done @!p0 $0x0  }
0x57: {  	s11 =	rddreg [dreg:$0x7];
	[sflag:s0] =	ssyncadd.s32 @!p0 $0xFFFFFF00;
	s0 =	simm.s32 @!p0 $0x70  }
0x58: {  	[tilespmem:s12], [sflag:$0x3] =	stream.indirect.gather @!p0 [hbm4b:s5+s0], $0x80, s10, s0, $0xb8;
	[tilespmem:$0x1EB00] =	vst v63  }
0x59: {  	p0 =	sne.s32 s11, s7  }
.Ltmp0:
0x5a: {  	_ = 	snop;
	(pc) =	sbr.rel @p0 .LBB2_2-.Ltmp0, $3  }
0x5b: {  	_ =	sdelay $0x1  }
0x5c: {  	s30 =	sadd.s32 $0x300, s30  }
0x5d: {  	s31 =	sadd.s32 $0x60, s31;
	s14 =	sadd.s32 $0x60, s14;
	s0 =	smov.u32 s7  }
0x5e: {  	s29 =	sadd.s32 $0x1, s29  }
0x5f: {  	[bflag:$0x0] =	sbarrier.arrive $0xFFFF;
	p0 =	sne.s32 s29, s13  }
.Ltmp1:
0x60: {  	s0 =	rddreg [dreg:$0xb];
	(pc) =	sbr.rel @p0 .LBB2_1-.Ltmp1, $4  }
0x61: {  	[hbm:s0], [sflag:s9] =	dma.local [spmem:s17], $0x2800  }
0x62: {  	_ =	swait.ge [sflag:s18], $0x2800  }
0x63: {  	[sflag:s18] =	ssyncset.done $0x0  }
0x64: {  	[sflag:s18] =	ssyncadd.s32 $0xFFFFD800  }
0x65: {  	_ =	sfence.sel $0x180000  }
0x66: {  	[bflag:$0x0] =	sbarrier.arrive $0xFFFF  }
0x67: {  	_ =	strace $0x90000050  }
0x68: {  	s0 =	stileid.u32;
	[bflag:$0x2] =	sbarrier.arrive $0xFFFF  }
0x69: {  	p0 =	sne.s32 s0, $0x0;
	s0 =	rddreg [dreg:$0x3]  }
0x6a: {  	s0 =	sadd.s32 @!p0 $0x100000, s0  }
0x6b: {  	[sflag:s0] =	ssyncadd.tile.s32 @!p0 $0x1;
	_ =	shalt  }
.Lfunc_end2:
_tile_overlayer_lowered:
.L_overlay_start_2:
0x6c: {  	(tag) =	ssettag $0x2  }
0x6d: {  	s0 =	rddreg [dreg:$0x0];
	s2 =	stileid.u32  }
0x6e: {  	s1 =	rddreg [dreg:$0x1];
	p0 =	sne.s32 s2, $0x0  }
0x6f: {  	s3 =	rddreg [dreg:$0x2];
	[bflag:$0x3] =	sbarrier.arrive $0xFFFF;
	s2 =	simm.s32 @!p0 $0x1C04  }
0x70: {  	[timem:s3], [sflag:s2] =	dma.local @!p0 [hbm:s0], s1  }
0x71: {  	s0 =	simm.s32 @!p0 $0x4  }
0x72: {  	_ =	swait.ge @!p0 [sflag:s0], s1  }
0x73: {  	s1 =	ssub.s32 @!p0 $0x0, s1;
	[sflag:s0] =	ssyncset.done @!p0 $0x0  }
0x74: {  	[sflag:s0] =	ssyncadd.s32 @!p0 s1  }
0x75: {  	[bflag:$0x3] =	sbarrier.arrive $0xFFFF  }
0x76: {  	_ =	shalt  }

// kernel: kernel.24.cloned.1.call-start
scs
__scs_entry_jumppad:
0x0: {  	(pc) =	sbr.rel $0x88, $3  }
0x1: {  	(tag) =	ssettag $0x0;
	lr =	simm.s32 $0x1  }
0x2: {  	[smem:$0x3F97] =	sst lr;
	_ =	strace $0xD0000000  }
0x3: {  	_ = 	snop  }
0x4: {  	_ = 	snop  }
0x5: {  	_ = 	snop  }
0x6: {  	_ = 	snop  }
0x7: {  	_ = 	snop  }
__scs_overlays_trampoline_lowered:
0x8: {  	[smem:$0x3FA6] =	sst s0  }
0x9: {  	[smem:$0x3FA7] =	sst s1  }
0xa: {  	[smem:$0x3FA8] =	sst s2  }
0xb: {  	[smem:$0x3FA9] =	sst s3  }
0xc: {  	[smem:$0x3FAA] =	sst s4  }
0xd: {  	[smem:$0x3FAB] =	sst s5  }
0xe: {  	[smem:$0x3FAC] =	sst s6  }
0xf: {  	[smem:$0x3FAD] =	sst s7  }
0x10: {  	[smem:$0x3FAE] =	sst s8  }
0x11: {  	[smem:$0x3FAF] =	sst s9;
	s0 =	simm.s32 @!p0 $0x0  }
0x12: {  	s1 =	sld [smem:$0x3F95];
	s0 =	simm.s32 @p0 $0x1  }
0x13: {  	[smem:$0x3FB0] =	sst s0;
	s0 =	simm.s32 @!p1 $0x0  }
0x14: {  	s2 =	sld [smem:$0x3F94];
	s0 =	simm.s32 @p1 $0x1  }
0x15: {  	[smem:$0x3FB1] =	sst s0;
	s0 =	simm.s32 @!p2 $0x0  }
0x16: {  	s3 =	sld [smem:$0x3FDB];
	s0 =	simm.s32 @p2 $0x1  }
0x17: {  	s4 =	simm.s32 $0x1BF5;
	[smem:$0x3FB3] =	sst s0  }
0x18: {  	s0 =	sld [smem:$0x3F96];
	_ =	swait.ge [sflag:s4], $0x0  }
0x19: {  	s7 =	sld [smem:$0x3F97]  }
0x1a: {  	s8 =	sadd.s32 $0xFFFFE003, lr  }
0x1b: {  	s9 =	sadd.s32 $0xFFFFFEF7, lr;
	s5 =	simm.s32 $0xFFFFFFFF;
	p2 =	slt.u32 s8, $0xFFFFF086  }
0x1c: {  	p1 =	slt.u32 s9, $0xF7A;
	s5 =	simm.s32 @!p2 $0x0  }
0x1d: {  	s5 =	simm.s32 @p1 $0x1;
	p0 =	seq.s32 s7, s2  }
0x1e: {  	s7 =	smul.u32 @!p0 $0xF7A, s2;
	p2 =	seq.s32 @!p0 s5, $0x0  }
0x1f: {  	s9 =	smul.u32 $0xF7A, s1;
	s8 =	simm.s32 @!p0 $0x1BF5;
	p2 =	por !p2, p0  }
0x20: {  	[sflag:s8] =	ssyncset.s32 @!p0 $0xFFFFF086;
	s6 =	sadd.s32 @!p0 s3, s7;
	s7 =	simm.s32 @!p0 $0x108  }
0x21: {  	s3 =	sadd.s32 s3, s9;
	s6 =	sadd.s32 @!p0 $0x88, s6;
	s7 =	simm.s32 @p2 $0x1082  }
0x22: {  	[simem:s7], [sflag:s8] =	dma.local @!p0 [hbm:s6], $0xF7A  }
0x23: {  	s9 =	sor.u32 $0xD0000000, s2;
	s6 =	simm.s32 $0x108;
	_ =	swait.ge @!p0 [sflag:s8], $0x0  }
0x24: {  	s3 =	sadd.s32 $0x88, s3;
	s6 =	simm.s32 @!p1 $0x1082;
	[sflag:s4] =	ssyncset.s32 $0xFFFFF086  }
0x25: {  	[simem:s6], [sflag:s4] =	dma.local [hbm:s3], $0xF7A  }
0x26: {  	[smem:$0x3F97] =	sst s1;
	(tag) =	ssettag s2;
	_ =	strace s9  }
0x27: {  	s1 =	sld [smem:$0x3FA7]  }
0x28: {  	s2 =	sld [smem:$0x3FA8]  }
0x29: {  	s4 =	sld [smem:$0x3FAA]  }
0x2a: {  	p0 =	seq.s32 s5, $0x0;
	s5 =	sld [smem:$0x3FAB]  }
0x2b: {  	s6 =	sld [smem:$0x3FAC]  }
0x2c: {  	s7 =	sld [smem:$0x3FAD]  }
0x2d: {  	s3 =	simm.s32 $0x108;
	s8 =	sld [smem:$0x3FAE]  }
0x2e: {  	s3 =	simm.s32 @!p0 $0x1082;
	s9 =	sld [smem:$0x3FAF]  }
0x2f: {  	lr =	sadd.s32 s0, s3;
	s0 =	sld [smem:$0x3FA6]  }
0x30: {  	s3 =	sld [smem:$0x3FA9]  }
0x31: {  	[smem:$0x3FB2] =	sst s10  }
0x32: {  	s10 =	sld [smem:$0x3FB0];
	_ =	sdelay $0x3  }
0x33: {  	p0 =	seq.s32 s10, $0x1;
	s10 =	sld [smem:$0x3FB2];
	_ =	sdelay $0x3  }
0x34: {  	[smem:$0x3FB2] =	sst s10  }
0x35: {  	s10 =	sld [smem:$0x3FB1];
	_ =	sdelay $0x3  }
0x36: {  	p1 =	seq.s32 s10, $0x1;
	s10 =	sld [smem:$0x3FB2];
	_ =	sdelay $0x3  }
0x37: {  	[smem:$0x3FB2] =	sst s10  }
0x38: {  	s10 =	sld [smem:$0x3FB3]  }
0x39: {  	_ = 	snop;
	(pc) =	sbr.ind lr, $3  }
0x3a: {  	_ = 	snop  }
0x3b: {  	_ = 	snop  }
0x3c: {  	p2 =	seq.s32 s10, $0x1;
	s10 =	sld [smem:$0x3FB2]  }
0x3d: {  	_ =	shalt  }
0x3e: {  	_ =	shalt  }
0x3f: {  	_ =	shalt  }
0x40: {  	_ =	shalt  }
0x41: {  	_ =	shalt  }
0x42: {  	_ =	shalt  }
0x43: {  	_ =	shalt  }
0x44: {  	_ =	shalt  }
0x45: {  	_ =	shalt  }
0x46: {  	_ =	shalt  }
0x47: {  	_ =	shalt  }
0x48: {  	_ =	shalt  }
0x49: {  	_ =	shalt  }
0x4a: {  	_ =	shalt  }
0x4b: {  	_ =	shalt  }
0x4c: {  	_ =	shalt  }
0x4d: {  	_ =	shalt  }
0x4e: {  	_ =	shalt  }
0x4f: {  	_ =	shalt  }
0x50: {  	_ =	shalt  }
0x51: {  	_ =	shalt  }
0x52: {  	_ =	shalt  }
0x53: {  	_ =	shalt  }
0x54: {  	_ =	shalt  }
0x55: {  	_ =	shalt  }
0x56: {  	_ =	shalt  }
0x57: {  	_ =	shalt  }
0x58: {  	_ =	shalt  }
0x59: {  	_ =	shalt  }
0x5a: {  	_ =	shalt  }
0x5b: {  	_ =	shalt  }
0x5c: {  	_ =	shalt  }
0x5d: {  	_ =	shalt  }
0x5e: {  	_ =	shalt  }
0x5f: {  	_ =	shalt  }
0x60: {  	_ =	shalt  }
0x61: {  	_ =	shalt  }
0x62: {  	_ =	shalt  }
0x63: {  	_ =	shalt  }
0x64: {  	_ =	shalt  }
0x65: {  	_ =	shalt  }
0x66: {  	_ =	shalt  }
0x67: {  	_ =	shalt  }
0x68: {  	_ =	shalt  }
0x69: {  	_ =	shalt  }
0x6a: {  	_ =	shalt  }
0x6b: {  	_ =	shalt  }
0x6c: {  	_ =	shalt  }
0x6d: {  	_ =	shalt  }
0x6e: {  	_ =	shalt  }
0x6f: {  	_ =	shalt  }
0x70: {  	_ =	shalt  }
0x71: {  	_ =	shalt  }
0x72: {  	_ =	shalt  }
0x73: {  	_ =	shalt  }
0x74: {  	_ =	shalt  }
0x75: {  	_ =	shalt  }
0x76: {  	_ =	shalt  }
0x77: {  	_ =	shalt  }
0x78: {  	_ =	shalt  }
0x79: {  	_ =	shalt  }
0x7a: {  	_ =	shalt  }
0x7b: {  	_ =	shalt  }
0x7c: {  	_ =	shalt  }
0x7d: {  	_ =	shalt  }
0x7e: {  	_ =	shalt  }
0x7f: {  	_ =	shalt  }
0x80: {  	_ =	shalt  }
0x81: {  	_ =	shalt  }
0x82: {  	_ =	shalt  }
0x83: {  	_ =	shalt  }
0x84: {  	_ =	shalt  }
0x85: {  	_ =	shalt  }
0x86: {  	_ =	shalt  }
0x87: {  	_ =	shalt  }
.Lfunc_end0:
.L_simem_size_0:
called_computation.4_lowered:
.L_overlay_start_0:
0x88: {  	s2 =	sld [smem:$0x3FD9]  }
0x89: {  	s3 =	sld [smem:$0x3FFE];
	_ =	sdelay $0x1  }
0x8a: {  	s1 =	srdreg.scid  }
0x8b: {  	s0 =	sand.u32 $0x1, s1  }
0x8c: {  	s17 =	sshll.u32 s0, $0xA;
	s2 =	sadd.s32 s3, s2  }
0x8d: {  	s2 =	sadd.s32 s2, s17  }
0x8e: {  	[smem:$0x3FBE] =	sst s2  }
0x8f: {  	_ = 	snop  }
0x90: {  	s2 =	sld [smem:$0x3FD0];
	(tm) =	ssettm $0x1  }
0x91: {  	s18 =	sld [smem:$0x3FFB];
	_ =	sdelay $0x3  }
0x92: {  	_ =	strace s18  }
0x93: {  	s3 =	sld [smem:$0x3FFC];
	_ =	sdelay $0x3  }
0x94: {  	_ =	strace s3  }
0x95: {  	s3 =	sld [smem:$0x3FFD];
	_ =	sdelay $0x3  }
0x96: {  	_ =	strace s3  }
0x97: {  	_ =	strace $0x8FFFFFFF  }
0x98: {  	s19 =	sld [smem:$0x3FDB];
	_ =	sdelay $0x1  }
0x99: {  	s4 =	simm.s32 $_scs_section_size  }
0x9a: {  	s5 =	simm.s32 $_size__tile_overlayer_lowered;
	s6 =	simm.s32 $_tile_overlayer_lowered  }
0x9b: {  	s22 =	simm.s32 $0x1BFF;
	s21 =	sshll.u32 s6, $0x1;
	s3 =	sadd.s32 s4, s19  }
0x9c: {  	s7 =	simm.s32 $0x0;
	s20 =	sshll.u32 s5, $0x1;
	s5 =	sadd.s32 s21, s3  }
0x9d: {  	[timem:s7], [sflag:s22] =	dma.local [hbm:s5], s20  }
0x9e: {  	_ =	swait.ge [sflag:s22], s20  }
0x9f: {  	s4 =	ssub.s32 $0x0, s20;
	[sflag:s22] =	ssyncset.done $0x0  }
0xa0: {  	[sflag:s22] =	ssyncadd.s32 s4;
	_ =	sdelay $0x1  }
0xa1: {  	s23 =	simm.s32 $0x1B8B  }
0xa2: {  	_ =	swait.ge [sflag:s23], $0x1  }
0xa3: {  	[sflag:s23] =	ssyncset.done $0x0  }
0xa4: {  	s25 =	simm.s32 $0x1B8E;
	s24 =	sld [smem:$0x3FFE];
	[sflag:s23] =	ssyncadd.s32 $0xFFFFFFFF  }
0xa5: {  	s26 =	simm.s32 $execute0_lowered;
	[smem:$0x3FD2] =	sst s25  }
0xa6: {  	s5 =	sshll.u32 s26, $0x1;
	_ =	strace $0x80000052;
	[dreg:$0x1] =	wrdreg $0xFFFFFFFF  }
0xa7: {  	s28 =	simm.s32 $_size_execute0_lowered;
	s3 =	sadd.s32 s3, s5;
	[dreg:$0x0] =	wrdreg $0x0  }
0xa8: {  	s5 =	sshll.u32 s28, $0x1;
	[dreg:$0x2] =	wrdreg s3  }
0xa9: {  	[dreg:$0x3] =	wrdreg s5  }
0xaa: {  	[dreg:$0x4] =	wrdreg $0xC0  }
0xab: {  	_ =	task [dreg:s7], $0x5FFFF  }
0xac: {  	[dreg:$0x1] =	wrdreg $0xFFFFFFFF  }
0xad: {  	[dreg:$0x0] =	wrdreg $0x60  }
0xae: {  	[dreg:$0x2] =	wrdreg s24  }
0xaf: {  	[dreg:$0x3] =	wrdreg s2  }
0xb0: {  	[dreg:$0x4] =	wrdreg $0xAB000  }
0xb1: {  	[dreg:$0x5] =	wrdreg $0x9  }
0xb2: {  	_ =	task.clear_ibuf [dreg:s7], $0x6FFFF;
	_ =	strace $0x90000052  }
0xb3: {  	s29 =	simm.s32 $0x9;
	_ =	strace $0x80000054  }
0xb4: {  	_ =	swait.ge [sflag:s29], $0x1  }
0xb5: {  	[sflag:s29] =	ssyncadd.s32 $0xFFFFFFFF  }
0xb6: {  	_ =	strace $0x90000054  }
0xb7: {  	_ =	sfence  }
0xb8: {  	s30 =	sld [smem:$0x0];
	_ =	sdelay $0x2  }
0xb9: {  	s31 =	sshll.u32 s1, $0xD;
	s1 =	sshrl.u32 s1, $0x2  }
0xba: {  	s3 =	sand.u32 $0x4000, s31;
	s1 =	sadd.s32 s1, s30  }
0xbb: {  	s0 =	sor.u32 s3, s0;
	s1 =	sshll.u32 s1, $0x11  }
0xbc: {  	s0 =	sor.u32 s1, s0  }
0xbd: {  	s0 =	sadd.s32 $0x8F2B, s0  }
0xbe: {  	[sflag:s0] =	ssyncadd.remote.s32 $0x1  }
0xbf: {  	_ =	sfence.sel $0xFFFF  }
0xc0: {  	[dreg:$0x0] =	wrdreg $0xFFFFFFFF;
	(pc) =	sbr.abs _section_cstart, $3  }
0xc1: {  	[dreg:$0x1] =	wrdreg $0xFFFFFFFF  }
0xc2: {  	_ =	task.clear_ibuf [dreg:s7], $0x2FFFF;
	_ =	strace $0x9FFFFFFF  }
0xc3: {  	(tm) =	ssettm $0x7FFFFFFF  }
tec
execute0_lowered:
.L_overlay_start_1:
0x0: {  	(tag) =	ssettag $0x1  }
0x1: {  	s0 =	rddreg [dreg:$0x0]  }
0x2: {  	s1 =	srdreg.scid;
	s2 =	rddreg [dreg:$0x1]  }
0x3: {  	s12 =	stileid.u32;
	s3 =	rddreg [dreg:$0x2]  }
0x4: {  	s4 =	simm.s32 $0x0;
	s26 =	simm.s32 $0x80;
	s30 =	simm.s32 $0x180  }
0x5: {  	s31 =	simm.s32 $0x280;
	s28 =	simm.s32 $0x3;
	s7 =	smul.u32 $0x14000, s12  }
0x6: {  	s29 =	simm.s32 $0x0;
	s1 =	sand.u32 $0x1, s1;
	s10 =	smul.u32 $0x50000, s12  }
0x7: {  	[smem:$0x7FF] =	sst s4;
	s16 =	smul.u32 $0xB400, s12;
	s19 =	sshll.u32 s12, $0x6  }
0x8: {  	s5 =	smul.u32 $0x140000, s1;
	_ =	strace $0x80000053;
	[dreg:$0x4] =	wrdreg s26  }
0x9: {  	s15 =	ssub.s32 $0x2, s1;
	s8 =	ssub.s32 $0x0, s1;
	[dreg:$0x5] =	wrdreg s30  }
0xa: {  	p0 =	seq.s32 s1, $0x0;
	[dreg:$0x6] =	wrdreg s31;
	s26 =	simm.s32 $0x2  }
0xb: {  	s9 =	sshrl.u32 s15, $0x1;
	s8 =	sand.u32 $0x8D00, s8;
	s17 =	sshrl.u32 s10, $0x2  }
0xc: {  	s18 =	sshrl.u32 s7, $0x3;
	s5 =	sadd.s32 s7, s5;
	s13 =	ssub.s32 s15, s9  }
0xd: {  	s14 =	sadd.s32 s17, s3;
	s16 =	sadd.s32 s16, s8;
	s9 =	sor.u32 $0x1C04, s19  }
0xe: {  	s19 =	simm.s32 $0x70;
	s6 =	sshrl.u32 s5, $0x3;
	s5 =	sadd.s32 $0x55C00, s0  }
0xf: {  	s8 =	sshrl.u32 s16, $0x3;
	s13 =	smax.u32 s13, $0x1;
	s24 =	sadd.s32 $0x500, s16  }
0x10: {  	s15 =	sadd.s32 $0x400, s16;
	s16 =	sadd.s32 $0x300, s16;
	s17 =	sshrl.u32 s14, $0x3  }
0x11: {  	s0 =	sadd.s32 s6, s0;
	s6 =	simm.s32 $0x8D;
	s1 =	sadd.s32 s5, s18  }
0x12: {  	s8 =	sadd.s32 s2, s8;
	s25 =	sshrl.u32 s24, $0x3;
	s15 =	sshrl.u32 s15, $0x3  }
0x13: {  	s18 =	simm.s32 $0x4;
	s24 =	simm.s32 $0x7300;
	s6 =	simm.s32 @!p0 $0x27  }
0x14: {  	[dreg:$0x8] =	wrdreg s1;
	s20 =	sadd.s32 $0x20, s8;
	s11 =	smul.u32 $0xAB, s6  }
0x15: {  	s22 =	sadd.s32 $0x40, s8;
	s0 =	sadd.s32 $0x7DC00, s0;
	s1 =	sadd.s32 s25, s2  }
0x16: {  	s15 =	sadd.s32 s15, s2;
	[dreg:$0x9] =	wrdreg s20;
	s21 =	sshrl.u32 s11, $0x9  }
0x17: {  	s25 =	simm.s32 $0x1;
	[dreg:$0xa] =	wrdreg s22;
	s23 =	smul.u32 $0x3, s21  }
0x18: {  	[dreg:$0xb] =	wrdreg s0;
	s20 =	simm.s32 $0x300;
	s22 =	simm.s32 $0x3B00  }
0x19: {  	s21 =	simm.s32 $0x100;
	[dreg:$0x7] =	wrdreg s23;
	s23 =	simm.s32 $0x200  }
.LBB2_1:
0x1a: {  	s0 =	rddreg [dreg:$0x8]  }
0x1b: {  	[spmem:s17], [sflag:s9] =	dma.local [hbm:s0], $0x2800  }
0x1c: {  	_ =	swait.ge [sflag:s18], $0x2800  }
0x1d: {  	[sflag:s18] =	ssyncset.done $0x0  }
0x1e: {  	[sflag:s18] =	ssyncadd.s32 $0xFFFFD800  }
0x1f: {  	[bflag:$0x0] =	sbarrier.arrive $0xFFFF  }
0x20: {  	[tilespmem:s4], [sflag:$0x4] =	stream.linear.gather [hbm4b:s8+s4], $0x100, $0x38;
	[tilespmem:$0x1EB00] =	vst v63  }
0x21: {  	_ =	swait.ge [sflag:s18], $0x100  }
0x22: {  	[sflag:s18] =	ssyncset.done $0x0  }
0x23: {  	[sflag:s18] =	ssyncadd.s32 $0xFFFFFF00  }
0x24: {  	[tilespmem:s20], [sflag:$0x1] =	stream.indirect.gather [hbm4b:s5+s19], $0x80, s4, s19, $0xb8;
	[tilespmem:$0x1EB00] =	vst v63  }
0x25: {  	s12 =	rddreg [dreg:$0x9]  }
0x26: {  	[tilespmem:s21], [sflag:$0x4] =	stream.linear.gather [hbm4b:s12+s4], $0x100, $0x38;
	[tilespmem:$0x1EB00] =	vst v63  }
0x27: {  	_ =	swait.ge [sflag:s18], $0x100  }
0x28: {  	[sflag:s18] =	ssyncset.done $0x0  }
0x29: {  	[sflag:s18] =	ssyncadd.s32 $0xFFFFFF00  }
0x2a: {  	[tilespmem:s22], [sflag:$0x2] =	stream.indirect.gather [hbm4b:s5+s19], $0x80, s21, s19, $0xb8;
	[tilespmem:$0x1EB00] =	vst v63  }
0x2b: {  	s14 =	rddreg [dreg:$0xa]  }
0x2c: {  	[tilespmem:s23], [sflag:$0x4] =	stream.linear.gather [hbm4b:s14+s4], $0x100, $0x38;
	[tilespmem:$0x1EB00] =	vst v63  }
0x2d: {  	_ =	swait.ge [sflag:s18], $0x100  }
0x2e: {  	s30 =	smov.u32 s16;
	s31 =	smov.u32 s15;
	[sflag:s18] =	ssyncset.done $0x0  }
0x2f: {  	s0 =	simm.s32 $0x0;
	s14 =	smov.u32 s1;
	[sflag:s18] =	ssyncadd.s32 $0xFFFFFF00  }
0x30: {  	[tilespmem:s24], [sflag:$0x3] =	stream.indirect.gather [hbm4b:s5+s19], $0x80, s23, s19, $0xb8;
	[tilespmem:$0x1EB00] =	vst v63  }
.LBB2_2:
0x31: {  	_ =	swait.ge [sflag:s25], $0x3800  }
0x32: {  	[sflag:s25] =	ssyncset.done $0x0  }
0x33: {  	s7 =	rddreg [dreg:$0x4];
	[sflag:s25] =	ssyncadd.s32 $0xFFFFC800  }
0x34: {  	[spmem:s3] =	stream.indirect.scatter.add.f32 [tilespmem:s20], [sflag:$0x4], $0x80, s7, s19, $0xb8;
	[tilespmem:$0x1EB00] =	vst v63  }
0x35: {  	s7 =	sadd.s32 $0x3, s0  }
0x36: {  	_ =	swait.ge [sflag:s18], $0x3800;
	p0 =	sge.u32 s7, s6  }
0x37: {  	[sflag:s18] =	ssyncset.done $0x0;
	s10 =	sshrl.u32 @!p0 s30, $0x3  }
0x38: {  	s11 =	simm.s32 @!p0 $0x0;
	[sflag:s18] =	ssyncadd.s32 $0xFFFFC800;
	s10 =	sadd.s32 @!p0 s2, s10  }
0x39: {  	[tilespmem:s11], [sflag:$0x4] =	stream.linear.gather @!p0 [hbm4b:s10+s11], $0x100, $0x38;
	[tilespmem:$0x1EB00] =	vst v63  }
0x3a: {  	s10 =	simm.s32 @!p0 $0x4  }
0x3b: {  	_ =	swait.ge @!p0 [sflag:s10], $0x100  }
0x3c: {  	[sflag:s10] =	ssyncset.done @!p0 $0x0  }
0x3d: {  	s12 =	simm.s32 @!p0 $0x300;
	[sflag:s10] =	ssyncadd.s32 @!p0 $0xFFFFFF00;
	s10 =	simm.s32 @!p0 $0x70  }
0x3e: {  	[tilespmem:s12], [sflag:$0x1] =	stream.indirect.gather @!p0 [hbm4b:s5+s10], $0x80, s11, s10, $0xb8;
	[tilespmem:$0x1EB00] =	vst v63  }
0x3f: {  	_ =	swait.ge [sflag:s26], $0x3800  }
0x40: {  	[sflag:s26] =	ssyncset.done $0x0  }
0x41: {  	s11 =	rddreg [dreg:$0x5];
	[sflag:s26] =	ssyncadd.s32 $0xFFFFC800  }
0x42: {  	[spmem:s3] =	stream.indirect.scatter.add.f32 [tilespmem:s22], [sflag:$0x4], $0x80, s11, s19, $0xb8;
	[tilespmem:$0x1EB00] =	vst v63  }
0x43: {  	s12 =	sadd.s32 $0x4, s0;
	_ =	swait.ge [sflag:s18], $0x3800  }
0x44: {  	p0 =	sge.u32 s12, s6;
	[sflag:s18] =	ssyncset.done $0x0  }
0x45: {  	s10 =	simm.s32 @!p0 $0x0;
	s11 =	simm.s32 @!p0 $0x100;
	[sflag:s18] =	ssyncadd.s32 $0xFFFFC800  }
0x46: {  	[tilespmem:s11], [sflag:$0x4] =	stream.linear.gather @!p0 [hbm4b:s31+s10], $0x100, $0x38;
	[tilespmem:$0x1EB00] =	vst v63  }
0x47: {  	s10 =	simm.s32 @!p0 $0x4  }
0x48: {  	_ =	swait.ge @!p0 [sflag:s10], $0x100  }
0x49: {  	[sflag:s10] =	ssyncset.done @!p0 $0x0  }
0x4a: {  	s12 =	simm.s32 @!p0 $0x3B00;
	[sflag:s10] =	ssyncadd.s32 @!p0 $0xFFFFFF00;
	s10 =	simm.s32 @!p0 $0x70  }
0x4b: {  	[tilespmem:s12], [sflag:$0x2] =	stream.indirect.gather @!p0 [hbm4b:s5+s10], $0x80, s11, s10, $0xb8;
	[tilespmem:$0x1EB00] =	vst v63  }
0x4c: {  	_ =	swait.ge [sflag:s28], $0x3800  }
0x4d: {  	[sflag:s28] =	ssyncset.done $0x0  }
0x4e: {  	s11 =	rddreg [dreg:$0x6];
	[sflag:s28] =	ssyncadd.s32 $0xFFFFC800  }
0x4f: {  	[spmem:s3] =	stream.indirect.scatter.add.f32 [tilespmem:s24], [sflag:$0x4], $0x80, s11, s19, $0xb8;
	[tilespmem:$0x1EB00] =	vst v63  }
0x50: {  	s12 =	sadd.s32 $0x5, s0;
	_ =	swait.ge [sflag:s18], $0x3800  }
0x51: {  	p0 =	sge.u32 s12, s6;
	[sflag:s18] =	ssyncset.done $0x0  }
0x52: {  	s0 =	simm.s32 @!p0 $0x0;
	s10 =	simm.s32 @!p0 $0x200;
	[sflag:s18] =	ssyncadd.s32 $0xFFFFC800  }
0x53: {  	[tilespmem:s10], [sflag:$0x4] =	stream.linear.gather @!p0 [hbm4b:s14+s0], $0x100, $0x38;
	[tilespmem:$0x1EB00] =	vst v63  }
0x54: {  	s0 =	simm.s32 @!p0 $0x4  }
0x55: {  	_ =	swait.ge @!p0 [sflag:s0], $0x100  }
0x56: {  	s12 =	simm.s32 @!p0 $0x7300;
	[sflag:s0] =	ssyncset.done @!p0 $0x0  }
0x57: {  	s11 =	rddreg [dreg:$0x7];
	[sflag:s0] =	ssyncadd.s32 @!p0 $0xFFFFFF00;
	s0 =	simm.s32 @!p0 $0x70  }
0x58: {  	[tilespmem:s12], [sflag:$0x3] =	stream.indirect.gather @!p0 [hbm4b:s5+s0], $0x80, s10, s0, $0xb8;
	[tilespmem:$0x1EB00] =	vst v63  }
0x59: {  	p0 =	sne.s32 s11, s7  }
.Ltmp0:
0x5a: {  	_ = 	snop;
	(pc) =	sbr.rel @p0 .LBB2_2-.Ltmp0, $3  }
0x5b: {  	_ =	sdelay $0x1  }
0x5c: {  	s30 =	sadd.s32 $0x300, s30  }
0x5d: {  	s31 =	sadd.s32 $0x60, s31;
	s14 =	sadd.s32 $0x60, s14;
	s0 =	smov.u32 s7  }
0x5e: {  	s29 =	sadd.s32 $0x1, s29  }
0x5f: {  	[bflag:$0x0] =	sbarrier.arrive $0xFFFF;
	p0 =	sne.s32 s29, s13  }
.Ltmp1:
0x60: {  	s0 =	rddreg [dreg:$0xb];
	(pc) =	sbr.rel @p0 .LBB2_1-.Ltmp1, $4  }
0x61: {  	[hbm:s0], [sflag:s9] =	dma.local [spmem:s17], $0x2800  }
0x62: {  	_ =	swait.ge [sflag:s18], $0x2800  }
0x63: {  	[sflag:s18] =	ssyncset.done $0x0  }
0x64: {  	[sflag:s18] =	ssyncadd.s32 $0xFFFFD800  }
0x65: {  	_ =	sfence.sel $0x180000  }
0x66: {  	[bflag:$0x0] =	sbarrier.arrive $0xFFFF  }
0x67: {  	_ =	strace $0x90000053  }
0x68: {  	s0 =	stileid.u32;
	[bflag:$0x2] =	sbarrier.arrive $0xFFFF  }
0x69: {  	p0 =	sne.s32 s0, $0x0;
	s0 =	rddreg [dreg:$0x3]  }
0x6a: {  	s0 =	sadd.s32 @!p0 $0x100000, s0  }
0x6b: {  	[sflag:s0] =	ssyncadd.tile.s32 @!p0 $0x1;
	_ =	shalt  }
.Lfunc_end2:
_tile_overlayer_lowered:
.L_overlay_start_2:
0x6c: {  	(tag) =	ssettag $0x2  }
0x6d: {  	s0 =	rddreg [dreg:$0x0];
	s2 =	stileid.u32  }
0x6e: {  	s1 =	rddreg [dreg:$0x1];
	p0 =	sne.s32 s2, $0x0  }
0x6f: {  	s3 =	rddreg [dreg:$0x2];
	[bflag:$0x3] =	sbarrier.arrive $0xFFFF;
	s2 =	simm.s32 @!p0 $0x1C04  }
0x70: {  	[timem:s3], [sflag:s2] =	dma.local @!p0 [hbm:s0], s1  }
0x71: {  	s0 =	simm.s32 @!p0 $0x4  }
0x72: {  	_ =	swait.ge @!p0 [sflag:s0], s1  }
0x73: {  	s1 =	ssub.s32 @!p0 $0x0, s1;
	[sflag:s0] =	ssyncset.done @!p0 $0x0  }
0x74: {  	[sflag:s0] =	ssyncadd.s32 @!p0 s1  }
0x75: {  	[bflag:$0x3] =	sbarrier.arrive $0xFFFF  }
0x76: {  	_ =	shalt  }

</sc_bundles>
